<compile_context>
chip_gen: v7x
topology: tpu7x:2x2x1
jax: 0.10.2.dev20260603
libtpu: 0.0.44.dev20260713+nightly
codegen_flags: <defaults>
</compile_context>

<pallas_src>
import functools

import jax
import jax.numpy as jnp
from jax import lax
from jax.experimental import pallas as pl
from jax.experimental.pallas import tpu as pltpu
from jax.experimental.pallas import tpu_sc as plsc

_L = 16


@functools.lru_cache(maxsize=None)
def _make_sc_embed(N, S, D):
  try:
    info = plsc.get_sparse_core_info()
    NC, NS = info.num_cores, info.num_subcores
  except ValueError:
    NC, NS = 2, 16
  NW = NC * NS

  assert D == 64 and N % (128 * NW) == 0 and N // 128 == NW
  BT = 128
  DT, DR = D // 8, 8
  n_chunks = S

  mesh = plsc.VectorSubcoreMesh(
      core_axis_name="c", subcore_axis_name="s",
      num_cores=NC, num_subcores=NS)

  @functools.partial(
      pl.kernel,
      mesh=mesh,
      out_type=jax.ShapeDtypeStruct((S, DT, NW, DR, BT), jnp.float32),
      scratch_types=[
          pltpu.VMEM((S, BT), jnp.int32),
          pltpu.VMEM((S * D,), jnp.float32),
          [pltpu.VMEM((BT, 2 * D), jnp.float32) for _ in range(3)],
          [pltpu.VMEM((DT, DR, BT), jnp.float32) for _ in range(2)],
          [pltpu.SemaphoreType.DMA for _ in range(3)],
          [pltpu.SemaphoreType.DMA for _ in range(2)],
      ],
      compiler_params=pltpu.CompilerParams(use_tc_tiling_on_sc=True,
                                           needs_layout_passes=False),
  )
  def sc_embed(wt_hbm, xt_hbm, pos_hbm, out_hbm,
               idx_v, pos_v, gbuf, obuf, gsem, osem):
    wid = lax.axis_index("s") * NC + lax.axis_index("c")

    pltpu.sync_copy(xt_hbm.at[:, pl.ds(wid * BT, BT)], idx_v)
    pltpu.sync_copy(pos_hbm, pos_v)

    def gather(s, b):
      return pltpu.make_async_copy(wt_hbm.at[idx_v.at[s]], gbuf[b], gsem[b])

    def out_copy(s, b):
      return pltpu.make_async_copy(obuf[b], out_hbm.at[s, :, wid], osem[b])

    lane = lax.iota(jnp.int32, _L)

    gather(0, 0).start()
    gather(1, 1).start()

    def chunk_step(s, gb, ob, tail):
      if not tail:
        gather(s + 2, (gb + 2) % 3).start()
      gather(s, gb).wait()
      @pl.when(s - 2 >= 0)
      def _():
        out_copy(s - 2, ob).wait()
      @pl.loop(0, D, unroll=2)
      def _feat(dd):
        f = (lane + dd) % _L
        colv = (dd // _L) * _L + f
        pvec = plsc.load_gather(pos_v, [colv + s * D])
        dtv = f // DR + 2 * (dd // _L)
        drv = f % DR
        for j in range(BT // _L):
          rowv = lane + 16 * j
          v = plsc.load_gather(gbuf[gb], [rowv, colv]) + pvec
          plsc.store_scatter(obuf[ob], [dtv, drv, rowv], v)
      out_copy(s, ob).start()

    @pl.loop(0, n_chunks - 2, step=6)
    def _chunks(s0):
      for i in range(6):
        chunk_step(s0 + i, i % 3, i % 2, tail=False)
    chunk_step(n_chunks - 2, (n_chunks - 2) % 3, (n_chunks - 2) % 2, True)
    chunk_step(n_chunks - 1, (n_chunks - 1) % 3, (n_chunks - 1) % 2, True)
    out_copy(n_chunks - 2, n_chunks % 2).wait()
    out_copy(n_chunks - 1, (n_chunks + 1) % 2).wait()

  return sc_embed


def kernel(x, word_table, pos_table):
  N, S = x.shape
  V, D = word_table.shape
  wt_pad = jnp.pad(word_table, ((0, 0), (0, 128 - D)))
  xt = x.T
  posf = pos_table.reshape(S * D)
  sc = _make_sc_embed(N, S, D)
  out5 = sc(wt_pad, xt, posf)
  return out5.transpose(2, 4, 0, 1, 3).reshape(N, S, D)

# --- scband reference (transcript-rebuilt; emitter-appended) ---
"""Pipeline reference for scband-token-and-position-embedding-34943853920359 (READ-ONLY COPY).

The authoritative reference and input builder live on the scoring server;
editing this copy changes nothing except your own understanding.
"""

import jax, jax.numpy as jnp
import numpy as np

VOCAB_SIZE = 1000000
EMBED_DIM = 64
MAX_LENGTH = 200
BATCH = 4096
SEQ_LEN = 200


def setup_inputs(seed: int = 0) -> dict:
    key = jax.random.key(seed)
    k1, k2, k3 = jax.random.split(key, 3)
    x = jax.random.randint(k1, (BATCH, SEQ_LEN), 0, VOCAB_SIZE, dtype=jnp.int64 if jax.config.jax_enable_x64 else jnp.int32)
    word_table = jax.random.normal(k2, (VOCAB_SIZE, EMBED_DIM), dtype=jnp.float32)
    pos_table = jax.random.normal(k3, (MAX_LENGTH, EMBED_DIM), dtype=jnp.float32)
    return {"x": x, "word_table": word_table, "pos_table": pos_table}


def reference(x, word_table, pos_table):
    N, seq_len = x.shape
    positions = jnp.arange(0, seq_len)  # [seq_len]
    outputs1 = jnp.take(word_table, x, axis=0)               # [N, seq_len, D]
    outputs2 = jnp.take(pos_table, positions, axis=0)        # [seq_len, D]
    outputs2 = jnp.broadcast_to(outputs2[None, :, :], (N, seq_len, outputs2.shape[-1]))
    return outputs1 + outputs2

if __name__ == "__main__":
    import jax
    _d = setup_inputs()
    print(jax.jit(kernel)(*tuple(_d.values())))

</pallas_src>

<mosaic_0001>
#map = affine_map<(d0, d1) -> (0, 0)>
#map1 = affine_map<(d0, d1) -> (0)>
#map2 = affine_map<(d0, d1) -> (0, 0, 0, 0, 0)>
module attributes {stable_mosaic.version = 14 : i64} {
  func.func @sc_embed(%arg0: i32, %arg1: i32, %arg2: memref<1000000x128xf32, #tpu.memory_space<hbm>>, %arg3: memref<200x4096xi32, #tpu.memory_space<hbm>>, %arg4: memref<12800xf32, #tpu.memory_space<hbm>>, %arg5: memref<200x8x32x8x128xf32, #tpu.memory_space<hbm>>, %arg6: memref<200x128xi32, #tpu.memory_space<vmem>>, %arg7: memref<12800xf32, #tpu.memory_space<vmem>>, %arg8: memref<128x128xf32, #tpu.memory_space<vmem>>, %arg9: memref<128x128xf32, #tpu.memory_space<vmem>>, %arg10: memref<128x128xf32, #tpu.memory_space<vmem>>, %arg11: memref<8x8x128xf32, #tpu.memory_space<vmem>>, %arg12: memref<8x8x128xf32, #tpu.memory_space<vmem>>, %arg13: memref<!tpu.dma_semaphore, #tpu.memory_space<semaphore_mem>>, %arg14: memref<!tpu.dma_semaphore, #tpu.memory_space<semaphore_mem>>, %arg15: memref<!tpu.dma_semaphore, #tpu.memory_space<semaphore_mem>>, %arg16: memref<!tpu.dma_semaphore, #tpu.memory_space<semaphore_mem>>, %arg17: memref<!tpu.dma_semaphore, #tpu.memory_space<semaphore_mem>>) attributes {dimension_semantics = [#tpu.dimension_semantics<core_parallel>, #tpu.dimension_semantics<subcore_parallel>], iteration_bounds = array<i64: 2, 16>, scalar_prefetch = 0 : i64, scratch_operands = 12 : i64, tpu.core_type = #tpu.core_type<sc_vector_subcore>, window_params = [{transform_indices = #map}, {transform_indices = #map}, {transform_indices = #map1}, {transform_indices = #map2}]} {
    %mul3A = arith.constant 2 : i32
    %mul3A_0 = arith.muli %arg1, %mul3A : i32
    %add3A = arith.addi %mul3A_0, %arg0 : i32
    %mul3A_1 = arith.constant 128 : i32
    %mul3A_2 = arith.muli %add3A, %mul3A_1 : i32
    "tpu.region"() ({
      %run_scoped3A = tpu.sem_alloc : memref<!tpu.dma_semaphore, #tpu.memory_space<semaphore_mem>>
      %dma_start3A_109 = arith.constant 0 : i32
      %dma_start3A_110 = tpu.memref_slice %arg3[%dma_start3A_109, %mul3A_2] : memref<200x4096xi32, #tpu.memory_space<hbm>> -> memref<200x128xi32, #tpu.memory_space<hbm>>
      %dma_start3A_111 = arith.constant 0 : i32
      %dma_start3A_112 = tpu.memref_slice %arg3[%dma_start3A_111, %mul3A_2] : memref<200x4096xi32, #tpu.memory_space<hbm>> -> memref<200x128xi32, #tpu.memory_space<hbm>>
      tpu.enqueue_dma source(%dma_start3A_112 : memref<200x128xi32, #tpu.memory_space<hbm>>) target(%arg6 : memref<200x128xi32, #tpu.memory_space<vmem>>) target_semaphore(%run_scoped3A : memref<!tpu.dma_semaphore, #tpu.memory_space<semaphore_mem>>)
      %dma_wait3A_113 = arith.constant 0 : i32
      %dma_wait3A_114 = tpu.memref_slice %arg3[%dma_wait3A_113, %mul3A_2] : memref<200x4096xi32, #tpu.memory_space<hbm>> -> memref<200x128xi32, #tpu.memory_space<hbm>>
      %dma_wait3A_115 = arith.constant 0 : i32
      %dma_wait3A_116 = tpu.memref_slice %arg3[%dma_wait3A_115, %mul3A_2] : memref<200x4096xi32, #tpu.memory_space<hbm>> -> memref<200x128xi32, #tpu.memory_space<hbm>>
      tpu.wait_dma2 semaphore(%run_scoped3A : memref<!tpu.dma_semaphore, #tpu.memory_space<semaphore_mem>>) src(%dma_wait3A_116 : memref<200x128xi32, #tpu.memory_space<hbm>>) dst(%arg6 : memref<200x128xi32, #tpu.memory_space<vmem>>)
      tpu.yield
    }) : () -> ()
    "tpu.region"() ({
      %run_scoped3A = tpu.sem_alloc : memref<!tpu.dma_semaphore, #tpu.memory_space<semaphore_mem>>
      tpu.enqueue_dma source(%arg4 : memref<12800xf32, #tpu.memory_space<hbm>>) target(%arg7 : memref<12800xf32, #tpu.memory_space<vmem>>) target_semaphore(%run_scoped3A : memref<!tpu.dma_semaphore, #tpu.memory_space<semaphore_mem>>)
      tpu.wait_dma2 semaphore(%run_scoped3A : memref<!tpu.dma_semaphore, #tpu.memory_space<semaphore_mem>>) src(%arg4 : memref<12800xf32, #tpu.memory_space<hbm>>) dst(%arg7 : memref<12800xf32, #tpu.memory_space<vmem>>)
      tpu.yield
    }) : () -> ()
    %iota3A = tpu.iota {dimensions = array<i32: 0>} : vector<16xi32>
    %dma_start3A = arith.constant 0 : i32
    %dma_start3A_3 = arith.constant 0 : i32
    %dma_start3A_4 = tpu.memref_slice %arg6[%dma_start3A, %dma_start3A_3] : memref<200x128xi32, #tpu.memory_space<vmem>> -> memref<1x128xi32, #tpu.memory_space<vmem>>
    %dma_start3A_5 = tpu.memref_squeeze %dma_start3A_4 : memref<1x128xi32, #tpu.memory_space<vmem>> -> memref<128xi32, #tpu.memory_space<vmem>>
    %dma_start3A_6 = arith.constant 0 : i32
    %dma_start3A_7 = arith.constant 0 : i32
    %dma_start3A_8 = tpu.memref_slice %arg2[%dma_start3A_6, %dma_start3A_7] : memref<1000000x128xf32, #tpu.memory_space<hbm>> -> memref<1000000x128xf32, #tpu.memory_space<hbm>>
    tpu.enqueue_indirect_dma source(%dma_start3A_8 : memref<1000000x128xf32, #tpu.memory_space<hbm>>) target(%arg8 : memref<128x128xf32, #tpu.memory_space<vmem>>) offsets(%dma_start3A_5 : memref<128xi32, #tpu.memory_space<vmem>>) semaphore(%arg13 : memref<!tpu.dma_semaphore, #tpu.memory_space<semaphore_mem>>)
    %dma_start3A_9 = arith.constant 1 : i32
    %dma_start3A_10 = arith.constant 0 : i32
    %dma_start3A_11 = tpu.memref_slice %arg6[%dma_start3A_9, %dma_start3A_10] : memref<200x128xi32, #tpu.memory_space<vmem>> -> memref<1x128xi32, #tpu.memory_space<vmem>>
    %dma_start3A_12 = tpu.memref_squeeze %dma_start3A_11 : memref<1x128xi32, #tpu.memory_space<vmem>> -> memref<128xi32, #tpu.memory_space<vmem>>
    %dma_start3A_13 = arith.constant 0 : i32
    %dma_start3A_14 = arith.constant 0 : i32
    %dma_start3A_15 = tpu.memref_slice %arg2[%dma_start3A_13, %dma_start3A_14] : memref<1000000x128xf32, #tpu.memory_space<hbm>> -> memref<1000000x128xf32, #tpu.memory_space<hbm>>
    tpu.enqueue_indirect_dma source(%dma_start3A_15 : memref<1000000x128xf32, #tpu.memory_space<hbm>>) target(%arg9 : memref<128x128xf32, #tpu.memory_space<vmem>>) offsets(%dma_start3A_12 : memref<128xi32, #tpu.memory_space<vmem>>) semaphore(%arg14 : memref<!tpu.dma_semaphore, #tpu.memory_space<semaphore_mem>>)
    %scan3A = arith.constant 0 : i32
    %scan3A_16 = arith.constant 33 : i32
    %scan3A_17 = arith.addi %scan3A, %scan3A_16 : i32
    %scan3A_18 = arith.constant 1 : i32
    scf.for %scan3A_109 = %scan3A to %scan3A_17 step %scan3A_18  : i32 {
      %mul3A_110 = arith.constant 6 : i32
      %mul3A_111 = arith.muli %scan3A_109, %mul3A_110 : i32
      %add3A_112 = arith.constant 0 : i32
      %add3A_113 = arith.addi %add3A_112, %mul3A_111 : i32
      %add3A_114 = arith.constant 0 : i32
      %add3A_115 = arith.addi %add3A_113, %add3A_114 : i32
      %add3A_116 = arith.constant 2 : i32
      %add3A_117 = arith.addi %add3A_115, %add3A_116 : i32
      %dma_start3A_118 = arith.constant 0 : i32
      %dma_start3A_119 = tpu.memref_slice %arg6[%add3A_117, %dma_start3A_118] : memref<200x128xi32, #tpu.memory_space<vmem>> -> memref<1x128xi32, #tpu.memory_space<vmem>>
      %dma_start3A_120 = tpu.memref_squeeze %dma_start3A_119 : memref<1x128xi32, #tpu.memory_space<vmem>> -> memref<128xi32, #tpu.memory_space<vmem>>
      %dma_start3A_121 = arith.constant 0 : i32
      %dma_start3A_122 = arith.constant 0 : i32
      %dma_start3A_123 = tpu.memref_slice %arg2[%dma_start3A_121, %dma_start3A_122] : memref<1000000x128xf32, #tpu.memory_space<hbm>> -> memref<1000000x128xf32, #tpu.memory_space<hbm>>
      tpu.enqueue_indirect_dma source(%dma_start3A_123 : memref<1000000x128xf32, #tpu.memory_space<hbm>>) target(%arg10 : memref<128x128xf32, #tpu.memory_space<vmem>>) offsets(%dma_start3A_120 : memref<128xi32, #tpu.memory_space<vmem>>) semaphore(%arg15 : memref<!tpu.dma_semaphore, #tpu.memory_space<semaphore_mem>>)
      %dma_wait3A_124 = arith.constant 0 : i32
      %dma_wait3A_125 = tpu.memref_slice %arg6[%add3A_115, %dma_wait3A_124] : memref<200x128xi32, #tpu.memory_space<vmem>> -> memref<1x128xi32, #tpu.memory_space<vmem>>
      %dma_wait3A_126 = tpu.memref_squeeze %dma_wait3A_125 : memref<1x128xi32, #tpu.memory_space<vmem>> -> memref<128xi32, #tpu.memory_space<vmem>>
      %dma_wait3A_127 = arith.constant 0 : i32
      %dma_wait3A_128 = arith.constant 0 : i32
      %dma_wait3A_129 = tpu.memref_slice %arg2[%dma_wait3A_127, %dma_wait3A_128] : memref<1000000x128xf32, #tpu.memory_space<hbm>> -> memref<1000000x128xf32, #tpu.memory_space<hbm>>
      tpu.wait_indirect_dma semaphore(%arg13 : memref<!tpu.dma_semaphore, #tpu.memory_space<semaphore_mem>>) src(%dma_wait3A_129 : memref<1000000x128xf32, #tpu.memory_space<hbm>>) dst(%arg8 : memref<128x128xf32, #tpu.memory_space<vmem>>)
      %sub3A = arith.constant 2 : i32
      %sub3A_130 = arith.subi %add3A_115, %sub3A : i32
      %ge3A = arith.constant 0 : i32
      %ge3A_131 = arith.cmpi sge, %sub3A_130, %ge3A : i32
      %convert_element_type3A = arith.extui %ge3A_131 : i1 to i32
      %cond3A = arith.constant 0 : i32
      %cond3A_132 = arith.cmpi ne, %convert_element_type3A, %cond3A : i32
      scf.if %cond3A_132 {
        %sub3A_338 = arith.constant 2 : i32
        %sub3A_339 = arith.subi %add3A_115, %sub3A_338 : i32
        %dma_wait3A_340 = arith.constant 0 : i32
        %dma_wait3A_341 = arith.constant 0 : i32
        %dma_wait3A_342 = arith.constant 0 : i32
        %dma_wait3A_343 = tpu.memref_slice %arg5[%sub3A_339, %dma_wait3A_340, %add3A, %dma_wait3A_341, %dma_wait3A_342] : memref<200x8x32x8x128xf32, #tpu.memory_space<hbm>> -> memref<1x8x1x8x128xf32, #tpu.memory_space<hbm>>
        %dma_wait3A_344 = tpu.memref_squeeze %dma_wait3A_343 : memref<1x8x1x8x128xf32, #tpu.memory_space<hbm>> -> memref<8x8x128xf32, #tpu.memory_space<hbm>>
        %dma_wait3A_345 = arith.constant 0 : i32
        %dma_wait3A_346 = arith.constant 0 : i32
        %dma_wait3A_347 = arith.constant 0 : i32
        %dma_wait3A_348 = tpu.memref_slice %arg5[%sub3A_339, %dma_wait3A_345, %add3A, %dma_wait3A_346, %dma_wait3A_347] : memref<200x8x32x8x128xf32, #tpu.memory_space<hbm>> -> memref<1x8x1x8x128xf32, #tpu.memory_space<hbm>>
        %dma_wait3A_349 = tpu.memref_squeeze %dma_wait3A_348 : memref<1x8x1x8x128xf32, #tpu.memory_space<hbm>> -> memref<8x8x128xf32, #tpu.memory_space<hbm>>
        tpu.wait_dma2 semaphore(%arg16 : memref<!tpu.dma_semaphore, #tpu.memory_space<semaphore_mem>>) src(%arg11 : memref<8x8x128xf32, #tpu.memory_space<vmem>>) dst(%dma_wait3A_349 : memref<8x8x128xf32, #tpu.memory_space<hbm>>)
      } else {
      }
      %scan3A_133 = arith.constant 0 : i32
      %scan3A_134 = arith.constant 64 : i32
      %scan3A_135 = arith.addi %scan3A_133, %scan3A_134 : i32
      %scan3A_136 = arith.constant 2 : i32
      scf.for %scan3A_338 = %scan3A_133 to %scan3A_135 step %scan3A_136  : i32 {
        %mul3A_339 = arith.constant 1 : i32
        %mul3A_340 = arith.muli %scan3A_338, %mul3A_339 : i32
        %add3A_341 = arith.constant 0 : i32
        %add3A_342 = arith.addi %add3A_341, %mul3A_340 : i32
        %add3A_343 = vector.broadcast %add3A_342 : i32 to vector<16xi32>
        %add3A_344 = arith.addi %iota3A, %add3A_343 : vector<16xi32>
        %jit3A = arith.constant 16 : i32
        %eq3A = arith.constant 0 : i32
        %eq3A_345 = arith.cmpi eq, %jit3A, %eq3A : i32
        %jit3A_346 = arith.constant 1 : i32
        %select_n3A = arith.select %eq3A_345, %jit3A_346, %jit3A : i32
        %rem3A = vector.broadcast %select_n3A : i32 to vector<16xi32>
        %rem3A_347 = arith.remsi %add3A_344, %rem3A : vector<16xi32>
        %ne3A = arith.constant 0 : i32
        %ne3A_348 = vector.broadcast %ne3A : i32 to vector<16xi32>
        %ne3A_349 = arith.cmpi ne, %rem3A_347, %ne3A_348 : vector<16xi32>
        %lt3A = arith.constant 0 : i32
        %lt3A_350 = vector.broadcast %lt3A : i32 to vector<16xi32>
        %lt3A_351 = arith.cmpi slt, %rem3A_347, %lt3A_350 : vector<16xi32>
        %lt3A_352 = arith.constant 0 : i32
        %lt3A_353 = arith.cmpi slt, %select_n3A, %lt3A_352 : i32
        %ne3A_354 = vector.broadcast %lt3A_353 : i1 to vector<16xi1>
        %ne3A_355 = vector.broadcast %ne3A_354 : vector<16xi1> to vector<16xi1>
        %ne3A_356 = arith.xori %lt3A_351, %ne3A_355 : vector<16xi1>
        %and3A = arith.andi %ne3A_356, %ne3A_349 : vector<16xi1>
        %add3A_357 = vector.broadcast %select_n3A : i32 to vector<16xi32>
        %add3A_358 = arith.addi %rem3A_347, %add3A_357 : vector<16xi32>
        %select_n3A_359 = arith.select %and3A, %add3A_358, %rem3A_347 : vector<16xi1>, vector<16xi32>
        %jit3A_360 = arith.constant 16 : i32
        %div3A = arith.divsi %add3A_342, %jit3A_360 : i32
        %sign3A = arith.constant 0 : i32
        %sign3A_361 = arith.cmpi sgt, %add3A_342, %sign3A : i32
        %sign3A_362 = arith.extui %sign3A_361 : i1 to i32
        %sign3A_363 = arith.constant 0 : i32
        %sign3A_364 = arith.cmpi slt, %add3A_342, %sign3A_363 : i32
        %sign3A_365 = arith.extui %sign3A_364 : i1 to i32
        %sign3A_366 = arith.subi %sign3A_362, %sign3A_365 : i32
        %sign3A_367 = arith.constant 0 : i32
        %sign3A_368 = arith.cmpi sgt, %jit3A_360, %sign3A_367 : i32
        %sign3A_369 = arith.extui %sign3A_368 : i1 to i32
        %sign3A_370 = arith.constant 0 : i32
        %sign3A_371 = arith.cmpi slt, %jit3A_360, %sign3A_370 : i32
        %sign3A_372 = arith.extui %sign3A_371 : i1 to i32
        %sign3A_373 = arith.subi %sign3A_369, %sign3A_372 : i32
        %ne3A_374 = arith.cmpi ne, %sign3A_366, %sign3A_373 : i32
        %rem3A_375 = arith.remsi %add3A_342, %jit3A_360 : i32
        %ne3A_376 = arith.constant 0 : i32
        %ne3A_377 = arith.cmpi ne, %rem3A_375, %ne3A_376 : i32
        %and3A_378 = arith.andi %ne3A_374, %ne3A_377 : i1
        %sub3A_379 = arith.constant 1 : i32
        %sub3A_380 = arith.subi %div3A, %sub3A_379 : i32
        %select_n3A_381 = arith.select %and3A_378, %sub3A_380, %div3A : i32
        %mul3A_382 = arith.constant 16 : i32
        %mul3A_383 = arith.muli %select_n3A_381, %mul3A_382 : i32
        %add3A_384 = vector.broadcast %mul3A_383 : i32 to vector<16xi32>
        %add3A_385 = arith.addi %add3A_384, %select_n3A_359 : vector<16xi32>
        %mul3A_386 = arith.constant 64 : i32
        %mul3A_387 = arith.muli %add3A_115, %mul3A_386 : i32
        %add3A_388 = vector.broadcast %mul3A_387 : i32 to vector<16xi32>
        %add3A_389 = arith.addi %add3A_385, %add3A_388 : vector<16xi32>
        %gather3A = tpu.vector_load_idx %arg7[%add3A_389] : memref<12800xf32, #tpu.memory_space<vmem>>[vector<16xi32>], vector<16xf32>,
        %jit3A_390 = arith.constant 8 : i32
        %div3A_391 = vector.broadcast %jit3A_390 : i32 to vector<16xi32>
        %div3A_392 = arith.divsi %select_n3A_359, %div3A_391 : vector<16xi32>
        %sign3A_393 = arith.constant 0 : i32
        %sign3A_394 = vector.broadcast %sign3A_393 : i32 to vector<16xi32>
        %sign3A_395 = arith.cmpi sgt, %select_n3A_359, %sign3A_394 : vector<16xi32>
        %sign3A_396 = arith.extui %sign3A_395 : vector<16xi1> to vector<16xi32>
        %sign3A_397 = arith.constant 0 : i32
        %sign3A_398 = vector.broadcast %sign3A_397 : i32 to vector<16xi32>
        %sign3A_399 = arith.cmpi slt, %select_n3A_359, %sign3A_398 : vector<16xi32>
        %sign3A_400 = arith.extui %sign3A_399 : vector<16xi1> to vector<16xi32>
        %sign3A_401 = arith.subi %sign3A_396, %sign3A_400 : vector<16xi32>
        %sign3A_402 = arith.constant 0 : i32
        %sign3A_403 = arith.cmpi sgt, %jit3A_390, %sign3A_402 : i32
        %sign3A_404 = arith.extui %sign3A_403 : i1 to i32
        %sign3A_405 = arith.constant 0 : i32
        %sign3A_406 = arith.cmpi slt, %jit3A_390, %sign3A_405 : i32
        %sign3A_407 = arith.extui %sign3A_406 : i1 to i32
        %sign3A_408 = arith.subi %sign3A_404, %sign3A_407 : i32
        %ne3A_409 = vector.broadcast %sign3A_408 : i32 to vector<16xi32>
        %ne3A_410 = arith.cmpi ne, %sign3A_401, %ne3A_409 : vector<16xi32>
        %rem3A_411 = vector.broadcast %jit3A_390 : i32 to vector<16xi32>
        %rem3A_412 = arith.remsi %select_n3A_359, %rem3A_411 : vector<16xi32>
        %ne3A_413 = arith.constant 0 : i32
        %ne3A_414 = vector.broadcast %ne3A_413 : i32 to vector<16xi32>
        %ne3A_415 = arith.cmpi ne, %rem3A_412, %ne3A_414 : vector<16xi32>
        %and3A_416 = arith.andi %ne3A_410, %ne3A_415 : vector<16xi1>
        %sub3A_417 = arith.constant 1 : i32
        %sub3A_418 = vector.broadcast %sub3A_417 : i32 to vector<16xi32>
        %sub3A_419 = arith.subi %div3A_392, %sub3A_418 : vector<16xi32>
        %select_n3A_420 = arith.select %and3A_416, %sub3A_419, %div3A_392 : vector<16xi1>, vector<16xi32>
        %jit3A_421 = arith.constant 16 : i32
        %div3A_422 = arith.divsi %add3A_342, %jit3A_421 : i32
        %sign3A_423 = arith.constant 0 : i32
        %sign3A_424 = arith.cmpi sgt, %add3A_342, %sign3A_423 : i32
        %sign3A_425 = arith.extui %sign3A_424 : i1 to i32
        %sign3A_426 = arith.constant 0 : i32
        %sign3A_427 = arith.cmpi slt, %add3A_342, %sign3A_426 : i32
        %sign3A_428 = arith.extui %sign3A_427 : i1 to i32
        %sign3A_429 = arith.subi %sign3A_425, %sign3A_428 : i32
        %sign3A_430 = arith.constant 0 : i32
        %sign3A_431 = arith.cmpi sgt, %jit3A_421, %sign3A_430 : i32
        %sign3A_432 = arith.extui %sign3A_431 : i1 to i32
        %sign3A_433 = arith.constant 0 : i32
        %sign3A_434 = arith.cmpi slt, %jit3A_421, %sign3A_433 : i32
        %sign3A_435 = arith.extui %sign3A_434 : i1 to i32
        %sign3A_436 = arith.subi %sign3A_432, %sign3A_435 : i32
        %ne3A_437 = arith.cmpi ne, %sign3A_429, %sign3A_436 : i32
        %rem3A_438 = arith.remsi %add3A_342, %jit3A_421 : i32
        %ne3A_439 = arith.constant 0 : i32
        %ne3A_440 = arith.cmpi ne, %rem3A_438, %ne3A_439 : i32
        %and3A_441 = arith.andi %ne3A_437, %ne3A_440 : i1
        %sub3A_442 = arith.constant 1 : i32
        %sub3A_443 = arith.subi %div3A_422, %sub3A_442 : i32
        %select_n3A_444 = arith.select %and3A_441, %sub3A_443, %div3A_422 : i32
        %mul3A_445 = arith.constant 2 : i32
        %mul3A_446 = arith.muli %mul3A_445, %select_n3A_444 : i32
        %add3A_447 = vector.broadcast %mul3A_446 : i32 to vector<16xi32>
        %add3A_448 = arith.addi %select_n3A_420, %add3A_447 : vector<16xi32>
        %jit3A_449 = arith.constant 8 : i32
        %eq3A_450 = arith.constant 0 : i32
        %eq3A_451 = arith.cmpi eq, %jit3A_449, %eq3A_450 : i32
        %jit3A_452 = arith.constant 1 : i32
        %select_n3A_453 = arith.select %eq3A_451, %jit3A_452, %jit3A_449 : i32
        %rem3A_454 = vector.broadcast %select_n3A_453 : i32 to vector<16xi32>
        %rem3A_455 = arith.remsi %select_n3A_359, %rem3A_454 : vector<16xi32>
        %ne3A_456 = arith.constant 0 : i32
        %ne3A_457 = vector.broadcast %ne3A_456 : i32 to vector<16xi32>
        %ne3A_458 = arith.cmpi ne, %rem3A_455, %ne3A_457 : vector<16xi32>
        %lt3A_459 = arith.constant 0 : i32
        %lt3A_460 = vector.broadcast %lt3A_459 : i32 to vector<16xi32>
        %lt3A_461 = arith.cmpi slt, %rem3A_455, %lt3A_460 : vector<16xi32>
        %lt3A_462 = arith.constant 0 : i32
        %lt3A_463 = arith.cmpi slt, %select_n3A_453, %lt3A_462 : i32
        %ne3A_464 = vector.broadcast %lt3A_463 : i1 to vector<16xi1>
        %ne3A_465 = vector.broadcast %ne3A_464 : vector<16xi1> to vector<16xi1>
        %ne3A_466 = arith.xori %lt3A_461, %ne3A_465 : vector<16xi1>
        %and3A_467 = arith.andi %ne3A_466, %ne3A_458 : vector<16xi1>
        %add3A_468 = vector.broadcast %select_n3A_453 : i32 to vector<16xi32>
        %add3A_469 = arith.addi %rem3A_455, %add3A_468 : vector<16xi32>
        %select_n3A_470 = arith.select %and3A_467, %add3A_469, %rem3A_455 : vector<16xi1>, vector<16xi32>
        %add3A_471 = arith.constant 0 : i32
        %add3A_472 = vector.broadcast %add3A_471 : i32 to vector<16xi32>
        %add3A_473 = arith.addi %iota3A, %add3A_472 : vector<16xi32>
        %gather3A_474 = tpu.vector_load_idx %arg8[%add3A_473, %add3A_385] : memref<128x128xf32, #tpu.memory_space<vmem>>[vector<16xi32>, vector<16xi32>], vector<16xf32>,
        %add3A_475 = arith.addf %gather3A_474, %gather3A : vector<16xf32>
        tpu.vector_store_idx %arg11[%add3A_448, %select_n3A_470, %add3A_473], %add3A_475 : memref<8x8x128xf32, #tpu.memory_space<vmem>>[vector<16xi32>, vector<16xi32>, vector<16xi32>], vector<16xf32>,
        %add3A_476 = arith.constant 16 : i32
        %add3A_477 = vector.broadcast %add3A_476 : i32 to vector<16xi32>
        %add3A_478 = arith.addi %iota3A, %add3A_477 : vector<16xi32>
        %gather3A_479 = tpu.vector_load_idx %arg8[%add3A_478, %add3A_385] : memref<128x128xf32, #tpu.memory_space<vmem>>[vector<16xi32>, vector<16xi32>], vector<16xf32>,
        %add3A_480 = arith.addf %gather3A_479, %gather3A : vector<16xf32>
        tpu.vector_store_idx %arg11[%add3A_448, %select_n3A_470, %add3A_478], %add3A_480 : memref<8x8x128xf32, #tpu.memory_space<vmem>>[vector<16xi32>, vector<16xi32>, vector<16xi32>], vector<16xf32>,
        %add3A_481 = arith.constant 32 : i32
        %add3A_482 = vector.broadcast %add3A_481 : i32 to vector<16xi32>
        %add3A_483 = arith.addi %iota3A, %add3A_482 : vector<16xi32>
        %gather3A_484 = tpu.vector_load_idx %arg8[%add3A_483, %add3A_385] : memref<128x128xf32, #tpu.memory_space<vmem>>[vector<16xi32>, vector<16xi32>], vector<16xf32>,
        %add3A_485 = arith.addf %gather3A_484, %gather3A : vector<16xf32>
        tpu.vector_store_idx %arg11[%add3A_448, %select_n3A_470, %add3A_483], %add3A_485 : memref<8x8x128xf32, #tpu.memory_space<vmem>>[vector<16xi32>, vector<16xi32>, vector<16xi32>], vector<16xf32>,
        %add3A_486 = arith.constant 48 : i32
        %add3A_487 = vector.broadcast %add3A_486 : i32 to vector<16xi32>
        %add3A_488 = arith.addi %iota3A, %add3A_487 : vector<16xi32>
        %gather3A_489 = tpu.vector_load_idx %arg8[%add3A_488, %add3A_385] : memref<128x128xf32, #tpu.memory_space<vmem>>[vector<16xi32>, vector<16xi32>], vector<16xf32>,
        %add3A_490 = arith.addf %gather3A_489, %gather3A : vector<16xf32>
        tpu.vector_store_idx %arg11[%add3A_448, %select_n3A_470, %add3A_488], %add3A_490 : memref<8x8x128xf32, #tpu.memory_space<vmem>>[vector<16xi32>, vector<16xi32>, vector<16xi32>], vector<16xf32>,
        %add3A_491 = arith.constant 64 : i32
        %add3A_492 = vector.broadcast %add3A_491 : i32 to vector<16xi32>
        %add3A_493 = arith.addi %iota3A, %add3A_492 : vector<16xi32>
        %gather3A_494 = tpu.vector_load_idx %arg8[%add3A_493, %add3A_385] : memref<128x128xf32, #tpu.memory_space<vmem>>[vector<16xi32>, vector<16xi32>], vector<16xf32>,
        %add3A_495 = arith.addf %gather3A_494, %gather3A : vector<16xf32>
        tpu.vector_store_idx %arg11[%add3A_448, %select_n3A_470, %add3A_493], %add3A_495 : memref<8x8x128xf32, #tpu.memory_space<vmem>>[vector<16xi32>, vector<16xi32>, vector<16xi32>], vector<16xf32>,
        %add3A_496 = arith.constant 80 : i32
        %add3A_497 = vector.broadcast %add3A_496 : i32 to vector<16xi32>
        %add3A_498 = arith.addi %iota3A, %add3A_497 : vector<16xi32>
        %gather3A_499 = tpu.vector_load_idx %arg8[%add3A_498, %add3A_385] : memref<128x128xf32, #tpu.memory_space<vmem>>[vector<16xi32>, vector<16xi32>], vector<16xf32>,
        %add3A_500 = arith.addf %gather3A_499, %gather3A : vector<16xf32>
        tpu.vector_store_idx %arg11[%add3A_448, %select_n3A_470, %add3A_498], %add3A_500 : memref<8x8x128xf32, #tpu.memory_space<vmem>>[vector<16xi32>, vector<16xi32>, vector<16xi32>], vector<16xf32>,
        %add3A_501 = arith.constant 96 : i32
        %add3A_502 = vector.broadcast %add3A_501 : i32 to vector<16xi32>
        %add3A_503 = arith.addi %iota3A, %add3A_502 : vector<16xi32>
        %gather3A_504 = tpu.vector_load_idx %arg8[%add3A_503, %add3A_385] : memref<128x128xf32, #tpu.memory_space<vmem>>[vector<16xi32>, vector<16xi32>], vector<16xf32>,
        %add3A_505 = arith.addf %gather3A_504, %gather3A : vector<16xf32>
        tpu.vector_store_idx %arg11[%add3A_448, %select_n3A_470, %add3A_503], %add3A_505 : memref<8x8x128xf32, #tpu.memory_space<vmem>>[vector<16xi32>, vector<16xi32>, vector<16xi32>], vector<16xf32>,
        %add3A_506 = arith.constant 112 : i32
        %add3A_507 = vector.broadcast %add3A_506 : i32 to vector<16xi32>
        %add3A_508 = arith.addi %iota3A, %add3A_507 : vector<16xi32>
        %gather3A_509 = tpu.vector_load_idx %arg8[%add3A_508, %add3A_385] : memref<128x128xf32, #tpu.memory_space<vmem>>[vector<16xi32>, vector<16xi32>], vector<16xf32>,
        %add3A_510 = arith.addf %gather3A_509, %gather3A : vector<16xf32>
        tpu.vector_store_idx %arg11[%add3A_448, %select_n3A_470, %add3A_508], %add3A_510 : memref<8x8x128xf32, #tpu.memory_space<vmem>>[vector<16xi32>, vector<16xi32>, vector<16xi32>], vector<16xf32>,
        %scan3A_511 = arith.constant 1 : i32
        %scan3A_512 = arith.addi %scan3A_338, %scan3A_511 : i32
        %mul3A_513 = arith.constant 1 : i32
        %mul3A_514 = arith.muli %scan3A_512, %mul3A_513 : i32
        %add3A_515 = arith.constant 0 : i32
        %add3A_516 = arith.addi %add3A_515, %mul3A_514 : i32
        %add3A_517 = vector.broadcast %add3A_516 : i32 to vector<16xi32>
        %add3A_518 = arith.addi %iota3A, %add3A_517 : vector<16xi32>
        %jit3A_519 = arith.constant 16 : i32
        %eq3A_520 = arith.constant 0 : i32
        %eq3A_521 = arith.cmpi eq, %jit3A_519, %eq3A_520 : i32
        %jit3A_522 = arith.constant 1 : i32
        %select_n3A_523 = arith.select %eq3A_521, %jit3A_522, %jit3A_519 : i32
        %rem3A_524 = vector.broadcast %select_n3A_523 : i32 to vector<16xi32>
        %rem3A_525 = arith.remsi %add3A_518, %rem3A_524 : vector<16xi32>
        %ne3A_526 = arith.constant 0 : i32
        %ne3A_527 = vector.broadcast %ne3A_526 : i32 to vector<16xi32>
        %ne3A_528 = arith.cmpi ne, %rem3A_525, %ne3A_527 : vector<16xi32>
        %lt3A_529 = arith.constant 0 : i32
        %lt3A_530 = vector.broadcast %lt3A_529 : i32 to vector<16xi32>
        %lt3A_531 = arith.cmpi slt, %rem3A_525, %lt3A_530 : vector<16xi32>
        %lt3A_532 = arith.constant 0 : i32
        %lt3A_533 = arith.cmpi slt, %select_n3A_523, %lt3A_532 : i32
        %ne3A_534 = vector.broadcast %lt3A_533 : i1 to vector<16xi1>
        %ne3A_535 = vector.broadcast %ne3A_534 : vector<16xi1> to vector<16xi1>
        %ne3A_536 = arith.xori %lt3A_531, %ne3A_535 : vector<16xi1>
        %and3A_537 = arith.andi %ne3A_536, %ne3A_528 : vector<16xi1>
        %add3A_538 = vector.broadcast %select_n3A_523 : i32 to vector<16xi32>
        %add3A_539 = arith.addi %rem3A_525, %add3A_538 : vector<16xi32>
        %select_n3A_540 = arith.select %and3A_537, %add3A_539, %rem3A_525 : vector<16xi1>, vector<16xi32>
        %jit3A_541 = arith.constant 16 : i32
        %div3A_542 = arith.divsi %add3A_516, %jit3A_541 : i32
        %sign3A_543 = arith.constant 0 : i32
        %sign3A_544 = arith.cmpi sgt, %add3A_516, %sign3A_543 : i32
        %sign3A_545 = arith.extui %sign3A_544 : i1 to i32
        %sign3A_546 = arith.constant 0 : i32
        %sign3A_547 = arith.cmpi slt, %add3A_516, %sign3A_546 : i32
        %sign3A_548 = arith.extui %sign3A_547 : i1 to i32
        %sign3A_549 = arith.subi %sign3A_545, %sign3A_548 : i32
        %sign3A_550 = arith.constant 0 : i32
        %sign3A_551 = arith.cmpi sgt, %jit3A_541, %sign3A_550 : i32
        %sign3A_552 = arith.extui %sign3A_551 : i1 to i32
        %sign3A_553 = arith.constant 0 : i32
        %sign3A_554 = arith.cmpi slt, %jit3A_541, %sign3A_553 : i32
        %sign3A_555 = arith.extui %sign3A_554 : i1 to i32
        %sign3A_556 = arith.subi %sign3A_552, %sign3A_555 : i32
        %ne3A_557 = arith.cmpi ne, %sign3A_549, %sign3A_556 : i32
        %rem3A_558 = arith.remsi %add3A_516, %jit3A_541 : i32
        %ne3A_559 = arith.constant 0 : i32
        %ne3A_560 = arith.cmpi ne, %rem3A_558, %ne3A_559 : i32
        %and3A_561 = arith.andi %ne3A_557, %ne3A_560 : i1
        %sub3A_562 = arith.constant 1 : i32
        %sub3A_563 = arith.subi %div3A_542, %sub3A_562 : i32
        %select_n3A_564 = arith.select %and3A_561, %sub3A_563, %div3A_542 : i32
        %mul3A_565 = arith.constant 16 : i32
        %mul3A_566 = arith.muli %select_n3A_564, %mul3A_565 : i32
        %add3A_567 = vector.broadcast %mul3A_566 : i32 to vector<16xi32>
        %add3A_568 = arith.addi %add3A_567, %select_n3A_540 : vector<16xi32>
        %mul3A_569 = arith.constant 64 : i32
        %mul3A_570 = arith.muli %add3A_115, %mul3A_569 : i32
        %add3A_571 = vector.broadcast %mul3A_570 : i32 to vector<16xi32>
        %add3A_572 = arith.addi %add3A_568, %add3A_571 : vector<16xi32>
        %gather3A_573 = tpu.vector_load_idx %arg7[%add3A_572] : memref<12800xf32, #tpu.memory_space<vmem>>[vector<16xi32>], vector<16xf32>,
        %jit3A_574 = arith.constant 8 : i32
        %div3A_575 = vector.broadcast %jit3A_574 : i32 to vector<16xi32>
        %div3A_576 = arith.divsi %select_n3A_540, %div3A_575 : vector<16xi32>
        %sign3A_577 = arith.constant 0 : i32
        %sign3A_578 = vector.broadcast %sign3A_577 : i32 to vector<16xi32>
        %sign3A_579 = arith.cmpi sgt, %select_n3A_540, %sign3A_578 : vector<16xi32>
        %sign3A_580 = arith.extui %sign3A_579 : vector<16xi1> to vector<16xi32>
        %sign3A_581 = arith.constant 0 : i32
        %sign3A_582 = vector.broadcast %sign3A_581 : i32 to vector<16xi32>
        %sign3A_583 = arith.cmpi slt, %select_n3A_540, %sign3A_582 : vector<16xi32>
        %sign3A_584 = arith.extui %sign3A_583 : vector<16xi1> to vector<16xi32>
        %sign3A_585 = arith.subi %sign3A_580, %sign3A_584 : vector<16xi32>
        %sign3A_586 = arith.constant 0 : i32
        %sign3A_587 = arith.cmpi sgt, %jit3A_574, %sign3A_586 : i32
        %sign3A_588 = arith.extui %sign3A_587 : i1 to i32
        %sign3A_589 = arith.constant 0 : i32
        %sign3A_590 = arith.cmpi slt, %jit3A_574, %sign3A_589 : i32
        %sign3A_591 = arith.extui %sign3A_590 : i1 to i32
        %sign3A_592 = arith.subi %sign3A_588, %sign3A_591 : i32
        %ne3A_593 = vector.broadcast %sign3A_592 : i32 to vector<16xi32>
        %ne3A_594 = arith.cmpi ne, %sign3A_585, %ne3A_593 : vector<16xi32>
        %rem3A_595 = vector.broadcast %jit3A_574 : i32 to vector<16xi32>
        %rem3A_596 = arith.remsi %select_n3A_540, %rem3A_595 : vector<16xi32>
        %ne3A_597 = arith.constant 0 : i32
        %ne3A_598 = vector.broadcast %ne3A_597 : i32 to vector<16xi32>
        %ne3A_599 = arith.cmpi ne, %rem3A_596, %ne3A_598 : vector<16xi32>
        %and3A_600 = arith.andi %ne3A_594, %ne3A_599 : vector<16xi1>
        %sub3A_601 = arith.constant 1 : i32
        %sub3A_602 = vector.broadcast %sub3A_601 : i32 to vector<16xi32>
        %sub3A_603 = arith.subi %div3A_576, %sub3A_602 : vector<16xi32>
        %select_n3A_604 = arith.select %and3A_600, %sub3A_603, %div3A_576 : vector<16xi1>, vector<16xi32>
        %jit3A_605 = arith.constant 16 : i32
        %div3A_606 = arith.divsi %add3A_516, %jit3A_605 : i32
        %sign3A_607 = arith.constant 0 : i32
        %sign3A_608 = arith.cmpi sgt, %add3A_516, %sign3A_607 : i32
        %sign3A_609 = arith.extui %sign3A_608 : i1 to i32
        %sign3A_610 = arith.constant 0 : i32
        %sign3A_611 = arith.cmpi slt, %add3A_516, %sign3A_610 : i32
        %sign3A_612 = arith.extui %sign3A_611 : i1 to i32
        %sign3A_613 = arith.subi %sign3A_609, %sign3A_612 : i32
        %sign3A_614 = arith.constant 0 : i32
        %sign3A_615 = arith.cmpi sgt, %jit3A_605, %sign3A_614 : i32
        %sign3A_616 = arith.extui %sign3A_615 : i1 to i32
        %sign3A_617 = arith.constant 0 : i32
        %sign3A_618 = arith.cmpi slt, %jit3A_605, %sign3A_617 : i32
        %sign3A_619 = arith.extui %sign3A_618 : i1 to i32
        %sign3A_620 = arith.subi %sign3A_616, %sign3A_619 : i32
        %ne3A_621 = arith.cmpi ne, %sign3A_613, %sign3A_620 : i32
        %rem3A_622 = arith.remsi %add3A_516, %jit3A_605 : i32
        %ne3A_623 = arith.constant 0 : i32
        %ne3A_624 = arith.cmpi ne, %rem3A_622, %ne3A_623 : i32
        %and3A_625 = arith.andi %ne3A_621, %ne3A_624 : i1
        %sub3A_626 = arith.constant 1 : i32
        %sub3A_627 = arith.subi %div3A_606, %sub3A_626 : i32
        %select_n3A_628 = arith.select %and3A_625, %sub3A_627, %div3A_606 : i32
        %mul3A_629 = arith.constant 2 : i32
        %mul3A_630 = arith.muli %mul3A_629, %select_n3A_628 : i32
        %add3A_631 = vector.broadcast %mul3A_630 : i32 to vector<16xi32>
        %add3A_632 = arith.addi %select_n3A_604, %add3A_631 : vector<16xi32>
        %jit3A_633 = arith.constant 8 : i32
        %eq3A_634 = arith.constant 0 : i32
        %eq3A_635 = arith.cmpi eq, %jit3A_633, %eq3A_634 : i32
        %jit3A_636 = arith.constant 1 : i32
        %select_n3A_637 = arith.select %eq3A_635, %jit3A_636, %jit3A_633 : i32
        %rem3A_638 = vector.broadcast %select_n3A_637 : i32 to vector<16xi32>
        %rem3A_639 = arith.remsi %select_n3A_540, %rem3A_638 : vector<16xi32>
        %ne3A_640 = arith.constant 0 : i32
        %ne3A_641 = vector.broadcast %ne3A_640 : i32 to vector<16xi32>
        %ne3A_642 = arith.cmpi ne, %rem3A_639, %ne3A_641 : vector<16xi32>
        %lt3A_643 = arith.constant 0 : i32
        %lt3A_644 = vector.broadcast %lt3A_643 : i32 to vector<16xi32>
        %lt3A_645 = arith.cmpi slt, %rem3A_639, %lt3A_644 : vector<16xi32>
        %lt3A_646 = arith.constant 0 : i32
        %lt3A_647 = arith.cmpi slt, %select_n3A_637, %lt3A_646 : i32
        %ne3A_648 = vector.broadcast %lt3A_647 : i1 to vector<16xi1>
        %ne3A_649 = vector.broadcast %ne3A_648 : vector<16xi1> to vector<16xi1>
        %ne3A_650 = arith.xori %lt3A_645, %ne3A_649 : vector<16xi1>
        %and3A_651 = arith.andi %ne3A_650, %ne3A_642 : vector<16xi1>
        %add3A_652 = vector.broadcast %select_n3A_637 : i32 to vector<16xi32>
        %add3A_653 = arith.addi %rem3A_639, %add3A_652 : vector<16xi32>
        %select_n3A_654 = arith.select %and3A_651, %add3A_653, %rem3A_639 : vector<16xi1>, vector<16xi32>
        %add3A_655 = arith.constant 0 : i32
        %add3A_656 = vector.broadcast %add3A_655 : i32 to vector<16xi32>
        %add3A_657 = arith.addi %iota3A, %add3A_656 : vector<16xi32>
        %gather3A_658 = tpu.vector_load_idx %arg8[%add3A_657, %add3A_568] : memref<128x128xf32, #tpu.memory_space<vmem>>[vector<16xi32>, vector<16xi32>], vector<16xf32>,
        %add3A_659 = arith.addf %gather3A_658, %gather3A_573 : vector<16xf32>
        tpu.vector_store_idx %arg11[%add3A_632, %select_n3A_654, %add3A_657], %add3A_659 : memref<8x8x128xf32, #tpu.memory_space<vmem>>[vector<16xi32>, vector<16xi32>, vector<16xi32>], vector<16xf32>,
        %add3A_660 = arith.constant 16 : i32
        %add3A_661 = vector.broadcast %add3A_660 : i32 to vector<16xi32>
        %add3A_662 = arith.addi %iota3A, %add3A_661 : vector<16xi32>
        %gather3A_663 = tpu.vector_load_idx %arg8[%add3A_662, %add3A_568] : memref<128x128xf32, #tpu.memory_space<vmem>>[vector<16xi32>, vector<16xi32>], vector<16xf32>,
        %add3A_664 = arith.addf %gather3A_663, %gather3A_573 : vector<16xf32>
        tpu.vector_store_idx %arg11[%add3A_632, %select_n3A_654, %add3A_662], %add3A_664 : memref<8x8x128xf32, #tpu.memory_space<vmem>>[vector<16xi32>, vector<16xi32>, vector<16xi32>], vector<16xf32>,
        %add3A_665 = arith.constant 32 : i32
        %add3A_666 = vector.broadcast %add3A_665 : i32 to vector<16xi32>
        %add3A_667 = arith.addi %iota3A, %add3A_666 : vector<16xi32>
        %gather3A_668 = tpu.vector_load_idx %arg8[%add3A_667, %add3A_568] : memref<128x128xf32, #tpu.memory_space<vmem>>[vector<16xi32>, vector<16xi32>], vector<16xf32>,
        %add3A_669 = arith.addf %gather3A_668, %gather3A_573 : vector<16xf32>
        tpu.vector_store_idx %arg11[%add3A_632, %select_n3A_654, %add3A_667], %add3A_669 : memref<8x8x128xf32, #tpu.memory_space<vmem>>[vector<16xi32>, vector<16xi32>, vector<16xi32>], vector<16xf32>,
        %add3A_670 = arith.constant 48 : i32
        %add3A_671 = vector.broadcast %add3A_670 : i32 to vector<16xi32>
        %add3A_672 = arith.addi %iota3A, %add3A_671 : vector<16xi32>
        %gather3A_673 = tpu.vector_load_idx %arg8[%add3A_672, %add3A_568] : memref<128x128xf32, #tpu.memory_space<vmem>>[vector<16xi32>, vector<16xi32>], vector<16xf32>,
        %add3A_674 = arith.addf %gather3A_673, %gather3A_573 : vector<16xf32>
        tpu.vector_store_idx %arg11[%add3A_632, %select_n3A_654, %add3A_672], %add3A_674 : memref<8x8x128xf32, #tpu.memory_space<vmem>>[vector<16xi32>, vector<16xi32>, vector<16xi32>], vector<16xf32>,
        %add3A_675 = arith.constant 64 : i32
        %add3A_676 = vector.broadcast %add3A_675 : i32 to vector<16xi32>
        %add3A_677 = arith.addi %iota3A, %add3A_676 : vector<16xi32>
        %gather3A_678 = tpu.vector_load_idx %arg8[%add3A_677, %add3A_568] : memref<128x128xf32, #tpu.memory_space<vmem>>[vector<16xi32>, vector<16xi32>], vector<16xf32>,
        %add3A_679 = arith.addf %gather3A_678, %gather3A_573 : vector<16xf32>
        tpu.vector_store_idx %arg11[%add3A_632, %select_n3A_654, %add3A_677], %add3A_679 : memref<8x8x128xf32, #tpu.memory_space<vmem>>[vector<16xi32>, vector<16xi32>, vector<16xi32>], vector<16xf32>,
        %add3A_680 = arith.constant 80 : i32
        %add3A_681 = vector.broadcast %add3A_680 : i32 to vector<16xi32>
        %add3A_682 = arith.addi %iota3A, %add3A_681 : vector<16xi32>
        %gather3A_683 = tpu.vector_load_idx %arg8[%add3A_682, %add3A_568] : memref<128x128xf32, #tpu.memory_space<vmem>>[vector<16xi32>, vector<16xi32>], vector<16xf32>,
        %add3A_684 = arith.addf %gather3A_683, %gather3A_573 : vector<16xf32>
        tpu.vector_store_idx %arg11[%add3A_632, %select_n3A_654, %add3A_682], %add3A_684 : memref<8x8x128xf32, #tpu.memory_space<vmem>>[vector<16xi32>, vector<16xi32>, vector<16xi32>], vector<16xf32>,
        %add3A_685 = arith.constant 96 : i32
        %add3A_686 = vector.broadcast %add3A_685 : i32 to vector<16xi32>
        %add3A_687 = arith.addi %iota3A, %add3A_686 : vector<16xi32>
        %gather3A_688 = tpu.vector_load_idx %arg8[%add3A_687, %add3A_568] : memref<128x128xf32, #tpu.memory_space<vmem>>[vector<16xi32>, vector<16xi32>], vector<16xf32>,
        %add3A_689 = arith.addf %gather3A_688, %gather3A_573 : vector<16xf32>
        tpu.vector_store_idx %arg11[%add3A_632, %select_n3A_654, %add3A_687], %add3A_689 : memref<8x8x128xf32, #tpu.memory_space<vmem>>[vector<16xi32>, vector<16xi32>, vector<16xi32>], vector<16xf32>,
        %add3A_690 = arith.constant 112 : i32
        %add3A_691 = vector.broadcast %add3A_690 : i32 to vector<16xi32>
        %add3A_692 = arith.addi %iota3A, %add3A_691 : vector<16xi32>
        %gather3A_693 = tpu.vector_load_idx %arg8[%add3A_692, %add3A_568] : memref<128x128xf32, #tpu.memory_space<vmem>>[vector<16xi32>, vector<16xi32>], vector<16xf32>,
        %add3A_694 = arith.addf %gather3A_693, %gather3A_573 : vector<16xf32>
        tpu.vector_store_idx %arg11[%add3A_632, %select_n3A_654, %add3A_692], %add3A_694 : memref<8x8x128xf32, #tpu.memory_space<vmem>>[vector<16xi32>, vector<16xi32>, vector<16xi32>], vector<16xf32>,
      }
      %scan3A_137 = arith.constant 64 : i32
      %dma_start3A_138 = arith.constant 0 : i32
      %dma_start3A_139 = arith.constant 0 : i32
      %dma_start3A_140 = arith.constant 0 : i32
      %dma_start3A_141 = tpu.memref_slice %arg5[%add3A_115, %dma_start3A_138, %add3A, %dma_start3A_139, %dma_start3A_140] : memref<200x8x32x8x128xf32, #tpu.memory_space<hbm>> -> memref<1x8x1x8x128xf32, #tpu.memory_space<hbm>>
      %dma_start3A_142 = tpu.memref_squeeze %dma_start3A_141 : memref<1x8x1x8x128xf32, #tpu.memory_space<hbm>> -> memref<8x8x128xf32, #tpu.memory_space<hbm>>
      %dma_start3A_143 = arith.constant 0 : i32
      %dma_start3A_144 = arith.constant 0 : i32
      %dma_start3A_145 = arith.constant 0 : i32
      %dma_start3A_146 = tpu.memref_slice %arg5[%add3A_115, %dma_start3A_143, %add3A, %dma_start3A_144, %dma_start3A_145] : memref<200x8x32x8x128xf32, #tpu.memory_space<hbm>> -> memref<1x8x1x8x128xf32, #tpu.memory_space<hbm>>
      %dma_start3A_147 = tpu.memref_squeeze %dma_start3A_146 : memref<1x8x1x8x128xf32, #tpu.memory_space<hbm>> -> memref<8x8x128xf32, #tpu.memory_space<hbm>>
      tpu.enqueue_dma source(%arg11 : memref<8x8x128xf32, #tpu.memory_space<vmem>>) target(%dma_start3A_147 : memref<8x8x128xf32, #tpu.memory_space<hbm>>) target_semaphore(%arg16 : memref<!tpu.dma_semaphore, #tpu.memory_space<semaphore_mem>>)
      %add3A_148 = arith.constant 1 : i32
      %add3A_149 = arith.addi %add3A_113, %add3A_148 : i32
      %add3A_150 = arith.constant 2 : i32
      %add3A_151 = arith.addi %add3A_149, %add3A_150 : i32
      %dma_start3A_152 = arith.constant 0 : i32
      %dma_start3A_153 = tpu.memref_slice %arg6[%add3A_151, %dma_start3A_152] : memref<200x128xi32, #tpu.memory_space<vmem>> -> memref<1x128xi32, #tpu.memory_space<vmem>>
      %dma_start3A_154 = tpu.memref_squeeze %dma_start3A_153 : memref<1x128xi32, #tpu.memory_space<vmem>> -> memref<128xi32, #tpu.memory_space<vmem>>
      %dma_start3A_155 = arith.constant 0 : i32
      %dma_start3A_156 = arith.constant 0 : i32
      %dma_start3A_157 = tpu.memref_slice %arg2[%dma_start3A_155, %dma_start3A_156] : memref<1000000x128xf32, #tpu.memory_space<hbm>> -> memref<1000000x128xf32, #tpu.memory_space<hbm>>
      tpu.enqueue_indirect_dma source(%dma_start3A_157 : memref<1000000x128xf32, #tpu.memory_space<hbm>>) target(%arg8 : memref<128x128xf32, #tpu.memory_space<vmem>>) offsets(%dma_start3A_154 : memref<128xi32, #tpu.memory_space<vmem>>) semaphore(%arg13 : memref<!tpu.dma_semaphore, #tpu.memory_space<semaphore_mem>>)
      %dma_wait3A_158 = arith.constant 0 : i32
      %dma_wait3A_159 = tpu.memref_slice %arg6[%add3A_149, %dma_wait3A_158] : memref<200x128xi32, #tpu.memory_space<vmem>> -> memref<1x128xi32, #tpu.memory_space<vmem>>
      %dma_wait3A_160 = tpu.memref_squeeze %dma_wait3A_159 : memref<1x128xi32, #tpu.memory_space<vmem>> -> memref<128xi32, #tpu.memory_space<vmem>>
      %dma_wait3A_161 = arith.constant 0 : i32
      %dma_wait3A_162 = arith.constant 0 : i32
      %dma_wait3A_163 = tpu.memref_slice %arg2[%dma_wait3A_161, %dma_wait3A_162] : memref<1000000x128xf32, #tpu.memory_space<hbm>> -> memref<1000000x128xf32, #tpu.memory_space<hbm>>
      tpu.wait_indirect_dma semaphore(%arg14 : memref<!tpu.dma_semaphore, #tpu.memory_space<semaphore_mem>>) src(%dma_wait3A_163 : memref<1000000x128xf32, #tpu.memory_space<hbm>>) dst(%arg9 : memref<128x128xf32, #tpu.memory_space<vmem>>)
      %sub3A_164 = arith.constant 2 : i32
      %sub3A_165 = arith.subi %add3A_149, %sub3A_164 : i32
      %ge3A_166 = arith.constant 0 : i32
      %ge3A_167 = arith.cmpi sge, %sub3A_165, %ge3A_166 : i32
      %convert_element_type3A_168 = arith.extui %ge3A_167 : i1 to i32
      %cond3A_169 = arith.constant 0 : i32
      %cond3A_170 = arith.cmpi ne, %convert_element_type3A_168, %cond3A_169 : i32
      scf.if %cond3A_170 {
        %sub3A_338 = arith.constant 2 : i32
        %sub3A_339 = arith.subi %add3A_149, %sub3A_338 : i32
        %dma_wait3A_340 = arith.constant 0 : i32
        %dma_wait3A_341 = arith.constant 0 : i32
        %dma_wait3A_342 = arith.constant 0 : i32
        %dma_wait3A_343 = tpu.memref_slice %arg5[%sub3A_339, %dma_wait3A_340, %add3A, %dma_wait3A_341, %dma_wait3A_342] : memref<200x8x32x8x128xf32, #tpu.memory_space<hbm>> -> memref<1x8x1x8x128xf32, #tpu.memory_space<hbm>>
        %dma_wait3A_344 = tpu.memref_squeeze %dma_wait3A_343 : memref<1x8x1x8x128xf32, #tpu.memory_space<hbm>> -> memref<8x8x128xf32, #tpu.memory_space<hbm>>
        %dma_wait3A_345 = arith.constant 0 : i32
        %dma_wait3A_346 = arith.constant 0 : i32
        %dma_wait3A_347 = arith.constant 0 : i32
        %dma_wait3A_348 = tpu.memref_slice %arg5[%sub3A_339, %dma_wait3A_345, %add3A, %dma_wait3A_346, %dma_wait3A_347] : memref<200x8x32x8x128xf32, #tpu.memory_space<hbm>> -> memref<1x8x1x8x128xf32, #tpu.memory_space<hbm>>
        %dma_wait3A_349 = tpu.memref_squeeze %dma_wait3A_348 : memref<1x8x1x8x128xf32, #tpu.memory_space<hbm>> -> memref<8x8x128xf32, #tpu.memory_space<hbm>>
        tpu.wait_dma2 semaphore(%arg17 : memref<!tpu.dma_semaphore, #tpu.memory_space<semaphore_mem>>) src(%arg12 : memref<8x8x128xf32, #tpu.memory_space<vmem>>) dst(%dma_wait3A_349 : memref<8x8x128xf32, #tpu.memory_space<hbm>>)
      } else {
      }
      %scan3A_171 = arith.constant 0 : i32
      %scan3A_172 = arith.constant 64 : i32
      %scan3A_173 = arith.addi %scan3A_171, %scan3A_172 : i32
      %scan3A_174 = arith.constant 2 : i32
      scf.for %scan3A_338 = %scan3A_171 to %scan3A_173 step %scan3A_174  : i32 {
        %mul3A_339 = arith.constant 1 : i32
        %mul3A_340 = arith.muli %scan3A_338, %mul3A_339 : i32
        %add3A_341 = arith.constant 0 : i32
        %add3A_342 = arith.addi %add3A_341, %mul3A_340 : i32
        %add3A_343 = vector.broadcast %add3A_342 : i32 to vector<16xi32>
        %add3A_344 = arith.addi %iota3A, %add3A_343 : vector<16xi32>
        %jit3A = arith.constant 16 : i32
        %eq3A = arith.constant 0 : i32
        %eq3A_345 = arith.cmpi eq, %jit3A, %eq3A : i32
        %jit3A_346 = arith.constant 1 : i32
        %select_n3A = arith.select %eq3A_345, %jit3A_346, %jit3A : i32
        %rem3A = vector.broadcast %select_n3A : i32 to vector<16xi32>
        %rem3A_347 = arith.remsi %add3A_344, %rem3A : vector<16xi32>
        %ne3A = arith.constant 0 : i32
        %ne3A_348 = vector.broadcast %ne3A : i32 to vector<16xi32>
        %ne3A_349 = arith.cmpi ne, %rem3A_347, %ne3A_348 : vector<16xi32>
        %lt3A = arith.constant 0 : i32
        %lt3A_350 = vector.broadcast %lt3A : i32 to vector<16xi32>
        %lt3A_351 = arith.cmpi slt, %rem3A_347, %lt3A_350 : vector<16xi32>
        %lt3A_352 = arith.constant 0 : i32
        %lt3A_353 = arith.cmpi slt, %select_n3A, %lt3A_352 : i32
        %ne3A_354 = vector.broadcast %lt3A_353 : i1 to vector<16xi1>
        %ne3A_355 = vector.broadcast %ne3A_354 : vector<16xi1> to vector<16xi1>
        %ne3A_356 = arith.xori %lt3A_351, %ne3A_355 : vector<16xi1>
        %and3A = arith.andi %ne3A_356, %ne3A_349 : vector<16xi1>
        %add3A_357 = vector.broadcast %select_n3A : i32 to vector<16xi32>
        %add3A_358 = arith.addi %rem3A_347, %add3A_357 : vector<16xi32>
        %select_n3A_359 = arith.select %and3A, %add3A_358, %rem3A_347 : vector<16xi1>, vector<16xi32>
        %jit3A_360 = arith.constant 16 : i32
        %div3A = arith.divsi %add3A_342, %jit3A_360 : i32
        %sign3A = arith.constant 0 : i32
        %sign3A_361 = arith.cmpi sgt, %add3A_342, %sign3A : i32
        %sign3A_362 = arith.extui %sign3A_361 : i1 to i32
        %sign3A_363 = arith.constant 0 : i32
        %sign3A_364 = arith.cmpi slt, %add3A_342, %sign3A_363 : i32
        %sign3A_365 = arith.extui %sign3A_364 : i1 to i32
        %sign3A_366 = arith.subi %sign3A_362, %sign3A_365 : i32
        %sign3A_367 = arith.constant 0 : i32
        %sign3A_368 = arith.cmpi sgt, %jit3A_360, %sign3A_367 : i32
        %sign3A_369 = arith.extui %sign3A_368 : i1 to i32
        %sign3A_370 = arith.constant 0 : i32
        %sign3A_371 = arith.cmpi slt, %jit3A_360, %sign3A_370 : i32
        %sign3A_372 = arith.extui %sign3A_371 : i1 to i32
        %sign3A_373 = arith.subi %sign3A_369, %sign3A_372 : i32
        %ne3A_374 = arith.cmpi ne, %sign3A_366, %sign3A_373 : i32
        %rem3A_375 = arith.remsi %add3A_342, %jit3A_360 : i32
        %ne3A_376 = arith.constant 0 : i32
        %ne3A_377 = arith.cmpi ne, %rem3A_375, %ne3A_376 : i32
        %and3A_378 = arith.andi %ne3A_374, %ne3A_377 : i1
        %sub3A_379 = arith.constant 1 : i32
        %sub3A_380 = arith.subi %div3A, %sub3A_379 : i32
        %select_n3A_381 = arith.select %and3A_378, %sub3A_380, %div3A : i32
        %mul3A_382 = arith.constant 16 : i32
        %mul3A_383 = arith.muli %select_n3A_381, %mul3A_382 : i32
        %add3A_384 = vector.broadcast %mul3A_383 : i32 to vector<16xi32>
        %add3A_385 = arith.addi %add3A_384, %select_n3A_359 : vector<16xi32>
        %mul3A_386 = arith.constant 64 : i32
        %mul3A_387 = arith.muli %add3A_149, %mul3A_386 : i32
        %add3A_388 = vector.broadcast %mul3A_387 : i32 to vector<16xi32>
        %add3A_389 = arith.addi %add3A_385, %add3A_388 : vector<16xi32>
        %gather3A = tpu.vector_load_idx %arg7[%add3A_389] : memref<12800xf32, #tpu.memory_space<vmem>>[vector<16xi32>], vector<16xf32>,
        %jit3A_390 = arith.constant 8 : i32
        %div3A_391 = vector.broadcast %jit3A_390 : i32 to vector<16xi32>
        %div3A_392 = arith.divsi %select_n3A_359, %div3A_391 : vector<16xi32>
        %sign3A_393 = arith.constant 0 : i32
        %sign3A_394 = vector.broadcast %sign3A_393 : i32 to vector<16xi32>
        %sign3A_395 = arith.cmpi sgt, %select_n3A_359, %sign3A_394 : vector<16xi32>
        %sign3A_396 = arith.extui %sign3A_395 : vector<16xi1> to vector<16xi32>
        %sign3A_397 = arith.constant 0 : i32
        %sign3A_398 = vector.broadcast %sign3A_397 : i32 to vector<16xi32>
        %sign3A_399 = arith.cmpi slt, %select_n3A_359, %sign3A_398 : vector<16xi32>
        %sign3A_400 = arith.extui %sign3A_399 : vector<16xi1> to vector<16xi32>
        %sign3A_401 = arith.subi %sign3A_396, %sign3A_400 : vector<16xi32>
        %sign3A_402 = arith.constant 0 : i32
        %sign3A_403 = arith.cmpi sgt, %jit3A_390, %sign3A_402 : i32
        %sign3A_404 = arith.extui %sign3A_403 : i1 to i32
        %sign3A_405 = arith.constant 0 : i32
        %sign3A_406 = arith.cmpi slt, %jit3A_390, %sign3A_405 : i32
        %sign3A_407 = arith.extui %sign3A_406 : i1 to i32
        %sign3A_408 = arith.subi %sign3A_404, %sign3A_407 : i32
        %ne3A_409 = vector.broadcast %sign3A_408 : i32 to vector<16xi32>
        %ne3A_410 = arith.cmpi ne, %sign3A_401, %ne3A_409 : vector<16xi32>
        %rem3A_411 = vector.broadcast %jit3A_390 : i32 to vector<16xi32>
        %rem3A_412 = arith.remsi %select_n3A_359, %rem3A_411 : vector<16xi32>
        %ne3A_413 = arith.constant 0 : i32
        %ne3A_414 = vector.broadcast %ne3A_413 : i32 to vector<16xi32>
        %ne3A_415 = arith.cmpi ne, %rem3A_412, %ne3A_414 : vector<16xi32>
        %and3A_416 = arith.andi %ne3A_410, %ne3A_415 : vector<16xi1>
        %sub3A_417 = arith.constant 1 : i32
        %sub3A_418 = vector.broadcast %sub3A_417 : i32 to vector<16xi32>
        %sub3A_419 = arith.subi %div3A_392, %sub3A_418 : vector<16xi32>
        %select_n3A_420 = arith.select %and3A_416, %sub3A_419, %div3A_392 : vector<16xi1>, vector<16xi32>
        %jit3A_421 = arith.constant 16 : i32
        %div3A_422 = arith.divsi %add3A_342, %jit3A_421 : i32
        %sign3A_423 = arith.constant 0 : i32
        %sign3A_424 = arith.cmpi sgt, %add3A_342, %sign3A_423 : i32
        %sign3A_425 = arith.extui %sign3A_424 : i1 to i32
        %sign3A_426 = arith.constant 0 : i32
        %sign3A_427 = arith.cmpi slt, %add3A_342, %sign3A_426 : i32
        %sign3A_428 = arith.extui %sign3A_427 : i1 to i32
        %sign3A_429 = arith.subi %sign3A_425, %sign3A_428 : i32
        %sign3A_430 = arith.constant 0 : i32
        %sign3A_431 = arith.cmpi sgt, %jit3A_421, %sign3A_430 : i32
        %sign3A_432 = arith.extui %sign3A_431 : i1 to i32
        %sign3A_433 = arith.constant 0 : i32
        %sign3A_434 = arith.cmpi slt, %jit3A_421, %sign3A_433 : i32
        %sign3A_435 = arith.extui %sign3A_434 : i1 to i32
        %sign3A_436 = arith.subi %sign3A_432, %sign3A_435 : i32
        %ne3A_437 = arith.cmpi ne, %sign3A_429, %sign3A_436 : i32
        %rem3A_438 = arith.remsi %add3A_342, %jit3A_421 : i32
        %ne3A_439 = arith.constant 0 : i32
        %ne3A_440 = arith.cmpi ne, %rem3A_438, %ne3A_439 : i32
        %and3A_441 = arith.andi %ne3A_437, %ne3A_440 : i1
        %sub3A_442 = arith.constant 1 : i32
        %sub3A_443 = arith.subi %div3A_422, %sub3A_442 : i32
        %select_n3A_444 = arith.select %and3A_441, %sub3A_443, %div3A_422 : i32
        %mul3A_445 = arith.constant 2 : i32
        %mul3A_446 = arith.muli %mul3A_445, %select_n3A_444 : i32
        %add3A_447 = vector.broadcast %mul3A_446 : i32 to vector<16xi32>
        %add3A_448 = arith.addi %select_n3A_420, %add3A_447 : vector<16xi32>
        %jit3A_449 = arith.constant 8 : i32
        %eq3A_450 = arith.constant 0 : i32
        %eq3A_451 = arith.cmpi eq, %jit3A_449, %eq3A_450 : i32
        %jit3A_452 = arith.constant 1 : i32
        %select_n3A_453 = arith.select %eq3A_451, %jit3A_452, %jit3A_449 : i32
        %rem3A_454 = vector.broadcast %select_n3A_453 : i32 to vector<16xi32>
        %rem3A_455 = arith.remsi %select_n3A_359, %rem3A_454 : vector<16xi32>
        %ne3A_456 = arith.constant 0 : i32
        %ne3A_457 = vector.broadcast %ne3A_456 : i32 to vector<16xi32>
        %ne3A_458 = arith.cmpi ne, %rem3A_455, %ne3A_457 : vector<16xi32>
        %lt3A_459 = arith.constant 0 : i32
        %lt3A_460 = vector.broadcast %lt3A_459 : i32 to vector<16xi32>
        %lt3A_461 = arith.cmpi slt, %rem3A_455, %lt3A_460 : vector<16xi32>
        %lt3A_462 = arith.constant 0 : i32
        %lt3A_463 = arith.cmpi slt, %select_n3A_453, %lt3A_462 : i32
        %ne3A_464 = vector.broadcast %lt3A_463 : i1 to vector<16xi1>
        %ne3A_465 = vector.broadcast %ne3A_464 : vector<16xi1> to vector<16xi1>
        %ne3A_466 = arith.xori %lt3A_461, %ne3A_465 : vector<16xi1>
        %and3A_467 = arith.andi %ne3A_466, %ne3A_458 : vector<16xi1>
        %add3A_468 = vector.broadcast %select_n3A_453 : i32 to vector<16xi32>
        %add3A_469 = arith.addi %rem3A_455, %add3A_468 : vector<16xi32>
        %select_n3A_470 = arith.select %and3A_467, %add3A_469, %rem3A_455 : vector<16xi1>, vector<16xi32>
        %add3A_471 = arith.constant 0 : i32
        %add3A_472 = vector.broadcast %add3A_471 : i32 to vector<16xi32>
        %add3A_473 = arith.addi %iota3A, %add3A_472 : vector<16xi32>
        %gather3A_474 = tpu.vector_load_idx %arg9[%add3A_473, %add3A_385] : memref<128x128xf32, #tpu.memory_space<vmem>>[vector<16xi32>, vector<16xi32>], vector<16xf32>,
        %add3A_475 = arith.addf %gather3A_474, %gather3A : vector<16xf32>
        tpu.vector_store_idx %arg12[%add3A_448, %select_n3A_470, %add3A_473], %add3A_475 : memref<8x8x128xf32, #tpu.memory_space<vmem>>[vector<16xi32>, vector<16xi32>, vector<16xi32>], vector<16xf32>,
        %add3A_476 = arith.constant 16 : i32
        %add3A_477 = vector.broadcast %add3A_476 : i32 to vector<16xi32>
        %add3A_478 = arith.addi %iota3A, %add3A_477 : vector<16xi32>
        %gather3A_479 = tpu.vector_load_idx %arg9[%add3A_478, %add3A_385] : memref<128x128xf32, #tpu.memory_space<vmem>>[vector<16xi32>, vector<16xi32>], vector<16xf32>,
        %add3A_480 = arith.addf %gather3A_479, %gather3A : vector<16xf32>
        tpu.vector_store_idx %arg12[%add3A_448, %select_n3A_470, %add3A_478], %add3A_480 : memref<8x8x128xf32, #tpu.memory_space<vmem>>[vector<16xi32>, vector<16xi32>, vector<16xi32>], vector<16xf32>,
        %add3A_481 = arith.constant 32 : i32
        %add3A_482 = vector.broadcast %add3A_481 : i32 to vector<16xi32>
        %add3A_483 = arith.addi %iota3A, %add3A_482 : vector<16xi32>
        %gather3A_484 = tpu.vector_load_idx %arg9[%add3A_483, %add3A_385] : memref<128x128xf32, #tpu.memory_space<vmem>>[vector<16xi32>, vector<16xi32>], vector<16xf32>,
        %add3A_485 = arith.addf %gather3A_484, %gather3A : vector<16xf32>
        tpu.vector_store_idx %arg12[%add3A_448, %select_n3A_470, %add3A_483], %add3A_485 : memref<8x8x128xf32, #tpu.memory_space<vmem>>[vector<16xi32>, vector<16xi32>, vector<16xi32>], vector<16xf32>,
        %add3A_486 = arith.constant 48 : i32
        %add3A_487 = vector.broadcast %add3A_486 : i32 to vector<16xi32>
        %add3A_488 = arith.addi %iota3A, %add3A_487 : vector<16xi32>
        %gather3A_489 = tpu.vector_load_idx %arg9[%add3A_488, %add3A_385] : memref<128x128xf32, #tpu.memory_space<vmem>>[vector<16xi32>, vector<16xi32>], vector<16xf32>,
        %add3A_490 = arith.addf %gather3A_489, %gather3A : vector<16xf32>
        tpu.vector_store_idx %arg12[%add3A_448, %select_n3A_470, %add3A_488], %add3A_490 : memref<8x8x128xf32, #tpu.memory_space<vmem>>[vector<16xi32>, vector<16xi32>, vector<16xi32>], vector<16xf32>,
        %add3A_491 = arith.constant 64 : i32
        %add3A_492 = vector.broadcast %add3A_491 : i32 to vector<16xi32>
        %add3A_493 = arith.addi %iota3A, %add3A_492 : vector<16xi32>
        %gather3A_494 = tpu.vector_load_idx %arg9[%add3A_493, %add3A_385] : memref<128x128xf32, #tpu.memory_space<vmem>>[vector<16xi32>, vector<16xi32>], vector<16xf32>,
        %add3A_495 = arith.addf %gather3A_494, %gather3A : vector<16xf32>
        tpu.vector_store_idx %arg12[%add3A_448, %select_n3A_470, %add3A_493], %add3A_495 : memref<8x8x128xf32, #tpu.memory_space<vmem>>[vector<16xi32>, vector<16xi32>, vector<16xi32>], vector<16xf32>,
        %add3A_496 = arith.constant 80 : i32
        %add3A_497 = vector.broadcast %add3A_496 : i32 to vector<16xi32>
        %add3A_498 = arith.addi %iota3A, %add3A_497 : vector<16xi32>
        %gather3A_499 = tpu.vector_load_idx %arg9[%add3A_498, %add3A_385] : memref<128x128xf32, #tpu.memory_space<vmem>>[vector<16xi32>, vector<16xi32>], vector<16xf32>,
        %add3A_500 = arith.addf %gather3A_499, %gather3A : vector<16xf32>
        tpu.vector_store_idx %arg12[%add3A_448, %select_n3A_470, %add3A_498], %add3A_500 : memref<8x8x128xf32, #tpu.memory_space<vmem>>[vector<16xi32>, vector<16xi32>, vector<16xi32>], vector<16xf32>,
        %add3A_501 = arith.constant 96 : i32
        %add3A_502 = vector.broadcast %add3A_501 : i32 to vector<16xi32>
        %add3A_503 = arith.addi %iota3A, %add3A_502 : vector<16xi32>
        %gather3A_504 = tpu.vector_load_idx %arg9[%add3A_503, %add3A_385] : memref<128x128xf32, #tpu.memory_space<vmem>>[vector<16xi32>, vector<16xi32>], vector<16xf32>,
        %add3A_505 = arith.addf %gather3A_504, %gather3A : vector<16xf32>
        tpu.vector_store_idx %arg12[%add3A_448, %select_n3A_470, %add3A_503], %add3A_505 : memref<8x8x128xf32, #tpu.memory_space<vmem>>[vector<16xi32>, vector<16xi32>, vector<16xi32>], vector<16xf32>,
        %add3A_506 = arith.constant 112 : i32
        %add3A_507 = vector.broadcast %add3A_506 : i32 to vector<16xi32>
        %add3A_508 = arith.addi %iota3A, %add3A_507 : vector<16xi32>
        %gather3A_509 = tpu.vector_load_idx %arg9[%add3A_508, %add3A_385] : memref<128x128xf32, #tpu.memory_space<vmem>>[vector<16xi32>, vector<16xi32>], vector<16xf32>,
        %add3A_510 = arith.addf %gather3A_509, %gather3A : vector<16xf32>
        tpu.vector_store_idx %arg12[%add3A_448, %select_n3A_470, %add3A_508], %add3A_510 : memref<8x8x128xf32, #tpu.memory_space<vmem>>[vector<16xi32>, vector<16xi32>, vector<16xi32>], vector<16xf32>,
        %scan3A_511 = arith.constant 1 : i32
        %scan3A_512 = arith.addi %scan3A_338, %scan3A_511 : i32
        %mul3A_513 = arith.constant 1 : i32
        %mul3A_514 = arith.muli %scan3A_512, %mul3A_513 : i32
        %add3A_515 = arith.constant 0 : i32
        %add3A_516 = arith.addi %add3A_515, %mul3A_514 : i32
        %add3A_517 = vector.broadcast %add3A_516 : i32 to vector<16xi32>
        %add3A_518 = arith.addi %iota3A, %add3A_517 : vector<16xi32>
        %jit3A_519 = arith.constant 16 : i32
        %eq3A_520 = arith.constant 0 : i32
        %eq3A_521 = arith.cmpi eq, %jit3A_519, %eq3A_520 : i32
        %jit3A_522 = arith.constant 1 : i32
        %select_n3A_523 = arith.select %eq3A_521, %jit3A_522, %jit3A_519 : i32
        %rem3A_524 = vector.broadcast %select_n3A_523 : i32 to vector<16xi32>
        %rem3A_525 = arith.remsi %add3A_518, %rem3A_524 : vector<16xi32>
        %ne3A_526 = arith.constant 0 : i32
        %ne3A_527 = vector.broadcast %ne3A_526 : i32 to vector<16xi32>
        %ne3A_528 = arith.cmpi ne, %rem3A_525, %ne3A_527 : vector<16xi32>
        %lt3A_529 = arith.constant 0 : i32
        %lt3A_530 = vector.broadcast %lt3A_529 : i32 to vector<16xi32>
        %lt3A_531 = arith.cmpi slt, %rem3A_525, %lt3A_530 : vector<16xi32>
        %lt3A_532 = arith.constant 0 : i32
        %lt3A_533 = arith.cmpi slt, %select_n3A_523, %lt3A_532 : i32
        %ne3A_534 = vector.broadcast %lt3A_533 : i1 to vector<16xi1>
        %ne3A_535 = vector.broadcast %ne3A_534 : vector<16xi1> to vector<16xi1>
        %ne3A_536 = arith.xori %lt3A_531, %ne3A_535 : vector<16xi1>
        %and3A_537 = arith.andi %ne3A_536, %ne3A_528 : vector<16xi1>
        %add3A_538 = vector.broadcast %select_n3A_523 : i32 to vector<16xi32>
        %add3A_539 = arith.addi %rem3A_525, %add3A_538 : vector<16xi32>
        %select_n3A_540 = arith.select %and3A_537, %add3A_539, %rem3A_525 : vector<16xi1>, vector<16xi32>
        %jit3A_541 = arith.constant 16 : i32
        %div3A_542 = arith.divsi %add3A_516, %jit3A_541 : i32
        %sign3A_543 = arith.constant 0 : i32
        %sign3A_544 = arith.cmpi sgt, %add3A_516, %sign3A_543 : i32
        %sign3A_545 = arith.extui %sign3A_544 : i1 to i32
        %sign3A_546 = arith.constant 0 : i32
        %sign3A_547 = arith.cmpi slt, %add3A_516, %sign3A_546 : i32
        %sign3A_548 = arith.extui %sign3A_547 : i1 to i32
        %sign3A_549 = arith.subi %sign3A_545, %sign3A_548 : i32
        %sign3A_550 = arith.constant 0 : i32
        %sign3A_551 = arith.cmpi sgt, %jit3A_541, %sign3A_550 : i32
        %sign3A_552 = arith.extui %sign3A_551 : i1 to i32
        %sign3A_553 = arith.constant 0 : i32
        %sign3A_554 = arith.cmpi slt, %jit3A_541, %sign3A_553 : i32
        %sign3A_555 = arith.extui %sign3A_554 : i1 to i32
        %sign3A_556 = arith.subi %sign3A_552, %sign3A_555 : i32
        %ne3A_557 = arith.cmpi ne, %sign3A_549, %sign3A_556 : i32
        %rem3A_558 = arith.remsi %add3A_516, %jit3A_541 : i32
        %ne3A_559 = arith.constant 0 : i32
        %ne3A_560 = arith.cmpi ne, %rem3A_558, %ne3A_559 : i32
        %and3A_561 = arith.andi %ne3A_557, %ne3A_560 : i1
        %sub3A_562 = arith.constant 1 : i32
        %sub3A_563 = arith.subi %div3A_542, %sub3A_562 : i32
        %select_n3A_564 = arith.select %and3A_561, %sub3A_563, %div3A_542 : i32
        %mul3A_565 = arith.constant 16 : i32
        %mul3A_566 = arith.muli %select_n3A_564, %mul3A_565 : i32
        %add3A_567 = vector.broadcast %mul3A_566 : i32 to vector<16xi32>
        %add3A_568 = arith.addi %add3A_567, %select_n3A_540 : vector<16xi32>
        %mul3A_569 = arith.constant 64 : i32
        %mul3A_570 = arith.muli %add3A_149, %mul3A_569 : i32
        %add3A_571 = vector.broadcast %mul3A_570 : i32 to vector<16xi32>
        %add3A_572 = arith.addi %add3A_568, %add3A_571 : vector<16xi32>
        %gather3A_573 = tpu.vector_load_idx %arg7[%add3A_572] : memref<12800xf32, #tpu.memory_space<vmem>>[vector<16xi32>], vector<16xf32>,
        %jit3A_574 = arith.constant 8 : i32
        %div3A_575 = vector.broadcast %jit3A_574 : i32 to vector<16xi32>
        %div3A_576 = arith.divsi %select_n3A_540, %div3A_575 : vector<16xi32>
        %sign3A_577 = arith.constant 0 : i32
        %sign3A_578 = vector.broadcast %sign3A_577 : i32 to vector<16xi32>
        %sign3A_579 = arith.cmpi sgt, %select_n3A_540, %sign3A_578 : vector<16xi32>
        %sign3A_580 = arith.extui %sign3A_579 : vector<16xi1> to vector<16xi32>
        %sign3A_581 = arith.constant 0 : i32
        %sign3A_582 = vector.broadcast %sign3A_581 : i32 to vector<16xi32>
        %sign3A_583 = arith.cmpi slt, %select_n3A_540, %sign3A_582 : vector<16xi32>
        %sign3A_584 = arith.extui %sign3A_583 : vector<16xi1> to vector<16xi32>
        %sign3A_585 = arith.subi %sign3A_580, %sign3A_584 : vector<16xi32>
        %sign3A_586 = arith.constant 0 : i32
        %sign3A_587 = arith.cmpi sgt, %jit3A_574, %sign3A_586 : i32
        %sign3A_588 = arith.extui %sign3A_587 : i1 to i32
        %sign3A_589 = arith.constant 0 : i32
        %sign3A_590 = arith.cmpi slt, %jit3A_574, %sign3A_589 : i32
        %sign3A_591 = arith.extui %sign3A_590 : i1 to i32
        %sign3A_592 = arith.subi %sign3A_588, %sign3A_591 : i32
        %ne3A_593 = vector.broadcast %sign3A_592 : i32 to vector<16xi32>
        %ne3A_594 = arith.cmpi ne, %sign3A_585, %ne3A_593 : vector<16xi32>
        %rem3A_595 = vector.broadcast %jit3A_574 : i32 to vector<16xi32>
        %rem3A_596 = arith.remsi %select_n3A_540, %rem3A_595 : vector<16xi32>
        %ne3A_597 = arith.constant 0 : i32
        %ne3A_598 = vector.broadcast %ne3A_597 : i32 to vector<16xi32>
        %ne3A_599 = arith.cmpi ne, %rem3A_596, %ne3A_598 : vector<16xi32>
        %and3A_600 = arith.andi %ne3A_594, %ne3A_599 : vector<16xi1>
        %sub3A_601 = arith.constant 1 : i32
        %sub3A_602 = vector.broadcast %sub3A_601 : i32 to vector<16xi32>
        %sub3A_603 = arith.subi %div3A_576, %sub3A_602 : vector<16xi32>
        %select_n3A_604 = arith.select %and3A_600, %sub3A_603, %div3A_576 : vector<16xi1>, vector<16xi32>
        %jit3A_605 = arith.constant 16 : i32
        %div3A_606 = arith.divsi %add3A_516, %jit3A_605 : i32
        %sign3A_607 = arith.constant 0 : i32
        %sign3A_608 = arith.cmpi sgt, %add3A_516, %sign3A_607 : i32
        %sign3A_609 = arith.extui %sign3A_608 : i1 to i32
        %sign3A_610 = arith.constant 0 : i32
        %sign3A_611 = arith.cmpi slt, %add3A_516, %sign3A_610 : i32
        %sign3A_612 = arith.extui %sign3A_611 : i1 to i32
        %sign3A_613 = arith.subi %sign3A_609, %sign3A_612 : i32
        %sign3A_614 = arith.constant 0 : i32
        %sign3A_615 = arith.cmpi sgt, %jit3A_605, %sign3A_614 : i32
        %sign3A_616 = arith.extui %sign3A_615 : i1 to i32
        %sign3A_617 = arith.constant 0 : i32
        %sign3A_618 = arith.cmpi slt, %jit3A_605, %sign3A_617 : i32
        %sign3A_619 = arith.extui %sign3A_618 : i1 to i32
        %sign3A_620 = arith.subi %sign3A_616, %sign3A_619 : i32
        %ne3A_621 = arith.cmpi ne, %sign3A_613, %sign3A_620 : i32
        %rem3A_622 = arith.remsi %add3A_516, %jit3A_605 : i32
        %ne3A_623 = arith.constant 0 : i32
        %ne3A_624 = arith.cmpi ne, %rem3A_622, %ne3A_623 : i32
        %and3A_625 = arith.andi %ne3A_621, %ne3A_624 : i1
        %sub3A_626 = arith.constant 1 : i32
        %sub3A_627 = arith.subi %div3A_606, %sub3A_626 : i32
        %select_n3A_628 = arith.select %and3A_625, %sub3A_627, %div3A_606 : i32
        %mul3A_629 = arith.constant 2 : i32
        %mul3A_630 = arith.muli %mul3A_629, %select_n3A_628 : i32
        %add3A_631 = vector.broadcast %mul3A_630 : i32 to vector<16xi32>
        %add3A_632 = arith.addi %select_n3A_604, %add3A_631 : vector<16xi32>
        %jit3A_633 = arith.constant 8 : i32
        %eq3A_634 = arith.constant 0 : i32
        %eq3A_635 = arith.cmpi eq, %jit3A_633, %eq3A_634 : i32
        %jit3A_636 = arith.constant 1 : i32
        %select_n3A_637 = arith.select %eq3A_635, %jit3A_636, %jit3A_633 : i32
        %rem3A_638 = vector.broadcast %select_n3A_637 : i32 to vector<16xi32>
        %rem3A_639 = arith.remsi %select_n3A_540, %rem3A_638 : vector<16xi32>
        %ne3A_640 = arith.constant 0 : i32
        %ne3A_641 = vector.broadcast %ne3A_640 : i32 to vector<16xi32>
        %ne3A_642 = arith.cmpi ne, %rem3A_639, %ne3A_641 : vector<16xi32>
        %lt3A_643 = arith.constant 0 : i32
        %lt3A_644 = vector.broadcast %lt3A_643 : i32 to vector<16xi32>
        %lt3A_645 = arith.cmpi slt, %rem3A_639, %lt3A_644 : vector<16xi32>
        %lt3A_646 = arith.constant 0 : i32
        %lt3A_647 = arith.cmpi slt, %select_n3A_637, %lt3A_646 : i32
        %ne3A_648 = vector.broadcast %lt3A_647 : i1 to vector<16xi1>
        %ne3A_649 = vector.broadcast %ne3A_648 : vector<16xi1> to vector<16xi1>
        %ne3A_650 = arith.xori %lt3A_645, %ne3A_649 : vector<16xi1>
        %and3A_651 = arith.andi %ne3A_650, %ne3A_642 : vector<16xi1>
        %add3A_652 = vector.broadcast %select_n3A_637 : i32 to vector<16xi32>
        %add3A_653 = arith.addi %rem3A_639, %add3A_652 : vector<16xi32>
        %select_n3A_654 = arith.select %and3A_651, %add3A_653, %rem3A_639 : vector<16xi1>, vector<16xi32>
        %add3A_655 = arith.constant 0 : i32
        %add3A_656 = vector.broadcast %add3A_655 : i32 to vector<16xi32>
        %add3A_657 = arith.addi %iota3A, %add3A_656 : vector<16xi32>
        %gather3A_658 = tpu.vector_load_idx %arg9[%add3A_657, %add3A_568] : memref<128x128xf32, #tpu.memory_space<vmem>>[vector<16xi32>, vector<16xi32>], vector<16xf32>,
        %add3A_659 = arith.addf %gather3A_658, %gather3A_573 : vector<16xf32>
        tpu.vector_store_idx %arg12[%add3A_632, %select_n3A_654, %add3A_657], %add3A_659 : memref<8x8x128xf32, #tpu.memory_space<vmem>>[vector<16xi32>, vector<16xi32>, vector<16xi32>], vector<16xf32>,
        %add3A_660 = arith.constant 16 : i32
        %add3A_661 = vector.broadcast %add3A_660 : i32 to vector<16xi32>
        %add3A_662 = arith.addi %iota3A, %add3A_661 : vector<16xi32>
        %gather3A_663 = tpu.vector_load_idx %arg9[%add3A_662, %add3A_568] : memref<128x128xf32, #tpu.memory_space<vmem>>[vector<16xi32>, vector<16xi32>], vector<16xf32>,
        %add3A_664 = arith.addf %gather3A_663, %gather3A_573 : vector<16xf32>
        tpu.vector_store_idx %arg12[%add3A_632, %select_n3A_654, %add3A_662], %add3A_664 : memref<8x8x128xf32, #tpu.memory_space<vmem>>[vector<16xi32>, vector<16xi32>, vector<16xi32>], vector<16xf32>,
        %add3A_665 = arith.constant 32 : i32
        %add3A_666 = vector.broadcast %add3A_665 : i32 to vector<16xi32>
        %add3A_667 = arith.addi %iota3A, %add3A_666 : vector<16xi32>
        %gather3A_668 = tpu.vector_load_idx %arg9[%add3A_667, %add3A_568] : memref<128x128xf32, #tpu.memory_space<vmem>>[vector<16xi32>, vector<16xi32>], vector<16xf32>,
        %add3A_669 = arith.addf %gather3A_668, %gather3A_573 : vector<16xf32>
        tpu.vector_store_idx %arg12[%add3A_632, %select_n3A_654, %add3A_667], %add3A_669 : memref<8x8x128xf32, #tpu.memory_space<vmem>>[vector<16xi32>, vector<16xi32>, vector<16xi32>], vector<16xf32>,
        %add3A_670 = arith.constant 48 : i32
        %add3A_671 = vector.broadcast %add3A_670 : i32 to vector<16xi32>
        %add3A_672 = arith.addi %iota3A, %add3A_671 : vector<16xi32>
        %gather3A_673 = tpu.vector_load_idx %arg9[%add3A_672, %add3A_568] : memref<128x128xf32, #tpu.memory_space<vmem>>[vector<16xi32>, vector<16xi32>], vector<16xf32>,
        %add3A_674 = arith.addf %gather3A_673, %gather3A_573 : vector<16xf32>
        tpu.vector_store_idx %arg12[%add3A_632, %select_n3A_654, %add3A_672], %add3A_674 : memref<8x8x128xf32, #tpu.memory_space<vmem>>[vector<16xi32>, vector<16xi32>, vector<16xi32>], vector<16xf32>,
        %add3A_675 = arith.constant 64 : i32
        %add3A_676 = vector.broadcast %add3A_675 : i32 to vector<16xi32>
        %add3A_677 = arith.addi %iota3A, %add3A_676 : vector<16xi32>
        %gather3A_678 = tpu.vector_load_idx %arg9[%add3A_677, %add3A_568] : memref<128x128xf32, #tpu.memory_space<vmem>>[vector<16xi32>, vector<16xi32>], vector<16xf32>,
        %add3A_679 = arith.addf %gather3A_678, %gather3A_573 : vector<16xf32>
        tpu.vector_store_idx %arg12[%add3A_632, %select_n3A_654, %add3A_677], %add3A_679 : memref<8x8x128xf32, #tpu.memory_space<vmem>>[vector<16xi32>, vector<16xi32>, vector<16xi32>], vector<16xf32>,
        %add3A_680 = arith.constant 80 : i32
        %add3A_681 = vector.broadcast %add3A_680 : i32 to vector<16xi32>
        %add3A_682 = arith.addi %iota3A, %add3A_681 : vector<16xi32>
        %gather3A_683 = tpu.vector_load_idx %arg9[%add3A_682, %add3A_568] : memref<128x128xf32, #tpu.memory_space<vmem>>[vector<16xi32>, vector<16xi32>], vector<16xf32>,
        %add3A_684 = arith.addf %gather3A_683, %gather3A_573 : vector<16xf32>
        tpu.vector_store_idx %arg12[%add3A_632, %select_n3A_654, %add3A_682], %add3A_684 : memref<8x8x128xf32, #tpu.memory_space<vmem>>[vector<16xi32>, vector<16xi32>, vector<16xi32>], vector<16xf32>,
        %add3A_685 = arith.constant 96 : i32
        %add3A_686 = vector.broadcast %add3A_685 : i32 to vector<16xi32>
        %add3A_687 = arith.addi %iota3A, %add3A_686 : vector<16xi32>
        %gather3A_688 = tpu.vector_load_idx %arg9[%add3A_687, %add3A_568] : memref<128x128xf32, #tpu.memory_space<vmem>>[vector<16xi32>, vector<16xi32>], vector<16xf32>,
        %add3A_689 = arith.addf %gather3A_688, %gather3A_573 : vector<16xf32>
        tpu.vector_store_idx %arg12[%add3A_632, %select_n3A_654, %add3A_687], %add3A_689 : memref<8x8x128xf32, #tpu.memory_space<vmem>>[vector<16xi32>, vector<16xi32>, vector<16xi32>], vector<16xf32>,
        %add3A_690 = arith.constant 112 : i32
        %add3A_691 = vector.broadcast %add3A_690 : i32 to vector<16xi32>
        %add3A_692 = arith.addi %iota3A, %add3A_691 : vector<16xi32>
        %gather3A_693 = tpu.vector_load_idx %arg9[%add3A_692, %add3A_568] : memref<128x128xf32, #tpu.memory_space<vmem>>[vector<16xi32>, vector<16xi32>], vector<16xf32>,
        %add3A_694 = arith.addf %gather3A_693, %gather3A_573 : vector<16xf32>
        tpu.vector_store_idx %arg12[%add3A_632, %select_n3A_654, %add3A_692], %add3A_694 : memref<8x8x128xf32, #tpu.memory_space<vmem>>[vector<16xi32>, vector<16xi32>, vector<16xi32>], vector<16xf32>,
      }
      %scan3A_175 = arith.constant 64 : i32
      %dma_start3A_176 = arith.constant 0 : i32
      %dma_start3A_177 = arith.constant 0 : i32
      %dma_start3A_178 = arith.constant 0 : i32
      %dma_start3A_179 = tpu.memref_slice %arg5[%add3A_149, %dma_start3A_176, %add3A, %dma_start3A_177, %dma_start3A_178] : memref<200x8x32x8x128xf32, #tpu.memory_space<hbm>> -> memref<1x8x1x8x128xf32, #tpu.memory_space<hbm>>
      %dma_start3A_180 = tpu.memref_squeeze %dma_start3A_179 : memref<1x8x1x8x128xf32, #tpu.memory_space<hbm>> -> memref<8x8x128xf32, #tpu.memory_space<hbm>>
      %dma_start3A_181 = arith.constant 0 : i32
      %dma_start3A_182 = arith.constant 0 : i32
      %dma_start3A_183 = arith.constant 0 : i32
      %dma_start3A_184 = tpu.memref_slice %arg5[%add3A_149, %dma_start3A_181, %add3A, %dma_start3A_182, %dma_start3A_183] : memref<200x8x32x8x128xf32, #tpu.memory_space<hbm>> -> memref<1x8x1x8x128xf32, #tpu.memory_space<hbm>>
      %dma_start3A_185 = tpu.memref_squeeze %dma_start3A_184 : memref<1x8x1x8x128xf32, #tpu.memory_space<hbm>> -> memref<8x8x128xf32, #tpu.memory_space<hbm>>
      tpu.enqueue_dma source(%arg12 : memref<8x8x128xf32, #tpu.memory_space<vmem>>) target(%dma_start3A_185 : memref<8x8x128xf32, #tpu.memory_space<hbm>>) target_semaphore(%arg17 : memref<!tpu.dma_semaphore, #tpu.memory_space<semaphore_mem>>)
      %add3A_186 = arith.constant 2 : i32
      %add3A_187 = arith.addi %add3A_113, %add3A_186 : i32
      %add3A_188 = arith.constant 2 : i32
      %add3A_189 = arith.addi %add3A_187, %add3A_188 : i32
      %dma_start3A_190 = arith.constant 0 : i32
      %dma_start3A_191 = tpu.memref_slice %arg6[%add3A_189, %dma_start3A_190] : memref<200x128xi32, #tpu.memory_space<vmem>> -> memref<1x128xi32, #tpu.memory_space<vmem>>
      %dma_start3A_192 = tpu.memref_squeeze %dma_start3A_191 : memref<1x128xi32, #tpu.memory_space<vmem>> -> memref<128xi32, #tpu.memory_space<vmem>>
      %dma_start3A_193 = arith.constant 0 : i32
      %dma_start3A_194 = arith.constant 0 : i32
      %dma_start3A_195 = tpu.memref_slice %arg2[%dma_start3A_193, %dma_start3A_194] : memref<1000000x128xf32, #tpu.memory_space<hbm>> -> memref<1000000x128xf32, #tpu.memory_space<hbm>>
      tpu.enqueue_indirect_dma source(%dma_start3A_195 : memref<1000000x128xf32, #tpu.memory_space<hbm>>) target(%arg9 : memref<128x128xf32, #tpu.memory_space<vmem>>) offsets(%dma_start3A_192 : memref<128xi32, #tpu.memory_space<vmem>>) semaphore(%arg14 : memref<!tpu.dma_semaphore, #tpu.memory_space<semaphore_mem>>)
      %dma_wait3A_196 = arith.constant 0 : i32
      %dma_wait3A_197 = tpu.memref_slice %arg6[%add3A_187, %dma_wait3A_196] : memref<200x128xi32, #tpu.memory_space<vmem>> -> memref<1x128xi32, #tpu.memory_space<vmem>>
      %dma_wait3A_198 = tpu.memref_squeeze %dma_wait3A_197 : memref<1x128xi32, #tpu.memory_space<vmem>> -> memref<128xi32, #tpu.memory_space<vmem>>
      %dma_wait3A_199 = arith.constant 0 : i32
      %dma_wait3A_200 = arith.constant 0 : i32
      %dma_wait3A_201 = tpu.memref_slice %arg2[%dma_wait3A_199, %dma_wait3A_200] : memref<1000000x128xf32, #tpu.memory_space<hbm>> -> memref<1000000x128xf32, #tpu.memory_space<hbm>>
      tpu.wait_indirect_dma semaphore(%arg15 : memref<!tpu.dma_semaphore, #tpu.memory_space<semaphore_mem>>) src(%dma_wait3A_201 : memref<1000000x128xf32, #tpu.memory_space<hbm>>) dst(%arg10 : memref<128x128xf32, #tpu.memory_space<vmem>>)
      %sub3A_202 = arith.constant 2 : i32
      %sub3A_203 = arith.subi %add3A_187, %sub3A_202 : i32
      %ge3A_204 = arith.constant 0 : i32
      %ge3A_205 = arith.cmpi sge, %sub3A_203, %ge3A_204 : i32
      %convert_element_type3A_206 = arith.extui %ge3A_205 : i1 to i32
      %cond3A_207 = arith.constant 0 : i32
      %cond3A_208 = arith.cmpi ne, %convert_element_type3A_206, %cond3A_207 : i32
      scf.if %cond3A_208 {
        %sub3A_338 = arith.constant 2 : i32
        %sub3A_339 = arith.subi %add3A_187, %sub3A_338 : i32
        %dma_wait3A_340 = arith.constant 0 : i32
        %dma_wait3A_341 = arith.constant 0 : i32
        %dma_wait3A_342 = arith.constant 0 : i32
        %dma_wait3A_343 = tpu.memref_slice %arg5[%sub3A_339, %dma_wait3A_340, %add3A, %dma_wait3A_341, %dma_wait3A_342] : memref<200x8x32x8x128xf32, #tpu.memory_space<hbm>> -> memref<1x8x1x8x128xf32, #tpu.memory_space<hbm>>
        %dma_wait3A_344 = tpu.memref_squeeze %dma_wait3A_343 : memref<1x8x1x8x128xf32, #tpu.memory_space<hbm>> -> memref<8x8x128xf32, #tpu.memory_space<hbm>>
        %dma_wait3A_345 = arith.constant 0 : i32
        %dma_wait3A_346 = arith.constant 0 : i32
        %dma_wait3A_347 = arith.constant 0 : i32
        %dma_wait3A_348 = tpu.memref_slice %arg5[%sub3A_339, %dma_wait3A_345, %add3A, %dma_wait3A_346, %dma_wait3A_347] : memref<200x8x32x8x128xf32, #tpu.memory_space<hbm>> -> memref<1x8x1x8x128xf32, #tpu.memory_space<hbm>>
        %dma_wait3A_349 = tpu.memref_squeeze %dma_wait3A_348 : memref<1x8x1x8x128xf32, #tpu.memory_space<hbm>> -> memref<8x8x128xf32, #tpu.memory_space<hbm>>
        tpu.wait_dma2 semaphore(%arg16 : memref<!tpu.dma_semaphore, #tpu.memory_space<semaphore_mem>>) src(%arg11 : memref<8x8x128xf32, #tpu.memory_space<vmem>>) dst(%dma_wait3A_349 : memref<8x8x128xf32, #tpu.memory_space<hbm>>)
      } else {
      }
      %scan3A_209 = arith.constant 0 : i32
      %scan3A_210 = arith.constant 64 : i32
      %scan3A_211 = arith.addi %scan3A_209, %scan3A_210 : i32
      %scan3A_212 = arith.constant 2 : i32
      scf.for %scan3A_338 = %scan3A_209 to %scan3A_211 step %scan3A_212  : i32 {
        %mul3A_339 = arith.constant 1 : i32
        %mul3A_340 = arith.muli %scan3A_338, %mul3A_339 : i32
        %add3A_341 = arith.constant 0 : i32
        %add3A_342 = arith.addi %add3A_341, %mul3A_340 : i32
        %add3A_343 = vector.broadcast %add3A_342 : i32 to vector<16xi32>
        %add3A_344 = arith.addi %iota3A, %add3A_343 : vector<16xi32>
        %jit3A = arith.constant 16 : i32
        %eq3A = arith.constant 0 : i32
        %eq3A_345 = arith.cmpi eq, %jit3A, %eq3A : i32
        %jit3A_346 = arith.constant 1 : i32
        %select_n3A = arith.select %eq3A_345, %jit3A_346, %jit3A : i32
        %rem3A = vector.broadcast %select_n3A : i32 to vector<16xi32>
        %rem3A_347 = arith.remsi %add3A_344, %rem3A : vector<16xi32>
        %ne3A = arith.constant 0 : i32
        %ne3A_348 = vector.broadcast %ne3A : i32 to vector<16xi32>
        %ne3A_349 = arith.cmpi ne, %rem3A_347, %ne3A_348 : vector<16xi32>
        %lt3A = arith.constant 0 : i32
        %lt3A_350 = vector.broadcast %lt3A : i32 to vector<16xi32>
        %lt3A_351 = arith.cmpi slt, %rem3A_347, %lt3A_350 : vector<16xi32>
        %lt3A_352 = arith.constant 0 : i32
        %lt3A_353 = arith.cmpi slt, %select_n3A, %lt3A_352 : i32
        %ne3A_354 = vector.broadcast %lt3A_353 : i1 to vector<16xi1>
        %ne3A_355 = vector.broadcast %ne3A_354 : vector<16xi1> to vector<16xi1>
        %ne3A_356 = arith.xori %lt3A_351, %ne3A_355 : vector<16xi1>
        %and3A = arith.andi %ne3A_356, %ne3A_349 : vector<16xi1>
        %add3A_357 = vector.broadcast %select_n3A : i32 to vector<16xi32>
        %add3A_358 = arith.addi %rem3A_347, %add3A_357 : vector<16xi32>
        %select_n3A_359 = arith.select %and3A, %add3A_358, %rem3A_347 : vector<16xi1>, vector<16xi32>
        %jit3A_360 = arith.constant 16 : i32
        %div3A = arith.divsi %add3A_342, %jit3A_360 : i32
        %sign3A = arith.constant 0 : i32
        %sign3A_361 = arith.cmpi sgt, %add3A_342, %sign3A : i32
        %sign3A_362 = arith.extui %sign3A_361 : i1 to i32
        %sign3A_363 = arith.constant 0 : i32
        %sign3A_364 = arith.cmpi slt, %add3A_342, %sign3A_363 : i32
        %sign3A_365 = arith.extui %sign3A_364 : i1 to i32
        %sign3A_366 = arith.subi %sign3A_362, %sign3A_365 : i32
        %sign3A_367 = arith.constant 0 : i32
        %sign3A_368 = arith.cmpi sgt, %jit3A_360, %sign3A_367 : i32
        %sign3A_369 = arith.extui %sign3A_368 : i1 to i32
        %sign3A_370 = arith.constant 0 : i32
        %sign3A_371 = arith.cmpi slt, %jit3A_360, %sign3A_370 : i32
        %sign3A_372 = arith.extui %sign3A_371 : i1 to i32
        %sign3A_373 = arith.subi %sign3A_369, %sign3A_372 : i32
        %ne3A_374 = arith.cmpi ne, %sign3A_366, %sign3A_373 : i32
        %rem3A_375 = arith.remsi %add3A_342, %jit3A_360 : i32
        %ne3A_376 = arith.constant 0 : i32
        %ne3A_377 = arith.cmpi ne, %rem3A_375, %ne3A_376 : i32
        %and3A_378 = arith.andi %ne3A_374, %ne3A_377 : i1
        %sub3A_379 = arith.constant 1 : i32
        %sub3A_380 = arith.subi %div3A, %sub3A_379 : i32
        %select_n3A_381 = arith.select %and3A_378, %sub3A_380, %div3A : i32
        %mul3A_382 = arith.constant 16 : i32
        %mul3A_383 = arith.muli %select_n3A_381, %mul3A_382 : i32
        %add3A_384 = vector.broadcast %mul3A_383 : i32 to vector<16xi32>
        %add3A_385 = arith.addi %add3A_384, %select_n3A_359 : vector<16xi32>
        %mul3A_386 = arith.constant 64 : i32
        %mul3A_387 = arith.muli %add3A_187, %mul3A_386 : i32
        %add3A_388 = vector.broadcast %mul3A_387 : i32 to vector<16xi32>
        %add3A_389 = arith.addi %add3A_385, %add3A_388 : vector<16xi32>
        %gather3A = tpu.vector_load_idx %arg7[%add3A_389] : memref<12800xf32, #tpu.memory_space<vmem>>[vector<16xi32>], vector<16xf32>,
        %jit3A_390 = arith.constant 8 : i32
        %div3A_391 = vector.broadcast %jit3A_390 : i32 to vector<16xi32>
        %div3A_392 = arith.divsi %select_n3A_359, %div3A_391 : vector<16xi32>
        %sign3A_393 = arith.constant 0 : i32
        %sign3A_394 = vector.broadcast %sign3A_393 : i32 to vector<16xi32>
        %sign3A_395 = arith.cmpi sgt, %select_n3A_359, %sign3A_394 : vector<16xi32>
        %sign3A_396 = arith.extui %sign3A_395 : vector<16xi1> to vector<16xi32>
        %sign3A_397 = arith.constant 0 : i32
        %sign3A_398 = vector.broadcast %sign3A_397 : i32 to vector<16xi32>
        %sign3A_399 = arith.cmpi slt, %select_n3A_359, %sign3A_398 : vector<16xi32>
        %sign3A_400 = arith.extui %sign3A_399 : vector<16xi1> to vector<16xi32>
        %sign3A_401 = arith.subi %sign3A_396, %sign3A_400 : vector<16xi32>
        %sign3A_402 = arith.constant 0 : i32
        %sign3A_403 = arith.cmpi sgt, %jit3A_390, %sign3A_402 : i32
        %sign3A_404 = arith.extui %sign3A_403 : i1 to i32
        %sign3A_405 = arith.constant 0 : i32
        %sign3A_406 = arith.cmpi slt, %jit3A_390, %sign3A_405 : i32
        %sign3A_407 = arith.extui %sign3A_406 : i1 to i32
        %sign3A_408 = arith.subi %sign3A_404, %sign3A_407 : i32
        %ne3A_409 = vector.broadcast %sign3A_408 : i32 to vector<16xi32>
        %ne3A_410 = arith.cmpi ne, %sign3A_401, %ne3A_409 : vector<16xi32>
        %rem3A_411 = vector.broadcast %jit3A_390 : i32 to vector<16xi32>
        %rem3A_412 = arith.remsi %select_n3A_359, %rem3A_411 : vector<16xi32>
        %ne3A_413 = arith.constant 0 : i32
        %ne3A_414 = vector.broadcast %ne3A_413 : i32 to vector<16xi32>
        %ne3A_415 = arith.cmpi ne, %rem3A_412, %ne3A_414 : vector<16xi32>
        %and3A_416 = arith.andi %ne3A_410, %ne3A_415 : vector<16xi1>
        %sub3A_417 = arith.constant 1 : i32
        %sub3A_418 = vector.broadcast %sub3A_417 : i32 to vector<16xi32>
        %sub3A_419 = arith.subi %div3A_392, %sub3A_418 : vector<16xi32>
        %select_n3A_420 = arith.select %and3A_416, %sub3A_419, %div3A_392 : vector<16xi1>, vector<16xi32>
        %jit3A_421 = arith.constant 16 : i32
        %div3A_422 = arith.divsi %add3A_342, %jit3A_421 : i32
        %sign3A_423 = arith.constant 0 : i32
        %sign3A_424 = arith.cmpi sgt, %add3A_342, %sign3A_423 : i32
        %sign3A_425 = arith.extui %sign3A_424 : i1 to i32
        %sign3A_426 = arith.constant 0 : i32
        %sign3A_427 = arith.cmpi slt, %add3A_342, %sign3A_426 : i32
        %sign3A_428 = arith.extui %sign3A_427 : i1 to i32
        %sign3A_429 = arith.subi %sign3A_425, %sign3A_428 : i32
        %sign3A_430 = arith.constant 0 : i32
        %sign3A_431 = arith.cmpi sgt, %jit3A_421, %sign3A_430 : i32
        %sign3A_432 = arith.extui %sign3A_431 : i1 to i32
        %sign3A_433 = arith.constant 0 : i32
        %sign3A_434 = arith.cmpi slt, %jit3A_421, %sign3A_433 : i32
        %sign3A_435 = arith.extui %sign3A_434 : i1 to i32
        %sign3A_436 = arith.subi %sign3A_432, %sign3A_435 : i32
        %ne3A_437 = arith.cmpi ne, %sign3A_429, %sign3A_436 : i32
        %rem3A_438 = arith.remsi %add3A_342, %jit3A_421 : i32
        %ne3A_439 = arith.constant 0 : i32
        %ne3A_440 = arith.cmpi ne, %rem3A_438, %ne3A_439 : i32
        %and3A_441 = arith.andi %ne3A_437, %ne3A_440 : i1
        %sub3A_442 = arith.constant 1 : i32
        %sub3A_443 = arith.subi %div3A_422, %sub3A_442 : i32
        %select_n3A_444 = arith.select %and3A_441, %sub3A_443, %div3A_422 : i32
        %mul3A_445 = arith.constant 2 : i32
        %mul3A_446 = arith.muli %mul3A_445, %select_n3A_444 : i32
        %add3A_447 = vector.broadcast %mul3A_446 : i32 to vector<16xi32>
        %add3A_448 = arith.addi %select_n3A_420, %add3A_447 : vector<16xi32>
        %jit3A_449 = arith.constant 8 : i32
        %eq3A_450 = arith.constant 0 : i32
        %eq3A_451 = arith.cmpi eq, %jit3A_449, %eq3A_450 : i32
        %jit3A_452 = arith.constant 1 : i32
        %select_n3A_453 = arith.select %eq3A_451, %jit3A_452, %jit3A_449 : i32
        %rem3A_454 = vector.broadcast %select_n3A_453 : i32 to vector<16xi32>
        %rem3A_455 = arith.remsi %select_n3A_359, %rem3A_454 : vector<16xi32>
        %ne3A_456 = arith.constant 0 : i32
        %ne3A_457 = vector.broadcast %ne3A_456 : i32 to vector<16xi32>
        %ne3A_458 = arith.cmpi ne, %rem3A_455, %ne3A_457 : vector<16xi32>
        %lt3A_459 = arith.constant 0 : i32
        %lt3A_460 = vector.broadcast %lt3A_459 : i32 to vector<16xi32>
        %lt3A_461 = arith.cmpi slt, %rem3A_455, %lt3A_460 : vector<16xi32>
        %lt3A_462 = arith.constant 0 : i32
        %lt3A_463 = arith.cmpi slt, %select_n3A_453, %lt3A_462 : i32
        %ne3A_464 = vector.broadcast %lt3A_463 : i1 to vector<16xi1>
        %ne3A_465 = vector.broadcast %ne3A_464 : vector<16xi1> to vector<16xi1>
        %ne3A_466 = arith.xori %lt3A_461, %ne3A_465 : vector<16xi1>
        %and3A_467 = arith.andi %ne3A_466, %ne3A_458 : vector<16xi1>
        %add3A_468 = vector.broadcast %select_n3A_453 : i32 to vector<16xi32>
        %add3A_469 = arith.addi %rem3A_455, %add3A_468 : vector<16xi32>
        %select_n3A_470 = arith.select %and3A_467, %add3A_469, %rem3A_455 : vector<16xi1>, vector<16xi32>
        %add3A_471 = arith.constant 0 : i32
        %add3A_472 = vector.broadcast %add3A_471 : i32 to vector<16xi32>
        %add3A_473 = arith.addi %iota3A, %add3A_472 : vector<16xi32>
        %gather3A_474 = tpu.vector_load_idx %arg10[%add3A_473, %add3A_385] : memref<128x128xf32, #tpu.memory_space<vmem>>[vector<16xi32>, vector<16xi32>], vector<16xf32>,
        %add3A_475 = arith.addf %gather3A_474, %gather3A : vector<16xf32>
        tpu.vector_store_idx %arg11[%add3A_448, %select_n3A_470, %add3A_473], %add3A_475 : memref<8x8x128xf32, #tpu.memory_space<vmem>>[vector<16xi32>, vector<16xi32>, vector<16xi32>], vector<16xf32>,
        %add3A_476 = arith.constant 16 : i32
        %add3A_477 = vector.broadcast %add3A_476 : i32 to vector<16xi32>
        %add3A_478 = arith.addi %iota3A, %add3A_477 : vector<16xi32>
        %gather3A_479 = tpu.vector_load_idx %arg10[%add3A_478, %add3A_385] : memref<128x128xf32, #tpu.memory_space<vmem>>[vector<16xi32>, vector<16xi32>], vector<16xf32>,
        %add3A_480 = arith.addf %gather3A_479, %gather3A : vector<16xf32>
        tpu.vector_store_idx %arg11[%add3A_448, %select_n3A_470, %add3A_478], %add3A_480 : memref<8x8x128xf32, #tpu.memory_space<vmem>>[vector<16xi32>, vector<16xi32>, vector<16xi32>], vector<16xf32>,
        %add3A_481 = arith.constant 32 : i32
        %add3A_482 = vector.broadcast %add3A_481 : i32 to vector<16xi32>
        %add3A_483 = arith.addi %iota3A, %add3A_482 : vector<16xi32>
        %gather3A_484 = tpu.vector_load_idx %arg10[%add3A_483, %add3A_385] : memref<128x128xf32, #tpu.memory_space<vmem>>[vector<16xi32>, vector<16xi32>], vector<16xf32>,
        %add3A_485 = arith.addf %gather3A_484, %gather3A : vector<16xf32>
        tpu.vector_store_idx %arg11[%add3A_448, %select_n3A_470, %add3A_483], %add3A_485 : memref<8x8x128xf32, #tpu.memory_space<vmem>>[vector<16xi32>, vector<16xi32>, vector<16xi32>], vector<16xf32>,
        %add3A_486 = arith.constant 48 : i32
        %add3A_487 = vector.broadcast %add3A_486 : i32 to vector<16xi32>
        %add3A_488 = arith.addi %iota3A, %add3A_487 : vector<16xi32>
        %gather3A_489 = tpu.vector_load_idx %arg10[%add3A_488, %add3A_385] : memref<128x128xf32, #tpu.memory_space<vmem>>[vector<16xi32>, vector<16xi32>], vector<16xf32>,
        %add3A_490 = arith.addf %gather3A_489, %gather3A : vector<16xf32>
        tpu.vector_store_idx %arg11[%add3A_448, %select_n3A_470, %add3A_488], %add3A_490 : memref<8x8x128xf32, #tpu.memory_space<vmem>>[vector<16xi32>, vector<16xi32>, vector<16xi32>], vector<16xf32>,
        %add3A_491 = arith.constant 64 : i32
        %add3A_492 = vector.broadcast %add3A_491 : i32 to vector<16xi32>
        %add3A_493 = arith.addi %iota3A, %add3A_492 : vector<16xi32>
        %gather3A_494 = tpu.vector_load_idx %arg10[%add3A_493, %add3A_385] : memref<128x128xf32, #tpu.memory_space<vmem>>[vector<16xi32>, vector<16xi32>], vector<16xf32>,
        %add3A_495 = arith.addf %gather3A_494, %gather3A : vector<16xf32>
        tpu.vector_store_idx %arg11[%add3A_448, %select_n3A_470, %add3A_493], %add3A_495 : memref<8x8x128xf32, #tpu.memory_space<vmem>>[vector<16xi32>, vector<16xi32>, vector<16xi32>], vector<16xf32>,
        %add3A_496 = arith.constant 80 : i32
        %add3A_497 = vector.broadcast %add3A_496 : i32 to vector<16xi32>
        %add3A_498 = arith.addi %iota3A, %add3A_497 : vector<16xi32>
        %gather3A_499 = tpu.vector_load_idx %arg10[%add3A_498, %add3A_385] : memref<128x128xf32, #tpu.memory_space<vmem>>[vector<16xi32>, vector<16xi32>], vector<16xf32>,
        %add3A_500 = arith.addf %gather3A_499, %gather3A : vector<16xf32>
        tpu.vector_store_idx %arg11[%add3A_448, %select_n3A_470, %add3A_498], %add3A_500 : memref<8x8x128xf32, #tpu.memory_space<vmem>>[vector<16xi32>, vector<16xi32>, vector<16xi32>], vector<16xf32>,
        %add3A_501 = arith.constant 96 : i32
        %add3A_502 = vector.broadcast %add3A_501 : i32 to vector<16xi32>
        %add3A_503 = arith.addi %iota3A, %add3A_502 : vector<16xi32>
        %gather3A_504 = tpu.vector_load_idx %arg10[%add3A_503, %add3A_385] : memref<128x128xf32, #tpu.memory_space<vmem>>[vector<16xi32>, vector<16xi32>], vector<16xf32>,
        %add3A_505 = arith.addf %gather3A_504, %gather3A : vector<16xf32>
        tpu.vector_store_idx %arg11[%add3A_448, %select_n3A_470, %add3A_503], %add3A_505 : memref<8x8x128xf32, #tpu.memory_space<vmem>>[vector<16xi32>, vector<16xi32>, vector<16xi32>], vector<16xf32>,
        %add3A_506 = arith.constant 112 : i32
        %add3A_507 = vector.broadcast %add3A_506 : i32 to vector<16xi32>
        %add3A_508 = arith.addi %iota3A, %add3A_507 : vector<16xi32>
        %gather3A_509 = tpu.vector_load_idx %arg10[%add3A_508, %add3A_385] : memref<128x128xf32, #tpu.memory_space<vmem>>[vector<16xi32>, vector<16xi32>], vector<16xf32>,
        %add3A_510 = arith.addf %gather3A_509, %gather3A : vector<16xf32>
        tpu.vector_store_idx %arg11[%add3A_448, %select_n3A_470, %add3A_508], %add3A_510 : memref<8x8x128xf32, #tpu.memory_space<vmem>>[vector<16xi32>, vector<16xi32>, vector<16xi32>], vector<16xf32>,
        %scan3A_511 = arith.constant 1 : i32
        %scan3A_512 = arith.addi %scan3A_338, %scan3A_511 : i32
        %mul3A_513 = arith.constant 1 : i32
        %mul3A_514 = arith.muli %scan3A_512, %mul3A_513 : i32
        %add3A_515 = arith.constant 0 : i32
        %add3A_516 = arith.addi %add3A_515, %mul3A_514 : i32
        %add3A_517 = vector.broadcast %add3A_516 : i32 to vector<16xi32>
        %add3A_518 = arith.addi %iota3A, %add3A_517 : vector<16xi32>
        %jit3A_519 = arith.constant 16 : i32
        %eq3A_520 = arith.constant 0 : i32
        %eq3A_521 = arith.cmpi eq, %jit3A_519, %eq3A_520 : i32
        %jit3A_522 = arith.constant 1 : i32
        %select_n3A_523 = arith.select %eq3A_521, %jit3A_522, %jit3A_519 : i32
        %rem3A_524 = vector.broadcast %select_n3A_523 : i32 to vector<16xi32>
        %rem3A_525 = arith.remsi %add3A_518, %rem3A_524 : vector<16xi32>
        %ne3A_526 = arith.constant 0 : i32
        %ne3A_527 = vector.broadcast %ne3A_526 : i32 to vector<16xi32>
        %ne3A_528 = arith.cmpi ne, %rem3A_525, %ne3A_527 : vector<16xi32>
        %lt3A_529 = arith.constant 0 : i32
        %lt3A_530 = vector.broadcast %lt3A_529 : i32 to vector<16xi32>
        %lt3A_531 = arith.cmpi slt, %rem3A_525, %lt3A_530 : vector<16xi32>
        %lt3A_532 = arith.constant 0 : i32
        %lt3A_533 = arith.cmpi slt, %select_n3A_523, %lt3A_532 : i32
        %ne3A_534 = vector.broadcast %lt3A_533 : i1 to vector<16xi1>
        %ne3A_535 = vector.broadcast %ne3A_534 : vector<16xi1> to vector<16xi1>
        %ne3A_536 = arith.xori %lt3A_531, %ne3A_535 : vector<16xi1>
        %and3A_537 = arith.andi %ne3A_536, %ne3A_528 : vector<16xi1>
        %add3A_538 = vector.broadcast %select_n3A_523 : i32 to vector<16xi32>
        %add3A_539 = arith.addi %rem3A_525, %add3A_538 : vector<16xi32>
        %select_n3A_540 = arith.select %and3A_537, %add3A_539, %rem3A_525 : vector<16xi1>, vector<16xi32>
        %jit3A_541 = arith.constant 16 : i32
        %div3A_542 = arith.divsi %add3A_516, %jit3A_541 : i32
        %sign3A_543 = arith.constant 0 : i32
        %sign3A_544 = arith.cmpi sgt, %add3A_516, %sign3A_543 : i32
        %sign3A_545 = arith.extui %sign3A_544 : i1 to i32
        %sign3A_546 = arith.constant 0 : i32
        %sign3A_547 = arith.cmpi slt, %add3A_516, %sign3A_546 : i32
        %sign3A_548 = arith.extui %sign3A_547 : i1 to i32
        %sign3A_549 = arith.subi %sign3A_545, %sign3A_548 : i32
        %sign3A_550 = arith.constant 0 : i32
        %sign3A_551 = arith.cmpi sgt, %jit3A_541, %sign3A_550 : i32
        %sign3A_552 = arith.extui %sign3A_551 : i1 to i32
        %sign3A_553 = arith.constant 0 : i32
        %sign3A_554 = arith.cmpi slt, %jit3A_541, %sign3A_553 : i32
        %sign3A_555 = arith.extui %sign3A_554 : i1 to i32
        %sign3A_556 = arith.subi %sign3A_552, %sign3A_555 : i32
        %ne3A_557 = arith.cmpi ne, %sign3A_549, %sign3A_556 : i32
        %rem3A_558 = arith.remsi %add3A_516, %jit3A_541 : i32
        %ne3A_559 = arith.constant 0 : i32
        %ne3A_560 = arith.cmpi ne, %rem3A_558, %ne3A_559 : i32
        %and3A_561 = arith.andi %ne3A_557, %ne3A_560 : i1
        %sub3A_562 = arith.constant 1 : i32
        %sub3A_563 = arith.subi %div3A_542, %sub3A_562 : i32
        %select_n3A_564 = arith.select %and3A_561, %sub3A_563, %div3A_542 : i32
        %mul3A_565 = arith.constant 16 : i32
        %mul3A_566 = arith.muli %select_n3A_564, %mul3A_565 : i32
        %add3A_567 = vector.broadcast %mul3A_566 : i32 to vector<16xi32>
        %add3A_568 = arith.addi %add3A_567, %select_n3A_540 : vector<16xi32>
        %mul3A_569 = arith.constant 64 : i32
        %mul3A_570 = arith.muli %add3A_187, %mul3A_569 : i32
        %add3A_571 = vector.broadcast %mul3A_570 : i32 to vector<16xi32>
        %add3A_572 = arith.addi %add3A_568, %add3A_571 : vector<16xi32>
        %gather3A_573 = tpu.vector_load_idx %arg7[%add3A_572] : memref<12800xf32, #tpu.memory_space<vmem>>[vector<16xi32>], vector<16xf32>,
        %jit3A_574 = arith.constant 8 : i32
        %div3A_575 = vector.broadcast %jit3A_574 : i32 to vector<16xi32>
        %div3A_576 = arith.divsi %select_n3A_540, %div3A_575 : vector<16xi32>
        %sign3A_577 = arith.constant 0 : i32
        %sign3A_578 = vector.broadcast %sign3A_577 : i32 to vector<16xi32>
        %sign3A_579 = arith.cmpi sgt, %select_n3A_540, %sign3A_578 : vector<16xi32>
        %sign3A_580 = arith.extui %sign3A_579 : vector<16xi1> to vector<16xi32>
        %sign3A_581 = arith.constant 0 : i32
        %sign3A_582 = vector.broadcast %sign3A_581 : i32 to vector<16xi32>
        %sign3A_583 = arith.cmpi slt, %select_n3A_540, %sign3A_582 : vector<16xi32>
        %sign3A_584 = arith.extui %sign3A_583 : vector<16xi1> to vector<16xi32>
        %sign3A_585 = arith.subi %sign3A_580, %sign3A_584 : vector<16xi32>
        %sign3A_586 = arith.constant 0 : i32
        %sign3A_587 = arith.cmpi sgt, %jit3A_574, %sign3A_586 : i32
        %sign3A_588 = arith.extui %sign3A_587 : i1 to i32
        %sign3A_589 = arith.constant 0 : i32
        %sign3A_590 = arith.cmpi slt, %jit3A_574, %sign3A_589 : i32
        %sign3A_591 = arith.extui %sign3A_590 : i1 to i32
        %sign3A_592 = arith.subi %sign3A_588, %sign3A_591 : i32
        %ne3A_593 = vector.broadcast %sign3A_592 : i32 to vector<16xi32>
        %ne3A_594 = arith.cmpi ne, %sign3A_585, %ne3A_593 : vector<16xi32>
        %rem3A_595 = vector.broadcast %jit3A_574 : i32 to vector<16xi32>
        %rem3A_596 = arith.remsi %select_n3A_540, %rem3A_595 : vector<16xi32>
        %ne3A_597 = arith.constant 0 : i32
        %ne3A_598 = vector.broadcast %ne3A_597 : i32 to vector<16xi32>
        %ne3A_599 = arith.cmpi ne, %rem3A_596, %ne3A_598 : vector<16xi32>
        %and3A_600 = arith.andi %ne3A_594, %ne3A_599 : vector<16xi1>
        %sub3A_601 = arith.constant 1 : i32
        %sub3A_602 = vector.broadcast %sub3A_601 : i32 to vector<16xi32>
        %sub3A_603 = arith.subi %div3A_576, %sub3A_602 : vector<16xi32>
        %select_n3A_604 = arith.select %and3A_600, %sub3A_603, %div3A_576 : vector<16xi1>, vector<16xi32>
        %jit3A_605 = arith.constant 16 : i32
        %div3A_606 = arith.divsi %add3A_516, %jit3A_605 : i32
        %sign3A_607 = arith.constant 0 : i32
        %sign3A_608 = arith.cmpi sgt, %add3A_516, %sign3A_607 : i32
        %sign3A_609 = arith.extui %sign3A_608 : i1 to i32
        %sign3A_610 = arith.constant 0 : i32
        %sign3A_611 = arith.cmpi slt, %add3A_516, %sign3A_610 : i32
        %sign3A_612 = arith.extui %sign3A_611 : i1 to i32
        %sign3A_613 = arith.subi %sign3A_609, %sign3A_612 : i32
        %sign3A_614 = arith.constant 0 : i32
        %sign3A_615 = arith.cmpi sgt, %jit3A_605, %sign3A_614 : i32
        %sign3A_616 = arith.extui %sign3A_615 : i1 to i32
        %sign3A_617 = arith.constant 0 : i32
        %sign3A_618 = arith.cmpi slt, %jit3A_605, %sign3A_617 : i32
        %sign3A_619 = arith.extui %sign3A_618 : i1 to i32
        %sign3A_620 = arith.subi %sign3A_616, %sign3A_619 : i32
        %ne3A_621 = arith.cmpi ne, %sign3A_613, %sign3A_620 : i32
        %rem3A_622 = arith.remsi %add3A_516, %jit3A_605 : i32
        %ne3A_623 = arith.constant 0 : i32
        %ne3A_624 = arith.cmpi ne, %rem3A_622, %ne3A_623 : i32
        %and3A_625 = arith.andi %ne3A_621, %ne3A_624 : i1
        %sub3A_626 = arith.constant 1 : i32
        %sub3A_627 = arith.subi %div3A_606, %sub3A_626 : i32
        %select_n3A_628 = arith.select %and3A_625, %sub3A_627, %div3A_606 : i32
        %mul3A_629 = arith.constant 2 : i32
        %mul3A_630 = arith.muli %mul3A_629, %select_n3A_628 : i32
        %add3A_631 = vector.broadcast %mul3A_630 : i32 to vector<16xi32>
        %add3A_632 = arith.addi %select_n3A_604, %add3A_631 : vector<16xi32>
        %jit3A_633 = arith.constant 8 : i32
        %eq3A_634 = arith.constant 0 : i32
        %eq3A_635 = arith.cmpi eq, %jit3A_633, %eq3A_634 : i32
        %jit3A_636 = arith.constant 1 : i32
        %select_n3A_637 = arith.select %eq3A_635, %jit3A_636, %jit3A_633 : i32
        %rem3A_638 = vector.broadcast %select_n3A_637 : i32 to vector<16xi32>
        %rem3A_639 = arith.remsi %select_n3A_540, %rem3A_638 : vector<16xi32>
        %ne3A_640 = arith.constant 0 : i32
        %ne3A_641 = vector.broadcast %ne3A_640 : i32 to vector<16xi32>
        %ne3A_642 = arith.cmpi ne, %rem3A_639, %ne3A_641 : vector<16xi32>
        %lt3A_643 = arith.constant 0 : i32
        %lt3A_644 = vector.broadcast %lt3A_643 : i32 to vector<16xi32>
        %lt3A_645 = arith.cmpi slt, %rem3A_639, %lt3A_644 : vector<16xi32>
        %lt3A_646 = arith.constant 0 : i32
        %lt3A_647 = arith.cmpi slt, %select_n3A_637, %lt3A_646 : i32
        %ne3A_648 = vector.broadcast %lt3A_647 : i1 to vector<16xi1>
        %ne3A_649 = vector.broadcast %ne3A_648 : vector<16xi1> to vector<16xi1>
        %ne3A_650 = arith.xori %lt3A_645, %ne3A_649 : vector<16xi1>
        %and3A_651 = arith.andi %ne3A_650, %ne3A_642 : vector<16xi1>
        %add3A_652 = vector.broadcast %select_n3A_637 : i32 to vector<16xi32>
        %add3A_653 = arith.addi %rem3A_639, %add3A_652 : vector<16xi32>
        %select_n3A_654 = arith.select %and3A_651, %add3A_653, %rem3A_639 : vector<16xi1>, vector<16xi32>
        %add3A_655 = arith.constant 0 : i32
        %add3A_656 = vector.broadcast %add3A_655 : i32 to vector<16xi32>
        %add3A_657 = arith.addi %iota3A, %add3A_656 : vector<16xi32>
        %gather3A_658 = tpu.vector_load_idx %arg10[%add3A_657, %add3A_568] : memref<128x128xf32, #tpu.memory_space<vmem>>[vector<16xi32>, vector<16xi32>], vector<16xf32>,
        %add3A_659 = arith.addf %gather3A_658, %gather3A_573 : vector<16xf32>
        tpu.vector_store_idx %arg11[%add3A_632, %select_n3A_654, %add3A_657], %add3A_659 : memref<8x8x128xf32, #tpu.memory_space<vmem>>[vector<16xi32>, vector<16xi32>, vector<16xi32>], vector<16xf32>,
        %add3A_660 = arith.constant 16 : i32
        %add3A_661 = vector.broadcast %add3A_660 : i32 to vector<16xi32>
        %add3A_662 = arith.addi %iota3A, %add3A_661 : vector<16xi32>
        %gather3A_663 = tpu.vector_load_idx %arg10[%add3A_662, %add3A_568] : memref<128x128xf32, #tpu.memory_space<vmem>>[vector<16xi32>, vector<16xi32>], vector<16xf32>,
        %add3A_664 = arith.addf %gather3A_663, %gather3A_573 : vector<16xf32>
        tpu.vector_store_idx %arg11[%add3A_632, %select_n3A_654, %add3A_662], %add3A_664 : memref<8x8x128xf32, #tpu.memory_space<vmem>>[vector<16xi32>, vector<16xi32>, vector<16xi32>], vector<16xf32>,
        %add3A_665 = arith.constant 32 : i32
        %add3A_666 = vector.broadcast %add3A_665 : i32 to vector<16xi32>
        %add3A_667 = arith.addi %iota3A, %add3A_666 : vector<16xi32>
        %gather3A_668 = tpu.vector_load_idx %arg10[%add3A_667, %add3A_568] : memref<128x128xf32, #tpu.memory_space<vmem>>[vector<16xi32>, vector<16xi32>], vector<16xf32>,
        %add3A_669 = arith.addf %gather3A_668, %gather3A_573 : vector<16xf32>
        tpu.vector_store_idx %arg11[%add3A_632, %select_n3A_654, %add3A_667], %add3A_669 : memref<8x8x128xf32, #tpu.memory_space<vmem>>[vector<16xi32>, vector<16xi32>, vector<16xi32>], vector<16xf32>,
        %add3A_670 = arith.constant 48 : i32
        %add3A_671 = vector.broadcast %add3A_670 : i32 to vector<16xi32>
        %add3A_672 = arith.addi %iota3A, %add3A_671 : vector<16xi32>
        %gather3A_673 = tpu.vector_load_idx %arg10[%add3A_672, %add3A_568] : memref<128x128xf32, #tpu.memory_space<vmem>>[vector<16xi32>, vector<16xi32>], vector<16xf32>,
        %add3A_674 = arith.addf %gather3A_673, %gather3A_573 : vector<16xf32>
        tpu.vector_store_idx %arg11[%add3A_632, %select_n3A_654, %add3A_672], %add3A_674 : memref<8x8x128xf32, #tpu.memory_space<vmem>>[vector<16xi32>, vector<16xi32>, vector<16xi32>], vector<16xf32>,
        %add3A_675 = arith.constant 64 : i32
        %add3A_676 = vector.broadcast %add3A_675 : i32 to vector<16xi32>
        %add3A_677 = arith.addi %iota3A, %add3A_676 : vector<16xi32>
        %gather3A_678 = tpu.vector_load_idx %arg10[%add3A_677, %add3A_568] : memref<128x128xf32, #tpu.memory_space<vmem>>[vector<16xi32>, vector<16xi32>], vector<16xf32>,
        %add3A_679 = arith.addf %gather3A_678, %gather3A_573 : vector<16xf32>
        tpu.vector_store_idx %arg11[%add3A_632, %select_n3A_654, %add3A_677], %add3A_679 : memref<8x8x128xf32, #tpu.memory_space<vmem>>[vector<16xi32>, vector<16xi32>, vector<16xi32>], vector<16xf32>,
        %add3A_680 = arith.constant 80 : i32
        %add3A_681 = vector.broadcast %add3A_680 : i32 to vector<16xi32>
        %add3A_682 = arith.addi %iota3A, %add3A_681 : vector<16xi32>
        %gather3A_683 = tpu.vector_load_idx %arg10[%add3A_682, %add3A_568] : memref<128x128xf32, #tpu.memory_space<vmem>>[vector<16xi32>, vector<16xi32>], vector<16xf32>,
        %add3A_684 = arith.addf %gather3A_683, %gather3A_573 : vector<16xf32>
        tpu.vector_store_idx %arg11[%add3A_632, %select_n3A_654, %add3A_682], %add3A_684 : memref<8x8x128xf32, #tpu.memory_space<vmem>>[vector<16xi32>, vector<16xi32>, vector<16xi32>], vector<16xf32>,
        %add3A_685 = arith.constant 96 : i32
        %add3A_686 = vector.broadcast %add3A_685 : i32 to vector<16xi32>
        %add3A_687 = arith.addi %iota3A, %add3A_686 : vector<16xi32>
        %gather3A_688 = tpu.vector_load_idx %arg10[%add3A_687, %add3A_568] : memref<128x128xf32, #tpu.memory_space<vmem>>[vector<16xi32>, vector<16xi32>], vector<16xf32>,
        %add3A_689 = arith.addf %gather3A_688, %gather3A_573 : vector<16xf32>
        tpu.vector_store_idx %arg11[%add3A_632, %select_n3A_654, %add3A_687], %add3A_689 : memref<8x8x128xf32, #tpu.memory_space<vmem>>[vector<16xi32>, vector<16xi32>, vector<16xi32>], vector<16xf32>,
        %add3A_690 = arith.constant 112 : i32
        %add3A_691 = vector.broadcast %add3A_690 : i32 to vector<16xi32>
        %add3A_692 = arith.addi %iota3A, %add3A_691 : vector<16xi32>
        %gather3A_693 = tpu.vector_load_idx %arg10[%add3A_692, %add3A_568] : memref<128x128xf32, #tpu.memory_space<vmem>>[vector<16xi32>, vector<16xi32>], vector<16xf32>,
        %add3A_694 = arith.addf %gather3A_693, %gather3A_573 : vector<16xf32>
        tpu.vector_store_idx %arg11[%add3A_632, %select_n3A_654, %add3A_692], %add3A_694 : memref<8x8x128xf32, #tpu.memory_space<vmem>>[vector<16xi32>, vector<16xi32>, vector<16xi32>], vector<16xf32>,
      }
      %scan3A_213 = arith.constant 64 : i32
      %dma_start3A_214 = arith.constant 0 : i32
      %dma_start3A_215 = arith.constant 0 : i32
      %dma_start3A_216 = arith.constant 0 : i32
      %dma_start3A_217 = tpu.memref_slice %arg5[%add3A_187, %dma_start3A_214, %add3A, %dma_start3A_215, %dma_start3A_216] : memref<200x8x32x8x128xf32, #tpu.memory_space<hbm>> -> memref<1x8x1x8x128xf32, #tpu.memory_space<hbm>>
      %dma_start3A_218 = tpu.memref_squeeze %dma_start3A_217 : memref<1x8x1x8x128xf32, #tpu.memory_space<hbm>> -> memref<8x8x128xf32, #tpu.memory_space<hbm>>
      %dma_start3A_219 = arith.constant 0 : i32
      %dma_start3A_220 = arith.constant 0 : i32
      %dma_start3A_221 = arith.constant 0 : i32
      %dma_start3A_222 = tpu.memref_slice %arg5[%add3A_187, %dma_start3A_219, %add3A, %dma_start3A_220, %dma_start3A_221] : memref<200x8x32x8x128xf32, #tpu.memory_space<hbm>> -> memref<1x8x1x8x128xf32, #tpu.memory_space<hbm>>
      %dma_start3A_223 = tpu.memref_squeeze %dma_start3A_222 : memref<1x8x1x8x128xf32, #tpu.memory_space<hbm>> -> memref<8x8x128xf32, #tpu.memory_space<hbm>>
      tpu.enqueue_dma source(%arg11 : memref<8x8x128xf32, #tpu.memory_space<vmem>>) target(%dma_start3A_223 : memref<8x8x128xf32, #tpu.memory_space<hbm>>) target_semaphore(%arg16 : memref<!tpu.dma_semaphore, #tpu.memory_space<semaphore_mem>>)
      %add3A_224 = arith.constant 3 : i32
      %add3A_225 = arith.addi %add3A_113, %add3A_224 : i32
      %add3A_226 = arith.constant 2 : i32
      %add3A_227 = arith.addi %add3A_225, %add3A_226 : i32
      %dma_start3A_228 = arith.constant 0 : i32
      %dma_start3A_229 = tpu.memref_slice %arg6[%add3A_227, %dma_start3A_228] : memref<200x128xi32, #tpu.memory_space<vmem>> -> memref<1x128xi32, #tpu.memory_space<vmem>>
      %dma_start3A_230 = tpu.memref_squeeze %dma_start3A_229 : memref<1x128xi32, #tpu.memory_space<vmem>> -> memref<128xi32, #tpu.memory_space<vmem>>
      %dma_start3A_231 = arith.constant 0 : i32
      %dma_start3A_232 = arith.constant 0 : i32
      %dma_start3A_233 = tpu.memref_slice %arg2[%dma_start3A_231, %dma_start3A_232] : memref<1000000x128xf32, #tpu.memory_space<hbm>> -> memref<1000000x128xf32, #tpu.memory_space<hbm>>
      tpu.enqueue_indirect_dma source(%dma_start3A_233 : memref<1000000x128xf32, #tpu.memory_space<hbm>>) target(%arg10 : memref<128x128xf32, #tpu.memory_space<vmem>>) offsets(%dma_start3A_230 : memref<128xi32, #tpu.memory_space<vmem>>) semaphore(%arg15 : memref<!tpu.dma_semaphore, #tpu.memory_space<semaphore_mem>>)
      %dma_wait3A_234 = arith.constant 0 : i32
      %dma_wait3A_235 = tpu.memref_slice %arg6[%add3A_225, %dma_wait3A_234] : memref<200x128xi32, #tpu.memory_space<vmem>> -> memref<1x128xi32, #tpu.memory_space<vmem>>
      %dma_wait3A_236 = tpu.memref_squeeze %dma_wait3A_235 : memref<1x128xi32, #tpu.memory_space<vmem>> -> memref<128xi32, #tpu.memory_space<vmem>>
      %dma_wait3A_237 = arith.constant 0 : i32
      %dma_wait3A_238 = arith.constant 0 : i32
      %dma_wait3A_239 = tpu.memref_slice %arg2[%dma_wait3A_237, %dma_wait3A_238] : memref<1000000x128xf32, #tpu.memory_space<hbm>> -> memref<1000000x128xf32, #tpu.memory_space<hbm>>
      tpu.wait_indirect_dma semaphore(%arg13 : memref<!tpu.dma_semaphore, #tpu.memory_space<semaphore_mem>>) src(%dma_wait3A_239 : memref<1000000x128xf32, #tpu.memory_space<hbm>>) dst(%arg8 : memref<128x128xf32, #tpu.memory_space<vmem>>)
      %sub3A_240 = arith.constant 2 : i32
      %sub3A_241 = arith.subi %add3A_225, %sub3A_240 : i32
      %ge3A_242 = arith.constant 0 : i32
      %ge3A_243 = arith.cmpi sge, %sub3A_241, %ge3A_242 : i32
      %convert_element_type3A_244 = arith.extui %ge3A_243 : i1 to i32
      %cond3A_245 = arith.constant 0 : i32
      %cond3A_246 = arith.cmpi ne, %convert_element_type3A_244, %cond3A_245 : i32
      scf.if %cond3A_246 {
        %sub3A_338 = arith.constant 2 : i32
        %sub3A_339 = arith.subi %add3A_225, %sub3A_338 : i32
        %dma_wait3A_340 = arith.constant 0 : i32
        %dma_wait3A_341 = arith.constant 0 : i32
        %dma_wait3A_342 = arith.constant 0 : i32
        %dma_wait3A_343 = tpu.memref_slice %arg5[%sub3A_339, %dma_wait3A_340, %add3A, %dma_wait3A_341, %dma_wait3A_342] : memref<200x8x32x8x128xf32, #tpu.memory_space<hbm>> -> memref<1x8x1x8x128xf32, #tpu.memory_space<hbm>>
        %dma_wait3A_344 = tpu.memref_squeeze %dma_wait3A_343 : memref<1x8x1x8x128xf32, #tpu.memory_space<hbm>> -> memref<8x8x128xf32, #tpu.memory_space<hbm>>
        %dma_wait3A_345 = arith.constant 0 : i32
        %dma_wait3A_346 = arith.constant 0 : i32
        %dma_wait3A_347 = arith.constant 0 : i32
        %dma_wait3A_348 = tpu.memref_slice %arg5[%sub3A_339, %dma_wait3A_345, %add3A, %dma_wait3A_346, %dma_wait3A_347] : memref<200x8x32x8x128xf32, #tpu.memory_space<hbm>> -> memref<1x8x1x8x128xf32, #tpu.memory_space<hbm>>
        %dma_wait3A_349 = tpu.memref_squeeze %dma_wait3A_348 : memref<1x8x1x8x128xf32, #tpu.memory_space<hbm>> -> memref<8x8x128xf32, #tpu.memory_space<hbm>>
        tpu.wait_dma2 semaphore(%arg17 : memref<!tpu.dma_semaphore, #tpu.memory_space<semaphore_mem>>) src(%arg12 : memref<8x8x128xf32, #tpu.memory_space<vmem>>) dst(%dma_wait3A_349 : memref<8x8x128xf32, #tpu.memory_space<hbm>>)
      } else {
      }
      %scan3A_247 = arith.constant 0 : i32
      %scan3A_248 = arith.constant 64 : i32
      %scan3A_249 = arith.addi %scan3A_247, %scan3A_248 : i32
      %scan3A_250 = arith.constant 2 : i32
      scf.for %scan3A_338 = %scan3A_247 to %scan3A_249 step %scan3A_250  : i32 {
        %mul3A_339 = arith.constant 1 : i32
        %mul3A_340 = arith.muli %scan3A_338, %mul3A_339 : i32
        %add3A_341 = arith.constant 0 : i32
        %add3A_342 = arith.addi %add3A_341, %mul3A_340 : i32
        %add3A_343 = vector.broadcast %add3A_342 : i32 to vector<16xi32>
        %add3A_344 = arith.addi %iota3A, %add3A_343 : vector<16xi32>
        %jit3A = arith.constant 16 : i32
        %eq3A = arith.constant 0 : i32
        %eq3A_345 = arith.cmpi eq, %jit3A, %eq3A : i32
        %jit3A_346 = arith.constant 1 : i32
        %select_n3A = arith.select %eq3A_345, %jit3A_346, %jit3A : i32
        %rem3A = vector.broadcast %select_n3A : i32 to vector<16xi32>
        %rem3A_347 = arith.remsi %add3A_344, %rem3A : vector<16xi32>
        %ne3A = arith.constant 0 : i32
        %ne3A_348 = vector.broadcast %ne3A : i32 to vector<16xi32>
        %ne3A_349 = arith.cmpi ne, %rem3A_347, %ne3A_348 : vector<16xi32>
        %lt3A = arith.constant 0 : i32
        %lt3A_350 = vector.broadcast %lt3A : i32 to vector<16xi32>
        %lt3A_351 = arith.cmpi slt, %rem3A_347, %lt3A_350 : vector<16xi32>
        %lt3A_352 = arith.constant 0 : i32
        %lt3A_353 = arith.cmpi slt, %select_n3A, %lt3A_352 : i32
        %ne3A_354 = vector.broadcast %lt3A_353 : i1 to vector<16xi1>
        %ne3A_355 = vector.broadcast %ne3A_354 : vector<16xi1> to vector<16xi1>
        %ne3A_356 = arith.xori %lt3A_351, %ne3A_355 : vector<16xi1>
        %and3A = arith.andi %ne3A_356, %ne3A_349 : vector<16xi1>
        %add3A_357 = vector.broadcast %select_n3A : i32 to vector<16xi32>
        %add3A_358 = arith.addi %rem3A_347, %add3A_357 : vector<16xi32>
        %select_n3A_359 = arith.select %and3A, %add3A_358, %rem3A_347 : vector<16xi1>, vector<16xi32>
        %jit3A_360 = arith.constant 16 : i32
        %div3A = arith.divsi %add3A_342, %jit3A_360 : i32
        %sign3A = arith.constant 0 : i32
        %sign3A_361 = arith.cmpi sgt, %add3A_342, %sign3A : i32
        %sign3A_362 = arith.extui %sign3A_361 : i1 to i32
        %sign3A_363 = arith.constant 0 : i32
        %sign3A_364 = arith.cmpi slt, %add3A_342, %sign3A_363 : i32
        %sign3A_365 = arith.extui %sign3A_364 : i1 to i32
        %sign3A_366 = arith.subi %sign3A_362, %sign3A_365 : i32
        %sign3A_367 = arith.constant 0 : i32
        %sign3A_368 = arith.cmpi sgt, %jit3A_360, %sign3A_367 : i32
        %sign3A_369 = arith.extui %sign3A_368 : i1 to i32
        %sign3A_370 = arith.constant 0 : i32
        %sign3A_371 = arith.cmpi slt, %jit3A_360, %sign3A_370 : i32
        %sign3A_372 = arith.extui %sign3A_371 : i1 to i32
        %sign3A_373 = arith.subi %sign3A_369, %sign3A_372 : i32
        %ne3A_374 = arith.cmpi ne, %sign3A_366, %sign3A_373 : i32
        %rem3A_375 = arith.remsi %add3A_342, %jit3A_360 : i32
        %ne3A_376 = arith.constant 0 : i32
        %ne3A_377 = arith.cmpi ne, %rem3A_375, %ne3A_376 : i32
        %and3A_378 = arith.andi %ne3A_374, %ne3A_377 : i1
        %sub3A_379 = arith.constant 1 : i32
        %sub3A_380 = arith.subi %div3A, %sub3A_379 : i32
        %select_n3A_381 = arith.select %and3A_378, %sub3A_380, %div3A : i32
        %mul3A_382 = arith.constant 16 : i32
        %mul3A_383 = arith.muli %select_n3A_381, %mul3A_382 : i32
        %add3A_384 = vector.broadcast %mul3A_383 : i32 to vector<16xi32>
        %add3A_385 = arith.addi %add3A_384, %select_n3A_359 : vector<16xi32>
        %mul3A_386 = arith.constant 64 : i32
        %mul3A_387 = arith.muli %add3A_225, %mul3A_386 : i32
        %add3A_388 = vector.broadcast %mul3A_387 : i32 to vector<16xi32>
        %add3A_389 = arith.addi %add3A_385, %add3A_388 : vector<16xi32>
        %gather3A = tpu.vector_load_idx %arg7[%add3A_389] : memref<12800xf32, #tpu.memory_space<vmem>>[vector<16xi32>], vector<16xf32>,
        %jit3A_390 = arith.constant 8 : i32
        %div3A_391 = vector.broadcast %jit3A_390 : i32 to vector<16xi32>
        %div3A_392 = arith.divsi %select_n3A_359, %div3A_391 : vector<16xi32>
        %sign3A_393 = arith.constant 0 : i32
        %sign3A_394 = vector.broadcast %sign3A_393 : i32 to vector<16xi32>
        %sign3A_395 = arith.cmpi sgt, %select_n3A_359, %sign3A_394 : vector<16xi32>
        %sign3A_396 = arith.extui %sign3A_395 : vector<16xi1> to vector<16xi32>
        %sign3A_397 = arith.constant 0 : i32
        %sign3A_398 = vector.broadcast %sign3A_397 : i32 to vector<16xi32>
        %sign3A_399 = arith.cmpi slt, %select_n3A_359, %sign3A_398 : vector<16xi32>
        %sign3A_400 = arith.extui %sign3A_399 : vector<16xi1> to vector<16xi32>
        %sign3A_401 = arith.subi %sign3A_396, %sign3A_400 : vector<16xi32>
        %sign3A_402 = arith.constant 0 : i32
        %sign3A_403 = arith.cmpi sgt, %jit3A_390, %sign3A_402 : i32
        %sign3A_404 = arith.extui %sign3A_403 : i1 to i32
        %sign3A_405 = arith.constant 0 : i32
        %sign3A_406 = arith.cmpi slt, %jit3A_390, %sign3A_405 : i32
        %sign3A_407 = arith.extui %sign3A_406 : i1 to i32
        %sign3A_408 = arith.subi %sign3A_404, %sign3A_407 : i32
        %ne3A_409 = vector.broadcast %sign3A_408 : i32 to vector<16xi32>
        %ne3A_410 = arith.cmpi ne, %sign3A_401, %ne3A_409 : vector<16xi32>
        %rem3A_411 = vector.broadcast %jit3A_390 : i32 to vector<16xi32>
        %rem3A_412 = arith.remsi %select_n3A_359, %rem3A_411 : vector<16xi32>
        %ne3A_413 = arith.constant 0 : i32
        %ne3A_414 = vector.broadcast %ne3A_413 : i32 to vector<16xi32>
        %ne3A_415 = arith.cmpi ne, %rem3A_412, %ne3A_414 : vector<16xi32>
        %and3A_416 = arith.andi %ne3A_410, %ne3A_415 : vector<16xi1>
        %sub3A_417 = arith.constant 1 : i32
        %sub3A_418 = vector.broadcast %sub3A_417 : i32 to vector<16xi32>
        %sub3A_419 = arith.subi %div3A_392, %sub3A_418 : vector<16xi32>
        %select_n3A_420 = arith.select %and3A_416, %sub3A_419, %div3A_392 : vector<16xi1>, vector<16xi32>
        %jit3A_421 = arith.constant 16 : i32
        %div3A_422 = arith.divsi %add3A_342, %jit3A_421 : i32
        %sign3A_423 = arith.constant 0 : i32
        %sign3A_424 = arith.cmpi sgt, %add3A_342, %sign3A_423 : i32
        %sign3A_425 = arith.extui %sign3A_424 : i1 to i32
        %sign3A_426 = arith.constant 0 : i32
        %sign3A_427 = arith.cmpi slt, %add3A_342, %sign3A_426 : i32
        %sign3A_428 = arith.extui %sign3A_427 : i1 to i32
        %sign3A_429 = arith.subi %sign3A_425, %sign3A_428 : i32
        %sign3A_430 = arith.constant 0 : i32
        %sign3A_431 = arith.cmpi sgt, %jit3A_421, %sign3A_430 : i32
        %sign3A_432 = arith.extui %sign3A_431 : i1 to i32
        %sign3A_433 = arith.constant 0 : i32
        %sign3A_434 = arith.cmpi slt, %jit3A_421, %sign3A_433 : i32
        %sign3A_435 = arith.extui %sign3A_434 : i1 to i32
        %sign3A_436 = arith.subi %sign3A_432, %sign3A_435 : i32
        %ne3A_437 = arith.cmpi ne, %sign3A_429, %sign3A_436 : i32
        %rem3A_438 = arith.remsi %add3A_342, %jit3A_421 : i32
        %ne3A_439 = arith.constant 0 : i32
        %ne3A_440 = arith.cmpi ne, %rem3A_438, %ne3A_439 : i32
        %and3A_441 = arith.andi %ne3A_437, %ne3A_440 : i1
        %sub3A_442 = arith.constant 1 : i32
        %sub3A_443 = arith.subi %div3A_422, %sub3A_442 : i32
        %select_n3A_444 = arith.select %and3A_441, %sub3A_443, %div3A_422 : i32
        %mul3A_445 = arith.constant 2 : i32
        %mul3A_446 = arith.muli %mul3A_445, %select_n3A_444 : i32
        %add3A_447 = vector.broadcast %mul3A_446 : i32 to vector<16xi32>
        %add3A_448 = arith.addi %select_n3A_420, %add3A_447 : vector<16xi32>
        %jit3A_449 = arith.constant 8 : i32
        %eq3A_450 = arith.constant 0 : i32
        %eq3A_451 = arith.cmpi eq, %jit3A_449, %eq3A_450 : i32
        %jit3A_452 = arith.constant 1 : i32
        %select_n3A_453 = arith.select %eq3A_451, %jit3A_452, %jit3A_449 : i32
        %rem3A_454 = vector.broadcast %select_n3A_453 : i32 to vector<16xi32>
        %rem3A_455 = arith.remsi %select_n3A_359, %rem3A_454 : vector<16xi32>
        %ne3A_456 = arith.constant 0 : i32
        %ne3A_457 = vector.broadcast %ne3A_456 : i32 to vector<16xi32>
        %ne3A_458 = arith.cmpi ne, %rem3A_455, %ne3A_457 : vector<16xi32>
        %lt3A_459 = arith.constant 0 : i32
        %lt3A_460 = vector.broadcast %lt3A_459 : i32 to vector<16xi32>
        %lt3A_461 = arith.cmpi slt, %rem3A_455, %lt3A_460 : vector<16xi32>
        %lt3A_462 = arith.constant 0 : i32
        %lt3A_463 = arith.cmpi slt, %select_n3A_453, %lt3A_462 : i32
        %ne3A_464 = vector.broadcast %lt3A_463 : i1 to vector<16xi1>
        %ne3A_465 = vector.broadcast %ne3A_464 : vector<16xi1> to vector<16xi1>
        %ne3A_466 = arith.xori %lt3A_461, %ne3A_465 : vector<16xi1>
        %and3A_467 = arith.andi %ne3A_466, %ne3A_458 : vector<16xi1>
        %add3A_468 = vector.broadcast %select_n3A_453 : i32 to vector<16xi32>
        %add3A_469 = arith.addi %rem3A_455, %add3A_468 : vector<16xi32>
        %select_n3A_470 = arith.select %and3A_467, %add3A_469, %rem3A_455 : vector<16xi1>, vector<16xi32>
        %add3A_471 = arith.constant 0 : i32
        %add3A_472 = vector.broadcast %add3A_471 : i32 to vector<16xi32>
        %add3A_473 = arith.addi %iota3A, %add3A_472 : vector<16xi32>
        %gather3A_474 = tpu.vector_load_idx %arg8[%add3A_473, %add3A_385] : memref<128x128xf32, #tpu.memory_space<vmem>>[vector<16xi32>, vector<16xi32>], vector<16xf32>,
        %add3A_475 = arith.addf %gather3A_474, %gather3A : vector<16xf32>
        tpu.vector_store_idx %arg12[%add3A_448, %select_n3A_470, %add3A_473], %add3A_475 : memref<8x8x128xf32, #tpu.memory_space<vmem>>[vector<16xi32>, vector<16xi32>, vector<16xi32>], vector<16xf32>,
        %add3A_476 = arith.constant 16 : i32
        %add3A_477 = vector.broadcast %add3A_476 : i32 to vector<16xi32>
        %add3A_478 = arith.addi %iota3A, %add3A_477 : vector<16xi32>
        %gather3A_479 = tpu.vector_load_idx %arg8[%add3A_478, %add3A_385] : memref<128x128xf32, #tpu.memory_space<vmem>>[vector<16xi32>, vector<16xi32>], vector<16xf32>,
        %add3A_480 = arith.addf %gather3A_479, %gather3A : vector<16xf32>
        tpu.vector_store_idx %arg12[%add3A_448, %select_n3A_470, %add3A_478], %add3A_480 : memref<8x8x128xf32, #tpu.memory_space<vmem>>[vector<16xi32>, vector<16xi32>, vector<16xi32>], vector<16xf32>,
        %add3A_481 = arith.constant 32 : i32
        %add3A_482 = vector.broadcast %add3A_481 : i32 to vector<16xi32>
        %add3A_483 = arith.addi %iota3A, %add3A_482 : vector<16xi32>
        %gather3A_484 = tpu.vector_load_idx %arg8[%add3A_483, %add3A_385] : memref<128x128xf32, #tpu.memory_space<vmem>>[vector<16xi32>, vector<16xi32>], vector<16xf32>,
        %add3A_485 = arith.addf %gather3A_484, %gather3A : vector<16xf32>
        tpu.vector_store_idx %arg12[%add3A_448, %select_n3A_470, %add3A_483], %add3A_485 : memref<8x8x128xf32, #tpu.memory_space<vmem>>[vector<16xi32>, vector<16xi32>, vector<16xi32>], vector<16xf32>,
        %add3A_486 = arith.constant 48 : i32
        %add3A_487 = vector.broadcast %add3A_486 : i32 to vector<16xi32>
        %add3A_488 = arith.addi %iota3A, %add3A_487 : vector<16xi32>
        %gather3A_489 = tpu.vector_load_idx %arg8[%add3A_488, %add3A_385] : memref<128x128xf32, #tpu.memory_space<vmem>>[vector<16xi32>, vector<16xi32>], vector<16xf32>,
        %add3A_490 = arith.addf %gather3A_489, %gather3A : vector<16xf32>
        tpu.vector_store_idx %arg12[%add3A_448, %select_n3A_470, %add3A_488], %add3A_490 : memref<8x8x128xf32, #tpu.memory_space<vmem>>[vector<16xi32>, vector<16xi32>, vector<16xi32>], vector<16xf32>,
        %add3A_491 = arith.constant 64 : i32
        %add3A_492 = vector.broadcast %add3A_491 : i32 to vector<16xi32>
        %add3A_493 = arith.addi %iota3A, %add3A_492 : vector<16xi32>
        %gather3A_494 = tpu.vector_load_idx %arg8[%add3A_493, %add3A_385] : memref<128x128xf32, #tpu.memory_space<vmem>>[vector<16xi32>, vector<16xi32>], vector<16xf32>,
        %add3A_495 = arith.addf %gather3A_494, %gather3A : vector<16xf32>
        tpu.vector_store_idx %arg12[%add3A_448, %select_n3A_470, %add3A_493], %add3A_495 : memref<8x8x128xf32, #tpu.memory_space<vmem>>[vector<16xi32>, vector<16xi32>, vector<16xi32>], vector<16xf32>,
        %add3A_496 = arith.constant 80 : i32
        %add3A_497 = vector.broadcast %add3A_496 : i32 to vector<16xi32>
        %add3A_498 = arith.addi %iota3A, %add3A_497 : vector<16xi32>
        %gather3A_499 = tpu.vector_load_idx %arg8[%add3A_498, %add3A_385] : memref<128x128xf32, #tpu.memory_space<vmem>>[vector<16xi32>, vector<16xi32>], vector<16xf32>,
        %add3A_500 = arith.addf %gather3A_499, %gather3A : vector<16xf32>
        tpu.vector_store_idx %arg12[%add3A_448, %select_n3A_470, %add3A_498], %add3A_500 : memref<8x8x128xf32, #tpu.memory_space<vmem>>[vector<16xi32>, vector<16xi32>, vector<16xi32>], vector<16xf32>,
        %add3A_501 = arith.constant 96 : i32
        %add3A_502 = vector.broadcast %add3A_501 : i32 to vector<16xi32>
        %add3A_503 = arith.addi %iota3A, %add3A_502 : vector<16xi32>
        %gather3A_504 = tpu.vector_load_idx %arg8[%add3A_503, %add3A_385] : memref<128x128xf32, #tpu.memory_space<vmem>>[vector<16xi32>, vector<16xi32>], vector<16xf32>,
        %add3A_505 = arith.addf %gather3A_504, %gather3A : vector<16xf32>
        tpu.vector_store_idx %arg12[%add3A_448, %select_n3A_470, %add3A_503], %add3A_505 : memref<8x8x128xf32, #tpu.memory_space<vmem>>[vector<16xi32>, vector<16xi32>, vector<16xi32>], vector<16xf32>,
        %add3A_506 = arith.constant 112 : i32
        %add3A_507 = vector.broadcast %add3A_506 : i32 to vector<16xi32>
        %add3A_508 = arith.addi %iota3A, %add3A_507 : vector<16xi32>
        %gather3A_509 = tpu.vector_load_idx %arg8[%add3A_508, %add3A_385] : memref<128x128xf32, #tpu.memory_space<vmem>>[vector<16xi32>, vector<16xi32>], vector<16xf32>,
        %add3A_510 = arith.addf %gather3A_509, %gather3A : vector<16xf32>
        tpu.vector_store_idx %arg12[%add3A_448, %select_n3A_470, %add3A_508], %add3A_510 : memref<8x8x128xf32, #tpu.memory_space<vmem>>[vector<16xi32>, vector<16xi32>, vector<16xi32>], vector<16xf32>,
        %scan3A_511 = arith.constant 1 : i32
        %scan3A_512 = arith.addi %scan3A_338, %scan3A_511 : i32
        %mul3A_513 = arith.constant 1 : i32
        %mul3A_514 = arith.muli %scan3A_512, %mul3A_513 : i32
        %add3A_515 = arith.constant 0 : i32
        %add3A_516 = arith.addi %add3A_515, %mul3A_514 : i32
        %add3A_517 = vector.broadcast %add3A_516 : i32 to vector<16xi32>
        %add3A_518 = arith.addi %iota3A, %add3A_517 : vector<16xi32>
        %jit3A_519 = arith.constant 16 : i32
        %eq3A_520 = arith.constant 0 : i32
        %eq3A_521 = arith.cmpi eq, %jit3A_519, %eq3A_520 : i32
        %jit3A_522 = arith.constant 1 : i32
        %select_n3A_523 = arith.select %eq3A_521, %jit3A_522, %jit3A_519 : i32
        %rem3A_524 = vector.broadcast %select_n3A_523 : i32 to vector<16xi32>
        %rem3A_525 = arith.remsi %add3A_518, %rem3A_524 : vector<16xi32>
        %ne3A_526 = arith.constant 0 : i32
        %ne3A_527 = vector.broadcast %ne3A_526 : i32 to vector<16xi32>
        %ne3A_528 = arith.cmpi ne, %rem3A_525, %ne3A_527 : vector<16xi32>
        %lt3A_529 = arith.constant 0 : i32
        %lt3A_530 = vector.broadcast %lt3A_529 : i32 to vector<16xi32>
        %lt3A_531 = arith.cmpi slt, %rem3A_525, %lt3A_530 : vector<16xi32>
        %lt3A_532 = arith.constant 0 : i32
        %lt3A_533 = arith.cmpi slt, %select_n3A_523, %lt3A_532 : i32
        %ne3A_534 = vector.broadcast %lt3A_533 : i1 to vector<16xi1>
        %ne3A_535 = vector.broadcast %ne3A_534 : vector<16xi1> to vector<16xi1>
        %ne3A_536 = arith.xori %lt3A_531, %ne3A_535 : vector<16xi1>
        %and3A_537 = arith.andi %ne3A_536, %ne3A_528 : vector<16xi1>
        %add3A_538 = vector.broadcast %select_n3A_523 : i32 to vector<16xi32>
        %add3A_539 = arith.addi %rem3A_525, %add3A_538 : vector<16xi32>
        %select_n3A_540 = arith.select %and3A_537, %add3A_539, %rem3A_525 : vector<16xi1>, vector<16xi32>
        %jit3A_541 = arith.constant 16 : i32
        %div3A_542 = arith.divsi %add3A_516, %jit3A_541 : i32
        %sign3A_543 = arith.constant 0 : i32
        %sign3A_544 = arith.cmpi sgt, %add3A_516, %sign3A_543 : i32
        %sign3A_545 = arith.extui %sign3A_544 : i1 to i32
        %sign3A_546 = arith.constant 0 : i32
        %sign3A_547 = arith.cmpi slt, %add3A_516, %sign3A_546 : i32
        %sign3A_548 = arith.extui %sign3A_547 : i1 to i32
        %sign3A_549 = arith.subi %sign3A_545, %sign3A_548 : i32
        %sign3A_550 = arith.constant 0 : i32
        %sign3A_551 = arith.cmpi sgt, %jit3A_541, %sign3A_550 : i32
        %sign3A_552 = arith.extui %sign3A_551 : i1 to i32
        %sign3A_553 = arith.constant 0 : i32
        %sign3A_554 = arith.cmpi slt, %jit3A_541, %sign3A_553 : i32
        %sign3A_555 = arith.extui %sign3A_554 : i1 to i32
        %sign3A_556 = arith.subi %sign3A_552, %sign3A_555 : i32
        %ne3A_557 = arith.cmpi ne, %sign3A_549, %sign3A_556 : i32
        %rem3A_558 = arith.remsi %add3A_516, %jit3A_541 : i32
        %ne3A_559 = arith.constant 0 : i32
        %ne3A_560 = arith.cmpi ne, %rem3A_558, %ne3A_559 : i32
        %and3A_561 = arith.andi %ne3A_557, %ne3A_560 : i1
        %sub3A_562 = arith.constant 1 : i32
        %sub3A_563 = arith.subi %div3A_542, %sub3A_562 : i32
        %select_n3A_564 = arith.select %and3A_561, %sub3A_563, %div3A_542 : i32
        %mul3A_565 = arith.constant 16 : i32
        %mul3A_566 = arith.muli %select_n3A_564, %mul3A_565 : i32
        %add3A_567 = vector.broadcast %mul3A_566 : i32 to vector<16xi32>
        %add3A_568 = arith.addi %add3A_567, %select_n3A_540 : vector<16xi32>
        %mul3A_569 = arith.constant 64 : i32
        %mul3A_570 = arith.muli %add3A_225, %mul3A_569 : i32
        %add3A_571 = vector.broadcast %mul3A_570 : i32 to vector<16xi32>
        %add3A_572 = arith.addi %add3A_568, %add3A_571 : vector<16xi32>
        %gather3A_573 = tpu.vector_load_idx %arg7[%add3A_572] : memref<12800xf32, #tpu.memory_space<vmem>>[vector<16xi32>], vector<16xf32>,
        %jit3A_574 = arith.constant 8 : i32
        %div3A_575 = vector.broadcast %jit3A_574 : i32 to vector<16xi32>
        %div3A_576 = arith.divsi %select_n3A_540, %div3A_575 : vector<16xi32>
        %sign3A_577 = arith.constant 0 : i32
        %sign3A_578 = vector.broadcast %sign3A_577 : i32 to vector<16xi32>
        %sign3A_579 = arith.cmpi sgt, %select_n3A_540, %sign3A_578 : vector<16xi32>
        %sign3A_580 = arith.extui %sign3A_579 : vector<16xi1> to vector<16xi32>
        %sign3A_581 = arith.constant 0 : i32
        %sign3A_582 = vector.broadcast %sign3A_581 : i32 to vector<16xi32>
        %sign3A_583 = arith.cmpi slt, %select_n3A_540, %sign3A_582 : vector<16xi32>
        %sign3A_584 = arith.extui %sign3A_583 : vector<16xi1> to vector<16xi32>
        %sign3A_585 = arith.subi %sign3A_580, %sign3A_584 : vector<16xi32>
        %sign3A_586 = arith.constant 0 : i32
        %sign3A_587 = arith.cmpi sgt, %jit3A_574, %sign3A_586 : i32
        %sign3A_588 = arith.extui %sign3A_587 : i1 to i32
        %sign3A_589 = arith.constant 0 : i32
        %sign3A_590 = arith.cmpi slt, %jit3A_574, %sign3A_589 : i32
        %sign3A_591 = arith.extui %sign3A_590 : i1 to i32
        %sign3A_592 = arith.subi %sign3A_588, %sign3A_591 : i32
        %ne3A_593 = vector.broadcast %sign3A_592 : i32 to vector<16xi32>
        %ne3A_594 = arith.cmpi ne, %sign3A_585, %ne3A_593 : vector<16xi32>
        %rem3A_595 = vector.broadcast %jit3A_574 : i32 to vector<16xi32>
        %rem3A_596 = arith.remsi %select_n3A_540, %rem3A_595 : vector<16xi32>
        %ne3A_597 = arith.constant 0 : i32
        %ne3A_598 = vector.broadcast %ne3A_597 : i32 to vector<16xi32>
        %ne3A_599 = arith.cmpi ne, %rem3A_596, %ne3A_598 : vector<16xi32>
        %and3A_600 = arith.andi %ne3A_594, %ne3A_599 : vector<16xi1>
        %sub3A_601 = arith.constant 1 : i32
        %sub3A_602 = vector.broadcast %sub3A_601 : i32 to vector<16xi32>
        %sub3A_603 = arith.subi %div3A_576, %sub3A_602 : vector<16xi32>
        %select_n3A_604 = arith.select %and3A_600, %sub3A_603, %div3A_576 : vector<16xi1>, vector<16xi32>
        %jit3A_605 = arith.constant 16 : i32
        %div3A_606 = arith.divsi %add3A_516, %jit3A_605 : i32
        %sign3A_607 = arith.constant 0 : i32
        %sign3A_608 = arith.cmpi sgt, %add3A_516, %sign3A_607 : i32
        %sign3A_609 = arith.extui %sign3A_608 : i1 to i32
        %sign3A_610 = arith.constant 0 : i32
        %sign3A_611 = arith.cmpi slt, %add3A_516, %sign3A_610 : i32
        %sign3A_612 = arith.extui %sign3A_611 : i1 to i32
        %sign3A_613 = arith.subi %sign3A_609, %sign3A_612 : i32
        %sign3A_614 = arith.constant 0 : i32
        %sign3A_615 = arith.cmpi sgt, %jit3A_605, %sign3A_614 : i32
        %sign3A_616 = arith.extui %sign3A_615 : i1 to i32
        %sign3A_617 = arith.constant 0 : i32
        %sign3A_618 = arith.cmpi slt, %jit3A_605, %sign3A_617 : i32
        %sign3A_619 = arith.extui %sign3A_618 : i1 to i32
        %sign3A_620 = arith.subi %sign3A_616, %sign3A_619 : i32
        %ne3A_621 = arith.cmpi ne, %sign3A_613, %sign3A_620 : i32
        %rem3A_622 = arith.remsi %add3A_516, %jit3A_605 : i32
        %ne3A_623 = arith.constant 0 : i32
        %ne3A_624 = arith.cmpi ne, %rem3A_622, %ne3A_623 : i32
        %and3A_625 = arith.andi %ne3A_621, %ne3A_624 : i1
        %sub3A_626 = arith.constant 1 : i32
        %sub3A_627 = arith.subi %div3A_606, %sub3A_626 : i32
        %select_n3A_628 = arith.select %and3A_625, %sub3A_627, %div3A_606 : i32
        %mul3A_629 = arith.constant 2 : i32
        %mul3A_630 = arith.muli %mul3A_629, %select_n3A_628 : i32
        %add3A_631 = vector.broadcast %mul3A_630 : i32 to vector<16xi32>
        %add3A_632 = arith.addi %select_n3A_604, %add3A_631 : vector<16xi32>
        %jit3A_633 = arith.constant 8 : i32
        %eq3A_634 = arith.constant 0 : i32
        %eq3A_635 = arith.cmpi eq, %jit3A_633, %eq3A_634 : i32
        %jit3A_636 = arith.constant 1 : i32
        %select_n3A_637 = arith.select %eq3A_635, %jit3A_636, %jit3A_633 : i32
        %rem3A_638 = vector.broadcast %select_n3A_637 : i32 to vector<16xi32>
        %rem3A_639 = arith.remsi %select_n3A_540, %rem3A_638 : vector<16xi32>
        %ne3A_640 = arith.constant 0 : i32
        %ne3A_641 = vector.broadcast %ne3A_640 : i32 to vector<16xi32>
        %ne3A_642 = arith.cmpi ne, %rem3A_639, %ne3A_641 : vector<16xi32>
        %lt3A_643 = arith.constant 0 : i32
        %lt3A_644 = vector.broadcast %lt3A_643 : i32 to vector<16xi32>
        %lt3A_645 = arith.cmpi slt, %rem3A_639, %lt3A_644 : vector<16xi32>
        %lt3A_646 = arith.constant 0 : i32
        %lt3A_647 = arith.cmpi slt, %select_n3A_637, %lt3A_646 : i32
        %ne3A_648 = vector.broadcast %lt3A_647 : i1 to vector<16xi1>
        %ne3A_649 = vector.broadcast %ne3A_648 : vector<16xi1> to vector<16xi1>
        %ne3A_650 = arith.xori %lt3A_645, %ne3A_649 : vector<16xi1>
        %and3A_651 = arith.andi %ne3A_650, %ne3A_642 : vector<16xi1>
        %add3A_652 = vector.broadcast %select_n3A_637 : i32 to vector<16xi32>
        %add3A_653 = arith.addi %rem3A_639, %add3A_652 : vector<16xi32>
        %select_n3A_654 = arith.select %and3A_651, %add3A_653, %rem3A_639 : vector<16xi1>, vector<16xi32>
        %add3A_655 = arith.constant 0 : i32
        %add3A_656 = vector.broadcast %add3A_655 : i32 to vector<16xi32>
        %add3A_657 = arith.addi %iota3A, %add3A_656 : vector<16xi32>
        %gather3A_658 = tpu.vector_load_idx %arg8[%add3A_657, %add3A_568] : memref<128x128xf32, #tpu.memory_space<vmem>>[vector<16xi32>, vector<16xi32>], vector<16xf32>,
        %add3A_659 = arith.addf %gather3A_658, %gather3A_573 : vector<16xf32>
        tpu.vector_store_idx %arg12[%add3A_632, %select_n3A_654, %add3A_657], %add3A_659 : memref<8x8x128xf32, #tpu.memory_space<vmem>>[vector<16xi32>, vector<16xi32>, vector<16xi32>], vector<16xf32>,
        %add3A_660 = arith.constant 16 : i32
        %add3A_661 = vector.broadcast %add3A_660 : i32 to vector<16xi32>
        %add3A_662 = arith.addi %iota3A, %add3A_661 : vector<16xi32>
        %gather3A_663 = tpu.vector_load_idx %arg8[%add3A_662, %add3A_568] : memref<128x128xf32, #tpu.memory_space<vmem>>[vector<16xi32>, vector<16xi32>], vector<16xf32>,
        %add3A_664 = arith.addf %gather3A_663, %gather3A_573 : vector<16xf32>
        tpu.vector_store_idx %arg12[%add3A_632, %select_n3A_654, %add3A_662], %add3A_664 : memref<8x8x128xf32, #tpu.memory_space<vmem>>[vector<16xi32>, vector<16xi32>, vector<16xi32>], vector<16xf32>,
        %add3A_665 = arith.constant 32 : i32
        %add3A_666 = vector.broadcast %add3A_665 : i32 to vector<16xi32>
        %add3A_667 = arith.addi %iota3A, %add3A_666 : vector<16xi32>
        %gather3A_668 = tpu.vector_load_idx %arg8[%add3A_667, %add3A_568] : memref<128x128xf32, #tpu.memory_space<vmem>>[vector<16xi32>, vector<16xi32>], vector<16xf32>,
        %add3A_669 = arith.addf %gather3A_668, %gather3A_573 : vector<16xf32>
        tpu.vector_store_idx %arg12[%add3A_632, %select_n3A_654, %add3A_667], %add3A_669 : memref<8x8x128xf32, #tpu.memory_space<vmem>>[vector<16xi32>, vector<16xi32>, vector<16xi32>], vector<16xf32>,
        %add3A_670 = arith.constant 48 : i32
        %add3A_671 = vector.broadcast %add3A_670 : i32 to vector<16xi32>
        %add3A_672 = arith.addi %iota3A, %add3A_671 : vector<16xi32>
        %gather3A_673 = tpu.vector_load_idx %arg8[%add3A_672, %add3A_568] : memref<128x128xf32, #tpu.memory_space<vmem>>[vector<16xi32>, vector<16xi32>], vector<16xf32>,
        %add3A_674 = arith.addf %gather3A_673, %gather3A_573 : vector<16xf32>
        tpu.vector_store_idx %arg12[%add3A_632, %select_n3A_654, %add3A_672], %add3A_674 : memref<8x8x128xf32, #tpu.memory_space<vmem>>[vector<16xi32>, vector<16xi32>, vector<16xi32>], vector<16xf32>,
        %add3A_675 = arith.constant 64 : i32
        %add3A_676 = vector.broadcast %add3A_675 : i32 to vector<16xi32>
        %add3A_677 = arith.addi %iota3A, %add3A_676 : vector<16xi32>
        %gather3A_678 = tpu.vector_load_idx %arg8[%add3A_677, %add3A_568] : memref<128x128xf32, #tpu.memory_space<vmem>>[vector<16xi32>, vector<16xi32>], vector<16xf32>,
        %add3A_679 = arith.addf %gather3A_678, %gather3A_573 : vector<16xf32>
        tpu.vector_store_idx %arg12[%add3A_632, %select_n3A_654, %add3A_677], %add3A_679 : memref<8x8x128xf32, #tpu.memory_space<vmem>>[vector<16xi32>, vector<16xi32>, vector<16xi32>], vector<16xf32>,
        %add3A_680 = arith.constant 80 : i32
        %add3A_681 = vector.broadcast %add3A_680 : i32 to vector<16xi32>
        %add3A_682 = arith.addi %iota3A, %add3A_681 : vector<16xi32>
        %gather3A_683 = tpu.vector_load_idx %arg8[%add3A_682, %add3A_568] : memref<128x128xf32, #tpu.memory_space<vmem>>[vector<16xi32>, vector<16xi32>], vector<16xf32>,
        %add3A_684 = arith.addf %gather3A_683, %gather3A_573 : vector<16xf32>
        tpu.vector_store_idx %arg12[%add3A_632, %select_n3A_654, %add3A_682], %add3A_684 : memref<8x8x128xf32, #tpu.memory_space<vmem>>[vector<16xi32>, vector<16xi32>, vector<16xi32>], vector<16xf32>,
        %add3A_685 = arith.constant 96 : i32
        %add3A_686 = vector.broadcast %add3A_685 : i32 to vector<16xi32>
        %add3A_687 = arith.addi %iota3A, %add3A_686 : vector<16xi32>
        %gather3A_688 = tpu.vector_load_idx %arg8[%add3A_687, %add3A_568] : memref<128x128xf32, #tpu.memory_space<vmem>>[vector<16xi32>, vector<16xi32>], vector<16xf32>,
        %add3A_689 = arith.addf %gather3A_688, %gather3A_573 : vector<16xf32>
        tpu.vector_store_idx %arg12[%add3A_632, %select_n3A_654, %add3A_687], %add3A_689 : memref<8x8x128xf32, #tpu.memory_space<vmem>>[vector<16xi32>, vector<16xi32>, vector<16xi32>], vector<16xf32>,
        %add3A_690 = arith.constant 112 : i32
        %add3A_691 = vector.broadcast %add3A_690 : i32 to vector<16xi32>
        %add3A_692 = arith.addi %iota3A, %add3A_691 : vector<16xi32>
        %gather3A_693 = tpu.vector_load_idx %arg8[%add3A_692, %add3A_568] : memref<128x128xf32, #tpu.memory_space<vmem>>[vector<16xi32>, vector<16xi32>], vector<16xf32>,
        %add3A_694 = arith.addf %gather3A_693, %gather3A_573 : vector<16xf32>
        tpu.vector_store_idx %arg12[%add3A_632, %select_n3A_654, %add3A_692], %add3A_694 : memref<8x8x128xf32, #tpu.memory_space<vmem>>[vector<16xi32>, vector<16xi32>, vector<16xi32>], vector<16xf32>,
      }
      %scan3A_251 = arith.constant 64 : i32
      %dma_start3A_252 = arith.constant 0 : i32
      %dma_start3A_253 = arith.constant 0 : i32
      %dma_start3A_254 = arith.constant 0 : i32
      %dma_start3A_255 = tpu.memref_slice %arg5[%add3A_225, %dma_start3A_252, %add3A, %dma_start3A_253, %dma_start3A_254] : memref<200x8x32x8x128xf32, #tpu.memory_space<hbm>> -> memref<1x8x1x8x128xf32, #tpu.memory_space<hbm>>
      %dma_start3A_256 = tpu.memref_squeeze %dma_start3A_255 : memref<1x8x1x8x128xf32, #tpu.memory_space<hbm>> -> memref<8x8x128xf32, #tpu.memory_space<hbm>>
      %dma_start3A_257 = arith.constant 0 : i32
      %dma_start3A_258 = arith.constant 0 : i32
      %dma_start3A_259 = arith.constant 0 : i32
      %dma_start3A_260 = tpu.memref_slice %arg5[%add3A_225, %dma_start3A_257, %add3A, %dma_start3A_258, %dma_start3A_259] : memref<200x8x32x8x128xf32, #tpu.memory_space<hbm>> -> memref<1x8x1x8x128xf32, #tpu.memory_space<hbm>>
      %dma_start3A_261 = tpu.memref_squeeze %dma_start3A_260 : memref<1x8x1x8x128xf32, #tpu.memory_space<hbm>> -> memref<8x8x128xf32, #tpu.memory_space<hbm>>
      tpu.enqueue_dma source(%arg12 : memref<8x8x128xf32, #tpu.memory_space<vmem>>) target(%dma_start3A_261 : memref<8x8x128xf32, #tpu.memory_space<hbm>>) target_semaphore(%arg17 : memref<!tpu.dma_semaphore, #tpu.memory_space<semaphore_mem>>)
      %add3A_262 = arith.constant 4 : i32
      %add3A_263 = arith.addi %add3A_113, %add3A_262 : i32
      %add3A_264 = arith.constant 2 : i32
      %add3A_265 = arith.addi %add3A_263, %add3A_264 : i32
      %dma_start3A_266 = arith.constant 0 : i32
      %dma_start3A_267 = tpu.memref_slice %arg6[%add3A_265, %dma_start3A_266] : memref<200x128xi32, #tpu.memory_space<vmem>> -> memref<1x128xi32, #tpu.memory_space<vmem>>
      %dma_start3A_268 = tpu.memref_squeeze %dma_start3A_267 : memref<1x128xi32, #tpu.memory_space<vmem>> -> memref<128xi32, #tpu.memory_space<vmem>>
      %dma_start3A_269 = arith.constant 0 : i32
      %dma_start3A_270 = arith.constant 0 : i32
      %dma_start3A_271 = tpu.memref_slice %arg2[%dma_start3A_269, %dma_start3A_270] : memref<1000000x128xf32, #tpu.memory_space<hbm>> -> memref<1000000x128xf32, #tpu.memory_space<hbm>>
      tpu.enqueue_indirect_dma source(%dma_start3A_271 : memref<1000000x128xf32, #tpu.memory_space<hbm>>) target(%arg8 : memref<128x128xf32, #tpu.memory_space<vmem>>) offsets(%dma_start3A_268 : memref<128xi32, #tpu.memory_space<vmem>>) semaphore(%arg13 : memref<!tpu.dma_semaphore, #tpu.memory_space<semaphore_mem>>)
      %dma_wait3A_272 = arith.constant 0 : i32
      %dma_wait3A_273 = tpu.memref_slice %arg6[%add3A_263, %dma_wait3A_272] : memref<200x128xi32, #tpu.memory_space<vmem>> -> memref<1x128xi32, #tpu.memory_space<vmem>>
      %dma_wait3A_274 = tpu.memref_squeeze %dma_wait3A_273 : memref<1x128xi32, #tpu.memory_space<vmem>> -> memref<128xi32, #tpu.memory_space<vmem>>
      %dma_wait3A_275 = arith.constant 0 : i32
      %dma_wait3A_276 = arith.constant 0 : i32
      %dma_wait3A_277 = tpu.memref_slice %arg2[%dma_wait3A_275, %dma_wait3A_276] : memref<1000000x128xf32, #tpu.memory_space<hbm>> -> memref<1000000x128xf32, #tpu.memory_space<hbm>>
      tpu.wait_indirect_dma semaphore(%arg14 : memref<!tpu.dma_semaphore, #tpu.memory_space<semaphore_mem>>) src(%dma_wait3A_277 : memref<1000000x128xf32, #tpu.memory_space<hbm>>) dst(%arg9 : memref<128x128xf32, #tpu.memory_space<vmem>>)
      %sub3A_278 = arith.constant 2 : i32
      %sub3A_279 = arith.subi %add3A_263, %sub3A_278 : i32
      %ge3A_280 = arith.constant 0 : i32
      %ge3A_281 = arith.cmpi sge, %sub3A_279, %ge3A_280 : i32
      %convert_element_type3A_282 = arith.extui %ge3A_281 : i1 to i32
      %cond3A_283 = arith.constant 0 : i32
      %cond3A_284 = arith.cmpi ne, %convert_element_type3A_282, %cond3A_283 : i32
      scf.if %cond3A_284 {
        %sub3A_338 = arith.constant 2 : i32
        %sub3A_339 = arith.subi %add3A_263, %sub3A_338 : i32
        %dma_wait3A_340 = arith.constant 0 : i32
        %dma_wait3A_341 = arith.constant 0 : i32
        %dma_wait3A_342 = arith.constant 0 : i32
        %dma_wait3A_343 = tpu.memref_slice %arg5[%sub3A_339, %dma_wait3A_340, %add3A, %dma_wait3A_341, %dma_wait3A_342] : memref<200x8x32x8x128xf32, #tpu.memory_space<hbm>> -> memref<1x8x1x8x128xf32, #tpu.memory_space<hbm>>
        %dma_wait3A_344 = tpu.memref_squeeze %dma_wait3A_343 : memref<1x8x1x8x128xf32, #tpu.memory_space<hbm>> -> memref<8x8x128xf32, #tpu.memory_space<hbm>>
        %dma_wait3A_345 = arith.constant 0 : i32
        %dma_wait3A_346 = arith.constant 0 : i32
        %dma_wait3A_347 = arith.constant 0 : i32
        %dma_wait3A_348 = tpu.memref_slice %arg5[%sub3A_339, %dma_wait3A_345, %add3A, %dma_wait3A_346, %dma_wait3A_347] : memref<200x8x32x8x128xf32, #tpu.memory_space<hbm>> -> memref<1x8x1x8x128xf32, #tpu.memory_space<hbm>>
        %dma_wait3A_349 = tpu.memref_squeeze %dma_wait3A_348 : memref<1x8x1x8x128xf32, #tpu.memory_space<hbm>> -> memref<8x8x128xf32, #tpu.memory_space<hbm>>
        tpu.wait_dma2 semaphore(%arg16 : memref<!tpu.dma_semaphore, #tpu.memory_space<semaphore_mem>>) src(%arg11 : memref<8x8x128xf32, #tpu.memory_space<vmem>>) dst(%dma_wait3A_349 : memref<8x8x128xf32, #tpu.memory_space<hbm>>)
      } else {
      }
      %scan3A_285 = arith.constant 0 : i32
      %scan3A_286 = arith.constant 64 : i32
      %scan3A_287 = arith.addi %scan3A_285, %scan3A_286 : i32
      %scan3A_288 = arith.constant 2 : i32
      scf.for %scan3A_338 = %scan3A_285 to %scan3A_287 step %scan3A_288  : i32 {
        %mul3A_339 = arith.constant 1 : i32
        %mul3A_340 = arith.muli %scan3A_338, %mul3A_339 : i32
        %add3A_341 = arith.constant 0 : i32
        %add3A_342 = arith.addi %add3A_341, %mul3A_340 : i32
        %add3A_343 = vector.broadcast %add3A_342 : i32 to vector<16xi32>
        %add3A_344 = arith.addi %iota3A, %add3A_343 : vector<16xi32>
        %jit3A = arith.constant 16 : i32
        %eq3A = arith.constant 0 : i32
        %eq3A_345 = arith.cmpi eq, %jit3A, %eq3A : i32
        %jit3A_346 = arith.constant 1 : i32
        %select_n3A = arith.select %eq3A_345, %jit3A_346, %jit3A : i32
        %rem3A = vector.broadcast %select_n3A : i32 to vector<16xi32>
        %rem3A_347 = arith.remsi %add3A_344, %rem3A : vector<16xi32>
        %ne3A = arith.constant 0 : i32
        %ne3A_348 = vector.broadcast %ne3A : i32 to vector<16xi32>
        %ne3A_349 = arith.cmpi ne, %rem3A_347, %ne3A_348 : vector<16xi32>
        %lt3A = arith.constant 0 : i32
        %lt3A_350 = vector.broadcast %lt3A : i32 to vector<16xi32>
        %lt3A_351 = arith.cmpi slt, %rem3A_347, %lt3A_350 : vector<16xi32>
        %lt3A_352 = arith.constant 0 : i32
        %lt3A_353 = arith.cmpi slt, %select_n3A, %lt3A_352 : i32
        %ne3A_354 = vector.broadcast %lt3A_353 : i1 to vector<16xi1>
        %ne3A_355 = vector.broadcast %ne3A_354 : vector<16xi1> to vector<16xi1>
        %ne3A_356 = arith.xori %lt3A_351, %ne3A_355 : vector<16xi1>
        %and3A = arith.andi %ne3A_356, %ne3A_349 : vector<16xi1>
        %add3A_357 = vector.broadcast %select_n3A : i32 to vector<16xi32>
        %add3A_358 = arith.addi %rem3A_347, %add3A_357 : vector<16xi32>
        %select_n3A_359 = arith.select %and3A, %add3A_358, %rem3A_347 : vector<16xi1>, vector<16xi32>
        %jit3A_360 = arith.constant 16 : i32
        %div3A = arith.divsi %add3A_342, %jit3A_360 : i32
        %sign3A = arith.constant 0 : i32
        %sign3A_361 = arith.cmpi sgt, %add3A_342, %sign3A : i32
        %sign3A_362 = arith.extui %sign3A_361 : i1 to i32
        %sign3A_363 = arith.constant 0 : i32
        %sign3A_364 = arith.cmpi slt, %add3A_342, %sign3A_363 : i32
        %sign3A_365 = arith.extui %sign3A_364 : i1 to i32
        %sign3A_366 = arith.subi %sign3A_362, %sign3A_365 : i32
        %sign3A_367 = arith.constant 0 : i32
        %sign3A_368 = arith.cmpi sgt, %jit3A_360, %sign3A_367 : i32
        %sign3A_369 = arith.extui %sign3A_368 : i1 to i32
        %sign3A_370 = arith.constant 0 : i32
        %sign3A_371 = arith.cmpi slt, %jit3A_360, %sign3A_370 : i32
        %sign3A_372 = arith.extui %sign3A_371 : i1 to i32
        %sign3A_373 = arith.subi %sign3A_369, %sign3A_372 : i32
        %ne3A_374 = arith.cmpi ne, %sign3A_366, %sign3A_373 : i32
        %rem3A_375 = arith.remsi %add3A_342, %jit3A_360 : i32
        %ne3A_376 = arith.constant 0 : i32
        %ne3A_377 = arith.cmpi ne, %rem3A_375, %ne3A_376 : i32
        %and3A_378 = arith.andi %ne3A_374, %ne3A_377 : i1
        %sub3A_379 = arith.constant 1 : i32
        %sub3A_380 = arith.subi %div3A, %sub3A_379 : i32
        %select_n3A_381 = arith.select %and3A_378, %sub3A_380, %div3A : i32
        %mul3A_382 = arith.constant 16 : i32
        %mul3A_383 = arith.muli %select_n3A_381, %mul3A_382 : i32
        %add3A_384 = vector.broadcast %mul3A_383 : i32 to vector<16xi32>
        %add3A_385 = arith.addi %add3A_384, %select_n3A_359 : vector<16xi32>
        %mul3A_386 = arith.constant 64 : i32
        %mul3A_387 = arith.muli %add3A_263, %mul3A_386 : i32
        %add3A_388 = vector.broadcast %mul3A_387 : i32 to vector<16xi32>
        %add3A_389 = arith.addi %add3A_385, %add3A_388 : vector<16xi32>
        %gather3A = tpu.vector_load_idx %arg7[%add3A_389] : memref<12800xf32, #tpu.memory_space<vmem>>[vector<16xi32>], vector<16xf32>,
        %jit3A_390 = arith.constant 8 : i32
        %div3A_391 = vector.broadcast %jit3A_390 : i32 to vector<16xi32>
        %div3A_392 = arith.divsi %select_n3A_359, %div3A_391 : vector<16xi32>
        %sign3A_393 = arith.constant 0 : i32
        %sign3A_394 = vector.broadcast %sign3A_393 : i32 to vector<16xi32>
        %sign3A_395 = arith.cmpi sgt, %select_n3A_359, %sign3A_394 : vector<16xi32>
        %sign3A_396 = arith.extui %sign3A_395 : vector<16xi1> to vector<16xi32>
        %sign3A_397 = arith.constant 0 : i32
        %sign3A_398 = vector.broadcast %sign3A_397 : i32 to vector<16xi32>
        %sign3A_399 = arith.cmpi slt, %select_n3A_359, %sign3A_398 : vector<16xi32>
        %sign3A_400 = arith.extui %sign3A_399 : vector<16xi1> to vector<16xi32>
        %sign3A_401 = arith.subi %sign3A_396, %sign3A_400 : vector<16xi32>
        %sign3A_402 = arith.constant 0 : i32
        %sign3A_403 = arith.cmpi sgt, %jit3A_390, %sign3A_402 : i32
        %sign3A_404 = arith.extui %sign3A_403 : i1 to i32
        %sign3A_405 = arith.constant 0 : i32
        %sign3A_406 = arith.cmpi slt, %jit3A_390, %sign3A_405 : i32
        %sign3A_407 = arith.extui %sign3A_406 : i1 to i32
        %sign3A_408 = arith.subi %sign3A_404, %sign3A_407 : i32
        %ne3A_409 = vector.broadcast %sign3A_408 : i32 to vector<16xi32>
        %ne3A_410 = arith.cmpi ne, %sign3A_401, %ne3A_409 : vector<16xi32>
        %rem3A_411 = vector.broadcast %jit3A_390 : i32 to vector<16xi32>
        %rem3A_412 = arith.remsi %select_n3A_359, %rem3A_411 : vector<16xi32>
        %ne3A_413 = arith.constant 0 : i32
        %ne3A_414 = vector.broadcast %ne3A_413 : i32 to vector<16xi32>
        %ne3A_415 = arith.cmpi ne, %rem3A_412, %ne3A_414 : vector<16xi32>
        %and3A_416 = arith.andi %ne3A_410, %ne3A_415 : vector<16xi1>
        %sub3A_417 = arith.constant 1 : i32
        %sub3A_418 = vector.broadcast %sub3A_417 : i32 to vector<16xi32>
        %sub3A_419 = arith.subi %div3A_392, %sub3A_418 : vector<16xi32>
        %select_n3A_420 = arith.select %and3A_416, %sub3A_419, %div3A_392 : vector<16xi1>, vector<16xi32>
        %jit3A_421 = arith.constant 16 : i32
        %div3A_422 = arith.divsi %add3A_342, %jit3A_421 : i32
        %sign3A_423 = arith.constant 0 : i32
        %sign3A_424 = arith.cmpi sgt, %add3A_342, %sign3A_423 : i32
        %sign3A_425 = arith.extui %sign3A_424 : i1 to i32
        %sign3A_426 = arith.constant 0 : i32
        %sign3A_427 = arith.cmpi slt, %add3A_342, %sign3A_426 : i32
        %sign3A_428 = arith.extui %sign3A_427 : i1 to i32
        %sign3A_429 = arith.subi %sign3A_425, %sign3A_428 : i32
        %sign3A_430 = arith.constant 0 : i32
        %sign3A_431 = arith.cmpi sgt, %jit3A_421, %sign3A_430 : i32
        %sign3A_432 = arith.extui %sign3A_431 : i1 to i32
        %sign3A_433 = arith.constant 0 : i32
        %sign3A_434 = arith.cmpi slt, %jit3A_421, %sign3A_433 : i32
        %sign3A_435 = arith.extui %sign3A_434 : i1 to i32
        %sign3A_436 = arith.subi %sign3A_432, %sign3A_435 : i32
        %ne3A_437 = arith.cmpi ne, %sign3A_429, %sign3A_436 : i32
        %rem3A_438 = arith.remsi %add3A_342, %jit3A_421 : i32
        %ne3A_439 = arith.constant 0 : i32
        %ne3A_440 = arith.cmpi ne, %rem3A_438, %ne3A_439 : i32
        %and3A_441 = arith.andi %ne3A_437, %ne3A_440 : i1
        %sub3A_442 = arith.constant 1 : i32
        %sub3A_443 = arith.subi %div3A_422, %sub3A_442 : i32
        %select_n3A_444 = arith.select %and3A_441, %sub3A_443, %div3A_422 : i32
        %mul3A_445 = arith.constant 2 : i32
        %mul3A_446 = arith.muli %mul3A_445, %select_n3A_444 : i32
        %add3A_447 = vector.broadcast %mul3A_446 : i32 to vector<16xi32>
        %add3A_448 = arith.addi %select_n3A_420, %add3A_447 : vector<16xi32>
        %jit3A_449 = arith.constant 8 : i32
        %eq3A_450 = arith.constant 0 : i32
        %eq3A_451 = arith.cmpi eq, %jit3A_449, %eq3A_450 : i32
        %jit3A_452 = arith.constant 1 : i32
        %select_n3A_453 = arith.select %eq3A_451, %jit3A_452, %jit3A_449 : i32
        %rem3A_454 = vector.broadcast %select_n3A_453 : i32 to vector<16xi32>
        %rem3A_455 = arith.remsi %select_n3A_359, %rem3A_454 : vector<16xi32>
        %ne3A_456 = arith.constant 0 : i32
        %ne3A_457 = vector.broadcast %ne3A_456 : i32 to vector<16xi32>
        %ne3A_458 = arith.cmpi ne, %rem3A_455, %ne3A_457 : vector<16xi32>
        %lt3A_459 = arith.constant 0 : i32
        %lt3A_460 = vector.broadcast %lt3A_459 : i32 to vector<16xi32>
        %lt3A_461 = arith.cmpi slt, %rem3A_455, %lt3A_460 : vector<16xi32>
        %lt3A_462 = arith.constant 0 : i32
        %lt3A_463 = arith.cmpi slt, %select_n3A_453, %lt3A_462 : i32
        %ne3A_464 = vector.broadcast %lt3A_463 : i1 to vector<16xi1>
        %ne3A_465 = vector.broadcast %ne3A_464 : vector<16xi1> to vector<16xi1>
        %ne3A_466 = arith.xori %lt3A_461, %ne3A_465 : vector<16xi1>
        %and3A_467 = arith.andi %ne3A_466, %ne3A_458 : vector<16xi1>
        %add3A_468 = vector.broadcast %select_n3A_453 : i32 to vector<16xi32>
        %add3A_469 = arith.addi %rem3A_455, %add3A_468 : vector<16xi32>
        %select_n3A_470 = arith.select %and3A_467, %add3A_469, %rem3A_455 : vector<16xi1>, vector<16xi32>
        %add3A_471 = arith.constant 0 : i32
        %add3A_472 = vector.broadcast %add3A_471 : i32 to vector<16xi32>
        %add3A_473 = arith.addi %iota3A, %add3A_472 : vector<16xi32>
        %gather3A_474 = tpu.vector_load_idx %arg9[%add3A_473, %add3A_385] : memref<128x128xf32, #tpu.memory_space<vmem>>[vector<16xi32>, vector<16xi32>], vector<16xf32>,
        %add3A_475 = arith.addf %gather3A_474, %gather3A : vector<16xf32>
        tpu.vector_store_idx %arg11[%add3A_448, %select_n3A_470, %add3A_473], %add3A_475 : memref<8x8x128xf32, #tpu.memory_space<vmem>>[vector<16xi32>, vector<16xi32>, vector<16xi32>], vector<16xf32>,
        %add3A_476 = arith.constant 16 : i32
        %add3A_477 = vector.broadcast %add3A_476 : i32 to vector<16xi32>
        %add3A_478 = arith.addi %iota3A, %add3A_477 : vector<16xi32>
        %gather3A_479 = tpu.vector_load_idx %arg9[%add3A_478, %add3A_385] : memref<128x128xf32, #tpu.memory_space<vmem>>[vector<16xi32>, vector<16xi32>], vector<16xf32>,
        %add3A_480 = arith.addf %gather3A_479, %gather3A : vector<16xf32>
        tpu.vector_store_idx %arg11[%add3A_448, %select_n3A_470, %add3A_478], %add3A_480 : memref<8x8x128xf32, #tpu.memory_space<vmem>>[vector<16xi32>, vector<16xi32>, vector<16xi32>], vector<16xf32>,
        %add3A_481 = arith.constant 32 : i32
        %add3A_482 = vector.broadcast %add3A_481 : i32 to vector<16xi32>
        %add3A_483 = arith.addi %iota3A, %add3A_482 : vector<16xi32>
        %gather3A_484 = tpu.vector_load_idx %arg9[%add3A_483, %add3A_385] : memref<128x128xf32, #tpu.memory_space<vmem>>[vector<16xi32>, vector<16xi32>], vector<16xf32>,
        %add3A_485 = arith.addf %gather3A_484, %gather3A : vector<16xf32>
        tpu.vector_store_idx %arg11[%add3A_448, %select_n3A_470, %add3A_483], %add3A_485 : memref<8x8x128xf32, #tpu.memory_space<vmem>>[vector<16xi32>, vector<16xi32>, vector<16xi32>], vector<16xf32>,
        %add3A_486 = arith.constant 48 : i32
        %add3A_487 = vector.broadcast %add3A_486 : i32 to vector<16xi32>
        %add3A_488 = arith.addi %iota3A, %add3A_487 : vector<16xi32>
        %gather3A_489 = tpu.vector_load_idx %arg9[%add3A_488, %add3A_385] : memref<128x128xf32, #tpu.memory_space<vmem>>[vector<16xi32>, vector<16xi32>], vector<16xf32>,
        %add3A_490 = arith.addf %gather3A_489, %gather3A : vector<16xf32>
        tpu.vector_store_idx %arg11[%add3A_448, %select_n3A_470, %add3A_488], %add3A_490 : memref<8x8x128xf32, #tpu.memory_space<vmem>>[vector<16xi32>, vector<16xi32>, vector<16xi32>], vector<16xf32>,
        %add3A_491 = arith.constant 64 : i32
        %add3A_492 = vector.broadcast %add3A_491 : i32 to vector<16xi32>
        %add3A_493 = arith.addi %iota3A, %add3A_492 : vector<16xi32>
        %gather3A_494 = tpu.vector_load_idx %arg9[%add3A_493, %add3A_385] : memref<128x128xf32, #tpu.memory_space<vmem>>[vector<16xi32>, vector<16xi32>], vector<16xf32>,
        %add3A_495 = arith.addf %gather3A_494, %gather3A : vector<16xf32>
        tpu.vector_store_idx %arg11[%add3A_448, %select_n3A_470, %add3A_493], %add3A_495 : memref<8x8x128xf32, #tpu.memory_space<vmem>>[vector<16xi32>, vector<16xi32>, vector<16xi32>], vector<16xf32>,
        %add3A_496 = arith.constant 80 : i32
        %add3A_497 = vector.broadcast %add3A_496 : i32 to vector<16xi32>
        %add3A_498 = arith.addi %iota3A, %add3A_497 : vector<16xi32>
        %gather3A_499 = tpu.vector_load_idx %arg9[%add3A_498, %add3A_385] : memref<128x128xf32, #tpu.memory_space<vmem>>[vector<16xi32>, vector<16xi32>], vector<16xf32>,
        %add3A_500 = arith.addf %gather3A_499, %gather3A : vector<16xf32>
        tpu.vector_store_idx %arg11[%add3A_448, %select_n3A_470, %add3A_498], %add3A_500 : memref<8x8x128xf32, #tpu.memory_space<vmem>>[vector<16xi32>, vector<16xi32>, vector<16xi32>], vector<16xf32>,
        %add3A_501 = arith.constant 96 : i32
        %add3A_502 = vector.broadcast %add3A_501 : i32 to vector<16xi32>
        %add3A_503 = arith.addi %iota3A, %add3A_502 : vector<16xi32>
        %gather3A_504 = tpu.vector_load_idx %arg9[%add3A_503, %add3A_385] : memref<128x128xf32, #tpu.memory_space<vmem>>[vector<16xi32>, vector<16xi32>], vector<16xf32>,
        %add3A_505 = arith.addf %gather3A_504, %gather3A : vector<16xf32>
        tpu.vector_store_idx %arg11[%add3A_448, %select_n3A_470, %add3A_503], %add3A_505 : memref<8x8x128xf32, #tpu.memory_space<vmem>>[vector<16xi32>, vector<16xi32>, vector<16xi32>], vector<16xf32>,
        %add3A_506 = arith.constant 112 : i32
        %add3A_507 = vector.broadcast %add3A_506 : i32 to vector<16xi32>
        %add3A_508 = arith.addi %iota3A, %add3A_507 : vector<16xi32>
        %gather3A_509 = tpu.vector_load_idx %arg9[%add3A_508, %add3A_385] : memref<128x128xf32, #tpu.memory_space<vmem>>[vector<16xi32>, vector<16xi32>], vector<16xf32>,
        %add3A_510 = arith.addf %gather3A_509, %gather3A : vector<16xf32>
        tpu.vector_store_idx %arg11[%add3A_448, %select_n3A_470, %add3A_508], %add3A_510 : memref<8x8x128xf32, #tpu.memory_space<vmem>>[vector<16xi32>, vector<16xi32>, vector<16xi32>], vector<16xf32>,
        %scan3A_511 = arith.constant 1 : i32
        %scan3A_512 = arith.addi %scan3A_338, %scan3A_511 : i32
        %mul3A_513 = arith.constant 1 : i32
        %mul3A_514 = arith.muli %scan3A_512, %mul3A_513 : i32
        %add3A_515 = arith.constant 0 : i32
        %add3A_516 = arith.addi %add3A_515, %mul3A_514 : i32
        %add3A_517 = vector.broadcast %add3A_516 : i32 to vector<16xi32>
        %add3A_518 = arith.addi %iota3A, %add3A_517 : vector<16xi32>
        %jit3A_519 = arith.constant 16 : i32
        %eq3A_520 = arith.constant 0 : i32
        %eq3A_521 = arith.cmpi eq, %jit3A_519, %eq3A_520 : i32
        %jit3A_522 = arith.constant 1 : i32
        %select_n3A_523 = arith.select %eq3A_521, %jit3A_522, %jit3A_519 : i32
        %rem3A_524 = vector.broadcast %select_n3A_523 : i32 to vector<16xi32>
        %rem3A_525 = arith.remsi %add3A_518, %rem3A_524 : vector<16xi32>
        %ne3A_526 = arith.constant 0 : i32
        %ne3A_527 = vector.broadcast %ne3A_526 : i32 to vector<16xi32>
        %ne3A_528 = arith.cmpi ne, %rem3A_525, %ne3A_527 : vector<16xi32>
        %lt3A_529 = arith.constant 0 : i32
        %lt3A_530 = vector.broadcast %lt3A_529 : i32 to vector<16xi32>
        %lt3A_531 = arith.cmpi slt, %rem3A_525, %lt3A_530 : vector<16xi32>
        %lt3A_532 = arith.constant 0 : i32
        %lt3A_533 = arith.cmpi slt, %select_n3A_523, %lt3A_532 : i32
        %ne3A_534 = vector.broadcast %lt3A_533 : i1 to vector<16xi1>
        %ne3A_535 = vector.broadcast %ne3A_534 : vector<16xi1> to vector<16xi1>
        %ne3A_536 = arith.xori %lt3A_531, %ne3A_535 : vector<16xi1>
        %and3A_537 = arith.andi %ne3A_536, %ne3A_528 : vector<16xi1>
        %add3A_538 = vector.broadcast %select_n3A_523 : i32 to vector<16xi32>
        %add3A_539 = arith.addi %rem3A_525, %add3A_538 : vector<16xi32>
        %select_n3A_540 = arith.select %and3A_537, %add3A_539, %rem3A_525 : vector<16xi1>, vector<16xi32>
        %jit3A_541 = arith.constant 16 : i32
        %div3A_542 = arith.divsi %add3A_516, %jit3A_541 : i32
        %sign3A_543 = arith.constant 0 : i32
        %sign3A_544 = arith.cmpi sgt, %add3A_516, %sign3A_543 : i32
        %sign3A_545 = arith.extui %sign3A_544 : i1 to i32
        %sign3A_546 = arith.constant 0 : i32
        %sign3A_547 = arith.cmpi slt, %add3A_516, %sign3A_546 : i32
        %sign3A_548 = arith.extui %sign3A_547 : i1 to i32
        %sign3A_549 = arith.subi %sign3A_545, %sign3A_548 : i32
        %sign3A_550 = arith.constant 0 : i32
        %sign3A_551 = arith.cmpi sgt, %jit3A_541, %sign3A_550 : i32
        %sign3A_552 = arith.extui %sign3A_551 : i1 to i32
        %sign3A_553 = arith.constant 0 : i32
        %sign3A_554 = arith.cmpi slt, %jit3A_541, %sign3A_553 : i32
        %sign3A_555 = arith.extui %sign3A_554 : i1 to i32
        %sign3A_556 = arith.subi %sign3A_552, %sign3A_555 : i32
        %ne3A_557 = arith.cmpi ne, %sign3A_549, %sign3A_556 : i32
        %rem3A_558 = arith.remsi %add3A_516, %jit3A_541 : i32
        %ne3A_559 = arith.constant 0 : i32
        %ne3A_560 = arith.cmpi ne, %rem3A_558, %ne3A_559 : i32
        %and3A_561 = arith.andi %ne3A_557, %ne3A_560 : i1
        %sub3A_562 = arith.constant 1 : i32
        %sub3A_563 = arith.subi %div3A_542, %sub3A_562 : i32
        %select_n3A_564 = arith.select %and3A_561, %sub3A_563, %div3A_542 : i32
        %mul3A_565 = arith.constant 16 : i32
        %mul3A_566 = arith.muli %select_n3A_564, %mul3A_565 : i32
        %add3A_567 = vector.broadcast %mul3A_566 : i32 to vector<16xi32>
        %add3A_568 = arith.addi %add3A_567, %select_n3A_540 : vector<16xi32>
        %mul3A_569 = arith.constant 64 : i32
        %mul3A_570 = arith.muli %add3A_263, %mul3A_569 : i32
        %add3A_571 = vector.broadcast %mul3A_570 : i32 to vector<16xi32>
        %add3A_572 = arith.addi %add3A_568, %add3A_571 : vector<16xi32>
        %gather3A_573 = tpu.vector_load_idx %arg7[%add3A_572] : memref<12800xf32, #tpu.memory_space<vmem>>[vector<16xi32>], vector<16xf32>,
        %jit3A_574 = arith.constant 8 : i32
        %div3A_575 = vector.broadcast %jit3A_574 : i32 to vector<16xi32>
        %div3A_576 = arith.divsi %select_n3A_540, %div3A_575 : vector<16xi32>
        %sign3A_577 = arith.constant 0 : i32
        %sign3A_578 = vector.broadcast %sign3A_577 : i32 to vector<16xi32>
        %sign3A_579 = arith.cmpi sgt, %select_n3A_540, %sign3A_578 : vector<16xi32>
        %sign3A_580 = arith.extui %sign3A_579 : vector<16xi1> to vector<16xi32>
        %sign3A_581 = arith.constant 0 : i32
        %sign3A_582 = vector.broadcast %sign3A_581 : i32 to vector<16xi32>
        %sign3A_583 = arith.cmpi slt, %select_n3A_540, %sign3A_582 : vector<16xi32>
        %sign3A_584 = arith.extui %sign3A_583 : vector<16xi1> to vector<16xi32>
        %sign3A_585 = arith.subi %sign3A_580, %sign3A_584 : vector<16xi32>
        %sign3A_586 = arith.constant 0 : i32
        %sign3A_587 = arith.cmpi sgt, %jit3A_574, %sign3A_586 : i32
        %sign3A_588 = arith.extui %sign3A_587 : i1 to i32
        %sign3A_589 = arith.constant 0 : i32
        %sign3A_590 = arith.cmpi slt, %jit3A_574, %sign3A_589 : i32
        %sign3A_591 = arith.extui %sign3A_590 : i1 to i32
        %sign3A_592 = arith.subi %sign3A_588, %sign3A_591 : i32
        %ne3A_593 = vector.broadcast %sign3A_592 : i32 to vector<16xi32>
        %ne3A_594 = arith.cmpi ne, %sign3A_585, %ne3A_593 : vector<16xi32>
        %rem3A_595 = vector.broadcast %jit3A_574 : i32 to vector<16xi32>
        %rem3A_596 = arith.remsi %select_n3A_540, %rem3A_595 : vector<16xi32>
        %ne3A_597 = arith.constant 0 : i32
        %ne3A_598 = vector.broadcast %ne3A_597 : i32 to vector<16xi32>
        %ne3A_599 = arith.cmpi ne, %rem3A_596, %ne3A_598 : vector<16xi32>
        %and3A_600 = arith.andi %ne3A_594, %ne3A_599 : vector<16xi1>
        %sub3A_601 = arith.constant 1 : i32
        %sub3A_602 = vector.broadcast %sub3A_601 : i32 to vector<16xi32>
        %sub3A_603 = arith.subi %div3A_576, %sub3A_602 : vector<16xi32>
        %select_n3A_604 = arith.select %and3A_600, %sub3A_603, %div3A_576 : vector<16xi1>, vector<16xi32>
        %jit3A_605 = arith.constant 16 : i32
        %div3A_606 = arith.divsi %add3A_516, %jit3A_605 : i32
        %sign3A_607 = arith.constant 0 : i32
        %sign3A_608 = arith.cmpi sgt, %add3A_516, %sign3A_607 : i32
        %sign3A_609 = arith.extui %sign3A_608 : i1 to i32
        %sign3A_610 = arith.constant 0 : i32
        %sign3A_611 = arith.cmpi slt, %add3A_516, %sign3A_610 : i32
        %sign3A_612 = arith.extui %sign3A_611 : i1 to i32
        %sign3A_613 = arith.subi %sign3A_609, %sign3A_612 : i32
        %sign3A_614 = arith.constant 0 : i32
        %sign3A_615 = arith.cmpi sgt, %jit3A_605, %sign3A_614 : i32
        %sign3A_616 = arith.extui %sign3A_615 : i1 to i32
        %sign3A_617 = arith.constant 0 : i32
        %sign3A_618 = arith.cmpi slt, %jit3A_605, %sign3A_617 : i32
        %sign3A_619 = arith.extui %sign3A_618 : i1 to i32
        %sign3A_620 = arith.subi %sign3A_616, %sign3A_619 : i32
        %ne3A_621 = arith.cmpi ne, %sign3A_613, %sign3A_620 : i32
        %rem3A_622 = arith.remsi %add3A_516, %jit3A_605 : i32
        %ne3A_623 = arith.constant 0 : i32
        %ne3A_624 = arith.cmpi ne, %rem3A_622, %ne3A_623 : i32
        %and3A_625 = arith.andi %ne3A_621, %ne3A_624 : i1
        %sub3A_626 = arith.constant 1 : i32
        %sub3A_627 = arith.subi %div3A_606, %sub3A_626 : i32
        %select_n3A_628 = arith.select %and3A_625, %sub3A_627, %div3A_606 : i32
        %mul3A_629 = arith.constant 2 : i32
        %mul3A_630 = arith.muli %mul3A_629, %select_n3A_628 : i32
        %add3A_631 = vector.broadcast %mul3A_630 : i32 to vector<16xi32>
        %add3A_632 = arith.addi %select_n3A_604, %add3A_631 : vector<16xi32>
        %jit3A_633 = arith.constant 8 : i32
        %eq3A_634 = arith.constant 0 : i32
        %eq3A_635 = arith.cmpi eq, %jit3A_633, %eq3A_634 : i32
        %jit3A_636 = arith.constant 1 : i32
        %select_n3A_637 = arith.select %eq3A_635, %jit3A_636, %jit3A_633 : i32
        %rem3A_638 = vector.broadcast %select_n3A_637 : i32 to vector<16xi32>
        %rem3A_639 = arith.remsi %select_n3A_540, %rem3A_638 : vector<16xi32>
        %ne3A_640 = arith.constant 0 : i32
        %ne3A_641 = vector.broadcast %ne3A_640 : i32 to vector<16xi32>
        %ne3A_642 = arith.cmpi ne, %rem3A_639, %ne3A_641 : vector<16xi32>
        %lt3A_643 = arith.constant 0 : i32
        %lt3A_644 = vector.broadcast %lt3A_643 : i32 to vector<16xi32>
        %lt3A_645 = arith.cmpi slt, %rem3A_639, %lt3A_644 : vector<16xi32>
        %lt3A_646 = arith.constant 0 : i32
        %lt3A_647 = arith.cmpi slt, %select_n3A_637, %lt3A_646 : i32
        %ne3A_648 = vector.broadcast %lt3A_647 : i1 to vector<16xi1>
        %ne3A_649 = vector.broadcast %ne3A_648 : vector<16xi1> to vector<16xi1>
        %ne3A_650 = arith.xori %lt3A_645, %ne3A_649 : vector<16xi1>
        %and3A_651 = arith.andi %ne3A_650, %ne3A_642 : vector<16xi1>
        %add3A_652 = vector.broadcast %select_n3A_637 : i32 to vector<16xi32>
        %add3A_653 = arith.addi %rem3A_639, %add3A_652 : vector<16xi32>
        %select_n3A_654 = arith.select %and3A_651, %add3A_653, %rem3A_639 : vector<16xi1>, vector<16xi32>
        %add3A_655 = arith.constant 0 : i32
        %add3A_656 = vector.broadcast %add3A_655 : i32 to vector<16xi32>
        %add3A_657 = arith.addi %iota3A, %add3A_656 : vector<16xi32>
        %gather3A_658 = tpu.vector_load_idx %arg9[%add3A_657, %add3A_568] : memref<128x128xf32, #tpu.memory_space<vmem>>[vector<16xi32>, vector<16xi32>], vector<16xf32>,
        %add3A_659 = arith.addf %gather3A_658, %gather3A_573 : vector<16xf32>
        tpu.vector_store_idx %arg11[%add3A_632, %select_n3A_654, %add3A_657], %add3A_659 : memref<8x8x128xf32, #tpu.memory_space<vmem>>[vector<16xi32>, vector<16xi32>, vector<16xi32>], vector<16xf32>,
        %add3A_660 = arith.constant 16 : i32
        %add3A_661 = vector.broadcast %add3A_660 : i32 to vector<16xi32>
        %add3A_662 = arith.addi %iota3A, %add3A_661 : vector<16xi32>
        %gather3A_663 = tpu.vector_load_idx %arg9[%add3A_662, %add3A_568] : memref<128x128xf32, #tpu.memory_space<vmem>>[vector<16xi32>, vector<16xi32>], vector<16xf32>,
        %add3A_664 = arith.addf %gather3A_663, %gather3A_573 : vector<16xf32>
        tpu.vector_store_idx %arg11[%add3A_632, %select_n3A_654, %add3A_662], %add3A_664 : memref<8x8x128xf32, #tpu.memory_space<vmem>>[vector<16xi32>, vector<16xi32>, vector<16xi32>], vector<16xf32>,
        %add3A_665 = arith.constant 32 : i32
        %add3A_666 = vector.broadcast %add3A_665 : i32 to vector<16xi32>
        %add3A_667 = arith.addi %iota3A, %add3A_666 : vector<16xi32>
        %gather3A_668 = tpu.vector_load_idx %arg9[%add3A_667, %add3A_568] : memref<128x128xf32, #tpu.memory_space<vmem>>[vector<16xi32>, vector<16xi32>], vector<16xf32>,
        %add3A_669 = arith.addf %gather3A_668, %gather3A_573 : vector<16xf32>
        tpu.vector_store_idx %arg11[%add3A_632, %select_n3A_654, %add3A_667], %add3A_669 : memref<8x8x128xf32, #tpu.memory_space<vmem>>[vector<16xi32>, vector<16xi32>, vector<16xi32>], vector<16xf32>,
        %add3A_670 = arith.constant 48 : i32
        %add3A_671 = vector.broadcast %add3A_670 : i32 to vector<16xi32>
        %add3A_672 = arith.addi %iota3A, %add3A_671 : vector<16xi32>
        %gather3A_673 = tpu.vector_load_idx %arg9[%add3A_672, %add3A_568] : memref<128x128xf32, #tpu.memory_space<vmem>>[vector<16xi32>, vector<16xi32>], vector<16xf32>,
        %add3A_674 = arith.addf %gather3A_673, %gather3A_573 : vector<16xf32>
        tpu.vector_store_idx %arg11[%add3A_632, %select_n3A_654, %add3A_672], %add3A_674 : memref<8x8x128xf32, #tpu.memory_space<vmem>>[vector<16xi32>, vector<16xi32>, vector<16xi32>], vector<16xf32>,
        %add3A_675 = arith.constant 64 : i32
        %add3A_676 = vector.broadcast %add3A_675 : i32 to vector<16xi32>
        %add3A_677 = arith.addi %iota3A, %add3A_676 : vector<16xi32>
        %gather3A_678 = tpu.vector_load_idx %arg9[%add3A_677, %add3A_568] : memref<128x128xf32, #tpu.memory_space<vmem>>[vector<16xi32>, vector<16xi32>], vector<16xf32>,
        %add3A_679 = arith.addf %gather3A_678, %gather3A_573 : vector<16xf32>
        tpu.vector_store_idx %arg11[%add3A_632, %select_n3A_654, %add3A_677], %add3A_679 : memref<8x8x128xf32, #tpu.memory_space<vmem>>[vector<16xi32>, vector<16xi32>, vector<16xi32>], vector<16xf32>,
        %add3A_680 = arith.constant 80 : i32
        %add3A_681 = vector.broadcast %add3A_680 : i32 to vector<16xi32>
        %add3A_682 = arith.addi %iota3A, %add3A_681 : vector<16xi32>
        %gather3A_683 = tpu.vector_load_idx %arg9[%add3A_682, %add3A_568] : memref<128x128xf32, #tpu.memory_space<vmem>>[vector<16xi32>, vector<16xi32>], vector<16xf32>,
        %add3A_684 = arith.addf %gather3A_683, %gather3A_573 : vector<16xf32>
        tpu.vector_store_idx %arg11[%add3A_632, %select_n3A_654, %add3A_682], %add3A_684 : memref<8x8x128xf32, #tpu.memory_space<vmem>>[vector<16xi32>, vector<16xi32>, vector<16xi32>], vector<16xf32>,
        %add3A_685 = arith.constant 96 : i32
        %add3A_686 = vector.broadcast %add3A_685 : i32 to vector<16xi32>
        %add3A_687 = arith.addi %iota3A, %add3A_686 : vector<16xi32>
        %gather3A_688 = tpu.vector_load_idx %arg9[%add3A_687, %add3A_568] : memref<128x128xf32, #tpu.memory_space<vmem>>[vector<16xi32>, vector<16xi32>], vector<16xf32>,
        %add3A_689 = arith.addf %gather3A_688, %gather3A_573 : vector<16xf32>
        tpu.vector_store_idx %arg11[%add3A_632, %select_n3A_654, %add3A_687], %add3A_689 : memref<8x8x128xf32, #tpu.memory_space<vmem>>[vector<16xi32>, vector<16xi32>, vector<16xi32>], vector<16xf32>,
        %add3A_690 = arith.constant 112 : i32
        %add3A_691 = vector.broadcast %add3A_690 : i32 to vector<16xi32>
        %add3A_692 = arith.addi %iota3A, %add3A_691 : vector<16xi32>
        %gather3A_693 = tpu.vector_load_idx %arg9[%add3A_692, %add3A_568] : memref<128x128xf32, #tpu.memory_space<vmem>>[vector<16xi32>, vector<16xi32>], vector<16xf32>,
        %add3A_694 = arith.addf %gather3A_693, %gather3A_573 : vector<16xf32>
        tpu.vector_store_idx %arg11[%add3A_632, %select_n3A_654, %add3A_692], %add3A_694 : memref<8x8x128xf32, #tpu.memory_space<vmem>>[vector<16xi32>, vector<16xi32>, vector<16xi32>], vector<16xf32>,
      }
      %scan3A_289 = arith.constant 64 : i32
      %dma_start3A_290 = arith.constant 0 : i32
      %dma_start3A_291 = arith.constant 0 : i32
      %dma_start3A_292 = arith.constant 0 : i32
      %dma_start3A_293 = tpu.memref_slice %arg5[%add3A_263, %dma_start3A_290, %add3A, %dma_start3A_291, %dma_start3A_292] : memref<200x8x32x8x128xf32, #tpu.memory_space<hbm>> -> memref<1x8x1x8x128xf32, #tpu.memory_space<hbm>>
      %dma_start3A_294 = tpu.memref_squeeze %dma_start3A_293 : memref<1x8x1x8x128xf32, #tpu.memory_space<hbm>> -> memref<8x8x128xf32, #tpu.memory_space<hbm>>
      %dma_start3A_295 = arith.constant 0 : i32
      %dma_start3A_296 = arith.constant 0 : i32
      %dma_start3A_297 = arith.constant 0 : i32
      %dma_start3A_298 = tpu.memref_slice %arg5[%add3A_263, %dma_start3A_295, %add3A, %dma_start3A_296, %dma_start3A_297] : memref<200x8x32x8x128xf32, #tpu.memory_space<hbm>> -> memref<1x8x1x8x128xf32, #tpu.memory_space<hbm>>
      %dma_start3A_299 = tpu.memref_squeeze %dma_start3A_298 : memref<1x8x1x8x128xf32, #tpu.memory_space<hbm>> -> memref<8x8x128xf32, #tpu.memory_space<hbm>>
      tpu.enqueue_dma source(%arg11 : memref<8x8x128xf32, #tpu.memory_space<vmem>>) target(%dma_start3A_299 : memref<8x8x128xf32, #tpu.memory_space<hbm>>) target_semaphore(%arg16 : memref<!tpu.dma_semaphore, #tpu.memory_space<semaphore_mem>>)
      %add3A_300 = arith.constant 5 : i32
      %add3A_301 = arith.addi %add3A_113, %add3A_300 : i32
      %add3A_302 = arith.constant 2 : i32
      %add3A_303 = arith.addi %add3A_301, %add3A_302 : i32
      %dma_start3A_304 = arith.constant 0 : i32
      %dma_start3A_305 = tpu.memref_slice %arg6[%add3A_303, %dma_start3A_304] : memref<200x128xi32, #tpu.memory_space<vmem>> -> memref<1x128xi32, #tpu.memory_space<vmem>>
      %dma_start3A_306 = tpu.memref_squeeze %dma_start3A_305 : memref<1x128xi32, #tpu.memory_space<vmem>> -> memref<128xi32, #tpu.memory_space<vmem>>
      %dma_start3A_307 = arith.constant 0 : i32
      %dma_start3A_308 = arith.constant 0 : i32
      %dma_start3A_309 = tpu.memref_slice %arg2[%dma_start3A_307, %dma_start3A_308] : memref<1000000x128xf32, #tpu.memory_space<hbm>> -> memref<1000000x128xf32, #tpu.memory_space<hbm>>
      tpu.enqueue_indirect_dma source(%dma_start3A_309 : memref<1000000x128xf32, #tpu.memory_space<hbm>>) target(%arg9 : memref<128x128xf32, #tpu.memory_space<vmem>>) offsets(%dma_start3A_306 : memref<128xi32, #tpu.memory_space<vmem>>) semaphore(%arg14 : memref<!tpu.dma_semaphore, #tpu.memory_space<semaphore_mem>>)
      %dma_wait3A_310 = arith.constant 0 : i32
      %dma_wait3A_311 = tpu.memref_slice %arg6[%add3A_301, %dma_wait3A_310] : memref<200x128xi32, #tpu.memory_space<vmem>> -> memref<1x128xi32, #tpu.memory_space<vmem>>
      %dma_wait3A_312 = tpu.memref_squeeze %dma_wait3A_311 : memref<1x128xi32, #tpu.memory_space<vmem>> -> memref<128xi32, #tpu.memory_space<vmem>>
      %dma_wait3A_313 = arith.constant 0 : i32
      %dma_wait3A_314 = arith.constant 0 : i32
      %dma_wait3A_315 = tpu.memref_slice %arg2[%dma_wait3A_313, %dma_wait3A_314] : memref<1000000x128xf32, #tpu.memory_space<hbm>> -> memref<1000000x128xf32, #tpu.memory_space<hbm>>
      tpu.wait_indirect_dma semaphore(%arg15 : memref<!tpu.dma_semaphore, #tpu.memory_space<semaphore_mem>>) src(%dma_wait3A_315 : memref<1000000x128xf32, #tpu.memory_space<hbm>>) dst(%arg10 : memref<128x128xf32, #tpu.memory_space<vmem>>)
      %sub3A_316 = arith.constant 2 : i32
      %sub3A_317 = arith.subi %add3A_301, %sub3A_316 : i32
      %ge3A_318 = arith.constant 0 : i32
      %ge3A_319 = arith.cmpi sge, %sub3A_317, %ge3A_318 : i32
      %convert_element_type3A_320 = arith.extui %ge3A_319 : i1 to i32
      %cond3A_321 = arith.constant 0 : i32
      %cond3A_322 = arith.cmpi ne, %convert_element_type3A_320, %cond3A_321 : i32
      scf.if %cond3A_322 {
        %sub3A_338 = arith.constant 2 : i32
        %sub3A_339 = arith.subi %add3A_301, %sub3A_338 : i32
        %dma_wait3A_340 = arith.constant 0 : i32
        %dma_wait3A_341 = arith.constant 0 : i32
        %dma_wait3A_342 = arith.constant 0 : i32
        %dma_wait3A_343 = tpu.memref_slice %arg5[%sub3A_339, %dma_wait3A_340, %add3A, %dma_wait3A_341, %dma_wait3A_342] : memref<200x8x32x8x128xf32, #tpu.memory_space<hbm>> -> memref<1x8x1x8x128xf32, #tpu.memory_space<hbm>>
        %dma_wait3A_344 = tpu.memref_squeeze %dma_wait3A_343 : memref<1x8x1x8x128xf32, #tpu.memory_space<hbm>> -> memref<8x8x128xf32, #tpu.memory_space<hbm>>
        %dma_wait3A_345 = arith.constant 0 : i32
        %dma_wait3A_346 = arith.constant 0 : i32
        %dma_wait3A_347 = arith.constant 0 : i32
        %dma_wait3A_348 = tpu.memref_slice %arg5[%sub3A_339, %dma_wait3A_345, %add3A, %dma_wait3A_346, %dma_wait3A_347] : memref<200x8x32x8x128xf32, #tpu.memory_space<hbm>> -> memref<1x8x1x8x128xf32, #tpu.memory_space<hbm>>
        %dma_wait3A_349 = tpu.memref_squeeze %dma_wait3A_348 : memref<1x8x1x8x128xf32, #tpu.memory_space<hbm>> -> memref<8x8x128xf32, #tpu.memory_space<hbm>>
        tpu.wait_dma2 semaphore(%arg17 : memref<!tpu.dma_semaphore, #tpu.memory_space<semaphore_mem>>) src(%arg12 : memref<8x8x128xf32, #tpu.memory_space<vmem>>) dst(%dma_wait3A_349 : memref<8x8x128xf32, #tpu.memory_space<hbm>>)
      } else {
      }
      %scan3A_323 = arith.constant 0 : i32
      %scan3A_324 = arith.constant 64 : i32
      %scan3A_325 = arith.addi %scan3A_323, %scan3A_324 : i32
      %scan3A_326 = arith.constant 2 : i32
      scf.for %scan3A_338 = %scan3A_323 to %scan3A_325 step %scan3A_326  : i32 {
        %mul3A_339 = arith.constant 1 : i32
        %mul3A_340 = arith.muli %scan3A_338, %mul3A_339 : i32
        %add3A_341 = arith.constant 0 : i32
        %add3A_342 = arith.addi %add3A_341, %mul3A_340 : i32
        %add3A_343 = vector.broadcast %add3A_342 : i32 to vector<16xi32>
        %add3A_344 = arith.addi %iota3A, %add3A_343 : vector<16xi32>
        %jit3A = arith.constant 16 : i32
        %eq3A = arith.constant 0 : i32
        %eq3A_345 = arith.cmpi eq, %jit3A, %eq3A : i32
        %jit3A_346 = arith.constant 1 : i32
        %select_n3A = arith.select %eq3A_345, %jit3A_346, %jit3A : i32
        %rem3A = vector.broadcast %select_n3A : i32 to vector<16xi32>
        %rem3A_347 = arith.remsi %add3A_344, %rem3A : vector<16xi32>
        %ne3A = arith.constant 0 : i32
        %ne3A_348 = vector.broadcast %ne3A : i32 to vector<16xi32>
        %ne3A_349 = arith.cmpi ne, %rem3A_347, %ne3A_348 : vector<16xi32>
        %lt3A = arith.constant 0 : i32
        %lt3A_350 = vector.broadcast %lt3A : i32 to vector<16xi32>
        %lt3A_351 = arith.cmpi slt, %rem3A_347, %lt3A_350 : vector<16xi32>
        %lt3A_352 = arith.constant 0 : i32
        %lt3A_353 = arith.cmpi slt, %select_n3A, %lt3A_352 : i32
        %ne3A_354 = vector.broadcast %lt3A_353 : i1 to vector<16xi1>
        %ne3A_355 = vector.broadcast %ne3A_354 : vector<16xi1> to vector<16xi1>
        %ne3A_356 = arith.xori %lt3A_351, %ne3A_355 : vector<16xi1>
        %and3A = arith.andi %ne3A_356, %ne3A_349 : vector<16xi1>
        %add3A_357 = vector.broadcast %select_n3A : i32 to vector<16xi32>
        %add3A_358 = arith.addi %rem3A_347, %add3A_357 : vector<16xi32>
        %select_n3A_359 = arith.select %and3A, %add3A_358, %rem3A_347 : vector<16xi1>, vector<16xi32>
        %jit3A_360 = arith.constant 16 : i32
        %div3A = arith.divsi %add3A_342, %jit3A_360 : i32
        %sign3A = arith.constant 0 : i32
        %sign3A_361 = arith.cmpi sgt, %add3A_342, %sign3A : i32
        %sign3A_362 = arith.extui %sign3A_361 : i1 to i32
        %sign3A_363 = arith.constant 0 : i32
        %sign3A_364 = arith.cmpi slt, %add3A_342, %sign3A_363 : i32
        %sign3A_365 = arith.extui %sign3A_364 : i1 to i32
        %sign3A_366 = arith.subi %sign3A_362, %sign3A_365 : i32
        %sign3A_367 = arith.constant 0 : i32
        %sign3A_368 = arith.cmpi sgt, %jit3A_360, %sign3A_367 : i32
        %sign3A_369 = arith.extui %sign3A_368 : i1 to i32
        %sign3A_370 = arith.constant 0 : i32
        %sign3A_371 = arith.cmpi slt, %jit3A_360, %sign3A_370 : i32
        %sign3A_372 = arith.extui %sign3A_371 : i1 to i32
        %sign3A_373 = arith.subi %sign3A_369, %sign3A_372 : i32
        %ne3A_374 = arith.cmpi ne, %sign3A_366, %sign3A_373 : i32
        %rem3A_375 = arith.remsi %add3A_342, %jit3A_360 : i32
        %ne3A_376 = arith.constant 0 : i32
        %ne3A_377 = arith.cmpi ne, %rem3A_375, %ne3A_376 : i32
        %and3A_378 = arith.andi %ne3A_374, %ne3A_377 : i1
        %sub3A_379 = arith.constant 1 : i32
        %sub3A_380 = arith.subi %div3A, %sub3A_379 : i32
        %select_n3A_381 = arith.select %and3A_378, %sub3A_380, %div3A : i32
        %mul3A_382 = arith.constant 16 : i32
        %mul3A_383 = arith.muli %select_n3A_381, %mul3A_382 : i32
        %add3A_384 = vector.broadcast %mul3A_383 : i32 to vector<16xi32>
        %add3A_385 = arith.addi %add3A_384, %select_n3A_359 : vector<16xi32>
        %mul3A_386 = arith.constant 64 : i32
        %mul3A_387 = arith.muli %add3A_301, %mul3A_386 : i32
        %add3A_388 = vector.broadcast %mul3A_387 : i32 to vector<16xi32>
        %add3A_389 = arith.addi %add3A_385, %add3A_388 : vector<16xi32>
        %gather3A = tpu.vector_load_idx %arg7[%add3A_389] : memref<12800xf32, #tpu.memory_space<vmem>>[vector<16xi32>], vector<16xf32>,
        %jit3A_390 = arith.constant 8 : i32
        %div3A_391 = vector.broadcast %jit3A_390 : i32 to vector<16xi32>
        %div3A_392 = arith.divsi %select_n3A_359, %div3A_391 : vector<16xi32>
        %sign3A_393 = arith.constant 0 : i32
        %sign3A_394 = vector.broadcast %sign3A_393 : i32 to vector<16xi32>
        %sign3A_395 = arith.cmpi sgt, %select_n3A_359, %sign3A_394 : vector<16xi32>
        %sign3A_396 = arith.extui %sign3A_395 : vector<16xi1> to vector<16xi32>
        %sign3A_397 = arith.constant 0 : i32
        %sign3A_398 = vector.broadcast %sign3A_397 : i32 to vector<16xi32>
        %sign3A_399 = arith.cmpi slt, %select_n3A_359, %sign3A_398 : vector<16xi32>
        %sign3A_400 = arith.extui %sign3A_399 : vector<16xi1> to vector<16xi32>
        %sign3A_401 = arith.subi %sign3A_396, %sign3A_400 : vector<16xi32>
        %sign3A_402 = arith.constant 0 : i32
        %sign3A_403 = arith.cmpi sgt, %jit3A_390, %sign3A_402 : i32
        %sign3A_404 = arith.extui %sign3A_403 : i1 to i32
        %sign3A_405 = arith.constant 0 : i32
        %sign3A_406 = arith.cmpi slt, %jit3A_390, %sign3A_405 : i32
        %sign3A_407 = arith.extui %sign3A_406 : i1 to i32
        %sign3A_408 = arith.subi %sign3A_404, %sign3A_407 : i32
        %ne3A_409 = vector.broadcast %sign3A_408 : i32 to vector<16xi32>
        %ne3A_410 = arith.cmpi ne, %sign3A_401, %ne3A_409 : vector<16xi32>
        %rem3A_411 = vector.broadcast %jit3A_390 : i32 to vector<16xi32>
        %rem3A_412 = arith.remsi %select_n3A_359, %rem3A_411 : vector<16xi32>
        %ne3A_413 = arith.constant 0 : i32
        %ne3A_414 = vector.broadcast %ne3A_413 : i32 to vector<16xi32>
        %ne3A_415 = arith.cmpi ne, %rem3A_412, %ne3A_414 : vector<16xi32>
        %and3A_416 = arith.andi %ne3A_410, %ne3A_415 : vector<16xi1>
        %sub3A_417 = arith.constant 1 : i32
        %sub3A_418 = vector.broadcast %sub3A_417 : i32 to vector<16xi32>
        %sub3A_419 = arith.subi %div3A_392, %sub3A_418 : vector<16xi32>
        %select_n3A_420 = arith.select %and3A_416, %sub3A_419, %div3A_392 : vector<16xi1>, vector<16xi32>
        %jit3A_421 = arith.constant 16 : i32
        %div3A_422 = arith.divsi %add3A_342, %jit3A_421 : i32
        %sign3A_423 = arith.constant 0 : i32
        %sign3A_424 = arith.cmpi sgt, %add3A_342, %sign3A_423 : i32
        %sign3A_425 = arith.extui %sign3A_424 : i1 to i32
        %sign3A_426 = arith.constant 0 : i32
        %sign3A_427 = arith.cmpi slt, %add3A_342, %sign3A_426 : i32
        %sign3A_428 = arith.extui %sign3A_427 : i1 to i32
        %sign3A_429 = arith.subi %sign3A_425, %sign3A_428 : i32
        %sign3A_430 = arith.constant 0 : i32
        %sign3A_431 = arith.cmpi sgt, %jit3A_421, %sign3A_430 : i32
        %sign3A_432 = arith.extui %sign3A_431 : i1 to i32
        %sign3A_433 = arith.constant 0 : i32
        %sign3A_434 = arith.cmpi slt, %jit3A_421, %sign3A_433 : i32
        %sign3A_435 = arith.extui %sign3A_434 : i1 to i32
        %sign3A_436 = arith.subi %sign3A_432, %sign3A_435 : i32
        %ne3A_437 = arith.cmpi ne, %sign3A_429, %sign3A_436 : i32
        %rem3A_438 = arith.remsi %add3A_342, %jit3A_421 : i32
        %ne3A_439 = arith.constant 0 : i32
        %ne3A_440 = arith.cmpi ne, %rem3A_438, %ne3A_439 : i32
        %and3A_441 = arith.andi %ne3A_437, %ne3A_440 : i1
        %sub3A_442 = arith.constant 1 : i32
        %sub3A_443 = arith.subi %div3A_422, %sub3A_442 : i32
        %select_n3A_444 = arith.select %and3A_441, %sub3A_443, %div3A_422 : i32
        %mul3A_445 = arith.constant 2 : i32
        %mul3A_446 = arith.muli %mul3A_445, %select_n3A_444 : i32
        %add3A_447 = vector.broadcast %mul3A_446 : i32 to vector<16xi32>
        %add3A_448 = arith.addi %select_n3A_420, %add3A_447 : vector<16xi32>
        %jit3A_449 = arith.constant 8 : i32
        %eq3A_450 = arith.constant 0 : i32
        %eq3A_451 = arith.cmpi eq, %jit3A_449, %eq3A_450 : i32
        %jit3A_452 = arith.constant 1 : i32
        %select_n3A_453 = arith.select %eq3A_451, %jit3A_452, %jit3A_449 : i32
        %rem3A_454 = vector.broadcast %select_n3A_453 : i32 to vector<16xi32>
        %rem3A_455 = arith.remsi %select_n3A_359, %rem3A_454 : vector<16xi32>
        %ne3A_456 = arith.constant 0 : i32
        %ne3A_457 = vector.broadcast %ne3A_456 : i32 to vector<16xi32>
        %ne3A_458 = arith.cmpi ne, %rem3A_455, %ne3A_457 : vector<16xi32>
        %lt3A_459 = arith.constant 0 : i32
        %lt3A_460 = vector.broadcast %lt3A_459 : i32 to vector<16xi32>
        %lt3A_461 = arith.cmpi slt, %rem3A_455, %lt3A_460 : vector<16xi32>
        %lt3A_462 = arith.constant 0 : i32
        %lt3A_463 = arith.cmpi slt, %select_n3A_453, %lt3A_462 : i32
        %ne3A_464 = vector.broadcast %lt3A_463 : i1 to vector<16xi1>
        %ne3A_465 = vector.broadcast %ne3A_464 : vector<16xi1> to vector<16xi1>
        %ne3A_466 = arith.xori %lt3A_461, %ne3A_465 : vector<16xi1>
        %and3A_467 = arith.andi %ne3A_466, %ne3A_458 : vector<16xi1>
        %add3A_468 = vector.broadcast %select_n3A_453 : i32 to vector<16xi32>
        %add3A_469 = arith.addi %rem3A_455, %add3A_468 : vector<16xi32>
        %select_n3A_470 = arith.select %and3A_467, %add3A_469, %rem3A_455 : vector<16xi1>, vector<16xi32>
        %add3A_471 = arith.constant 0 : i32
        %add3A_472 = vector.broadcast %add3A_471 : i32 to vector<16xi32>
        %add3A_473 = arith.addi %iota3A, %add3A_472 : vector<16xi32>
        %gather3A_474 = tpu.vector_load_idx %arg10[%add3A_473, %add3A_385] : memref<128x128xf32, #tpu.memory_space<vmem>>[vector<16xi32>, vector<16xi32>], vector<16xf32>,
        %add3A_475 = arith.addf %gather3A_474, %gather3A : vector<16xf32>
        tpu.vector_store_idx %arg12[%add3A_448, %select_n3A_470, %add3A_473], %add3A_475 : memref<8x8x128xf32, #tpu.memory_space<vmem>>[vector<16xi32>, vector<16xi32>, vector<16xi32>], vector<16xf32>,
        %add3A_476 = arith.constant 16 : i32
        %add3A_477 = vector.broadcast %add3A_476 : i32 to vector<16xi32>
        %add3A_478 = arith.addi %iota3A, %add3A_477 : vector<16xi32>
        %gather3A_479 = tpu.vector_load_idx %arg10[%add3A_478, %add3A_385] : memref<128x128xf32, #tpu.memory_space<vmem>>[vector<16xi32>, vector<16xi32>], vector<16xf32>,
        %add3A_480 = arith.addf %gather3A_479, %gather3A : vector<16xf32>
        tpu.vector_store_idx %arg12[%add3A_448, %select_n3A_470, %add3A_478], %add3A_480 : memref<8x8x128xf32, #tpu.memory_space<vmem>>[vector<16xi32>, vector<16xi32>, vector<16xi32>], vector<16xf32>,
        %add3A_481 = arith.constant 32 : i32
        %add3A_482 = vector.broadcast %add3A_481 : i32 to vector<16xi32>
        %add3A_483 = arith.addi %iota3A, %add3A_482 : vector<16xi32>
        %gather3A_484 = tpu.vector_load_idx %arg10[%add3A_483, %add3A_385] : memref<128x128xf32, #tpu.memory_space<vmem>>[vector<16xi32>, vector<16xi32>], vector<16xf32>,
        %add3A_485 = arith.addf %gather3A_484, %gather3A : vector<16xf32>
        tpu.vector_store_idx %arg12[%add3A_448, %select_n3A_470, %add3A_483], %add3A_485 : memref<8x8x128xf32, #tpu.memory_space<vmem>>[vector<16xi32>, vector<16xi32>, vector<16xi32>], vector<16xf32>,
        %add3A_486 = arith.constant 48 : i32
        %add3A_487 = vector.broadcast %add3A_486 : i32 to vector<16xi32>
        %add3A_488 = arith.addi %iota3A, %add3A_487 : vector<16xi32>
        %gather3A_489 = tpu.vector_load_idx %arg10[%add3A_488, %add3A_385] : memref<128x128xf32, #tpu.memory_space<vmem>>[vector<16xi32>, vector<16xi32>], vector<16xf32>,
        %add3A_490 = arith.addf %gather3A_489, %gather3A : vector<16xf32>
        tpu.vector_store_idx %arg12[%add3A_448, %select_n3A_470, %add3A_488], %add3A_490 : memref<8x8x128xf32, #tpu.memory_space<vmem>>[vector<16xi32>, vector<16xi32>, vector<16xi32>], vector<16xf32>,
        %add3A_491 = arith.constant 64 : i32
        %add3A_492 = vector.broadcast %add3A_491 : i32 to vector<16xi32>
        %add3A_493 = arith.addi %iota3A, %add3A_492 : vector<16xi32>
        %gather3A_494 = tpu.vector_load_idx %arg10[%add3A_493, %add3A_385] : memref<128x128xf32, #tpu.memory_space<vmem>>[vector<16xi32>, vector<16xi32>], vector<16xf32>,
        %add3A_495 = arith.addf %gather3A_494, %gather3A : vector<16xf32>
        tpu.vector_store_idx %arg12[%add3A_448, %select_n3A_470, %add3A_493], %add3A_495 : memref<8x8x128xf32, #tpu.memory_space<vmem>>[vector<16xi32>, vector<16xi32>, vector<16xi32>], vector<16xf32>,
        %add3A_496 = arith.constant 80 : i32
        %add3A_497 = vector.broadcast %add3A_496 : i32 to vector<16xi32>
        %add3A_498 = arith.addi %iota3A, %add3A_497 : vector<16xi32>
        %gather3A_499 = tpu.vector_load_idx %arg10[%add3A_498, %add3A_385] : memref<128x128xf32, #tpu.memory_space<vmem>>[vector<16xi32>, vector<16xi32>], vector<16xf32>,
        %add3A_500 = arith.addf %gather3A_499, %gather3A : vector<16xf32>
        tpu.vector_store_idx %arg12[%add3A_448, %select_n3A_470, %add3A_498], %add3A_500 : memref<8x8x128xf32, #tpu.memory_space<vmem>>[vector<16xi32>, vector<16xi32>, vector<16xi32>], vector<16xf32>,
        %add3A_501 = arith.constant 96 : i32
        %add3A_502 = vector.broadcast %add3A_501 : i32 to vector<16xi32>
        %add3A_503 = arith.addi %iota3A, %add3A_502 : vector<16xi32>
        %gather3A_504 = tpu.vector_load_idx %arg10[%add3A_503, %add3A_385] : memref<128x128xf32, #tpu.memory_space<vmem>>[vector<16xi32>, vector<16xi32>], vector<16xf32>,
        %add3A_505 = arith.addf %gather3A_504, %gather3A : vector<16xf32>
        tpu.vector_store_idx %arg12[%add3A_448, %select_n3A_470, %add3A_503], %add3A_505 : memref<8x8x128xf32, #tpu.memory_space<vmem>>[vector<16xi32>, vector<16xi32>, vector<16xi32>], vector<16xf32>,
        %add3A_506 = arith.constant 112 : i32
        %add3A_507 = vector.broadcast %add3A_506 : i32 to vector<16xi32>
        %add3A_508 = arith.addi %iota3A, %add3A_507 : vector<16xi32>
        %gather3A_509 = tpu.vector_load_idx %arg10[%add3A_508, %add3A_385] : memref<128x128xf32, #tpu.memory_space<vmem>>[vector<16xi32>, vector<16xi32>], vector<16xf32>,
        %add3A_510 = arith.addf %gather3A_509, %gather3A : vector<16xf32>
        tpu.vector_store_idx %arg12[%add3A_448, %select_n3A_470, %add3A_508], %add3A_510 : memref<8x8x128xf32, #tpu.memory_space<vmem>>[vector<16xi32>, vector<16xi32>, vector<16xi32>], vector<16xf32>,
        %scan3A_511 = arith.constant 1 : i32
        %scan3A_512 = arith.addi %scan3A_338, %scan3A_511 : i32
        %mul3A_513 = arith.constant 1 : i32
        %mul3A_514 = arith.muli %scan3A_512, %mul3A_513 : i32
        %add3A_515 = arith.constant 0 : i32
        %add3A_516 = arith.addi %add3A_515, %mul3A_514 : i32
        %add3A_517 = vector.broadcast %add3A_516 : i32 to vector<16xi32>
        %add3A_518 = arith.addi %iota3A, %add3A_517 : vector<16xi32>
        %jit3A_519 = arith.constant 16 : i32
        %eq3A_520 = arith.constant 0 : i32
        %eq3A_521 = arith.cmpi eq, %jit3A_519, %eq3A_520 : i32
        %jit3A_522 = arith.constant 1 : i32
        %select_n3A_523 = arith.select %eq3A_521, %jit3A_522, %jit3A_519 : i32
        %rem3A_524 = vector.broadcast %select_n3A_523 : i32 to vector<16xi32>
        %rem3A_525 = arith.remsi %add3A_518, %rem3A_524 : vector<16xi32>
        %ne3A_526 = arith.constant 0 : i32
        %ne3A_527 = vector.broadcast %ne3A_526 : i32 to vector<16xi32>
        %ne3A_528 = arith.cmpi ne, %rem3A_525, %ne3A_527 : vector<16xi32>
        %lt3A_529 = arith.constant 0 : i32
        %lt3A_530 = vector.broadcast %lt3A_529 : i32 to vector<16xi32>
        %lt3A_531 = arith.cmpi slt, %rem3A_525, %lt3A_530 : vector<16xi32>
        %lt3A_532 = arith.constant 0 : i32
        %lt3A_533 = arith.cmpi slt, %select_n3A_523, %lt3A_532 : i32
        %ne3A_534 = vector.broadcast %lt3A_533 : i1 to vector<16xi1>
        %ne3A_535 = vector.broadcast %ne3A_534 : vector<16xi1> to vector<16xi1>
        %ne3A_536 = arith.xori %lt3A_531, %ne3A_535 : vector<16xi1>
        %and3A_537 = arith.andi %ne3A_536, %ne3A_528 : vector<16xi1>
        %add3A_538 = vector.broadcast %select_n3A_523 : i32 to vector<16xi32>
        %add3A_539 = arith.addi %rem3A_525, %add3A_538 : vector<16xi32>
        %select_n3A_540 = arith.select %and3A_537, %add3A_539, %rem3A_525 : vector<16xi1>, vector<16xi32>
        %jit3A_541 = arith.constant 16 : i32
        %div3A_542 = arith.divsi %add3A_516, %jit3A_541 : i32
        %sign3A_543 = arith.constant 0 : i32
        %sign3A_544 = arith.cmpi sgt, %add3A_516, %sign3A_543 : i32
        %sign3A_545 = arith.extui %sign3A_544 : i1 to i32
        %sign3A_546 = arith.constant 0 : i32
        %sign3A_547 = arith.cmpi slt, %add3A_516, %sign3A_546 : i32
        %sign3A_548 = arith.extui %sign3A_547 : i1 to i32
        %sign3A_549 = arith.subi %sign3A_545, %sign3A_548 : i32
        %sign3A_550 = arith.constant 0 : i32
        %sign3A_551 = arith.cmpi sgt, %jit3A_541, %sign3A_550 : i32
        %sign3A_552 = arith.extui %sign3A_551 : i1 to i32
        %sign3A_553 = arith.constant 0 : i32
        %sign3A_554 = arith.cmpi slt, %jit3A_541, %sign3A_553 : i32
        %sign3A_555 = arith.extui %sign3A_554 : i1 to i32
        %sign3A_556 = arith.subi %sign3A_552, %sign3A_555 : i32
        %ne3A_557 = arith.cmpi ne, %sign3A_549, %sign3A_556 : i32
        %rem3A_558 = arith.remsi %add3A_516, %jit3A_541 : i32
        %ne3A_559 = arith.constant 0 : i32
        %ne3A_560 = arith.cmpi ne, %rem3A_558, %ne3A_559 : i32
        %and3A_561 = arith.andi %ne3A_557, %ne3A_560 : i1
        %sub3A_562 = arith.constant 1 : i32
        %sub3A_563 = arith.subi %div3A_542, %sub3A_562 : i32
        %select_n3A_564 = arith.select %and3A_561, %sub3A_563, %div3A_542 : i32
        %mul3A_565 = arith.constant 16 : i32
        %mul3A_566 = arith.muli %select_n3A_564, %mul3A_565 : i32
        %add3A_567 = vector.broadcast %mul3A_566 : i32 to vector<16xi32>
        %add3A_568 = arith.addi %add3A_567, %select_n3A_540 : vector<16xi32>
        %mul3A_569 = arith.constant 64 : i32
        %mul3A_570 = arith.muli %add3A_301, %mul3A_569 : i32
        %add3A_571 = vector.broadcast %mul3A_570 : i32 to vector<16xi32>
        %add3A_572 = arith.addi %add3A_568, %add3A_571 : vector<16xi32>
        %gather3A_573 = tpu.vector_load_idx %arg7[%add3A_572] : memref<12800xf32, #tpu.memory_space<vmem>>[vector<16xi32>], vector<16xf32>,
        %jit3A_574 = arith.constant 8 : i32
        %div3A_575 = vector.broadcast %jit3A_574 : i32 to vector<16xi32>
        %div3A_576 = arith.divsi %select_n3A_540, %div3A_575 : vector<16xi32>
        %sign3A_577 = arith.constant 0 : i32
        %sign3A_578 = vector.broadcast %sign3A_577 : i32 to vector<16xi32>
        %sign3A_579 = arith.cmpi sgt, %select_n3A_540, %sign3A_578 : vector<16xi32>
        %sign3A_580 = arith.extui %sign3A_579 : vector<16xi1> to vector<16xi32>
        %sign3A_581 = arith.constant 0 : i32
        %sign3A_582 = vector.broadcast %sign3A_581 : i32 to vector<16xi32>
        %sign3A_583 = arith.cmpi slt, %select_n3A_540, %sign3A_582 : vector<16xi32>
        %sign3A_584 = arith.extui %sign3A_583 : vector<16xi1> to vector<16xi32>
        %sign3A_585 = arith.subi %sign3A_580, %sign3A_584 : vector<16xi32>
        %sign3A_586 = arith.constant 0 : i32
        %sign3A_587 = arith.cmpi sgt, %jit3A_574, %sign3A_586 : i32
        %sign3A_588 = arith.extui %sign3A_587 : i1 to i32
        %sign3A_589 = arith.constant 0 : i32
        %sign3A_590 = arith.cmpi slt, %jit3A_574, %sign3A_589 : i32
        %sign3A_591 = arith.extui %sign3A_590 : i1 to i32
        %sign3A_592 = arith.subi %sign3A_588, %sign3A_591 : i32
        %ne3A_593 = vector.broadcast %sign3A_592 : i32 to vector<16xi32>
        %ne3A_594 = arith.cmpi ne, %sign3A_585, %ne3A_593 : vector<16xi32>
        %rem3A_595 = vector.broadcast %jit3A_574 : i32 to vector<16xi32>
        %rem3A_596 = arith.remsi %select_n3A_540, %rem3A_595 : vector<16xi32>
        %ne3A_597 = arith.constant 0 : i32
        %ne3A_598 = vector.broadcast %ne3A_597 : i32 to vector<16xi32>
        %ne3A_599 = arith.cmpi ne, %rem3A_596, %ne3A_598 : vector<16xi32>
        %and3A_600 = arith.andi %ne3A_594, %ne3A_599 : vector<16xi1>
        %sub3A_601 = arith.constant 1 : i32
        %sub3A_602 = vector.broadcast %sub3A_601 : i32 to vector<16xi32>
        %sub3A_603 = arith.subi %div3A_576, %sub3A_602 : vector<16xi32>
        %select_n3A_604 = arith.select %and3A_600, %sub3A_603, %div3A_576 : vector<16xi1>, vector<16xi32>
        %jit3A_605 = arith.constant 16 : i32
        %div3A_606 = arith.divsi %add3A_516, %jit3A_605 : i32
        %sign3A_607 = arith.constant 0 : i32
        %sign3A_608 = arith.cmpi sgt, %add3A_516, %sign3A_607 : i32
        %sign3A_609 = arith.extui %sign3A_608 : i1 to i32
        %sign3A_610 = arith.constant 0 : i32
        %sign3A_611 = arith.cmpi slt, %add3A_516, %sign3A_610 : i32
        %sign3A_612 = arith.extui %sign3A_611 : i1 to i32
        %sign3A_613 = arith.subi %sign3A_609, %sign3A_612 : i32
        %sign3A_614 = arith.constant 0 : i32
        %sign3A_615 = arith.cmpi sgt, %jit3A_605, %sign3A_614 : i32
        %sign3A_616 = arith.extui %sign3A_615 : i1 to i32
        %sign3A_617 = arith.constant 0 : i32
        %sign3A_618 = arith.cmpi slt, %jit3A_605, %sign3A_617 : i32
        %sign3A_619 = arith.extui %sign3A_618 : i1 to i32
        %sign3A_620 = arith.subi %sign3A_616, %sign3A_619 : i32
        %ne3A_621 = arith.cmpi ne, %sign3A_613, %sign3A_620 : i32
        %rem3A_622 = arith.remsi %add3A_516, %jit3A_605 : i32
        %ne3A_623 = arith.constant 0 : i32
        %ne3A_624 = arith.cmpi ne, %rem3A_622, %ne3A_623 : i32
        %and3A_625 = arith.andi %ne3A_621, %ne3A_624 : i1
        %sub3A_626 = arith.constant 1 : i32
        %sub3A_627 = arith.subi %div3A_606, %sub3A_626 : i32
        %select_n3A_628 = arith.select %and3A_625, %sub3A_627, %div3A_606 : i32
        %mul3A_629 = arith.constant 2 : i32
        %mul3A_630 = arith.muli %mul3A_629, %select_n3A_628 : i32
        %add3A_631 = vector.broadcast %mul3A_630 : i32 to vector<16xi32>
        %add3A_632 = arith.addi %select_n3A_604, %add3A_631 : vector<16xi32>
        %jit3A_633 = arith.constant 8 : i32
        %eq3A_634 = arith.constant 0 : i32
        %eq3A_635 = arith.cmpi eq, %jit3A_633, %eq3A_634 : i32
        %jit3A_636 = arith.constant 1 : i32
        %select_n3A_637 = arith.select %eq3A_635, %jit3A_636, %jit3A_633 : i32
        %rem3A_638 = vector.broadcast %select_n3A_637 : i32 to vector<16xi32>
        %rem3A_639 = arith.remsi %select_n3A_540, %rem3A_638 : vector<16xi32>
        %ne3A_640 = arith.constant 0 : i32
        %ne3A_641 = vector.broadcast %ne3A_640 : i32 to vector<16xi32>
        %ne3A_642 = arith.cmpi ne, %rem3A_639, %ne3A_641 : vector<16xi32>
        %lt3A_643 = arith.constant 0 : i32
        %lt3A_644 = vector.broadcast %lt3A_643 : i32 to vector<16xi32>
        %lt3A_645 = arith.cmpi slt, %rem3A_639, %lt3A_644 : vector<16xi32>
        %lt3A_646 = arith.constant 0 : i32
        %lt3A_647 = arith.cmpi slt, %select_n3A_637, %lt3A_646 : i32
        %ne3A_648 = vector.broadcast %lt3A_647 : i1 to vector<16xi1>
        %ne3A_649 = vector.broadcast %ne3A_648 : vector<16xi1> to vector<16xi1>
        %ne3A_650 = arith.xori %lt3A_645, %ne3A_649 : vector<16xi1>
        %and3A_651 = arith.andi %ne3A_650, %ne3A_642 : vector<16xi1>
        %add3A_652 = vector.broadcast %select_n3A_637 : i32 to vector<16xi32>
        %add3A_653 = arith.addi %rem3A_639, %add3A_652 : vector<16xi32>
        %select_n3A_654 = arith.select %and3A_651, %add3A_653, %rem3A_639 : vector<16xi1>, vector<16xi32>
        %add3A_655 = arith.constant 0 : i32
        %add3A_656 = vector.broadcast %add3A_655 : i32 to vector<16xi32>
        %add3A_657 = arith.addi %iota3A, %add3A_656 : vector<16xi32>
        %gather3A_658 = tpu.vector_load_idx %arg10[%add3A_657, %add3A_568] : memref<128x128xf32, #tpu.memory_space<vmem>>[vector<16xi32>, vector<16xi32>], vector<16xf32>,
        %add3A_659 = arith.addf %gather3A_658, %gather3A_573 : vector<16xf32>
        tpu.vector_store_idx %arg12[%add3A_632, %select_n3A_654, %add3A_657], %add3A_659 : memref<8x8x128xf32, #tpu.memory_space<vmem>>[vector<16xi32>, vector<16xi32>, vector<16xi32>], vector<16xf32>,
        %add3A_660 = arith.constant 16 : i32
        %add3A_661 = vector.broadcast %add3A_660 : i32 to vector<16xi32>
        %add3A_662 = arith.addi %iota3A, %add3A_661 : vector<16xi32>
        %gather3A_663 = tpu.vector_load_idx %arg10[%add3A_662, %add3A_568] : memref<128x128xf32, #tpu.memory_space<vmem>>[vector<16xi32>, vector<16xi32>], vector<16xf32>,
        %add3A_664 = arith.addf %gather3A_663, %gather3A_573 : vector<16xf32>
        tpu.vector_store_idx %arg12[%add3A_632, %select_n3A_654, %add3A_662], %add3A_664 : memref<8x8x128xf32, #tpu.memory_space<vmem>>[vector<16xi32>, vector<16xi32>, vector<16xi32>], vector<16xf32>,
        %add3A_665 = arith.constant 32 : i32
        %add3A_666 = vector.broadcast %add3A_665 : i32 to vector<16xi32>
        %add3A_667 = arith.addi %iota3A, %add3A_666 : vector<16xi32>
        %gather3A_668 = tpu.vector_load_idx %arg10[%add3A_667, %add3A_568] : memref<128x128xf32, #tpu.memory_space<vmem>>[vector<16xi32>, vector<16xi32>], vector<16xf32>,
        %add3A_669 = arith.addf %gather3A_668, %gather3A_573 : vector<16xf32>
        tpu.vector_store_idx %arg12[%add3A_632, %select_n3A_654, %add3A_667], %add3A_669 : memref<8x8x128xf32, #tpu.memory_space<vmem>>[vector<16xi32>, vector<16xi32>, vector<16xi32>], vector<16xf32>,
        %add3A_670 = arith.constant 48 : i32
        %add3A_671 = vector.broadcast %add3A_670 : i32 to vector<16xi32>
        %add3A_672 = arith.addi %iota3A, %add3A_671 : vector<16xi32>
        %gather3A_673 = tpu.vector_load_idx %arg10[%add3A_672, %add3A_568] : memref<128x128xf32, #tpu.memory_space<vmem>>[vector<16xi32>, vector<16xi32>], vector<16xf32>,
        %add3A_674 = arith.addf %gather3A_673, %gather3A_573 : vector<16xf32>
        tpu.vector_store_idx %arg12[%add3A_632, %select_n3A_654, %add3A_672], %add3A_674 : memref<8x8x128xf32, #tpu.memory_space<vmem>>[vector<16xi32>, vector<16xi32>, vector<16xi32>], vector<16xf32>,
        %add3A_675 = arith.constant 64 : i32
        %add3A_676 = vector.broadcast %add3A_675 : i32 to vector<16xi32>
        %add3A_677 = arith.addi %iota3A, %add3A_676 : vector<16xi32>
        %gather3A_678 = tpu.vector_load_idx %arg10[%add3A_677, %add3A_568] : memref<128x128xf32, #tpu.memory_space<vmem>>[vector<16xi32>, vector<16xi32>], vector<16xf32>,
        %add3A_679 = arith.addf %gather3A_678, %gather3A_573 : vector<16xf32>
        tpu.vector_store_idx %arg12[%add3A_632, %select_n3A_654, %add3A_677], %add3A_679 : memref<8x8x128xf32, #tpu.memory_space<vmem>>[vector<16xi32>, vector<16xi32>, vector<16xi32>], vector<16xf32>,
        %add3A_680 = arith.constant 80 : i32
        %add3A_681 = vector.broadcast %add3A_680 : i32 to vector<16xi32>
        %add3A_682 = arith.addi %iota3A, %add3A_681 : vector<16xi32>
        %gather3A_683 = tpu.vector_load_idx %arg10[%add3A_682, %add3A_568] : memref<128x128xf32, #tpu.memory_space<vmem>>[vector<16xi32>, vector<16xi32>], vector<16xf32>,
        %add3A_684 = arith.addf %gather3A_683, %gather3A_573 : vector<16xf32>
        tpu.vector_store_idx %arg12[%add3A_632, %select_n3A_654, %add3A_682], %add3A_684 : memref<8x8x128xf32, #tpu.memory_space<vmem>>[vector<16xi32>, vector<16xi32>, vector<16xi32>], vector<16xf32>,
        %add3A_685 = arith.constant 96 : i32
        %add3A_686 = vector.broadcast %add3A_685 : i32 to vector<16xi32>
        %add3A_687 = arith.addi %iota3A, %add3A_686 : vector<16xi32>
        %gather3A_688 = tpu.vector_load_idx %arg10[%add3A_687, %add3A_568] : memref<128x128xf32, #tpu.memory_space<vmem>>[vector<16xi32>, vector<16xi32>], vector<16xf32>,
        %add3A_689 = arith.addf %gather3A_688, %gather3A_573 : vector<16xf32>
        tpu.vector_store_idx %arg12[%add3A_632, %select_n3A_654, %add3A_687], %add3A_689 : memref<8x8x128xf32, #tpu.memory_space<vmem>>[vector<16xi32>, vector<16xi32>, vector<16xi32>], vector<16xf32>,
        %add3A_690 = arith.constant 112 : i32
        %add3A_691 = vector.broadcast %add3A_690 : i32 to vector<16xi32>
        %add3A_692 = arith.addi %iota3A, %add3A_691 : vector<16xi32>
        %gather3A_693 = tpu.vector_load_idx %arg10[%add3A_692, %add3A_568] : memref<128x128xf32, #tpu.memory_space<vmem>>[vector<16xi32>, vector<16xi32>], vector<16xf32>,
        %add3A_694 = arith.addf %gather3A_693, %gather3A_573 : vector<16xf32>
        tpu.vector_store_idx %arg12[%add3A_632, %select_n3A_654, %add3A_692], %add3A_694 : memref<8x8x128xf32, #tpu.memory_space<vmem>>[vector<16xi32>, vector<16xi32>, vector<16xi32>], vector<16xf32>,
      }
      %scan3A_327 = arith.constant 64 : i32
      %dma_start3A_328 = arith.constant 0 : i32
      %dma_start3A_329 = arith.constant 0 : i32
      %dma_start3A_330 = arith.constant 0 : i32
      %dma_start3A_331 = tpu.memref_slice %arg5[%add3A_301, %dma_start3A_328, %add3A, %dma_start3A_329, %dma_start3A_330] : memref<200x8x32x8x128xf32, #tpu.memory_space<hbm>> -> memref<1x8x1x8x128xf32, #tpu.memory_space<hbm>>
      %dma_start3A_332 = tpu.memref_squeeze %dma_start3A_331 : memref<1x8x1x8x128xf32, #tpu.memory_space<hbm>> -> memref<8x8x128xf32, #tpu.memory_space<hbm>>
      %dma_start3A_333 = arith.constant 0 : i32
      %dma_start3A_334 = arith.constant 0 : i32
      %dma_start3A_335 = arith.constant 0 : i32
      %dma_start3A_336 = tpu.memref_slice %arg5[%add3A_301, %dma_start3A_333, %add3A, %dma_start3A_334, %dma_start3A_335] : memref<200x8x32x8x128xf32, #tpu.memory_space<hbm>> -> memref<1x8x1x8x128xf32, #tpu.memory_space<hbm>>
      %dma_start3A_337 = tpu.memref_squeeze %dma_start3A_336 : memref<1x8x1x8x128xf32, #tpu.memory_space<hbm>> -> memref<8x8x128xf32, #tpu.memory_space<hbm>>
      tpu.enqueue_dma source(%arg12 : memref<8x8x128xf32, #tpu.memory_space<vmem>>) target(%dma_start3A_337 : memref<8x8x128xf32, #tpu.memory_space<hbm>>) target_semaphore(%arg17 : memref<!tpu.dma_semaphore, #tpu.memory_space<semaphore_mem>>)
    }
    %scan3A_19 = arith.constant 33 : i32
    %dma_wait3A = arith.constant 198 : i32
    %dma_wait3A_20 = arith.constant 0 : i32
    %dma_wait3A_21 = tpu.memref_slice %arg6[%dma_wait3A, %dma_wait3A_20] : memref<200x128xi32, #tpu.memory_space<vmem>> -> memref<1x128xi32, #tpu.memory_space<vmem>>
    %dma_wait3A_22 = tpu.memref_squeeze %dma_wait3A_21 : memref<1x128xi32, #tpu.memory_space<vmem>> -> memref<128xi32, #tpu.memory_space<vmem>>
    %dma_wait3A_23 = arith.constant 0 : i32
    %dma_wait3A_24 = arith.constant 0 : i32
    %dma_wait3A_25 = tpu.memref_slice %arg2[%dma_wait3A_23, %dma_wait3A_24] : memref<1000000x128xf32, #tpu.memory_space<hbm>> -> memref<1000000x128xf32, #tpu.memory_space<hbm>>
    tpu.wait_indirect_dma semaphore(%arg13 : memref<!tpu.dma_semaphore, #tpu.memory_space<semaphore_mem>>) src(%dma_wait3A_25 : memref<1000000x128xf32, #tpu.memory_space<hbm>>) dst(%arg8 : memref<128x128xf32, #tpu.memory_space<vmem>>)
    %dma_wait3A_26 = arith.constant 196 : i32
    %dma_wait3A_27 = arith.constant 0 : i32
    %dma_wait3A_28 = arith.constant 0 : i32
    %dma_wait3A_29 = arith.constant 0 : i32
    %dma_wait3A_30 = tpu.memref_slice %arg5[%dma_wait3A_26, %dma_wait3A_27, %add3A, %dma_wait3A_28, %dma_wait3A_29] : memref<200x8x32x8x128xf32, #tpu.memory_space<hbm>> -> memref<1x8x1x8x128xf32, #tpu.memory_space<hbm>>
    %dma_wait3A_31 = tpu.memref_squeeze %dma_wait3A_30 : memref<1x8x1x8x128xf32, #tpu.memory_space<hbm>> -> memref<8x8x128xf32, #tpu.memory_space<hbm>>
    %dma_wait3A_32 = arith.constant 0 : i32
    %dma_wait3A_33 = arith.constant 0 : i32
    %dma_wait3A_34 = arith.constant 0 : i32
    %dma_wait3A_35 = tpu.memref_slice %arg5[%dma_wait3A_26, %dma_wait3A_32, %add3A, %dma_wait3A_33, %dma_wait3A_34] : memref<200x8x32x8x128xf32, #tpu.memory_space<hbm>> -> memref<1x8x1x8x128xf32, #tpu.memory_space<hbm>>
    %dma_wait3A_36 = tpu.memref_squeeze %dma_wait3A_35 : memref<1x8x1x8x128xf32, #tpu.memory_space<hbm>> -> memref<8x8x128xf32, #tpu.memory_space<hbm>>
    tpu.wait_dma2 semaphore(%arg16 : memref<!tpu.dma_semaphore, #tpu.memory_space<semaphore_mem>>) src(%arg11 : memref<8x8x128xf32, #tpu.memory_space<vmem>>) dst(%dma_wait3A_36 : memref<8x8x128xf32, #tpu.memory_space<hbm>>)
    %scan3A_37 = arith.constant 0 : i32
    %scan3A_38 = arith.constant 64 : i32
    %scan3A_39 = arith.addi %scan3A_37, %scan3A_38 : i32
    %scan3A_40 = arith.constant 2 : i32
    scf.for %scan3A_109 = %scan3A_37 to %scan3A_39 step %scan3A_40  : i32 {
      %mul3A_110 = arith.constant 1 : i32
      %mul3A_111 = arith.muli %scan3A_109, %mul3A_110 : i32
      %add3A_112 = arith.constant 0 : i32
      %add3A_113 = arith.addi %add3A_112, %mul3A_111 : i32
      %add3A_114 = vector.broadcast %add3A_113 : i32 to vector<16xi32>
      %add3A_115 = arith.addi %iota3A, %add3A_114 : vector<16xi32>
      %jit3A = arith.constant 16 : i32
      %eq3A = arith.constant 0 : i32
      %eq3A_116 = arith.cmpi eq, %jit3A, %eq3A : i32
      %jit3A_117 = arith.constant 1 : i32
      %select_n3A = arith.select %eq3A_116, %jit3A_117, %jit3A : i32
      %rem3A = vector.broadcast %select_n3A : i32 to vector<16xi32>
      %rem3A_118 = arith.remsi %add3A_115, %rem3A : vector<16xi32>
      %ne3A = arith.constant 0 : i32
      %ne3A_119 = vector.broadcast %ne3A : i32 to vector<16xi32>
      %ne3A_120 = arith.cmpi ne, %rem3A_118, %ne3A_119 : vector<16xi32>
      %lt3A = arith.constant 0 : i32
      %lt3A_121 = vector.broadcast %lt3A : i32 to vector<16xi32>
      %lt3A_122 = arith.cmpi slt, %rem3A_118, %lt3A_121 : vector<16xi32>
      %lt3A_123 = arith.constant 0 : i32
      %lt3A_124 = arith.cmpi slt, %select_n3A, %lt3A_123 : i32
      %ne3A_125 = vector.broadcast %lt3A_124 : i1 to vector<16xi1>
      %ne3A_126 = vector.broadcast %ne3A_125 : vector<16xi1> to vector<16xi1>
      %ne3A_127 = arith.xori %lt3A_122, %ne3A_126 : vector<16xi1>
      %and3A = arith.andi %ne3A_127, %ne3A_120 : vector<16xi1>
      %add3A_128 = vector.broadcast %select_n3A : i32 to vector<16xi32>
      %add3A_129 = arith.addi %rem3A_118, %add3A_128 : vector<16xi32>
      %select_n3A_130 = arith.select %and3A, %add3A_129, %rem3A_118 : vector<16xi1>, vector<16xi32>
      %jit3A_131 = arith.constant 16 : i32
      %div3A = arith.divsi %add3A_113, %jit3A_131 : i32
      %sign3A = arith.constant 0 : i32
      %sign3A_132 = arith.cmpi sgt, %add3A_113, %sign3A : i32
      %sign3A_133 = arith.extui %sign3A_132 : i1 to i32
      %sign3A_134 = arith.constant 0 : i32
      %sign3A_135 = arith.cmpi slt, %add3A_113, %sign3A_134 : i32
      %sign3A_136 = arith.extui %sign3A_135 : i1 to i32
      %sign3A_137 = arith.subi %sign3A_133, %sign3A_136 : i32
      %sign3A_138 = arith.constant 0 : i32
      %sign3A_139 = arith.cmpi sgt, %jit3A_131, %sign3A_138 : i32
      %sign3A_140 = arith.extui %sign3A_139 : i1 to i32
      %sign3A_141 = arith.constant 0 : i32
      %sign3A_142 = arith.cmpi slt, %jit3A_131, %sign3A_141 : i32
      %sign3A_143 = arith.extui %sign3A_142 : i1 to i32
      %sign3A_144 = arith.subi %sign3A_140, %sign3A_143 : i32
      %ne3A_145 = arith.cmpi ne, %sign3A_137, %sign3A_144 : i32
      %rem3A_146 = arith.remsi %add3A_113, %jit3A_131 : i32
      %ne3A_147 = arith.constant 0 : i32
      %ne3A_148 = arith.cmpi ne, %rem3A_146, %ne3A_147 : i32
      %and3A_149 = arith.andi %ne3A_145, %ne3A_148 : i1
      %sub3A = arith.constant 1 : i32
      %sub3A_150 = arith.subi %div3A, %sub3A : i32
      %select_n3A_151 = arith.select %and3A_149, %sub3A_150, %div3A : i32
      %mul3A_152 = arith.constant 16 : i32
      %mul3A_153 = arith.muli %select_n3A_151, %mul3A_152 : i32
      %add3A_154 = vector.broadcast %mul3A_153 : i32 to vector<16xi32>
      %add3A_155 = arith.addi %add3A_154, %select_n3A_130 : vector<16xi32>
      %add3A_156 = arith.constant 12672 : i32
      %add3A_157 = vector.broadcast %add3A_156 : i32 to vector<16xi32>
      %add3A_158 = arith.addi %add3A_155, %add3A_157 : vector<16xi32>
      %gather3A = tpu.vector_load_idx %arg7[%add3A_158] : memref<12800xf32, #tpu.memory_space<vmem>>[vector<16xi32>], vector<16xf32>,
      %jit3A_159 = arith.constant 8 : i32
      %div3A_160 = vector.broadcast %jit3A_159 : i32 to vector<16xi32>
      %div3A_161 = arith.divsi %select_n3A_130, %div3A_160 : vector<16xi32>
      %sign3A_162 = arith.constant 0 : i32
      %sign3A_163 = vector.broadcast %sign3A_162 : i32 to vector<16xi32>
      %sign3A_164 = arith.cmpi sgt, %select_n3A_130, %sign3A_163 : vector<16xi32>
      %sign3A_165 = arith.extui %sign3A_164 : vector<16xi1> to vector<16xi32>
      %sign3A_166 = arith.constant 0 : i32
      %sign3A_167 = vector.broadcast %sign3A_166 : i32 to vector<16xi32>
      %sign3A_168 = arith.cmpi slt, %select_n3A_130, %sign3A_167 : vector<16xi32>
      %sign3A_169 = arith.extui %sign3A_168 : vector<16xi1> to vector<16xi32>
      %sign3A_170 = arith.subi %sign3A_165, %sign3A_169 : vector<16xi32>
      %sign3A_171 = arith.constant 0 : i32
      %sign3A_172 = arith.cmpi sgt, %jit3A_159, %sign3A_171 : i32
      %sign3A_173 = arith.extui %sign3A_172 : i1 to i32
      %sign3A_174 = arith.constant 0 : i32
      %sign3A_175 = arith.cmpi slt, %jit3A_159, %sign3A_174 : i32
      %sign3A_176 = arith.extui %sign3A_175 : i1 to i32
      %sign3A_177 = arith.subi %sign3A_173, %sign3A_176 : i32
      %ne3A_178 = vector.broadcast %sign3A_177 : i32 to vector<16xi32>
      %ne3A_179 = arith.cmpi ne, %sign3A_170, %ne3A_178 : vector<16xi32>
      %rem3A_180 = vector.broadcast %jit3A_159 : i32 to vector<16xi32>
      %rem3A_181 = arith.remsi %select_n3A_130, %rem3A_180 : vector<16xi32>
      %ne3A_182 = arith.constant 0 : i32
      %ne3A_183 = vector.broadcast %ne3A_182 : i32 to vector<16xi32>
      %ne3A_184 = arith.cmpi ne, %rem3A_181, %ne3A_183 : vector<16xi32>
      %and3A_185 = arith.andi %ne3A_179, %ne3A_184 : vector<16xi1>
      %sub3A_186 = arith.constant 1 : i32
      %sub3A_187 = vector.broadcast %sub3A_186 : i32 to vector<16xi32>
      %sub3A_188 = arith.subi %div3A_161, %sub3A_187 : vector<16xi32>
      %select_n3A_189 = arith.select %and3A_185, %sub3A_188, %div3A_161 : vector<16xi1>, vector<16xi32>
      %jit3A_190 = arith.constant 16 : i32
      %div3A_191 = arith.divsi %add3A_113, %jit3A_190 : i32
      %sign3A_192 = arith.constant 0 : i32
      %sign3A_193 = arith.cmpi sgt, %add3A_113, %sign3A_192 : i32
      %sign3A_194 = arith.extui %sign3A_193 : i1 to i32
      %sign3A_195 = arith.constant 0 : i32
      %sign3A_196 = arith.cmpi slt, %add3A_113, %sign3A_195 : i32
      %sign3A_197 = arith.extui %sign3A_196 : i1 to i32
      %sign3A_198 = arith.subi %sign3A_194, %sign3A_197 : i32
      %sign3A_199 = arith.constant 0 : i32
      %sign3A_200 = arith.cmpi sgt, %jit3A_190, %sign3A_199 : i32
      %sign3A_201 = arith.extui %sign3A_200 : i1 to i32
      %sign3A_202 = arith.constant 0 : i32
      %sign3A_203 = arith.cmpi slt, %jit3A_190, %sign3A_202 : i32
      %sign3A_204 = arith.extui %sign3A_203 : i1 to i32
      %sign3A_205 = arith.subi %sign3A_201, %sign3A_204 : i32
      %ne3A_206 = arith.cmpi ne, %sign3A_198, %sign3A_205 : i32
      %rem3A_207 = arith.remsi %add3A_113, %jit3A_190 : i32
      %ne3A_208 = arith.constant 0 : i32
      %ne3A_209 = arith.cmpi ne, %rem3A_207, %ne3A_208 : i32
      %and3A_210 = arith.andi %ne3A_206, %ne3A_209 : i1
      %sub3A_211 = arith.constant 1 : i32
      %sub3A_212 = arith.subi %div3A_191, %sub3A_211 : i32
      %select_n3A_213 = arith.select %and3A_210, %sub3A_212, %div3A_191 : i32
      %mul3A_214 = arith.constant 2 : i32
      %mul3A_215 = arith.muli %mul3A_214, %select_n3A_213 : i32
      %add3A_216 = vector.broadcast %mul3A_215 : i32 to vector<16xi32>
      %add3A_217 = arith.addi %select_n3A_189, %add3A_216 : vector<16xi32>
      %jit3A_218 = arith.constant 8 : i32
      %eq3A_219 = arith.constant 0 : i32
      %eq3A_220 = arith.cmpi eq, %jit3A_218, %eq3A_219 : i32
      %jit3A_221 = arith.constant 1 : i32
      %select_n3A_222 = arith.select %eq3A_220, %jit3A_221, %jit3A_218 : i32
      %rem3A_223 = vector.broadcast %select_n3A_222 : i32 to vector<16xi32>
      %rem3A_224 = arith.remsi %select_n3A_130, %rem3A_223 : vector<16xi32>
      %ne3A_225 = arith.constant 0 : i32
      %ne3A_226 = vector.broadcast %ne3A_225 : i32 to vector<16xi32>
      %ne3A_227 = arith.cmpi ne, %rem3A_224, %ne3A_226 : vector<16xi32>
      %lt3A_228 = arith.constant 0 : i32
      %lt3A_229 = vector.broadcast %lt3A_228 : i32 to vector<16xi32>
      %lt3A_230 = arith.cmpi slt, %rem3A_224, %lt3A_229 : vector<16xi32>
      %lt3A_231 = arith.constant 0 : i32
      %lt3A_232 = arith.cmpi slt, %select_n3A_222, %lt3A_231 : i32
      %ne3A_233 = vector.broadcast %lt3A_232 : i1 to vector<16xi1>
      %ne3A_234 = vector.broadcast %ne3A_233 : vector<16xi1> to vector<16xi1>
      %ne3A_235 = arith.xori %lt3A_230, %ne3A_234 : vector<16xi1>
      %and3A_236 = arith.andi %ne3A_235, %ne3A_227 : vector<16xi1>
      %add3A_237 = vector.broadcast %select_n3A_222 : i32 to vector<16xi32>
      %add3A_238 = arith.addi %rem3A_224, %add3A_237 : vector<16xi32>
      %select_n3A_239 = arith.select %and3A_236, %add3A_238, %rem3A_224 : vector<16xi1>, vector<16xi32>
      %add3A_240 = arith.constant 0 : i32
      %add3A_241 = vector.broadcast %add3A_240 : i32 to vector<16xi32>
      %add3A_242 = arith.addi %iota3A, %add3A_241 : vector<16xi32>
      %gather3A_243 = tpu.vector_load_idx %arg8[%add3A_242, %add3A_155] : memref<128x128xf32, #tpu.memory_space<vmem>>[vector<16xi32>, vector<16xi32>], vector<16xf32>,
      %add3A_244 = arith.addf %gather3A_243, %gather3A : vector<16xf32>
      tpu.vector_store_idx %arg11[%add3A_217, %select_n3A_239, %add3A_242], %add3A_244 : memref<8x8x128xf32, #tpu.memory_space<vmem>>[vector<16xi32>, vector<16xi32>, vector<16xi32>], vector<16xf32>,
      %add3A_245 = arith.constant 16 : i32
      %add3A_246 = vector.broadcast %add3A_245 : i32 to vector<16xi32>
      %add3A_247 = arith.addi %iota3A, %add3A_246 : vector<16xi32>
      %gather3A_248 = tpu.vector_load_idx %arg8[%add3A_247, %add3A_155] : memref<128x128xf32, #tpu.memory_space<vmem>>[vector<16xi32>, vector<16xi32>], vector<16xf32>,
      %add3A_249 = arith.addf %gather3A_248, %gather3A : vector<16xf32>
      tpu.vector_store_idx %arg11[%add3A_217, %select_n3A_239, %add3A_247], %add3A_249 : memref<8x8x128xf32, #tpu.memory_space<vmem>>[vector<16xi32>, vector<16xi32>, vector<16xi32>], vector<16xf32>,
      %add3A_250 = arith.constant 32 : i32
      %add3A_251 = vector.broadcast %add3A_250 : i32 to vector<16xi32>
      %add3A_252 = arith.addi %iota3A, %add3A_251 : vector<16xi32>
      %gather3A_253 = tpu.vector_load_idx %arg8[%add3A_252, %add3A_155] : memref<128x128xf32, #tpu.memory_space<vmem>>[vector<16xi32>, vector<16xi32>], vector<16xf32>,
      %add3A_254 = arith.addf %gather3A_253, %gather3A : vector<16xf32>
      tpu.vector_store_idx %arg11[%add3A_217, %select_n3A_239, %add3A_252], %add3A_254 : memref<8x8x128xf32, #tpu.memory_space<vmem>>[vector<16xi32>, vector<16xi32>, vector<16xi32>], vector<16xf32>,
      %add3A_255 = arith.constant 48 : i32
      %add3A_256 = vector.broadcast %add3A_255 : i32 to vector<16xi32>
      %add3A_257 = arith.addi %iota3A, %add3A_256 : vector<16xi32>
      %gather3A_258 = tpu.vector_load_idx %arg8[%add3A_257, %add3A_155] : memref<128x128xf32, #tpu.memory_space<vmem>>[vector<16xi32>, vector<16xi32>], vector<16xf32>,
      %add3A_259 = arith.addf %gather3A_258, %gather3A : vector<16xf32>
      tpu.vector_store_idx %arg11[%add3A_217, %select_n3A_239, %add3A_257], %add3A_259 : memref<8x8x128xf32, #tpu.memory_space<vmem>>[vector<16xi32>, vector<16xi32>, vector<16xi32>], vector<16xf32>,
      %add3A_260 = arith.constant 64 : i32
      %add3A_261 = vector.broadcast %add3A_260 : i32 to vector<16xi32>
      %add3A_262 = arith.addi %iota3A, %add3A_261 : vector<16xi32>
      %gather3A_263 = tpu.vector_load_idx %arg8[%add3A_262, %add3A_155] : memref<128x128xf32, #tpu.memory_space<vmem>>[vector<16xi32>, vector<16xi32>], vector<16xf32>,
      %add3A_264 = arith.addf %gather3A_263, %gather3A : vector<16xf32>
      tpu.vector_store_idx %arg11[%add3A_217, %select_n3A_239, %add3A_262], %add3A_264 : memref<8x8x128xf32, #tpu.memory_space<vmem>>[vector<16xi32>, vector<16xi32>, vector<16xi32>], vector<16xf32>,
      %add3A_265 = arith.constant 80 : i32
      %add3A_266 = vector.broadcast %add3A_265 : i32 to vector<16xi32>
      %add3A_267 = arith.addi %iota3A, %add3A_266 : vector<16xi32>
      %gather3A_268 = tpu.vector_load_idx %arg8[%add3A_267, %add3A_155] : memref<128x128xf32, #tpu.memory_space<vmem>>[vector<16xi32>, vector<16xi32>], vector<16xf32>,
      %add3A_269 = arith.addf %gather3A_268, %gather3A : vector<16xf32>
      tpu.vector_store_idx %arg11[%add3A_217, %select_n3A_239, %add3A_267], %add3A_269 : memref<8x8x128xf32, #tpu.memory_space<vmem>>[vector<16xi32>, vector<16xi32>, vector<16xi32>], vector<16xf32>,
      %add3A_270 = arith.constant 96 : i32
      %add3A_271 = vector.broadcast %add3A_270 : i32 to vector<16xi32>
      %add3A_272 = arith.addi %iota3A, %add3A_271 : vector<16xi32>
      %gather3A_273 = tpu.vector_load_idx %arg8[%add3A_272, %add3A_155] : memref<128x128xf32, #tpu.memory_space<vmem>>[vector<16xi32>, vector<16xi32>], vector<16xf32>,
      %add3A_274 = arith.addf %gather3A_273, %gather3A : vector<16xf32>
      tpu.vector_store_idx %arg11[%add3A_217, %select_n3A_239, %add3A_272], %add3A_274 : memref<8x8x128xf32, #tpu.memory_space<vmem>>[vector<16xi32>, vector<16xi32>, vector<16xi32>], vector<16xf32>,
      %add3A_275 = arith.constant 112 : i32
      %add3A_276 = vector.broadcast %add3A_275 : i32 to vector<16xi32>
      %add3A_277 = arith.addi %iota3A, %add3A_276 : vector<16xi32>
      %gather3A_278 = tpu.vector_load_idx %arg8[%add3A_277, %add3A_155] : memref<128x128xf32, #tpu.memory_space<vmem>>[vector<16xi32>, vector<16xi32>], vector<16xf32>,
      %add3A_279 = arith.addf %gather3A_278, %gather3A : vector<16xf32>
      tpu.vector_store_idx %arg11[%add3A_217, %select_n3A_239, %add3A_277], %add3A_279 : memref<8x8x128xf32, #tpu.memory_space<vmem>>[vector<16xi32>, vector<16xi32>, vector<16xi32>], vector<16xf32>,
      %scan3A_280 = arith.constant 1 : i32
      %scan3A_281 = arith.addi %scan3A_109, %scan3A_280 : i32
      %mul3A_282 = arith.constant 1 : i32
      %mul3A_283 = arith.muli %scan3A_281, %mul3A_282 : i32
      %add3A_284 = arith.constant 0 : i32
      %add3A_285 = arith.addi %add3A_284, %mul3A_283 : i32
      %add3A_286 = vector.broadcast %add3A_285 : i32 to vector<16xi32>
      %add3A_287 = arith.addi %iota3A, %add3A_286 : vector<16xi32>
      %jit3A_288 = arith.constant 16 : i32
      %eq3A_289 = arith.constant 0 : i32
      %eq3A_290 = arith.cmpi eq, %jit3A_288, %eq3A_289 : i32
      %jit3A_291 = arith.constant 1 : i32
      %select_n3A_292 = arith.select %eq3A_290, %jit3A_291, %jit3A_288 : i32
      %rem3A_293 = vector.broadcast %select_n3A_292 : i32 to vector<16xi32>
      %rem3A_294 = arith.remsi %add3A_287, %rem3A_293 : vector<16xi32>
      %ne3A_295 = arith.constant 0 : i32
      %ne3A_296 = vector.broadcast %ne3A_295 : i32 to vector<16xi32>
      %ne3A_297 = arith.cmpi ne, %rem3A_294, %ne3A_296 : vector<16xi32>
      %lt3A_298 = arith.constant 0 : i32
      %lt3A_299 = vector.broadcast %lt3A_298 : i32 to vector<16xi32>
      %lt3A_300 = arith.cmpi slt, %rem3A_294, %lt3A_299 : vector<16xi32>
      %lt3A_301 = arith.constant 0 : i32
      %lt3A_302 = arith.cmpi slt, %select_n3A_292, %lt3A_301 : i32
      %ne3A_303 = vector.broadcast %lt3A_302 : i1 to vector<16xi1>
      %ne3A_304 = vector.broadcast %ne3A_303 : vector<16xi1> to vector<16xi1>
      %ne3A_305 = arith.xori %lt3A_300, %ne3A_304 : vector<16xi1>
      %and3A_306 = arith.andi %ne3A_305, %ne3A_297 : vector<16xi1>
      %add3A_307 = vector.broadcast %select_n3A_292 : i32 to vector<16xi32>
      %add3A_308 = arith.addi %rem3A_294, %add3A_307 : vector<16xi32>
      %select_n3A_309 = arith.select %and3A_306, %add3A_308, %rem3A_294 : vector<16xi1>, vector<16xi32>
      %jit3A_310 = arith.constant 16 : i32
      %div3A_311 = arith.divsi %add3A_285, %jit3A_310 : i32
      %sign3A_312 = arith.constant 0 : i32
      %sign3A_313 = arith.cmpi sgt, %add3A_285, %sign3A_312 : i32
      %sign3A_314 = arith.extui %sign3A_313 : i1 to i32
      %sign3A_315 = arith.constant 0 : i32
      %sign3A_316 = arith.cmpi slt, %add3A_285, %sign3A_315 : i32
      %sign3A_317 = arith.extui %sign3A_316 : i1 to i32
      %sign3A_318 = arith.subi %sign3A_314, %sign3A_317 : i32
      %sign3A_319 = arith.constant 0 : i32
      %sign3A_320 = arith.cmpi sgt, %jit3A_310, %sign3A_319 : i32
      %sign3A_321 = arith.extui %sign3A_320 : i1 to i32
      %sign3A_322 = arith.constant 0 : i32
      %sign3A_323 = arith.cmpi slt, %jit3A_310, %sign3A_322 : i32
      %sign3A_324 = arith.extui %sign3A_323 : i1 to i32
      %sign3A_325 = arith.subi %sign3A_321, %sign3A_324 : i32
      %ne3A_326 = arith.cmpi ne, %sign3A_318, %sign3A_325 : i32
      %rem3A_327 = arith.remsi %add3A_285, %jit3A_310 : i32
      %ne3A_328 = arith.constant 0 : i32
      %ne3A_329 = arith.cmpi ne, %rem3A_327, %ne3A_328 : i32
      %and3A_330 = arith.andi %ne3A_326, %ne3A_329 : i1
      %sub3A_331 = arith.constant 1 : i32
      %sub3A_332 = arith.subi %div3A_311, %sub3A_331 : i32
      %select_n3A_333 = arith.select %and3A_330, %sub3A_332, %div3A_311 : i32
      %mul3A_334 = arith.constant 16 : i32
      %mul3A_335 = arith.muli %select_n3A_333, %mul3A_334 : i32
      %add3A_336 = vector.broadcast %mul3A_335 : i32 to vector<16xi32>
      %add3A_337 = arith.addi %add3A_336, %select_n3A_309 : vector<16xi32>
      %add3A_338 = arith.constant 12672 : i32
      %add3A_339 = vector.broadcast %add3A_338 : i32 to vector<16xi32>
      %add3A_340 = arith.addi %add3A_337, %add3A_339 : vector<16xi32>
      %gather3A_341 = tpu.vector_load_idx %arg7[%add3A_340] : memref<12800xf32, #tpu.memory_space<vmem>>[vector<16xi32>], vector<16xf32>,
      %jit3A_342 = arith.constant 8 : i32
      %div3A_343 = vector.broadcast %jit3A_342 : i32 to vector<16xi32>
      %div3A_344 = arith.divsi %select_n3A_309, %div3A_343 : vector<16xi32>
      %sign3A_345 = arith.constant 0 : i32
      %sign3A_346 = vector.broadcast %sign3A_345 : i32 to vector<16xi32>
      %sign3A_347 = arith.cmpi sgt, %select_n3A_309, %sign3A_346 : vector<16xi32>
      %sign3A_348 = arith.extui %sign3A_347 : vector<16xi1> to vector<16xi32>
      %sign3A_349 = arith.constant 0 : i32
      %sign3A_350 = vector.broadcast %sign3A_349 : i32 to vector<16xi32>
      %sign3A_351 = arith.cmpi slt, %select_n3A_309, %sign3A_350 : vector<16xi32>
      %sign3A_352 = arith.extui %sign3A_351 : vector<16xi1> to vector<16xi32>
      %sign3A_353 = arith.subi %sign3A_348, %sign3A_352 : vector<16xi32>
      %sign3A_354 = arith.constant 0 : i32
      %sign3A_355 = arith.cmpi sgt, %jit3A_342, %sign3A_354 : i32
      %sign3A_356 = arith.extui %sign3A_355 : i1 to i32
      %sign3A_357 = arith.constant 0 : i32
      %sign3A_358 = arith.cmpi slt, %jit3A_342, %sign3A_357 : i32
      %sign3A_359 = arith.extui %sign3A_358 : i1 to i32
      %sign3A_360 = arith.subi %sign3A_356, %sign3A_359 : i32
      %ne3A_361 = vector.broadcast %sign3A_360 : i32 to vector<16xi32>
      %ne3A_362 = arith.cmpi ne, %sign3A_353, %ne3A_361 : vector<16xi32>
      %rem3A_363 = vector.broadcast %jit3A_342 : i32 to vector<16xi32>
      %rem3A_364 = arith.remsi %select_n3A_309, %rem3A_363 : vector<16xi32>
      %ne3A_365 = arith.constant 0 : i32
      %ne3A_366 = vector.broadcast %ne3A_365 : i32 to vector<16xi32>
      %ne3A_367 = arith.cmpi ne, %rem3A_364, %ne3A_366 : vector<16xi32>
      %and3A_368 = arith.andi %ne3A_362, %ne3A_367 : vector<16xi1>
      %sub3A_369 = arith.constant 1 : i32
      %sub3A_370 = vector.broadcast %sub3A_369 : i32 to vector<16xi32>
      %sub3A_371 = arith.subi %div3A_344, %sub3A_370 : vector<16xi32>
      %select_n3A_372 = arith.select %and3A_368, %sub3A_371, %div3A_344 : vector<16xi1>, vector<16xi32>
      %jit3A_373 = arith.constant 16 : i32
      %div3A_374 = arith.divsi %add3A_285, %jit3A_373 : i32
      %sign3A_375 = arith.constant 0 : i32
      %sign3A_376 = arith.cmpi sgt, %add3A_285, %sign3A_375 : i32
      %sign3A_377 = arith.extui %sign3A_376 : i1 to i32
      %sign3A_378 = arith.constant 0 : i32
      %sign3A_379 = arith.cmpi slt, %add3A_285, %sign3A_378 : i32
      %sign3A_380 = arith.extui %sign3A_379 : i1 to i32
      %sign3A_381 = arith.subi %sign3A_377, %sign3A_380 : i32
      %sign3A_382 = arith.constant 0 : i32
      %sign3A_383 = arith.cmpi sgt, %jit3A_373, %sign3A_382 : i32
      %sign3A_384 = arith.extui %sign3A_383 : i1 to i32
      %sign3A_385 = arith.constant 0 : i32
      %sign3A_386 = arith.cmpi slt, %jit3A_373, %sign3A_385 : i32
      %sign3A_387 = arith.extui %sign3A_386 : i1 to i32
      %sign3A_388 = arith.subi %sign3A_384, %sign3A_387 : i32
      %ne3A_389 = arith.cmpi ne, %sign3A_381, %sign3A_388 : i32
      %rem3A_390 = arith.remsi %add3A_285, %jit3A_373 : i32
      %ne3A_391 = arith.constant 0 : i32
      %ne3A_392 = arith.cmpi ne, %rem3A_390, %ne3A_391 : i32
      %and3A_393 = arith.andi %ne3A_389, %ne3A_392 : i1
      %sub3A_394 = arith.constant 1 : i32
      %sub3A_395 = arith.subi %div3A_374, %sub3A_394 : i32
      %select_n3A_396 = arith.select %and3A_393, %sub3A_395, %div3A_374 : i32
      %mul3A_397 = arith.constant 2 : i32
      %mul3A_398 = arith.muli %mul3A_397, %select_n3A_396 : i32
      %add3A_399 = vector.broadcast %mul3A_398 : i32 to vector<16xi32>
      %add3A_400 = arith.addi %select_n3A_372, %add3A_399 : vector<16xi32>
      %jit3A_401 = arith.constant 8 : i32
      %eq3A_402 = arith.constant 0 : i32
      %eq3A_403 = arith.cmpi eq, %jit3A_401, %eq3A_402 : i32
      %jit3A_404 = arith.constant 1 : i32
      %select_n3A_405 = arith.select %eq3A_403, %jit3A_404, %jit3A_401 : i32
      %rem3A_406 = vector.broadcast %select_n3A_405 : i32 to vector<16xi32>
      %rem3A_407 = arith.remsi %select_n3A_309, %rem3A_406 : vector<16xi32>
      %ne3A_408 = arith.constant 0 : i32
      %ne3A_409 = vector.broadcast %ne3A_408 : i32 to vector<16xi32>
      %ne3A_410 = arith.cmpi ne, %rem3A_407, %ne3A_409 : vector<16xi32>
      %lt3A_411 = arith.constant 0 : i32
      %lt3A_412 = vector.broadcast %lt3A_411 : i32 to vector<16xi32>
      %lt3A_413 = arith.cmpi slt, %rem3A_407, %lt3A_412 : vector<16xi32>
      %lt3A_414 = arith.constant 0 : i32
      %lt3A_415 = arith.cmpi slt, %select_n3A_405, %lt3A_414 : i32
      %ne3A_416 = vector.broadcast %lt3A_415 : i1 to vector<16xi1>
      %ne3A_417 = vector.broadcast %ne3A_416 : vector<16xi1> to vector<16xi1>
      %ne3A_418 = arith.xori %lt3A_413, %ne3A_417 : vector<16xi1>
      %and3A_419 = arith.andi %ne3A_418, %ne3A_410 : vector<16xi1>
      %add3A_420 = vector.broadcast %select_n3A_405 : i32 to vector<16xi32>
      %add3A_421 = arith.addi %rem3A_407, %add3A_420 : vector<16xi32>
      %select_n3A_422 = arith.select %and3A_419, %add3A_421, %rem3A_407 : vector<16xi1>, vector<16xi32>
      %add3A_423 = arith.constant 0 : i32
      %add3A_424 = vector.broadcast %add3A_423 : i32 to vector<16xi32>
      %add3A_425 = arith.addi %iota3A, %add3A_424 : vector<16xi32>
      %gather3A_426 = tpu.vector_load_idx %arg8[%add3A_425, %add3A_337] : memref<128x128xf32, #tpu.memory_space<vmem>>[vector<16xi32>, vector<16xi32>], vector<16xf32>,
      %add3A_427 = arith.addf %gather3A_426, %gather3A_341 : vector<16xf32>
      tpu.vector_store_idx %arg11[%add3A_400, %select_n3A_422, %add3A_425], %add3A_427 : memref<8x8x128xf32, #tpu.memory_space<vmem>>[vector<16xi32>, vector<16xi32>, vector<16xi32>], vector<16xf32>,
      %add3A_428 = arith.constant 16 : i32
      %add3A_429 = vector.broadcast %add3A_428 : i32 to vector<16xi32>
      %add3A_430 = arith.addi %iota3A, %add3A_429 : vector<16xi32>
      %gather3A_431 = tpu.vector_load_idx %arg8[%add3A_430, %add3A_337] : memref<128x128xf32, #tpu.memory_space<vmem>>[vector<16xi32>, vector<16xi32>], vector<16xf32>,
      %add3A_432 = arith.addf %gather3A_431, %gather3A_341 : vector<16xf32>
      tpu.vector_store_idx %arg11[%add3A_400, %select_n3A_422, %add3A_430], %add3A_432 : memref<8x8x128xf32, #tpu.memory_space<vmem>>[vector<16xi32>, vector<16xi32>, vector<16xi32>], vector<16xf32>,
      %add3A_433 = arith.constant 32 : i32
      %add3A_434 = vector.broadcast %add3A_433 : i32 to vector<16xi32>
      %add3A_435 = arith.addi %iota3A, %add3A_434 : vector<16xi32>
      %gather3A_436 = tpu.vector_load_idx %arg8[%add3A_435, %add3A_337] : memref<128x128xf32, #tpu.memory_space<vmem>>[vector<16xi32>, vector<16xi32>], vector<16xf32>,
      %add3A_437 = arith.addf %gather3A_436, %gather3A_341 : vector<16xf32>
      tpu.vector_store_idx %arg11[%add3A_400, %select_n3A_422, %add3A_435], %add3A_437 : memref<8x8x128xf32, #tpu.memory_space<vmem>>[vector<16xi32>, vector<16xi32>, vector<16xi32>], vector<16xf32>,
      %add3A_438 = arith.constant 48 : i32
      %add3A_439 = vector.broadcast %add3A_438 : i32 to vector<16xi32>
      %add3A_440 = arith.addi %iota3A, %add3A_439 : vector<16xi32>
      %gather3A_441 = tpu.vector_load_idx %arg8[%add3A_440, %add3A_337] : memref<128x128xf32, #tpu.memory_space<vmem>>[vector<16xi32>, vector<16xi32>], vector<16xf32>,
      %add3A_442 = arith.addf %gather3A_441, %gather3A_341 : vector<16xf32>
      tpu.vector_store_idx %arg11[%add3A_400, %select_n3A_422, %add3A_440], %add3A_442 : memref<8x8x128xf32, #tpu.memory_space<vmem>>[vector<16xi32>, vector<16xi32>, vector<16xi32>], vector<16xf32>,
      %add3A_443 = arith.constant 64 : i32
      %add3A_444 = vector.broadcast %add3A_443 : i32 to vector<16xi32>
      %add3A_445 = arith.addi %iota3A, %add3A_444 : vector<16xi32>
      %gather3A_446 = tpu.vector_load_idx %arg8[%add3A_445, %add3A_337] : memref<128x128xf32, #tpu.memory_space<vmem>>[vector<16xi32>, vector<16xi32>], vector<16xf32>,
      %add3A_447 = arith.addf %gather3A_446, %gather3A_341 : vector<16xf32>
      tpu.vector_store_idx %arg11[%add3A_400, %select_n3A_422, %add3A_445], %add3A_447 : memref<8x8x128xf32, #tpu.memory_space<vmem>>[vector<16xi32>, vector<16xi32>, vector<16xi32>], vector<16xf32>,
      %add3A_448 = arith.constant 80 : i32
      %add3A_449 = vector.broadcast %add3A_448 : i32 to vector<16xi32>
      %add3A_450 = arith.addi %iota3A, %add3A_449 : vector<16xi32>
      %gather3A_451 = tpu.vector_load_idx %arg8[%add3A_450, %add3A_337] : memref<128x128xf32, #tpu.memory_space<vmem>>[vector<16xi32>, vector<16xi32>], vector<16xf32>,
      %add3A_452 = arith.addf %gather3A_451, %gather3A_341 : vector<16xf32>
      tpu.vector_store_idx %arg11[%add3A_400, %select_n3A_422, %add3A_450], %add3A_452 : memref<8x8x128xf32, #tpu.memory_space<vmem>>[vector<16xi32>, vector<16xi32>, vector<16xi32>], vector<16xf32>,
      %add3A_453 = arith.constant 96 : i32
      %add3A_454 = vector.broadcast %add3A_453 : i32 to vector<16xi32>
      %add3A_455 = arith.addi %iota3A, %add3A_454 : vector<16xi32>
      %gather3A_456 = tpu.vector_load_idx %arg8[%add3A_455, %add3A_337] : memref<128x128xf32, #tpu.memory_space<vmem>>[vector<16xi32>, vector<16xi32>], vector<16xf32>,
      %add3A_457 = arith.addf %gather3A_456, %gather3A_341 : vector<16xf32>
      tpu.vector_store_idx %arg11[%add3A_400, %select_n3A_422, %add3A_455], %add3A_457 : memref<8x8x128xf32, #tpu.memory_space<vmem>>[vector<16xi32>, vector<16xi32>, vector<16xi32>], vector<16xf32>,
      %add3A_458 = arith.constant 112 : i32
      %add3A_459 = vector.broadcast %add3A_458 : i32 to vector<16xi32>
      %add3A_460 = arith.addi %iota3A, %add3A_459 : vector<16xi32>
      %gather3A_461 = tpu.vector_load_idx %arg8[%add3A_460, %add3A_337] : memref<128x128xf32, #tpu.memory_space<vmem>>[vector<16xi32>, vector<16xi32>], vector<16xf32>,
      %add3A_462 = arith.addf %gather3A_461, %gather3A_341 : vector<16xf32>
      tpu.vector_store_idx %arg11[%add3A_400, %select_n3A_422, %add3A_460], %add3A_462 : memref<8x8x128xf32, #tpu.memory_space<vmem>>[vector<16xi32>, vector<16xi32>, vector<16xi32>], vector<16xf32>,
    }
    %scan3A_41 = arith.constant 64 : i32
    %dma_start3A_42 = arith.constant 198 : i32
    %dma_start3A_43 = arith.constant 0 : i32
    %dma_start3A_44 = arith.constant 0 : i32
    %dma_start3A_45 = arith.constant 0 : i32
    %dma_start3A_46 = tpu.memref_slice %arg5[%dma_start3A_42, %dma_start3A_43, %add3A, %dma_start3A_44, %dma_start3A_45] : memref<200x8x32x8x128xf32, #tpu.memory_space<hbm>> -> memref<1x8x1x8x128xf32, #tpu.memory_space<hbm>>
    %dma_start3A_47 = tpu.memref_squeeze %dma_start3A_46 : memref<1x8x1x8x128xf32, #tpu.memory_space<hbm>> -> memref<8x8x128xf32, #tpu.memory_space<hbm>>
    %dma_start3A_48 = arith.constant 0 : i32
    %dma_start3A_49 = arith.constant 0 : i32
    %dma_start3A_50 = arith.constant 0 : i32
    %dma_start3A_51 = tpu.memref_slice %arg5[%dma_start3A_42, %dma_start3A_48, %add3A, %dma_start3A_49, %dma_start3A_50] : memref<200x8x32x8x128xf32, #tpu.memory_space<hbm>> -> memref<1x8x1x8x128xf32, #tpu.memory_space<hbm>>
    %dma_start3A_52 = tpu.memref_squeeze %dma_start3A_51 : memref<1x8x1x8x128xf32, #tpu.memory_space<hbm>> -> memref<8x8x128xf32, #tpu.memory_space<hbm>>
    tpu.enqueue_dma source(%arg11 : memref<8x8x128xf32, #tpu.memory_space<vmem>>) target(%dma_start3A_52 : memref<8x8x128xf32, #tpu.memory_space<hbm>>) target_semaphore(%arg16 : memref<!tpu.dma_semaphore, #tpu.memory_space<semaphore_mem>>)
    %dma_wait3A_53 = arith.constant 199 : i32
    %dma_wait3A_54 = arith.constant 0 : i32
    %dma_wait3A_55 = tpu.memref_slice %arg6[%dma_wait3A_53, %dma_wait3A_54] : memref<200x128xi32, #tpu.memory_space<vmem>> -> memref<1x128xi32, #tpu.memory_space<vmem>>
    %dma_wait3A_56 = tpu.memref_squeeze %dma_wait3A_55 : memref<1x128xi32, #tpu.memory_space<vmem>> -> memref<128xi32, #tpu.memory_space<vmem>>
    %dma_wait3A_57 = arith.constant 0 : i32
    %dma_wait3A_58 = arith.constant 0 : i32
    %dma_wait3A_59 = tpu.memref_slice %arg2[%dma_wait3A_57, %dma_wait3A_58] : memref<1000000x128xf32, #tpu.memory_space<hbm>> -> memref<1000000x128xf32, #tpu.memory_space<hbm>>
    tpu.wait_indirect_dma semaphore(%arg14 : memref<!tpu.dma_semaphore, #tpu.memory_space<semaphore_mem>>) src(%dma_wait3A_59 : memref<1000000x128xf32, #tpu.memory_space<hbm>>) dst(%arg9 : memref<128x128xf32, #tpu.memory_space<vmem>>)
    %dma_wait3A_60 = arith.constant 197 : i32
    %dma_wait3A_61 = arith.constant 0 : i32
    %dma_wait3A_62 = arith.constant 0 : i32
    %dma_wait3A_63 = arith.constant 0 : i32
    %dma_wait3A_64 = tpu.memref_slice %arg5[%dma_wait3A_60, %dma_wait3A_61, %add3A, %dma_wait3A_62, %dma_wait3A_63] : memref<200x8x32x8x128xf32, #tpu.memory_space<hbm>> -> memref<1x8x1x8x128xf32, #tpu.memory_space<hbm>>
    %dma_wait3A_65 = tpu.memref_squeeze %dma_wait3A_64 : memref<1x8x1x8x128xf32, #tpu.memory_space<hbm>> -> memref<8x8x128xf32, #tpu.memory_space<hbm>>
    %dma_wait3A_66 = arith.constant 0 : i32
    %dma_wait3A_67 = arith.constant 0 : i32
    %dma_wait3A_68 = arith.constant 0 : i32
    %dma_wait3A_69 = tpu.memref_slice %arg5[%dma_wait3A_60, %dma_wait3A_66, %add3A, %dma_wait3A_67, %dma_wait3A_68] : memref<200x8x32x8x128xf32, #tpu.memory_space<hbm>> -> memref<1x8x1x8x128xf32, #tpu.memory_space<hbm>>
    %dma_wait3A_70 = tpu.memref_squeeze %dma_wait3A_69 : memref<1x8x1x8x128xf32, #tpu.memory_space<hbm>> -> memref<8x8x128xf32, #tpu.memory_space<hbm>>
    tpu.wait_dma2 semaphore(%arg17 : memref<!tpu.dma_semaphore, #tpu.memory_space<semaphore_mem>>) src(%arg12 : memref<8x8x128xf32, #tpu.memory_space<vmem>>) dst(%dma_wait3A_70 : memref<8x8x128xf32, #tpu.memory_space<hbm>>)
    %scan3A_71 = arith.constant 0 : i32
    %scan3A_72 = arith.constant 64 : i32
    %scan3A_73 = arith.addi %scan3A_71, %scan3A_72 : i32
    %scan3A_74 = arith.constant 2 : i32
    scf.for %scan3A_109 = %scan3A_71 to %scan3A_73 step %scan3A_74  : i32 {
      %mul3A_110 = arith.constant 1 : i32
      %mul3A_111 = arith.muli %scan3A_109, %mul3A_110 : i32
      %add3A_112 = arith.constant 0 : i32
      %add3A_113 = arith.addi %add3A_112, %mul3A_111 : i32
      %add3A_114 = vector.broadcast %add3A_113 : i32 to vector<16xi32>
      %add3A_115 = arith.addi %iota3A, %add3A_114 : vector<16xi32>
      %jit3A = arith.constant 16 : i32
      %eq3A = arith.constant 0 : i32
      %eq3A_116 = arith.cmpi eq, %jit3A, %eq3A : i32
      %jit3A_117 = arith.constant 1 : i32
      %select_n3A = arith.select %eq3A_116, %jit3A_117, %jit3A : i32
      %rem3A = vector.broadcast %select_n3A : i32 to vector<16xi32>
      %rem3A_118 = arith.remsi %add3A_115, %rem3A : vector<16xi32>
      %ne3A = arith.constant 0 : i32
      %ne3A_119 = vector.broadcast %ne3A : i32 to vector<16xi32>
      %ne3A_120 = arith.cmpi ne, %rem3A_118, %ne3A_119 : vector<16xi32>
      %lt3A = arith.constant 0 : i32
      %lt3A_121 = vector.broadcast %lt3A : i32 to vector<16xi32>
      %lt3A_122 = arith.cmpi slt, %rem3A_118, %lt3A_121 : vector<16xi32>
      %lt3A_123 = arith.constant 0 : i32
      %lt3A_124 = arith.cmpi slt, %select_n3A, %lt3A_123 : i32
      %ne3A_125 = vector.broadcast %lt3A_124 : i1 to vector<16xi1>
      %ne3A_126 = vector.broadcast %ne3A_125 : vector<16xi1> to vector<16xi1>
      %ne3A_127 = arith.xori %lt3A_122, %ne3A_126 : vector<16xi1>
      %and3A = arith.andi %ne3A_127, %ne3A_120 : vector<16xi1>
      %add3A_128 = vector.broadcast %select_n3A : i32 to vector<16xi32>
      %add3A_129 = arith.addi %rem3A_118, %add3A_128 : vector<16xi32>
      %select_n3A_130 = arith.select %and3A, %add3A_129, %rem3A_118 : vector<16xi1>, vector<16xi32>
      %jit3A_131 = arith.constant 16 : i32
      %div3A = arith.divsi %add3A_113, %jit3A_131 : i32
      %sign3A = arith.constant 0 : i32
      %sign3A_132 = arith.cmpi sgt, %add3A_113, %sign3A : i32
      %sign3A_133 = arith.extui %sign3A_132 : i1 to i32
      %sign3A_134 = arith.constant 0 : i32
      %sign3A_135 = arith.cmpi slt, %add3A_113, %sign3A_134 : i32
      %sign3A_136 = arith.extui %sign3A_135 : i1 to i32
      %sign3A_137 = arith.subi %sign3A_133, %sign3A_136 : i32
      %sign3A_138 = arith.constant 0 : i32
      %sign3A_139 = arith.cmpi sgt, %jit3A_131, %sign3A_138 : i32
      %sign3A_140 = arith.extui %sign3A_139 : i1 to i32
      %sign3A_141 = arith.constant 0 : i32
      %sign3A_142 = arith.cmpi slt, %jit3A_131, %sign3A_141 : i32
      %sign3A_143 = arith.extui %sign3A_142 : i1 to i32
      %sign3A_144 = arith.subi %sign3A_140, %sign3A_143 : i32
      %ne3A_145 = arith.cmpi ne, %sign3A_137, %sign3A_144 : i32
      %rem3A_146 = arith.remsi %add3A_113, %jit3A_131 : i32
      %ne3A_147 = arith.constant 0 : i32
      %ne3A_148 = arith.cmpi ne, %rem3A_146, %ne3A_147 : i32
      %and3A_149 = arith.andi %ne3A_145, %ne3A_148 : i1
      %sub3A = arith.constant 1 : i32
      %sub3A_150 = arith.subi %div3A, %sub3A : i32
      %select_n3A_151 = arith.select %and3A_149, %sub3A_150, %div3A : i32
      %mul3A_152 = arith.constant 16 : i32
      %mul3A_153 = arith.muli %select_n3A_151, %mul3A_152 : i32
      %add3A_154 = vector.broadcast %mul3A_153 : i32 to vector<16xi32>
      %add3A_155 = arith.addi %add3A_154, %select_n3A_130 : vector<16xi32>
      %add3A_156 = arith.constant 12736 : i32
      %add3A_157 = vector.broadcast %add3A_156 : i32 to vector<16xi32>
      %add3A_158 = arith.addi %add3A_155, %add3A_157 : vector<16xi32>
      %gather3A = tpu.vector_load_idx %arg7[%add3A_158] : memref<12800xf32, #tpu.memory_space<vmem>>[vector<16xi32>], vector<16xf32>,
      %jit3A_159 = arith.constant 8 : i32
      %div3A_160 = vector.broadcast %jit3A_159 : i32 to vector<16xi32>
      %div3A_161 = arith.divsi %select_n3A_130, %div3A_160 : vector<16xi32>
      %sign3A_162 = arith.constant 0 : i32
      %sign3A_163 = vector.broadcast %sign3A_162 : i32 to vector<16xi32>
      %sign3A_164 = arith.cmpi sgt, %select_n3A_130, %sign3A_163 : vector<16xi32>
      %sign3A_165 = arith.extui %sign3A_164 : vector<16xi1> to vector<16xi32>
      %sign3A_166 = arith.constant 0 : i32
      %sign3A_167 = vector.broadcast %sign3A_166 : i32 to vector<16xi32>
      %sign3A_168 = arith.cmpi slt, %select_n3A_130, %sign3A_167 : vector<16xi32>
      %sign3A_169 = arith.extui %sign3A_168 : vector<16xi1> to vector<16xi32>
      %sign3A_170 = arith.subi %sign3A_165, %sign3A_169 : vector<16xi32>
      %sign3A_171 = arith.constant 0 : i32
      %sign3A_172 = arith.cmpi sgt, %jit3A_159, %sign3A_171 : i32
      %sign3A_173 = arith.extui %sign3A_172 : i1 to i32
      %sign3A_174 = arith.constant 0 : i32
      %sign3A_175 = arith.cmpi slt, %jit3A_159, %sign3A_174 : i32
      %sign3A_176 = arith.extui %sign3A_175 : i1 to i32
      %sign3A_177 = arith.subi %sign3A_173, %sign3A_176 : i32
      %ne3A_178 = vector.broadcast %sign3A_177 : i32 to vector<16xi32>
      %ne3A_179 = arith.cmpi ne, %sign3A_170, %ne3A_178 : vector<16xi32>
      %rem3A_180 = vector.broadcast %jit3A_159 : i32 to vector<16xi32>
      %rem3A_181 = arith.remsi %select_n3A_130, %rem3A_180 : vector<16xi32>
      %ne3A_182 = arith.constant 0 : i32
      %ne3A_183 = vector.broadcast %ne3A_182 : i32 to vector<16xi32>
      %ne3A_184 = arith.cmpi ne, %rem3A_181, %ne3A_183 : vector<16xi32>
      %and3A_185 = arith.andi %ne3A_179, %ne3A_184 : vector<16xi1>
      %sub3A_186 = arith.constant 1 : i32
      %sub3A_187 = vector.broadcast %sub3A_186 : i32 to vector<16xi32>
      %sub3A_188 = arith.subi %div3A_161, %sub3A_187 : vector<16xi32>
      %select_n3A_189 = arith.select %and3A_185, %sub3A_188, %div3A_161 : vector<16xi1>, vector<16xi32>
      %jit3A_190 = arith.constant 16 : i32
      %div3A_191 = arith.divsi %add3A_113, %jit3A_190 : i32
      %sign3A_192 = arith.constant 0 : i32
      %sign3A_193 = arith.cmpi sgt, %add3A_113, %sign3A_192 : i32
      %sign3A_194 = arith.extui %sign3A_193 : i1 to i32
      %sign3A_195 = arith.constant 0 : i32
      %sign3A_196 = arith.cmpi slt, %add3A_113, %sign3A_195 : i32
      %sign3A_197 = arith.extui %sign3A_196 : i1 to i32
      %sign3A_198 = arith.subi %sign3A_194, %sign3A_197 : i32
      %sign3A_199 = arith.constant 0 : i32
      %sign3A_200 = arith.cmpi sgt, %jit3A_190, %sign3A_199 : i32
      %sign3A_201 = arith.extui %sign3A_200 : i1 to i32
      %sign3A_202 = arith.constant 0 : i32
      %sign3A_203 = arith.cmpi slt, %jit3A_190, %sign3A_202 : i32
      %sign3A_204 = arith.extui %sign3A_203 : i1 to i32
      %sign3A_205 = arith.subi %sign3A_201, %sign3A_204 : i32
      %ne3A_206 = arith.cmpi ne, %sign3A_198, %sign3A_205 : i32
      %rem3A_207 = arith.remsi %add3A_113, %jit3A_190 : i32
      %ne3A_208 = arith.constant 0 : i32
      %ne3A_209 = arith.cmpi ne, %rem3A_207, %ne3A_208 : i32
      %and3A_210 = arith.andi %ne3A_206, %ne3A_209 : i1
      %sub3A_211 = arith.constant 1 : i32
      %sub3A_212 = arith.subi %div3A_191, %sub3A_211 : i32
      %select_n3A_213 = arith.select %and3A_210, %sub3A_212, %div3A_191 : i32
      %mul3A_214 = arith.constant 2 : i32
      %mul3A_215 = arith.muli %mul3A_214, %select_n3A_213 : i32
      %add3A_216 = vector.broadcast %mul3A_215 : i32 to vector<16xi32>
      %add3A_217 = arith.addi %select_n3A_189, %add3A_216 : vector<16xi32>
      %jit3A_218 = arith.constant 8 : i32
      %eq3A_219 = arith.constant 0 : i32
      %eq3A_220 = arith.cmpi eq, %jit3A_218, %eq3A_219 : i32
      %jit3A_221 = arith.constant 1 : i32
      %select_n3A_222 = arith.select %eq3A_220, %jit3A_221, %jit3A_218 : i32
      %rem3A_223 = vector.broadcast %select_n3A_222 : i32 to vector<16xi32>
      %rem3A_224 = arith.remsi %select_n3A_130, %rem3A_223 : vector<16xi32>
      %ne3A_225 = arith.constant 0 : i32
      %ne3A_226 = vector.broadcast %ne3A_225 : i32 to vector<16xi32>
      %ne3A_227 = arith.cmpi ne, %rem3A_224, %ne3A_226 : vector<16xi32>
      %lt3A_228 = arith.constant 0 : i32
      %lt3A_229 = vector.broadcast %lt3A_228 : i32 to vector<16xi32>
      %lt3A_230 = arith.cmpi slt, %rem3A_224, %lt3A_229 : vector<16xi32>
      %lt3A_231 = arith.constant 0 : i32
      %lt3A_232 = arith.cmpi slt, %select_n3A_222, %lt3A_231 : i32
      %ne3A_233 = vector.broadcast %lt3A_232 : i1 to vector<16xi1>
      %ne3A_234 = vector.broadcast %ne3A_233 : vector<16xi1> to vector<16xi1>
      %ne3A_235 = arith.xori %lt3A_230, %ne3A_234 : vector<16xi1>
      %and3A_236 = arith.andi %ne3A_235, %ne3A_227 : vector<16xi1>
      %add3A_237 = vector.broadcast %select_n3A_222 : i32 to vector<16xi32>
      %add3A_238 = arith.addi %rem3A_224, %add3A_237 : vector<16xi32>
      %select_n3A_239 = arith.select %and3A_236, %add3A_238, %rem3A_224 : vector<16xi1>, vector<16xi32>
      %add3A_240 = arith.constant 0 : i32
      %add3A_241 = vector.broadcast %add3A_240 : i32 to vector<16xi32>
      %add3A_242 = arith.addi %iota3A, %add3A_241 : vector<16xi32>
      %gather3A_243 = tpu.vector_load_idx %arg9[%add3A_242, %add3A_155] : memref<128x128xf32, #tpu.memory_space<vmem>>[vector<16xi32>, vector<16xi32>], vector<16xf32>,
      %add3A_244 = arith.addf %gather3A_243, %gather3A : vector<16xf32>
      tpu.vector_store_idx %arg12[%add3A_217, %select_n3A_239, %add3A_242], %add3A_244 : memref<8x8x128xf32, #tpu.memory_space<vmem>>[vector<16xi32>, vector<16xi32>, vector<16xi32>], vector<16xf32>,
      %add3A_245 = arith.constant 16 : i32
      %add3A_246 = vector.broadcast %add3A_245 : i32 to vector<16xi32>
      %add3A_247 = arith.addi %iota3A, %add3A_246 : vector<16xi32>
      %gather3A_248 = tpu.vector_load_idx %arg9[%add3A_247, %add3A_155] : memref<128x128xf32, #tpu.memory_space<vmem>>[vector<16xi32>, vector<16xi32>], vector<16xf32>,
      %add3A_249 = arith.addf %gather3A_248, %gather3A : vector<16xf32>
      tpu.vector_store_idx %arg12[%add3A_217, %select_n3A_239, %add3A_247], %add3A_249 : memref<8x8x128xf32, #tpu.memory_space<vmem>>[vector<16xi32>, vector<16xi32>, vector<16xi32>], vector<16xf32>,
      %add3A_250 = arith.constant 32 : i32
      %add3A_251 = vector.broadcast %add3A_250 : i32 to vector<16xi32>
      %add3A_252 = arith.addi %iota3A, %add3A_251 : vector<16xi32>
      %gather3A_253 = tpu.vector_load_idx %arg9[%add3A_252, %add3A_155] : memref<128x128xf32, #tpu.memory_space<vmem>>[vector<16xi32>, vector<16xi32>], vector<16xf32>,
      %add3A_254 = arith.addf %gather3A_253, %gather3A : vector<16xf32>
      tpu.vector_store_idx %arg12[%add3A_217, %select_n3A_239, %add3A_252], %add3A_254 : memref<8x8x128xf32, #tpu.memory_space<vmem>>[vector<16xi32>, vector<16xi32>, vector<16xi32>], vector<16xf32>,
      %add3A_255 = arith.constant 48 : i32
      %add3A_256 = vector.broadcast %add3A_255 : i32 to vector<16xi32>
      %add3A_257 = arith.addi %iota3A, %add3A_256 : vector<16xi32>
      %gather3A_258 = tpu.vector_load_idx %arg9[%add3A_257, %add3A_155] : memref<128x128xf32, #tpu.memory_space<vmem>>[vector<16xi32>, vector<16xi32>], vector<16xf32>,
      %add3A_259 = arith.addf %gather3A_258, %gather3A : vector<16xf32>
      tpu.vector_store_idx %arg12[%add3A_217, %select_n3A_239, %add3A_257], %add3A_259 : memref<8x8x128xf32, #tpu.memory_space<vmem>>[vector<16xi32>, vector<16xi32>, vector<16xi32>], vector<16xf32>,
      %add3A_260 = arith.constant 64 : i32
      %add3A_261 = vector.broadcast %add3A_260 : i32 to vector<16xi32>
      %add3A_262 = arith.addi %iota3A, %add3A_261 : vector<16xi32>
      %gather3A_263 = tpu.vector_load_idx %arg9[%add3A_262, %add3A_155] : memref<128x128xf32, #tpu.memory_space<vmem>>[vector<16xi32>, vector<16xi32>], vector<16xf32>,
      %add3A_264 = arith.addf %gather3A_263, %gather3A : vector<16xf32>
      tpu.vector_store_idx %arg12[%add3A_217, %select_n3A_239, %add3A_262], %add3A_264 : memref<8x8x128xf32, #tpu.memory_space<vmem>>[vector<16xi32>, vector<16xi32>, vector<16xi32>], vector<16xf32>,
      %add3A_265 = arith.constant 80 : i32
      %add3A_266 = vector.broadcast %add3A_265 : i32 to vector<16xi32>
      %add3A_267 = arith.addi %iota3A, %add3A_266 : vector<16xi32>
      %gather3A_268 = tpu.vector_load_idx %arg9[%add3A_267, %add3A_155] : memref<128x128xf32, #tpu.memory_space<vmem>>[vector<16xi32>, vector<16xi32>], vector<16xf32>,
      %add3A_269 = arith.addf %gather3A_268, %gather3A : vector<16xf32>
      tpu.vector_store_idx %arg12[%add3A_217, %select_n3A_239, %add3A_267], %add3A_269 : memref<8x8x128xf32, #tpu.memory_space<vmem>>[vector<16xi32>, vector<16xi32>, vector<16xi32>], vector<16xf32>,
      %add3A_270 = arith.constant 96 : i32
      %add3A_271 = vector.broadcast %add3A_270 : i32 to vector<16xi32>
      %add3A_272 = arith.addi %iota3A, %add3A_271 : vector<16xi32>
      %gather3A_273 = tpu.vector_load_idx %arg9[%add3A_272, %add3A_155] : memref<128x128xf32, #tpu.memory_space<vmem>>[vector<16xi32>, vector<16xi32>], vector<16xf32>,
      %add3A_274 = arith.addf %gather3A_273, %gather3A : vector<16xf32>
      tpu.vector_store_idx %arg12[%add3A_217, %select_n3A_239, %add3A_272], %add3A_274 : memref<8x8x128xf32, #tpu.memory_space<vmem>>[vector<16xi32>, vector<16xi32>, vector<16xi32>], vector<16xf32>,
      %add3A_275 = arith.constant 112 : i32
      %add3A_276 = vector.broadcast %add3A_275 : i32 to vector<16xi32>
      %add3A_277 = arith.addi %iota3A, %add3A_276 : vector<16xi32>
      %gather3A_278 = tpu.vector_load_idx %arg9[%add3A_277, %add3A_155] : memref<128x128xf32, #tpu.memory_space<vmem>>[vector<16xi32>, vector<16xi32>], vector<16xf32>,
      %add3A_279 = arith.addf %gather3A_278, %gather3A : vector<16xf32>
      tpu.vector_store_idx %arg12[%add3A_217, %select_n3A_239, %add3A_277], %add3A_279 : memref<8x8x128xf32, #tpu.memory_space<vmem>>[vector<16xi32>, vector<16xi32>, vector<16xi32>], vector<16xf32>,
      %scan3A_280 = arith.constant 1 : i32
      %scan3A_281 = arith.addi %scan3A_109, %scan3A_280 : i32
      %mul3A_282 = arith.constant 1 : i32
      %mul3A_283 = arith.muli %scan3A_281, %mul3A_282 : i32
      %add3A_284 = arith.constant 0 : i32
      %add3A_285 = arith.addi %add3A_284, %mul3A_283 : i32
      %add3A_286 = vector.broadcast %add3A_285 : i32 to vector<16xi32>
      %add3A_287 = arith.addi %iota3A, %add3A_286 : vector<16xi32>
      %jit3A_288 = arith.constant 16 : i32
      %eq3A_289 = arith.constant 0 : i32
      %eq3A_290 = arith.cmpi eq, %jit3A_288, %eq3A_289 : i32
      %jit3A_291 = arith.constant 1 : i32
      %select_n3A_292 = arith.select %eq3A_290, %jit3A_291, %jit3A_288 : i32
      %rem3A_293 = vector.broadcast %select_n3A_292 : i32 to vector<16xi32>
      %rem3A_294 = arith.remsi %add3A_287, %rem3A_293 : vector<16xi32>
      %ne3A_295 = arith.constant 0 : i32
      %ne3A_296 = vector.broadcast %ne3A_295 : i32 to vector<16xi32>
      %ne3A_297 = arith.cmpi ne, %rem3A_294, %ne3A_296 : vector<16xi32>
      %lt3A_298 = arith.constant 0 : i32
      %lt3A_299 = vector.broadcast %lt3A_298 : i32 to vector<16xi32>
      %lt3A_300 = arith.cmpi slt, %rem3A_294, %lt3A_299 : vector<16xi32>
      %lt3A_301 = arith.constant 0 : i32
      %lt3A_302 = arith.cmpi slt, %select_n3A_292, %lt3A_301 : i32
      %ne3A_303 = vector.broadcast %lt3A_302 : i1 to vector<16xi1>
      %ne3A_304 = vector.broadcast %ne3A_303 : vector<16xi1> to vector<16xi1>
      %ne3A_305 = arith.xori %lt3A_300, %ne3A_304 : vector<16xi1>
      %and3A_306 = arith.andi %ne3A_305, %ne3A_297 : vector<16xi1>
      %add3A_307 = vector.broadcast %select_n3A_292 : i32 to vector<16xi32>
      %add3A_308 = arith.addi %rem3A_294, %add3A_307 : vector<16xi32>
      %select_n3A_309 = arith.select %and3A_306, %add3A_308, %rem3A_294 : vector<16xi1>, vector<16xi32>
      %jit3A_310 = arith.constant 16 : i32
      %div3A_311 = arith.divsi %add3A_285, %jit3A_310 : i32
      %sign3A_312 = arith.constant 0 : i32
      %sign3A_313 = arith.cmpi sgt, %add3A_285, %sign3A_312 : i32
      %sign3A_314 = arith.extui %sign3A_313 : i1 to i32
      %sign3A_315 = arith.constant 0 : i32
      %sign3A_316 = arith.cmpi slt, %add3A_285, %sign3A_315 : i32
      %sign3A_317 = arith.extui %sign3A_316 : i1 to i32
      %sign3A_318 = arith.subi %sign3A_314, %sign3A_317 : i32
      %sign3A_319 = arith.constant 0 : i32
      %sign3A_320 = arith.cmpi sgt, %jit3A_310, %sign3A_319 : i32
      %sign3A_321 = arith.extui %sign3A_320 : i1 to i32
      %sign3A_322 = arith.constant 0 : i32
      %sign3A_323 = arith.cmpi slt, %jit3A_310, %sign3A_322 : i32
      %sign3A_324 = arith.extui %sign3A_323 : i1 to i32
      %sign3A_325 = arith.subi %sign3A_321, %sign3A_324 : i32
      %ne3A_326 = arith.cmpi ne, %sign3A_318, %sign3A_325 : i32
      %rem3A_327 = arith.remsi %add3A_285, %jit3A_310 : i32
      %ne3A_328 = arith.constant 0 : i32
      %ne3A_329 = arith.cmpi ne, %rem3A_327, %ne3A_328 : i32
      %and3A_330 = arith.andi %ne3A_326, %ne3A_329 : i1
      %sub3A_331 = arith.constant 1 : i32
      %sub3A_332 = arith.subi %div3A_311, %sub3A_331 : i32
      %select_n3A_333 = arith.select %and3A_330, %sub3A_332, %div3A_311 : i32
      %mul3A_334 = arith.constant 16 : i32
      %mul3A_335 = arith.muli %select_n3A_333, %mul3A_334 : i32
      %add3A_336 = vector.broadcast %mul3A_335 : i32 to vector<16xi32>
      %add3A_337 = arith.addi %add3A_336, %select_n3A_309 : vector<16xi32>
      %add3A_338 = arith.constant 12736 : i32
      %add3A_339 = vector.broadcast %add3A_338 : i32 to vector<16xi32>
      %add3A_340 = arith.addi %add3A_337, %add3A_339 : vector<16xi32>
      %gather3A_341 = tpu.vector_load_idx %arg7[%add3A_340] : memref<12800xf32, #tpu.memory_space<vmem>>[vector<16xi32>], vector<16xf32>,
      %jit3A_342 = arith.constant 8 : i32
      %div3A_343 = vector.broadcast %jit3A_342 : i32 to vector<16xi32>
      %div3A_344 = arith.divsi %select_n3A_309, %div3A_343 : vector<16xi32>
      %sign3A_345 = arith.constant 0 : i32
      %sign3A_346 = vector.broadcast %sign3A_345 : i32 to vector<16xi32>
      %sign3A_347 = arith.cmpi sgt, %select_n3A_309, %sign3A_346 : vector<16xi32>
      %sign3A_348 = arith.extui %sign3A_347 : vector<16xi1> to vector<16xi32>
      %sign3A_349 = arith.constant 0 : i32
      %sign3A_350 = vector.broadcast %sign3A_349 : i32 to vector<16xi32>
      %sign3A_351 = arith.cmpi slt, %select_n3A_309, %sign3A_350 : vector<16xi32>
      %sign3A_352 = arith.extui %sign3A_351 : vector<16xi1> to vector<16xi32>
      %sign3A_353 = arith.subi %sign3A_348, %sign3A_352 : vector<16xi32>
      %sign3A_354 = arith.constant 0 : i32
      %sign3A_355 = arith.cmpi sgt, %jit3A_342, %sign3A_354 : i32
      %sign3A_356 = arith.extui %sign3A_355 : i1 to i32
      %sign3A_357 = arith.constant 0 : i32
      %sign3A_358 = arith.cmpi slt, %jit3A_342, %sign3A_357 : i32
      %sign3A_359 = arith.extui %sign3A_358 : i1 to i32
      %sign3A_360 = arith.subi %sign3A_356, %sign3A_359 : i32
      %ne3A_361 = vector.broadcast %sign3A_360 : i32 to vector<16xi32>
      %ne3A_362 = arith.cmpi ne, %sign3A_353, %ne3A_361 : vector<16xi32>
      %rem3A_363 = vector.broadcast %jit3A_342 : i32 to vector<16xi32>
      %rem3A_364 = arith.remsi %select_n3A_309, %rem3A_363 : vector<16xi32>
      %ne3A_365 = arith.constant 0 : i32
      %ne3A_366 = vector.broadcast %ne3A_365 : i32 to vector<16xi32>
      %ne3A_367 = arith.cmpi ne, %rem3A_364, %ne3A_366 : vector<16xi32>
      %and3A_368 = arith.andi %ne3A_362, %ne3A_367 : vector<16xi1>
      %sub3A_369 = arith.constant 1 : i32
      %sub3A_370 = vector.broadcast %sub3A_369 : i32 to vector<16xi32>
      %sub3A_371 = arith.subi %div3A_344, %sub3A_370 : vector<16xi32>
      %select_n3A_372 = arith.select %and3A_368, %sub3A_371, %div3A_344 : vector<16xi1>, vector<16xi32>
      %jit3A_373 = arith.constant 16 : i32
      %div3A_374 = arith.divsi %add3A_285, %jit3A_373 : i32
      %sign3A_375 = arith.constant 0 : i32
      %sign3A_376 = arith.cmpi sgt, %add3A_285, %sign3A_375 : i32
      %sign3A_377 = arith.extui %sign3A_376 : i1 to i32
      %sign3A_378 = arith.constant 0 : i32
      %sign3A_379 = arith.cmpi slt, %add3A_285, %sign3A_378 : i32
      %sign3A_380 = arith.extui %sign3A_379 : i1 to i32
      %sign3A_381 = arith.subi %sign3A_377, %sign3A_380 : i32
      %sign3A_382 = arith.constant 0 : i32
      %sign3A_383 = arith.cmpi sgt, %jit3A_373, %sign3A_382 : i32
      %sign3A_384 = arith.extui %sign3A_383 : i1 to i32
      %sign3A_385 = arith.constant 0 : i32
      %sign3A_386 = arith.cmpi slt, %jit3A_373, %sign3A_385 : i32
      %sign3A_387 = arith.extui %sign3A_386 : i1 to i32
      %sign3A_388 = arith.subi %sign3A_384, %sign3A_387 : i32
      %ne3A_389 = arith.cmpi ne, %sign3A_381, %sign3A_388 : i32
      %rem3A_390 = arith.remsi %add3A_285, %jit3A_373 : i32
      %ne3A_391 = arith.constant 0 : i32
      %ne3A_392 = arith.cmpi ne, %rem3A_390, %ne3A_391 : i32
      %and3A_393 = arith.andi %ne3A_389, %ne3A_392 : i1
      %sub3A_394 = arith.constant 1 : i32
      %sub3A_395 = arith.subi %div3A_374, %sub3A_394 : i32
      %select_n3A_396 = arith.select %and3A_393, %sub3A_395, %div3A_374 : i32
      %mul3A_397 = arith.constant 2 : i32
      %mul3A_398 = arith.muli %mul3A_397, %select_n3A_396 : i32
      %add3A_399 = vector.broadcast %mul3A_398 : i32 to vector<16xi32>
      %add3A_400 = arith.addi %select_n3A_372, %add3A_399 : vector<16xi32>
      %jit3A_401 = arith.constant 8 : i32
      %eq3A_402 = arith.constant 0 : i32
      %eq3A_403 = arith.cmpi eq, %jit3A_401, %eq3A_402 : i32
      %jit3A_404 = arith.constant 1 : i32
      %select_n3A_405 = arith.select %eq3A_403, %jit3A_404, %jit3A_401 : i32
      %rem3A_406 = vector.broadcast %select_n3A_405 : i32 to vector<16xi32>
      %rem3A_407 = arith.remsi %select_n3A_309, %rem3A_406 : vector<16xi32>
      %ne3A_408 = arith.constant 0 : i32
      %ne3A_409 = vector.broadcast %ne3A_408 : i32 to vector<16xi32>
      %ne3A_410 = arith.cmpi ne, %rem3A_407, %ne3A_409 : vector<16xi32>
      %lt3A_411 = arith.constant 0 : i32
      %lt3A_412 = vector.broadcast %lt3A_411 : i32 to vector<16xi32>
      %lt3A_413 = arith.cmpi slt, %rem3A_407, %lt3A_412 : vector<16xi32>
      %lt3A_414 = arith.constant 0 : i32
      %lt3A_415 = arith.cmpi slt, %select_n3A_405, %lt3A_414 : i32
      %ne3A_416 = vector.broadcast %lt3A_415 : i1 to vector<16xi1>
      %ne3A_417 = vector.broadcast %ne3A_416 : vector<16xi1> to vector<16xi1>
      %ne3A_418 = arith.xori %lt3A_413, %ne3A_417 : vector<16xi1>
      %and3A_419 = arith.andi %ne3A_418, %ne3A_410 : vector<16xi1>
      %add3A_420 = vector.broadcast %select_n3A_405 : i32 to vector<16xi32>
      %add3A_421 = arith.addi %rem3A_407, %add3A_420 : vector<16xi32>
      %select_n3A_422 = arith.select %and3A_419, %add3A_421, %rem3A_407 : vector<16xi1>, vector<16xi32>
      %add3A_423 = arith.constant 0 : i32
      %add3A_424 = vector.broadcast %add3A_423 : i32 to vector<16xi32>
      %add3A_425 = arith.addi %iota3A, %add3A_424 : vector<16xi32>
      %gather3A_426 = tpu.vector_load_idx %arg9[%add3A_425, %add3A_337] : memref<128x128xf32, #tpu.memory_space<vmem>>[vector<16xi32>, vector<16xi32>], vector<16xf32>,
      %add3A_427 = arith.addf %gather3A_426, %gather3A_341 : vector<16xf32>
      tpu.vector_store_idx %arg12[%add3A_400, %select_n3A_422, %add3A_425], %add3A_427 : memref<8x8x128xf32, #tpu.memory_space<vmem>>[vector<16xi32>, vector<16xi32>, vector<16xi32>], vector<16xf32>,
      %add3A_428 = arith.constant 16 : i32
      %add3A_429 = vector.broadcast %add3A_428 : i32 to vector<16xi32>
      %add3A_430 = arith.addi %iota3A, %add3A_429 : vector<16xi32>
      %gather3A_431 = tpu.vector_load_idx %arg9[%add3A_430, %add3A_337] : memref<128x128xf32, #tpu.memory_space<vmem>>[vector<16xi32>, vector<16xi32>], vector<16xf32>,
      %add3A_432 = arith.addf %gather3A_431, %gather3A_341 : vector<16xf32>
      tpu.vector_store_idx %arg12[%add3A_400, %select_n3A_422, %add3A_430], %add3A_432 : memref<8x8x128xf32, #tpu.memory_space<vmem>>[vector<16xi32>, vector<16xi32>, vector<16xi32>], vector<16xf32>,
      %add3A_433 = arith.constant 32 : i32
      %add3A_434 = vector.broadcast %add3A_433 : i32 to vector<16xi32>
      %add3A_435 = arith.addi %iota3A, %add3A_434 : vector<16xi32>
      %gather3A_436 = tpu.vector_load_idx %arg9[%add3A_435, %add3A_337] : memref<128x128xf32, #tpu.memory_space<vmem>>[vector<16xi32>, vector<16xi32>], vector<16xf32>,
      %add3A_437 = arith.addf %gather3A_436, %gather3A_341 : vector<16xf32>
      tpu.vector_store_idx %arg12[%add3A_400, %select_n3A_422, %add3A_435], %add3A_437 : memref<8x8x128xf32, #tpu.memory_space<vmem>>[vector<16xi32>, vector<16xi32>, vector<16xi32>], vector<16xf32>,
      %add3A_438 = arith.constant 48 : i32
      %add3A_439 = vector.broadcast %add3A_438 : i32 to vector<16xi32>
      %add3A_440 = arith.addi %iota3A, %add3A_439 : vector<16xi32>
      %gather3A_441 = tpu.vector_load_idx %arg9[%add3A_440, %add3A_337] : memref<128x128xf32, #tpu.memory_space<vmem>>[vector<16xi32>, vector<16xi32>], vector<16xf32>,
      %add3A_442 = arith.addf %gather3A_441, %gather3A_341 : vector<16xf32>
      tpu.vector_store_idx %arg12[%add3A_400, %select_n3A_422, %add3A_440], %add3A_442 : memref<8x8x128xf32, #tpu.memory_space<vmem>>[vector<16xi32>, vector<16xi32>, vector<16xi32>], vector<16xf32>,
      %add3A_443 = arith.constant 64 : i32
      %add3A_444 = vector.broadcast %add3A_443 : i32 to vector<16xi32>
      %add3A_445 = arith.addi %iota3A, %add3A_444 : vector<16xi32>
      %gather3A_446 = tpu.vector_load_idx %arg9[%add3A_445, %add3A_337] : memref<128x128xf32, #tpu.memory_space<vmem>>[vector<16xi32>, vector<16xi32>], vector<16xf32>,
      %add3A_447 = arith.addf %gather3A_446, %gather3A_341 : vector<16xf32>
      tpu.vector_store_idx %arg12[%add3A_400, %select_n3A_422, %add3A_445], %add3A_447 : memref<8x8x128xf32, #tpu.memory_space<vmem>>[vector<16xi32>, vector<16xi32>, vector<16xi32>], vector<16xf32>,
      %add3A_448 = arith.constant 80 : i32
      %add3A_449 = vector.broadcast %add3A_448 : i32 to vector<16xi32>
      %add3A_450 = arith.addi %iota3A, %add3A_449 : vector<16xi32>
      %gather3A_451 = tpu.vector_load_idx %arg9[%add3A_450, %add3A_337] : memref<128x128xf32, #tpu.memory_space<vmem>>[vector<16xi32>, vector<16xi32>], vector<16xf32>,
      %add3A_452 = arith.addf %gather3A_451, %gather3A_341 : vector<16xf32>
      tpu.vector_store_idx %arg12[%add3A_400, %select_n3A_422, %add3A_450], %add3A_452 : memref<8x8x128xf32, #tpu.memory_space<vmem>>[vector<16xi32>, vector<16xi32>, vector<16xi32>], vector<16xf32>,
      %add3A_453 = arith.constant 96 : i32
      %add3A_454 = vector.broadcast %add3A_453 : i32 to vector<16xi32>
      %add3A_455 = arith.addi %iota3A, %add3A_454 : vector<16xi32>
      %gather3A_456 = tpu.vector_load_idx %arg9[%add3A_455, %add3A_337] : memref<128x128xf32, #tpu.memory_space<vmem>>[vector<16xi32>, vector<16xi32>], vector<16xf32>,
      %add3A_457 = arith.addf %gather3A_456, %gather3A_341 : vector<16xf32>
      tpu.vector_store_idx %arg12[%add3A_400, %select_n3A_422, %add3A_455], %add3A_457 : memref<8x8x128xf32, #tpu.memory_space<vmem>>[vector<16xi32>, vector<16xi32>, vector<16xi32>], vector<16xf32>,
      %add3A_458 = arith.constant 112 : i32
      %add3A_459 = vector.broadcast %add3A_458 : i32 to vector<16xi32>
      %add3A_460 = arith.addi %iota3A, %add3A_459 : vector<16xi32>
      %gather3A_461 = tpu.vector_load_idx %arg9[%add3A_460, %add3A_337] : memref<128x128xf32, #tpu.memory_space<vmem>>[vector<16xi32>, vector<16xi32>], vector<16xf32>,
      %add3A_462 = arith.addf %gather3A_461, %gather3A_341 : vector<16xf32>
      tpu.vector_store_idx %arg12[%add3A_400, %select_n3A_422, %add3A_460], %add3A_462 : memref<8x8x128xf32, #tpu.memory_space<vmem>>[vector<16xi32>, vector<16xi32>, vector<16xi32>], vector<16xf32>,
    }
    %scan3A_75 = arith.constant 64 : i32
    %dma_start3A_76 = arith.constant 199 : i32
    %dma_start3A_77 = arith.constant 0 : i32
    %dma_start3A_78 = arith.constant 0 : i32
    %dma_start3A_79 = arith.constant 0 : i32
    %dma_start3A_80 = tpu.memref_slice %arg5[%dma_start3A_76, %dma_start3A_77, %add3A, %dma_start3A_78, %dma_start3A_79] : memref<200x8x32x8x128xf32, #tpu.memory_space<hbm>> -> memref<1x8x1x8x128xf32, #tpu.memory_space<hbm>>
    %dma_start3A_81 = tpu.memref_squeeze %dma_start3A_80 : memref<1x8x1x8x128xf32, #tpu.memory_space<hbm>> -> memref<8x8x128xf32, #tpu.memory_space<hbm>>
    %dma_start3A_82 = arith.constant 0 : i32
    %dma_start3A_83 = arith.constant 0 : i32
    %dma_start3A_84 = arith.constant 0 : i32
    %dma_start3A_85 = tpu.memref_slice %arg5[%dma_start3A_76, %dma_start3A_82, %add3A, %dma_start3A_83, %dma_start3A_84] : memref<200x8x32x8x128xf32, #tpu.memory_space<hbm>> -> memref<1x8x1x8x128xf32, #tpu.memory_space<hbm>>
    %dma_start3A_86 = tpu.memref_squeeze %dma_start3A_85 : memref<1x8x1x8x128xf32, #tpu.memory_space<hbm>> -> memref<8x8x128xf32, #tpu.memory_space<hbm>>
    tpu.enqueue_dma source(%arg12 : memref<8x8x128xf32, #tpu.memory_space<vmem>>) target(%dma_start3A_86 : memref<8x8x128xf32, #tpu.memory_space<hbm>>) target_semaphore(%arg17 : memref<!tpu.dma_semaphore, #tpu.memory_space<semaphore_mem>>)
    %dma_wait3A_87 = arith.constant 198 : i32
    %dma_wait3A_88 = arith.constant 0 : i32
    %dma_wait3A_89 = arith.constant 0 : i32
    %dma_wait3A_90 = arith.constant 0 : i32
    %dma_wait3A_91 = tpu.memref_slice %arg5[%dma_wait3A_87, %dma_wait3A_88, %add3A, %dma_wait3A_89, %dma_wait3A_90] : memref<200x8x32x8x128xf32, #tpu.memory_space<hbm>> -> memref<1x8x1x8x128xf32, #tpu.memory_space<hbm>>
    %dma_wait3A_92 = tpu.memref_squeeze %dma_wait3A_91 : memref<1x8x1x8x128xf32, #tpu.memory_space<hbm>> -> memref<8x8x128xf32, #tpu.memory_space<hbm>>
    %dma_wait3A_93 = arith.constant 0 : i32
    %dma_wait3A_94 = arith.constant 0 : i32
    %dma_wait3A_95 = arith.constant 0 : i32
    %dma_wait3A_96 = tpu.memref_slice %arg5[%dma_wait3A_87, %dma_wait3A_93, %add3A, %dma_wait3A_94, %dma_wait3A_95] : memref<200x8x32x8x128xf32, #tpu.memory_space<hbm>> -> memref<1x8x1x8x128xf32, #tpu.memory_space<hbm>>
    %dma_wait3A_97 = tpu.memref_squeeze %dma_wait3A_96 : memref<1x8x1x8x128xf32, #tpu.memory_space<hbm>> -> memref<8x8x128xf32, #tpu.memory_space<hbm>>
    tpu.wait_dma2 semaphore(%arg16 : memref<!tpu.dma_semaphore, #tpu.memory_space<semaphore_mem>>) src(%arg11 : memref<8x8x128xf32, #tpu.memory_space<vmem>>) dst(%dma_wait3A_97 : memref<8x8x128xf32, #tpu.memory_space<hbm>>)
    %dma_wait3A_98 = arith.constant 199 : i32
    %dma_wait3A_99 = arith.constant 0 : i32
    %dma_wait3A_100 = arith.constant 0 : i32
    %dma_wait3A_101 = arith.constant 0 : i32
    %dma_wait3A_102 = tpu.memref_slice %arg5[%dma_wait3A_98, %dma_wait3A_99, %add3A, %dma_wait3A_100, %dma_wait3A_101] : memref<200x8x32x8x128xf32, #tpu.memory_space<hbm>> -> memref<1x8x1x8x128xf32, #tpu.memory_space<hbm>>
    %dma_wait3A_103 = tpu.memref_squeeze %dma_wait3A_102 : memref<1x8x1x8x128xf32, #tpu.memory_space<hbm>> -> memref<8x8x128xf32, #tpu.memory_space<hbm>>
    %dma_wait3A_104 = arith.constant 0 : i32
    %dma_wait3A_105 = arith.constant 0 : i32
    %dma_wait3A_106 = arith.constant 0 : i32
    %dma_wait3A_107 = tpu.memref_slice %arg5[%dma_wait3A_98, %dma_wait3A_104, %add3A, %dma_wait3A_105, %dma_wait3A_106] : memref<200x8x32x8x128xf32, #tpu.memory_space<hbm>> -> memref<1x8x1x8x128xf32, #tpu.memory_space<hbm>>
    %dma_wait3A_108 = tpu.memref_squeeze %dma_wait3A_107 : memref<1x8x1x8x128xf32, #tpu.memory_space<hbm>> -> memref<8x8x128xf32, #tpu.memory_space<hbm>>
    tpu.wait_dma2 semaphore(%arg17 : memref<!tpu.dma_semaphore, #tpu.memory_space<semaphore_mem>>) src(%arg12 : memref<8x8x128xf32, #tpu.memory_space<vmem>>) dst(%dma_wait3A_108 : memref<8x8x128xf32, #tpu.memory_space<hbm>>)
    return
  }
}

</mosaic_0001>

<sc_bundles>
// kernel: kernel.3.cloned.1.call-start
scs
__scs_entry_jumppad:
0x0: {  	(pc) =	sbr.rel $0x88, $3  }
0x1: {  	(tag) =	ssettag $0x0;
	lr =	simm.s32 $0x1  }
0x2: {  	[smem:$0x3F9E] =	sst lr;
	_ =	strace $0xD0000000  }
0x3: {  	_ = 	snop  }
0x4: {  	_ = 	snop  }
0x5: {  	_ = 	snop  }
0x6: {  	_ = 	snop  }
0x7: {  	_ = 	snop  }
__scs_overlays_trampoline_lowered:
0x8: {  	[smem:$0x3FAD] =	sst s0  }
0x9: {  	[smem:$0x3FAE] =	sst s1  }
0xa: {  	[smem:$0x3FAF] =	sst s2  }
0xb: {  	[smem:$0x3FB0] =	sst s3  }
0xc: {  	[smem:$0x3FB1] =	sst s4  }
0xd: {  	[smem:$0x3FB2] =	sst s5  }
0xe: {  	[smem:$0x3FB3] =	sst s6  }
0xf: {  	[smem:$0x3FB4] =	sst s7  }
0x10: {  	[smem:$0x3FB5] =	sst s8  }
0x11: {  	[smem:$0x3FB6] =	sst s9;
	s0 =	simm.s32 @!p0 $0x0  }
0x12: {  	s1 =	sld [smem:$0x3F9C];
	s0 =	simm.s32 @p0 $0x1  }
0x13: {  	[smem:$0x3FB7] =	sst s0;
	s0 =	simm.s32 @!p1 $0x0  }
0x14: {  	s2 =	sld [smem:$0x3F9B];
	s0 =	simm.s32 @p1 $0x1  }
0x15: {  	[smem:$0x3FB8] =	sst s0;
	s0 =	simm.s32 @!p2 $0x0  }
0x16: {  	s3 =	sld [smem:$0x3FDB];
	s0 =	simm.s32 @p2 $0x1  }
0x17: {  	s4 =	simm.s32 $0x1BF5;
	[smem:$0x3FBA] =	sst s0  }
0x18: {  	s0 =	sld [smem:$0x3F9D];
	_ =	swait.ge [sflag:s4], $0x0  }
0x19: {  	s7 =	sld [smem:$0x3F9E]  }
0x1a: {  	s8 =	sadd.s32 $0xFFFFE003, lr  }
0x1b: {  	s9 =	sadd.s32 $0xFFFFFEF7, lr;
	s5 =	simm.s32 $0xFFFFFFFF;
	p2 =	slt.u32 s8, $0xFFFFF086  }
0x1c: {  	p1 =	slt.u32 s9, $0xF7A;
	s5 =	simm.s32 @!p2 $0x0  }
0x1d: {  	s5 =	simm.s32 @p1 $0x1;
	p0 =	seq.s32 s7, s2  }
0x1e: {  	s7 =	smul.u32 @!p0 $0xF7A, s2;
	p2 =	seq.s32 @!p0 s5, $0x0  }
0x1f: {  	s9 =	smul.u32 $0xF7A, s1;
	s8 =	simm.s32 @!p0 $0x1BF5;
	p2 =	por !p2, p0  }
0x20: {  	[sflag:s8] =	ssyncset.s32 @!p0 $0xFFFFF086;
	s6 =	sadd.s32 @!p0 s3, s7;
	s7 =	simm.s32 @!p0 $0x108  }
0x21: {  	s3 =	sadd.s32 s3, s9;
	s6 =	sadd.s32 @!p0 $0x88, s6;
	s7 =	simm.s32 @p2 $0x1082  }
0x22: {  	[simem:s7], [sflag:s8] =	dma.local @!p0 [hbm:s6], $0xF7A  }
0x23: {  	s9 =	sor.u32 $0xD0000000, s2;
	s6 =	simm.s32 $0x108;
	_ =	swait.ge @!p0 [sflag:s8], $0x0  }
0x24: {  	s3 =	sadd.s32 $0x88, s3;
	s6 =	simm.s32 @!p1 $0x1082;
	[sflag:s4] =	ssyncset.s32 $0xFFFFF086  }
0x25: {  	[simem:s6], [sflag:s4] =	dma.local [hbm:s3], $0xF7A  }
0x26: {  	[smem:$0x3F9E] =	sst s1;
	(tag) =	ssettag s2;
	_ =	strace s9  }
0x27: {  	s1 =	sld [smem:$0x3FAE]  }
0x28: {  	s2 =	sld [smem:$0x3FAF]  }
0x29: {  	s4 =	sld [smem:$0x3FB1]  }
0x2a: {  	p0 =	seq.s32 s5, $0x0;
	s5 =	sld [smem:$0x3FB2]  }
0x2b: {  	s6 =	sld [smem:$0x3FB3]  }
0x2c: {  	s7 =	sld [smem:$0x3FB4]  }
0x2d: {  	s3 =	simm.s32 $0x108;
	s8 =	sld [smem:$0x3FB5]  }
0x2e: {  	s3 =	simm.s32 @!p0 $0x1082;
	s9 =	sld [smem:$0x3FB6]  }
0x2f: {  	lr =	sadd.s32 s0, s3;
	s0 =	sld [smem:$0x3FAD]  }
0x30: {  	s3 =	sld [smem:$0x3FB0]  }
0x31: {  	[smem:$0x3FB9] =	sst s10  }
0x32: {  	s10 =	sld [smem:$0x3FB7];
	_ =	sdelay $0x3  }
0x33: {  	p0 =	seq.s32 s10, $0x1;
	s10 =	sld [smem:$0x3FB9];
	_ =	sdelay $0x3  }
0x34: {  	[smem:$0x3FB9] =	sst s10  }
0x35: {  	s10 =	sld [smem:$0x3FB8];
	_ =	sdelay $0x3  }
0x36: {  	p1 =	seq.s32 s10, $0x1;
	s10 =	sld [smem:$0x3FB9];
	_ =	sdelay $0x3  }
0x37: {  	[smem:$0x3FB9] =	sst s10  }
0x38: {  	s10 =	sld [smem:$0x3FBA]  }
0x39: {  	_ = 	snop;
	(pc) =	sbr.ind lr, $3  }
0x3a: {  	_ = 	snop  }
0x3b: {  	_ = 	snop  }
0x3c: {  	p2 =	seq.s32 s10, $0x1;
	s10 =	sld [smem:$0x3FB9]  }
0x3d: {  	_ =	shalt  }
0x3e: {  	_ =	shalt  }
0x3f: {  	_ =	shalt  }
0x40: {  	_ =	shalt  }
0x41: {  	_ =	shalt  }
0x42: {  	_ =	shalt  }
0x43: {  	_ =	shalt  }
0x44: {  	_ =	shalt  }
0x45: {  	_ =	shalt  }
0x46: {  	_ =	shalt  }
0x47: {  	_ =	shalt  }
0x48: {  	_ =	shalt  }
0x49: {  	_ =	shalt  }
0x4a: {  	_ =	shalt  }
0x4b: {  	_ =	shalt  }
0x4c: {  	_ =	shalt  }
0x4d: {  	_ =	shalt  }
0x4e: {  	_ =	shalt  }
0x4f: {  	_ =	shalt  }
0x50: {  	_ =	shalt  }
0x51: {  	_ =	shalt  }
0x52: {  	_ =	shalt  }
0x53: {  	_ =	shalt  }
0x54: {  	_ =	shalt  }
0x55: {  	_ =	shalt  }
0x56: {  	_ =	shalt  }
0x57: {  	_ =	shalt  }
0x58: {  	_ =	shalt  }
0x59: {  	_ =	shalt  }
0x5a: {  	_ =	shalt  }
0x5b: {  	_ =	shalt  }
0x5c: {  	_ =	shalt  }
0x5d: {  	_ =	shalt  }
0x5e: {  	_ =	shalt  }
0x5f: {  	_ =	shalt  }
0x60: {  	_ =	shalt  }
0x61: {  	_ =	shalt  }
0x62: {  	_ =	shalt  }
0x63: {  	_ =	shalt  }
0x64: {  	_ =	shalt  }
0x65: {  	_ =	shalt  }
0x66: {  	_ =	shalt  }
0x67: {  	_ =	shalt  }
0x68: {  	_ =	shalt  }
0x69: {  	_ =	shalt  }
0x6a: {  	_ =	shalt  }
0x6b: {  	_ =	shalt  }
0x6c: {  	_ =	shalt  }
0x6d: {  	_ =	shalt  }
0x6e: {  	_ =	shalt  }
0x6f: {  	_ =	shalt  }
0x70: {  	_ =	shalt  }
0x71: {  	_ =	shalt  }
0x72: {  	_ =	shalt  }
0x73: {  	_ =	shalt  }
0x74: {  	_ =	shalt  }
0x75: {  	_ =	shalt  }
0x76: {  	_ =	shalt  }
0x77: {  	_ =	shalt  }
0x78: {  	_ =	shalt  }
0x79: {  	_ =	shalt  }
0x7a: {  	_ =	shalt  }
0x7b: {  	_ =	shalt  }
0x7c: {  	_ =	shalt  }
0x7d: {  	_ =	shalt  }
0x7e: {  	_ =	shalt  }
0x7f: {  	_ =	shalt  }
0x80: {  	_ =	shalt  }
0x81: {  	_ =	shalt  }
0x82: {  	_ =	shalt  }
0x83: {  	_ =	shalt  }
0x84: {  	_ =	shalt  }
0x85: {  	_ =	shalt  }
0x86: {  	_ =	shalt  }
0x87: {  	_ =	shalt  }
.Lfunc_end0:
.L_simem_size_0:
called_computation_lowered:
.L_overlay_start_0:
0x88: {  	s2 =	sld [smem:$0x3FD9]  }
0x89: {  	s3 =	sld [smem:$0x3FFE];
	_ =	sdelay $0x1  }
0x8a: {  	s1 =	srdreg.scid  }
0x8b: {  	s0 =	sand.u32 $0x1, s1  }
0x8c: {  	s17 =	sshll.u32 s0, $0xA;
	s2 =	sadd.s32 s3, s2  }
0x8d: {  	s2 =	sadd.s32 s2, s17  }
0x8e: {  	[smem:$0x3FC5] =	sst s2  }
0x8f: {  	_ = 	snop  }
0x90: {  	s2 =	sld [smem:$0x3FC9]  }
0x91: {  	s18 =	sld [smem:$0x3FD0];
	(tm) =	ssettm $0x1  }
0x92: {  	s4 =	sld [smem:$0x3FFB];
	_ =	sdelay $0x3  }
0x93: {  	_ =	strace s4  }
0x94: {  	s4 =	sld [smem:$0x3FFC];
	_ =	sdelay $0x3  }
0x95: {  	_ =	strace s4  }
0x96: {  	s4 =	sld [smem:$0x3FFD];
	_ =	sdelay $0x3  }
0x97: {  	_ =	strace s4  }
0x98: {  	_ =	strace $0x8FFFFFFF  }
0x99: {  	s19 =	sld [smem:$0x3FDB];
	_ =	sdelay $0x1  }
0x9a: {  	s5 =	simm.s32 $_scs_section_size  }
0x9b: {  	s6 =	simm.s32 $_size__tile_overlayer_lowered;
	s7 =	simm.s32 $_tile_overlayer_lowered  }
0x9c: {  	s22 =	simm.s32 $0x1BFF;
	s21 =	sshll.u32 s7, $0x1;
	s4 =	sadd.s32 s5, s19  }
0x9d: {  	s8 =	simm.s32 $0x0;
	s20 =	sshll.u32 s6, $0x1;
	s6 =	sadd.s32 s21, s4  }
0x9e: {  	[timem:s8], [sflag:s22] =	dma.local [hbm:s6], s20  }
0x9f: {  	_ =	swait.ge [sflag:s22], s20  }
0xa0: {  	s5 =	ssub.s32 $0x0, s20;
	[sflag:s22] =	ssyncset.done $0x0  }
0xa1: {  	[sflag:s22] =	ssyncadd.s32 s5;
	_ =	sdelay $0x1  }
0xa2: {  	s23 =	simm.s32 $0x1B8B  }
0xa3: {  	_ =	swait.ge [sflag:s23], $0x1  }
0xa4: {  	[sflag:s23] =	ssyncset.done $0x0  }
0xa5: {  	s25 =	simm.s32 $0x1B8E;
	s24 =	sld [smem:$0x3FFE];
	[sflag:s23] =	ssyncadd.s32 $0xFFFFFFFF  }
0xa6: {  	s26 =	simm.s32 $execute0_lowered;
	[smem:$0x3FD2] =	sst s25  }
0xa7: {  	s6 =	sshll.u32 s26, $0x1;
	_ =	strace $0x80000046;
	[dreg:$0x1] =	wrdreg $0xFFFFFFFF  }
0xa8: {  	s28 =	simm.s32 $_size_execute0_lowered;
	s4 =	sadd.s32 s4, s6;
	[dreg:$0x0] =	wrdreg $0x0  }
0xa9: {  	s6 =	sshll.u32 s28, $0x1;
	[dreg:$0x2] =	wrdreg s4  }
0xaa: {  	[dreg:$0x3] =	wrdreg s6  }
0xab: {  	[dreg:$0x4] =	wrdreg $0xC0  }
0xac: {  	_ =	task [dreg:s8], $0x5FFFF  }
0xad: {  	[dreg:$0x1] =	wrdreg $0xFFFFFFFF  }
0xae: {  	[dreg:$0x0] =	wrdreg $0x60  }
0xaf: {  	[dreg:$0x2] =	wrdreg s24  }
0xb0: {  	[dreg:$0x3] =	wrdreg s2  }
0xb1: {  	[dreg:$0x4] =	wrdreg s18  }
0xb2: {  	[dreg:$0x5] =	wrdreg $0x9  }
0xb3: {  	_ =	task.clear_ibuf [dreg:s8], $0x6FFFF;
	_ =	strace $0x90000046  }
0xb4: {  	s29 =	simm.s32 $0x9;
	_ =	strace $0x80000048  }
0xb5: {  	_ =	swait.ge [sflag:s29], $0x1  }
0xb6: {  	[sflag:s29] =	ssyncadd.s32 $0xFFFFFFFF  }
0xb7: {  	_ =	strace $0x90000048  }
0xb8: {  	_ =	sfence  }
0xb9: {  	s30 =	sld [smem:$0x0];
	_ =	sdelay $0x2  }
0xba: {  	s31 =	sshll.u32 s1, $0xD;
	s1 =	sshrl.u32 s1, $0x2  }
0xbb: {  	s3 =	sand.u32 $0x4000, s31;
	s1 =	sadd.s32 s1, s30  }
0xbc: {  	s0 =	sor.u32 s3, s0;
	s1 =	sshll.u32 s1, $0x11  }
0xbd: {  	s0 =	sor.u32 s1, s0  }
0xbe: {  	s0 =	sadd.s32 $0x8F2B, s0  }
0xbf: {  	[sflag:s0] =	ssyncadd.remote.s32 $0x1  }
0xc0: {  	_ =	sfence.sel $0xFFFF  }
0xc1: {  	[dreg:$0x0] =	wrdreg $0xFFFFFFFF;
	(pc) =	sbr.abs _section_cstart, $3  }
0xc2: {  	[dreg:$0x1] =	wrdreg $0xFFFFFFFF  }
0xc3: {  	_ =	task.clear_ibuf [dreg:s8], $0x2FFFF;
	_ =	strace $0x9FFFFFFF  }
0xc4: {  	(tm) =	ssettm $0x7FFFFFFF  }
0xc5: {  	_ =	shalt  }
tec
execute0_lowered:
.L_overlay_start_1:
0x0: {  	(tag) =	ssettag $0x1  }
0x1: {  	s0 =	rddreg [dreg:$0x0]  }
0x2: {  	s1 =	rddreg [dreg:$0x1]  }
0x3: {  	s2 =	rddreg [dreg:$0x2]  }
0x4: {  	s3 =	simm.s32 $0x0;
	s4 =	srdreg.scid;
	s5 =	stileid.u32  }
0x5: {  	s11 =	simm.s32 $0x400;
	s12 =	simm.s32 $0x8000;
	s13 =	simm.s32 $0x6  }
0x6: {  	s14 =	simm.s32 $0x6400;
	s15 =	simm.s32 $0x80;
	s16 =	simm.s32 $0x9600  }
0x7: {  	s17 =	simm.s32 $0xD600;
	s18 =	simm.s32 $0x11600;
	s19 =	simm.s32 $0x1  }
0x8: {  	s20 =	simm.s32 $0x15600;
	s21 =	simm.s32 $0x2;
	s22 =	simm.s32 $0x17600  }
0x9: {  	s23 =	simm.s32 $0x3;
	s24 =	simm.s32 $0x4;
	s25 =	simm.s32 $0x5  }
0xa: {  	v0 =	vlaneseq.u32;
	s26 =	simm.s32 $0x0;
	[smem:$0x7FF] =	sst s3;
	s4 =	sand.u32 $0x1, s4  }
0xb: {  	s5 =	sshll.u32 s5, $0x1;
	v1 =	vmul.u32 $0x80, v0;
	_ =	strace $0x80000047;
	s6 =	ssub.s32 $0x2, s4  }
0xc: {  	v3 =	vor.u32 $0x10, v0;
	v5 =	vor.u32 $0x20, v0;
	s5 =	sor.u32 s4, s5;
	s4 =	sadd.s32 $0xF43200, s0;
	s0 =	sadd.s32 $0xF42A00, s0  }
0xd: {  	v7 =	vor.u32 $0x30, v0;
	v9 =	vor.u32 $0x40, v0;
	v11 =	vor.u32 $0x50, v0;
	s7 =	sshrl.u32 s6, $0x1;
	s8 =	sshll.u32 s5, $0x7;
	[dreg:$0x4] =	wrdreg s0  }
0xe: {  	v13 =	vor.u32 $0x60, v0;
	v15 =	vor.u32 $0x70, v0;
	v2 =	vor.u32 $0x800, v1;
	s29 =	ssub.s32 s6, s7;
	s30 =	sadd.s32 s8, s2;
	s1 =	sadd.s32 s1, s8  }
0xf: {  	v4 =	vor.u32 $0x1000, v1;
	v6 =	vor.u32 $0x1800, v1;
	v8 =	vor.u32 $0x2000, v1;
	s7 =	sshll.u32 s5, $0xA;
	[dreg:$0x5] =	wrdreg s1;
	s31 =	sadd.s32 $0x630000, s30  }
0x10: {  	v10 =	vor.u32 $0x2800, v1;
	v12 =	vor.u32 $0x3000, v1;
	v14 =	vor.u32 $0x3800, v1;
	s9 =	sadd.s32 $0x638000, s30;
	s10 =	smax.u32 s29, $0x1;
	[dreg:$0x6] =	wrdreg s31  }
.LBB2_1:
0x11: {  	s0 =	rddreg [dreg:$0x5]  }
0x12: {  	[tilespmem:s3], [sflag:$0x6] =	stream.strided.gather [hbm4b:s0+s11], $0x6400, s12, s11, $0x38;
	[tilespmem:$0x19600] =	vst v63  }
0x13: {  	_ =	swait.ge [sflag:s13], $0x6400  }
0x14: {  	[sflag:s13] =	ssyncset.done $0x0  }
0x15: {  	s31 =	rddreg [dreg:$0x4];
	[sflag:s13] =	ssyncadd.s32 $0xFFFF9C00  }
0x16: {  	[tilespmem:s14], [sflag:$0x6] =	stream.linear.gather [hbm4b:s31+s3], $0x3200, $0x38;
	[tilespmem:$0x19600] =	vst v63  }
0x17: {  	_ =	swait.ge [sflag:s13], $0x3200  }
0x18: {  	[sflag:s13] =	ssyncset.done $0x0  }
0x19: {  	[sflag:s13] =	ssyncadd.s32 $0xFFFFCE00  }
0x1a: {  	[tilespmem:s16], [sflag:$0x1] =	stream.indirect.gather [hbm4b:s4+s15], $0x80, s3, s15, $0xb8;
	[tilespmem:$0x19600] =	vst v63  }
0x1b: {  	s28 =	simm.s32 $0x0  }
0x1c: {  	[tilespmem:s17], [sflag:$0x2] =	stream.indirect.gather [hbm4b:s4+s15], $0x80, s15, s15, $0xb8;
	[tilespmem:$0x19600] =	vst v63  }
.LBB2_2:
0x1d: {  	s29 =	smul.u32 $0x6, s28;
	_ =	sdelay $0x1  }
0x1e: {  	s30 =	sadd.s32 $0x2, s29  }
0x1f: {  	s0 =	sshll.u32 s30, $0x7  }
0x20: {  	s6 =	simm.s32 $0x0;
	s1 =	smul.u32 $0x180, s28;
	s0 =	sand.u32 $0x3FFFFF00, s0  }
0x21: {  	v17 =	vadd.s32 s6, v0;
	[tilespmem:s18], [sflag:$0x3] =	stream.indirect.gather [hbm4b:s4+s15], $0x80, s0, s15, $0xb8;
	[tilespmem:$0x19600] =	vst v63  }
0x22: {  	v18 =	vand.u32 $0xF, v17;
	s0 =	sand.u32 $0x30, s6  }
0x23: {  	v16 =	vmov s1;
	_ =	swait.ge [sflag:s19], $0x4000;
	v19 =	vor.u32 s0, v18  }
0x24: {  	p0 =	seq.s32 s28, $0x0;
	[sflag:s19] =	ssyncset.done $0x0;
	v20 =	vor.u32 v16, v19  }
0x25: {  	s1 =	simm.s32 @!p0 $0x4;
	v21 =	vor.u32 v1, v19;
	[sflag:s19] =	ssyncadd.s32 $0xFFFFC000  }
0x26: {  	_ =	swait.ge @!p0 [sflag:s1], $0x2000  }
0x27: {  	s5 =	simm.s32 $0x0;
	[sflag:s1] =	ssyncset.done @!p0 $0x0  }
0x28: {  	s8 =	sand.u32 $0x6, s5;
	v18 =	vshrl.u32 v18, $0x3;
	[sflag:s1] =	ssyncadd.s32 @!p0 $0xFFFFE000  }
0x29: {  	v17 =	vshll.u32 v17, $0x7;
	v18 =	vor.u32 s8, v18;
	v20 =	vld.idx.msk [tilespmem:v20+s14+$0x0], $0xffff  }
0x2a: {  	v17 =	vand.u32 $0x380, v17;
	v18 =	vshll.u32 v18, $0xA;
	v21 =	vld.idx.msk [tilespmem:v21+s16+$0x0], $0xffff  }
0x2b: {  	v17 =	vor.u32 v17, v18  }
0x2c: {  	v18 =	vor.u32 v0, v17  }
0x2d: {  	v22 =	vor.u32 v2, v19;
	_ =	sdelay $0x1  }
0x2e: {  	v21 =	vadd.f32 v21, v20;
	_ =	sdelay $0x1  }
0x2f: {  	[tilespmem:v18+s20+$0x0] =	vst.idx.msk $0xffff, v21  }
0x30: {  	v18 =	vld.idx.msk [tilespmem:v22+s16+$0x0], $0xffff;
	_ =	sdelay $0x1  }
0x31: {  	v21 =	vor.u32 v3, v17  }
0x32: {  	v22 =	vor.u32 v4, v19;
	_ =	sdelay $0x1  }
0x33: {  	v18 =	vadd.f32 v18, v20;
	_ =	sdelay $0x1  }
0x34: {  	[tilespmem:v21+s20+$0x0] =	vst.idx.msk $0xffff, v18  }
0x35: {  	v18 =	vld.idx.msk [tilespmem:v22+s16+$0x0], $0xffff;
	_ =	sdelay $0x1  }
0x36: {  	v21 =	vor.u32 v5, v17  }
0x37: {  	v22 =	vor.u32 v6, v19;
	_ =	sdelay $0x1  }
0x38: {  	v18 =	vadd.f32 v18, v20;
	_ =	sdelay $0x1  }
0x39: {  	[tilespmem:v21+s20+$0x0] =	vst.idx.msk $0xffff, v18  }
0x3a: {  	v18 =	vld.idx.msk [tilespmem:v22+s16+$0x0], $0xffff;
	_ =	sdelay $0x1  }
0x3b: {  	v21 =	vor.u32 v7, v17  }
0x3c: {  	v22 =	vor.u32 v8, v19;
	_ =	sdelay $0x1  }
0x3d: {  	v18 =	vadd.f32 v18, v20;
	_ =	sdelay $0x1  }
0x3e: {  	[tilespmem:v21+s20+$0x0] =	vst.idx.msk $0xffff, v18  }
0x3f: {  	v18 =	vld.idx.msk [tilespmem:v22+s16+$0x0], $0xffff;
	_ =	sdelay $0x1  }
0x40: {  	v21 =	vor.u32 v9, v17  }
0x41: {  	v22 =	vor.u32 v10, v19;
	_ =	sdelay $0x1  }
0x42: {  	v18 =	vadd.f32 v18, v20;
	_ =	sdelay $0x1  }
0x43: {  	[tilespmem:v21+s20+$0x0] =	vst.idx.msk $0xffff, v18  }
0x44: {  	v18 =	vld.idx.msk [tilespmem:v22+s16+$0x0], $0xffff;
	_ =	sdelay $0x1  }
0x45: {  	v21 =	vor.u32 v11, v17  }
0x46: {  	v22 =	vor.u32 v12, v19;
	_ =	sdelay $0x1  }
0x47: {  	v18 =	vadd.f32 v18, v20;
	_ =	sdelay $0x1  }
0x48: {  	[tilespmem:v21+s20+$0x0] =	vst.idx.msk $0xffff, v18  }
0x49: {  	v18 =	vld.idx.msk [tilespmem:v22+s16+$0x0], $0xffff;
	_ =	sdelay $0x1  }
0x4a: {  	v21 =	vor.u32 v13, v17  }
0x4b: {  	v19 =	vor.u32 v14, v19;
	_ =	sdelay $0x1  }
0x4c: {  	v18 =	vadd.f32 v18, v20;
	_ =	sdelay $0x1  }
0x4d: {  	s31 =	simm.s32 $0x1;
	[tilespmem:v21+s20+$0x0] =	vst.idx.msk $0xffff, v18  }
0x4e: {  	v18 =	vadd.s32 s31, v0;
	v19 =	vld.idx.msk [tilespmem:v19+s16+$0x0], $0xffff  }
0x4f: {  	v21 =	vand.u32 $0xF, v18  }
0x50: {  	v17 =	vor.u32 v15, v17;
	v22 =	vor.u32 s0, v21  }
0x51: {  	v23 =	vor.u32 v16, v22  }
0x52: {  	v24 =	vor.u32 v1, v22  }
0x53: {  	v19 =	vadd.f32 v19, v20;
	_ =	sdelay $0x1  }
0x54: {  	v20 =	vshrl.u32 v21, $0x3;
	[tilespmem:v17+s20+$0x0] =	vst.idx.msk $0xffff, v19  }
0x55: {  	v17 =	vshll.u32 v18, $0x7;
	v19 =	vor.u32 s8, v20;
	v18 =	vld.idx.msk [tilespmem:v23+s14+$0x0], $0xffff  }
0x56: {  	v19 =	vshll.u32 v19, $0xA;
	v17 =	vand.u32 $0x380, v17;
	v20 =	vld.idx.msk [tilespmem:v24+s16+$0x0], $0xffff  }
0x57: {  	v17 =	vor.u32 v17, v19  }
0x58: {  	v19 =	vor.u32 v0, v17  }
0x59: {  	v21 =	vor.u32 v2, v22;
	_ =	sdelay $0x1  }
0x5a: {  	v20 =	vadd.f32 v20, v18;
	_ =	sdelay $0x1  }
0x5b: {  	[tilespmem:v19+s20+$0x0] =	vst.idx.msk $0xffff, v20  }
0x5c: {  	v19 =	vld.idx.msk [tilespmem:v21+s16+$0x0], $0xffff;
	_ =	sdelay $0x1  }
0x5d: {  	v20 =	vor.u32 v3, v17  }
0x5e: {  	v21 =	vor.u32 v4, v22;
	_ =	sdelay $0x1  }
0x5f: {  	v19 =	vadd.f32 v19, v18;
	_ =	sdelay $0x1  }
0x60: {  	[tilespmem:v20+s20+$0x0] =	vst.idx.msk $0xffff, v19  }
0x61: {  	v19 =	vld.idx.msk [tilespmem:v21+s16+$0x0], $0xffff;
	_ =	sdelay $0x1  }
0x62: {  	v20 =	vor.u32 v5, v17  }
0x63: {  	v21 =	vor.u32 v6, v22;
	_ =	sdelay $0x1  }
0x64: {  	v19 =	vadd.f32 v19, v18;
	_ =	sdelay $0x1  }
0x65: {  	[tilespmem:v20+s20+$0x0] =	vst.idx.msk $0xffff, v19  }
0x66: {  	v19 =	vld.idx.msk [tilespmem:v21+s16+$0x0], $0xffff;
	_ =	sdelay $0x1  }
0x67: {  	v20 =	vor.u32 v7, v17  }
0x68: {  	v21 =	vor.u32 v8, v22;
	_ =	sdelay $0x1  }
0x69: {  	v19 =	vadd.f32 v19, v18;
	_ =	sdelay $0x1  }
0x6a: {  	[tilespmem:v20+s20+$0x0] =	vst.idx.msk $0xffff, v19  }
0x6b: {  	v19 =	vld.idx.msk [tilespmem:v21+s16+$0x0], $0xffff;
	_ =	sdelay $0x1  }
0x6c: {  	v20 =	vor.u32 v9, v17  }
0x6d: {  	v21 =	vor.u32 v10, v22;
	_ =	sdelay $0x1  }
0x6e: {  	v19 =	vadd.f32 v19, v18;
	_ =	sdelay $0x1  }
0x6f: {  	[tilespmem:v20+s20+$0x0] =	vst.idx.msk $0xffff, v19  }
0x70: {  	v19 =	vld.idx.msk [tilespmem:v21+s16+$0x0], $0xffff;
	_ =	sdelay $0x1  }
0x71: {  	v20 =	vor.u32 v11, v17  }
0x72: {  	v21 =	vor.u32 v12, v22;
	_ =	sdelay $0x1  }
0x73: {  	v19 =	vadd.f32 v19, v18;
	_ =	sdelay $0x1  }
0x74: {  	[tilespmem:v20+s20+$0x0] =	vst.idx.msk $0xffff, v19  }
0x75: {  	v19 =	vld.idx.msk [tilespmem:v21+s16+$0x0], $0xffff;
	_ =	sdelay $0x1  }
0x76: {  	v20 =	vor.u32 v13, v17  }
0x77: {  	v24 =	vor.u32 v14, v22;
	_ =	sdelay $0x1  }
0x78: {  	v19 =	vadd.f32 v19, v18  }
0x79: {  	s8 =	simm.s32 $0x3  }
0x7a: {  	s6 =	simm.s32 $0x2;
	v28 =	vadd.s32 s8, v0;
	[tilespmem:v20+s20+$0x0] =	vst.idx.msk $0xffff, v19  }
0x7b: {  	v29 =	vand.u32 $0xF, v28;
	v21 =	vadd.s32 s6, v0;
	v24 =	vld.idx.msk [tilespmem:v24+s16+$0x0], $0xffff  }
0x7c: {  	s31 =	simm.s32 $0x0;
	s0 =	sand.u32 $0x30, s6;
	v22 =	vor.u32 v15, v17;
	v17 =	vand.u32 $0xF, v21;
	v23 =	vshll.u32 v21, $0x7  }
0x7d: {  	s5 =	sand.u32 $0x6, s31;
	v21 =	vor.u32 s0, v17;
	v26 =	vshrl.u32 v17, $0x3;
	v17 =	vor.u32 s0, v29  }
0x7e: {  	v25 =	vor.u32 v16, v21;
	v19 =	vor.u32 s5, v26;
	v26 =	vor.u32 v1, v21  }
0x7f: {  	s0 =	simm.s32 $0x4;
	v20 =	vshrl.u32 v29, $0x3;
	v27 =	vshll.u32 v19, $0xA;
	v19 =	vshll.u32 v28, $0x7  }
.LBB2_3:
0x80: {  	p1 =	slt.u32 s0, $0x3E;
	v18 =	vadd.f32 v24, v18;
	s1 =	smov.u32 s0;
	s0 =	sadd.s32 $0x2, s0  }
0x81: {  	_ = 	snop  }
0x82: {  	[tilespmem:v22+s20+$0x0] =	vst.idx.msk $0xffff, v18  }
0x83: {  	v18 =	vld.idx.msk [tilespmem:v25+s14+$0x0], $0xffff  }
0x84: {  	v23 =	vand.u32 $0x380, v23;
	v22 =	vld.idx.msk [tilespmem:v26+s16+$0x0], $0xffff  }
0x85: {  	v23 =	vor.u32 v23, v27  }
0x86: {  	v24 =	vor.u32 v0, v23  }
0x87: {  	v25 =	vor.u32 v2, v21;
	_ =	sdelay $0x2  }
0x88: {  	v22 =	vadd.f32 v22, v18;
	_ =	sdelay $0x1  }
0x89: {  	[tilespmem:v24+s20+$0x0] =	vst.idx.msk $0xffff, v22  }
0x8a: {  	v22 =	vld.idx.msk [tilespmem:v25+s16+$0x0], $0xffff;
	_ =	sdelay $0x1  }
0x8b: {  	v24 =	vor.u32 v3, v23  }
0x8c: {  	v25 =	vor.u32 v4, v21;
	_ =	sdelay $0x2  }
0x8d: {  	v22 =	vadd.f32 v22, v18;
	_ =	sdelay $0x1  }
0x8e: {  	[tilespmem:v24+s20+$0x0] =	vst.idx.msk $0xffff, v22  }
0x8f: {  	v22 =	vld.idx.msk [tilespmem:v25+s16+$0x0], $0xffff;
	_ =	sdelay $0x1  }
0x90: {  	v24 =	vor.u32 v5, v23  }
0x91: {  	v25 =	vor.u32 v6, v21;
	_ =	sdelay $0x2  }
0x92: {  	v22 =	vadd.f32 v22, v18;
	_ =	sdelay $0x1  }
0x93: {  	[tilespmem:v24+s20+$0x0] =	vst.idx.msk $0xffff, v22  }
0x94: {  	v22 =	vld.idx.msk [tilespmem:v25+s16+$0x0], $0xffff;
	_ =	sdelay $0x1  }
0x95: {  	v24 =	vor.u32 v7, v23  }
0x96: {  	v25 =	vor.u32 v8, v21;
	_ =	sdelay $0x2  }
0x97: {  	v22 =	vadd.f32 v22, v18;
	_ =	sdelay $0x1  }
0x98: {  	[tilespmem:v24+s20+$0x0] =	vst.idx.msk $0xffff, v22  }
0x99: {  	v22 =	vld.idx.msk [tilespmem:v25+s16+$0x0], $0xffff;
	_ =	sdelay $0x1  }
0x9a: {  	v24 =	vor.u32 v9, v23  }
0x9b: {  	v25 =	vor.u32 v10, v21;
	_ =	sdelay $0x2  }
0x9c: {  	v22 =	vadd.f32 v22, v18;
	_ =	sdelay $0x1  }
0x9d: {  	[tilespmem:v24+s20+$0x0] =	vst.idx.msk $0xffff, v22  }
0x9e: {  	v22 =	vld.idx.msk [tilespmem:v25+s16+$0x0], $0xffff;
	_ =	sdelay $0x1  }
0x9f: {  	v24 =	vor.u32 v11, v23  }
0xa0: {  	v25 =	vor.u32 v12, v21;
	_ =	sdelay $0x2  }
0xa1: {  	v22 =	vadd.f32 v22, v18;
	_ =	sdelay $0x1  }
0xa2: {  	[tilespmem:v24+s20+$0x0] =	vst.idx.msk $0xffff, v22  }
0xa3: {  	v22 =	vld.idx.msk [tilespmem:v25+s16+$0x0], $0xffff;
	_ =	sdelay $0x1  }
0xa4: {  	v24 =	vor.u32 v13, v23  }
0xa5: {  	v21 =	vor.u32 v14, v21;
	_ =	sdelay $0x2  }
0xa6: {  	v22 =	vadd.f32 v22, v18;
	_ =	sdelay $0x1  }
0xa7: {  	[tilespmem:v24+s20+$0x0] =	vst.idx.msk $0xffff, v22  }
0xa8: {  	v21 =	vld.idx.msk [tilespmem:v21+s16+$0x0], $0xffff;
	_ =	sdelay $0x1  }
0xa9: {  	v22 =	vor.u32 v15, v23;
	_ =	sdelay $0x1  }
0xaa: {  	v23 =	vor.u32 v16, v17;
	v24 =	vor.u32 v1, v17;
	_ =	sdelay $0x1  }
0xab: {  	v18 =	vadd.f32 v21, v18;
	_ =	sdelay $0x1  }
0xac: {  	v20 =	vor.u32 s5, v20;
	[tilespmem:v22+s20+$0x0] =	vst.idx.msk $0xffff, v18  }
0xad: {  	v19 =	vand.u32 $0x380, v19;
	v20 =	vshll.u32 v20, $0xA;
	v18 =	vld.idx.msk [tilespmem:v23+s14+$0x0], $0xffff  }
0xae: {  	v19 =	vor.u32 v19, v20;
	v21 =	vld.idx.msk [tilespmem:v24+s16+$0x0], $0xffff  }
0xaf: {  	v20 =	vor.u32 v0, v19  }
0xb0: {  	v22 =	vor.u32 v2, v17;
	_ =	sdelay $0x3  }
0xb1: {  	v21 =	vadd.f32 v21, v18;
	_ =	sdelay $0x1  }
0xb2: {  	[tilespmem:v20+s20+$0x0] =	vst.idx.msk $0xffff, v21  }
0xb3: {  	v20 =	vld.idx.msk [tilespmem:v22+s16+$0x0], $0xffff  }
0xb4: {  	v21 =	vor.u32 v3, v19  }
0xb5: {  	v22 =	vor.u32 v4, v17;
	_ =	sdelay $0x3  }
0xb6: {  	v20 =	vadd.f32 v20, v18;
	_ =	sdelay $0x1  }
0xb7: {  	[tilespmem:v21+s20+$0x0] =	vst.idx.msk $0xffff, v20  }
0xb8: {  	v20 =	vld.idx.msk [tilespmem:v22+s16+$0x0], $0xffff  }
0xb9: {  	v21 =	vor.u32 v5, v19  }
0xba: {  	v22 =	vor.u32 v6, v17;
	_ =	sdelay $0x3  }
0xbb: {  	v20 =	vadd.f32 v20, v18;
	_ =	sdelay $0x1  }
0xbc: {  	[tilespmem:v21+s20+$0x0] =	vst.idx.msk $0xffff, v20  }
0xbd: {  	v20 =	vld.idx.msk [tilespmem:v22+s16+$0x0], $0xffff  }
0xbe: {  	v21 =	vor.u32 v7, v19  }
0xbf: {  	v22 =	vor.u32 v8, v17;
	_ =	sdelay $0x3  }
0xc0: {  	v20 =	vadd.f32 v20, v18;
	_ =	sdelay $0x1  }
0xc1: {  	[tilespmem:v21+s20+$0x0] =	vst.idx.msk $0xffff, v20  }
0xc2: {  	v20 =	vld.idx.msk [tilespmem:v22+s16+$0x0], $0xffff  }
0xc3: {  	v21 =	vor.u32 v9, v19  }
0xc4: {  	v22 =	vor.u32 v10, v17;
	_ =	sdelay $0x3  }
0xc5: {  	v20 =	vadd.f32 v20, v18;
	_ =	sdelay $0x1  }
0xc6: {  	[tilespmem:v21+s20+$0x0] =	vst.idx.msk $0xffff, v20  }
0xc7: {  	v20 =	vld.idx.msk [tilespmem:v22+s16+$0x0], $0xffff  }
0xc8: {  	v21 =	vor.u32 v11, v19  }
0xc9: {  	v22 =	vor.u32 v12, v17;
	_ =	sdelay $0x3  }
0xca: {  	v20 =	vadd.f32 v20, v18;
	_ =	sdelay $0x1  }
0xcb: {  	[tilespmem:v21+s20+$0x0] =	vst.idx.msk $0xffff, v20  }
0xcc: {  	v20 =	vld.idx.msk [tilespmem:v22+s16+$0x0], $0xffff  }
0xcd: {  	v21 =	vor.u32 v13, v19  }
0xce: {  	v17 =	vor.u32 v14, v17;
	_ =	sdelay $0x3  }
0xcf: {  	v20 =	vadd.f32 v20, v18;
	_ =	sdelay $0x1  }
0xd0: {  	[tilespmem:v21+s20+$0x0] =	vst.idx.msk $0xffff, v20  }
0xd1: {  	s5 =	sadd.s32 $0x1, s1;
	v24 =	vld.idx.msk [tilespmem:v17+s16+$0x0], $0xffff  }
.Ltmp0:
0xd2: {  	v28 =	vadd.s32 s5, v0;
	v22 =	vor.u32 v15, v19;
	v17 =	vadd.s32 s1, v0;
	(pc) =	sbr.rel @p1 .LBB2_3-.Ltmp0, $4  }
0xd3: {  	s6 =	sand.u32 $0x30, s1;
	v20 =	vand.u32 $0xF, v28;
	s1 =	sshrl.u32 s1, $0x3;
	v19 =	vand.u32 $0xF, v17;
	v23 =	vshll.u32 v17, $0x7  }
0xd4: {  	s5 =	sand.u32 $0x6, s1;
	v17 =	vor.u32 s6, v20;
	v21 =	vor.u32 s6, v19;
	v19 =	vshrl.u32 v19, $0x3  }
0xd5: {  	v25 =	vor.u32 v16, v21;
	v19 =	vor.u32 s5, v19;
	v26 =	vor.u32 v1, v21  }
0xd6: {  	v20 =	vshrl.u32 v20, $0x3;
	v27 =	vshll.u32 v19, $0xA;
	v19 =	vshll.u32 v28, $0x7  }
0xd7: {  	_ =	sdelay $0x1  }
0xd8: {  	v18 =	vadd.f32 v24, v18;
	_ =	sdelay $0x1  }
0xd9: {  	[tilespmem:v22+s20+$0x0] =	vst.idx.msk $0xffff, v18  }
0xda: {  	v18 =	vld.idx.msk [tilespmem:v25+s14+$0x0], $0xffff  }
0xdb: {  	v23 =	vand.u32 $0x380, v23;
	v22 =	vld.idx.msk [tilespmem:v26+s16+$0x0], $0xffff  }
0xdc: {  	v23 =	vor.u32 v23, v27  }
0xdd: {  	v24 =	vor.u32 v0, v23  }
0xde: {  	v25 =	vor.u32 v2, v21;
	_ =	sdelay $0x1  }
0xdf: {  	v22 =	vadd.f32 v22, v18;
	_ =	sdelay $0x1  }
0xe0: {  	[tilespmem:v24+s20+$0x0] =	vst.idx.msk $0xffff, v22  }
0xe1: {  	v22 =	vld.idx.msk [tilespmem:v25+s16+$0x0], $0xffff;
	_ =	sdelay $0x1  }
0xe2: {  	v24 =	vor.u32 v3, v23  }
0xe3: {  	v25 =	vor.u32 v4, v21;
	_ =	sdelay $0x1  }
0xe4: {  	v22 =	vadd.f32 v22, v18;
	_ =	sdelay $0x1  }
0xe5: {  	[tilespmem:v24+s20+$0x0] =	vst.idx.msk $0xffff, v22  }
0xe6: {  	v22 =	vld.idx.msk [tilespmem:v25+s16+$0x0], $0xffff;
	_ =	sdelay $0x1  }
0xe7: {  	v24 =	vor.u32 v5, v23  }
0xe8: {  	v25 =	vor.u32 v6, v21;
	_ =	sdelay $0x1  }
0xe9: {  	v22 =	vadd.f32 v22, v18;
	_ =	sdelay $0x1  }
0xea: {  	[tilespmem:v24+s20+$0x0] =	vst.idx.msk $0xffff, v22  }
0xeb: {  	v22 =	vld.idx.msk [tilespmem:v25+s16+$0x0], $0xffff;
	_ =	sdelay $0x1  }
0xec: {  	v24 =	vor.u32 v7, v23  }
0xed: {  	v25 =	vor.u32 v8, v21;
	_ =	sdelay $0x1  }
0xee: {  	v22 =	vadd.f32 v22, v18;
	_ =	sdelay $0x1  }
0xef: {  	[tilespmem:v24+s20+$0x0] =	vst.idx.msk $0xffff, v22  }
0xf0: {  	v22 =	vld.idx.msk [tilespmem:v25+s16+$0x0], $0xffff;
	_ =	sdelay $0x1  }
0xf1: {  	v24 =	vor.u32 v9, v23  }
0xf2: {  	v25 =	vor.u32 v10, v21;
	_ =	sdelay $0x1  }
0xf3: {  	v22 =	vadd.f32 v22, v18;
	_ =	sdelay $0x1  }
0xf4: {  	[tilespmem:v24+s20+$0x0] =	vst.idx.msk $0xffff, v22  }
0xf5: {  	v22 =	vld.idx.msk [tilespmem:v25+s16+$0x0], $0xffff;
	_ =	sdelay $0x1  }
0xf6: {  	v24 =	vor.u32 v11, v23  }
0xf7: {  	v25 =	vor.u32 v12, v21;
	_ =	sdelay $0x1  }
0xf8: {  	v22 =	vadd.f32 v22, v18;
	_ =	sdelay $0x1  }
0xf9: {  	[tilespmem:v24+s20+$0x0] =	vst.idx.msk $0xffff, v22  }
0xfa: {  	v22 =	vld.idx.msk [tilespmem:v25+s16+$0x0], $0xffff;
	_ =	sdelay $0x1  }
0xfb: {  	v24 =	vor.u32 v13, v23  }
0xfc: {  	v21 =	vor.u32 v14, v21;
	_ =	sdelay $0x1  }
0xfd: {  	v22 =	vadd.f32 v22, v18;
	_ =	sdelay $0x1  }
0xfe: {  	[tilespmem:v24+s20+$0x0] =	vst.idx.msk $0xffff, v22  }
0xff: {  	v21 =	vld.idx.msk [tilespmem:v21+s16+$0x0], $0xffff;
	_ =	sdelay $0x1  }
0x100: {  	v22 =	vor.u32 v15, v23  }
0x101: {  	v16 =	vor.u32 v16, v17  }
0x102: {  	v23 =	vor.u32 v1, v17  }
0x103: {  	v18 =	vadd.f32 v21, v18;
	_ =	sdelay $0x1  }
0x104: {  	[tilespmem:v22+s20+$0x0] =	vst.idx.msk $0xffff, v18  }
0x105: {  	v18 =	vor.u32 s5, v20;
	v16 =	vld.idx.msk [tilespmem:v16+s14+$0x0], $0xffff  }
0x106: {  	v19 =	vand.u32 $0x380, v19;
	v18 =	vshll.u32 v18, $0xA;
	v20 =	vld.idx.msk [tilespmem:v23+s16+$0x0], $0xffff  }
0x107: {  	v18 =	vor.u32 v19, v18  }
0x108: {  	v19 =	vor.u32 v0, v18  }
0x109: {  	v21 =	vor.u32 v2, v17;
	_ =	sdelay $0x1  }
0x10a: {  	v20 =	vadd.f32 v20, v16;
	_ =	sdelay $0x1  }
0x10b: {  	[tilespmem:v19+s20+$0x0] =	vst.idx.msk $0xffff, v20  }
0x10c: {  	v19 =	vld.idx.msk [tilespmem:v21+s16+$0x0], $0xffff;
	_ =	sdelay $0x1  }
0x10d: {  	v20 =	vor.u32 v3, v18  }
0x10e: {  	v21 =	vor.u32 v4, v17;
	_ =	sdelay $0x1  }
0x10f: {  	v19 =	vadd.f32 v19, v16;
	_ =	sdelay $0x1  }
0x110: {  	[tilespmem:v20+s20+$0x0] =	vst.idx.msk $0xffff, v19  }
0x111: {  	v19 =	vld.idx.msk [tilespmem:v21+s16+$0x0], $0xffff;
	_ =	sdelay $0x1  }
0x112: {  	v20 =	vor.u32 v5, v18  }
0x113: {  	v21 =	vor.u32 v6, v17;
	_ =	sdelay $0x1  }
0x114: {  	v19 =	vadd.f32 v19, v16;
	_ =	sdelay $0x1  }
0x115: {  	[tilespmem:v20+s20+$0x0] =	vst.idx.msk $0xffff, v19  }
0x116: {  	v19 =	vld.idx.msk [tilespmem:v21+s16+$0x0], $0xffff;
	_ =	sdelay $0x1  }
0x117: {  	v20 =	vor.u32 v7, v18  }
0x118: {  	v21 =	vor.u32 v8, v17;
	_ =	sdelay $0x1  }
0x119: {  	v19 =	vadd.f32 v19, v16;
	_ =	sdelay $0x1  }
0x11a: {  	[tilespmem:v20+s20+$0x0] =	vst.idx.msk $0xffff, v19  }
0x11b: {  	v19 =	vld.idx.msk [tilespmem:v21+s16+$0x0], $0xffff;
	_ =	sdelay $0x1  }
0x11c: {  	v20 =	vor.u32 v9, v18  }
0x11d: {  	v21 =	vor.u32 v10, v17;
	_ =	sdelay $0x1  }
0x11e: {  	v19 =	vadd.f32 v19, v16;
	_ =	sdelay $0x1  }
0x11f: {  	[tilespmem:v20+s20+$0x0] =	vst.idx.msk $0xffff, v19  }
0x120: {  	v19 =	vld.idx.msk [tilespmem:v21+s16+$0x0], $0xffff;
	_ =	sdelay $0x1  }
0x121: {  	v20 =	vor.u32 v11, v18  }
0x122: {  	v21 =	vor.u32 v12, v17;
	_ =	sdelay $0x1  }
0x123: {  	v19 =	vadd.f32 v19, v16;
	_ =	sdelay $0x1  }
0x124: {  	[tilespmem:v20+s20+$0x0] =	vst.idx.msk $0xffff, v19  }
0x125: {  	v19 =	vld.idx.msk [tilespmem:v21+s16+$0x0], $0xffff;
	_ =	sdelay $0x1  }
0x126: {  	v20 =	vor.u32 v13, v18  }
0x127: {  	v17 =	vor.u32 v14, v17;
	_ =	sdelay $0x1  }
0x128: {  	v19 =	vadd.f32 v19, v16;
	_ =	sdelay $0x1  }
0x129: {  	[tilespmem:v20+s20+$0x0] =	vst.idx.msk $0xffff, v19  }
0x12a: {  	v17 =	vld.idx.msk [tilespmem:v17+s16+$0x0], $0xffff;
	_ =	sdelay $0x1  }
0x12b: {  	v18 =	vor.u32 v15, v18  }
0x12c: {  	s0 =	smul.u32 $0x180000, s28;
	_ =	sdelay $0x1  }
0x12d: {  	s0 =	sor.u32 s7, s0;
	v16 =	vadd.f32 v17, v16  }
0x12e: {  	s0 =	sshrl.u32 s0, $0x3  }
0x12f: {  	s31 =	sadd.s32 $0x3, s29;
	s0 =	sadd.s32 s2, s0;
	[tilespmem:v18+s20+$0x0] =	vst.idx.msk $0xffff, v16  }
0x130: {  	[hbm4b:s0+s11] =	stream.strided.scatter [tilespmem:s20], [sflag:$0x4], $0x2000, s12, s11, $0x38;
	[tilespmem:$0x19600] =	vst v63  }
0x131: {  	s8 =	simm.s32 $0x0;
	s1 =	sshll.u32 s31, $0x7;
	s0 =	sor.u32 $0x1, s29  }
0x132: {  	s1 =	sand.u32 $0x3FFFFF80, s1;
	s5 =	sand.u32 $0x30, s8;
	v17 =	vadd.s32 s8, v0;
	s6 =	sshll.u32 s0, $0x6  }
0x133: {  	v18 =	vand.u32 $0xF, v17;
	[tilespmem:s16], [sflag:$0x1] =	stream.indirect.gather [hbm4b:s4+s15], $0x80, s1, s15, $0xb8;
	[tilespmem:$0x19600] =	vst v63  }
0x134: {  	v19 =	vor.u32 s5, v18;
	v16 =	vmov s6;
	_ =	swait.ge [sflag:s21], $0x4000  }
0x135: {  	v20 =	vor.u32 v16, v19;
	[sflag:s21] =	ssyncset.done $0x0  }
0x136: {  	v21 =	vor.u32 v1, v19;
	s1 =	simm.s32 @!p0 $0x5;
	[sflag:s21] =	ssyncadd.s32 $0xFFFFC000  }
0x137: {  	_ =	swait.ge @!p0 [sflag:s1], $0x2000  }
0x138: {  	s6 =	simm.s32 $0x0;
	[sflag:s1] =	ssyncset.done @!p0 $0x0  }
0x139: {  	v18 =	vshrl.u32 v18, $0x3;
	[sflag:s1] =	ssyncadd.s32 @!p0 $0xFFFFE000;
	s1 =	sand.u32 $0x6, s6  }
0x13a: {  	v17 =	vshll.u32 v17, $0x7;
	v18 =	vor.u32 s1, v18;
	v20 =	vld.idx.msk [tilespmem:v20+s14+$0x0], $0xffff  }
0x13b: {  	v17 =	vand.u32 $0x380, v17;
	v21 =	vld.idx.msk [tilespmem:v21+s17+$0x0], $0xffff;
	v18 =	vshll.u32 v18, $0xA  }
0x13c: {  	v17 =	vor.u32 v17, v18  }
0x13d: {  	v18 =	vor.u32 v0, v17  }
0x13e: {  	v22 =	vor.u32 v2, v19;
	_ =	sdelay $0x1  }
0x13f: {  	v21 =	vadd.f32 v21, v20;
	_ =	sdelay $0x1  }
0x140: {  	[tilespmem:v18+s22+$0x0] =	vst.idx.msk $0xffff, v21  }
0x141: {  	v18 =	vld.idx.msk [tilespmem:v22+s17+$0x0], $0xffff;
	_ =	sdelay $0x1  }
0x142: {  	v21 =	vor.u32 v3, v17  }
0x143: {  	v22 =	vor.u32 v4, v19;
	_ =	sdelay $0x1  }
0x144: {  	v18 =	vadd.f32 v18, v20;
	_ =	sdelay $0x1  }
0x145: {  	[tilespmem:v21+s22+$0x0] =	vst.idx.msk $0xffff, v18  }
0x146: {  	v18 =	vld.idx.msk [tilespmem:v22+s17+$0x0], $0xffff;
	_ =	sdelay $0x1  }
0x147: {  	v21 =	vor.u32 v5, v17  }
0x148: {  	v22 =	vor.u32 v6, v19;
	_ =	sdelay $0x1  }
0x149: {  	v18 =	vadd.f32 v18, v20;
	_ =	sdelay $0x1  }
0x14a: {  	[tilespmem:v21+s22+$0x0] =	vst.idx.msk $0xffff, v18  }
0x14b: {  	v18 =	vld.idx.msk [tilespmem:v22+s17+$0x0], $0xffff;
	_ =	sdelay $0x1  }
0x14c: {  	v21 =	vor.u32 v7, v17  }
0x14d: {  	v22 =	vor.u32 v8, v19;
	_ =	sdelay $0x1  }
0x14e: {  	v18 =	vadd.f32 v18, v20;
	_ =	sdelay $0x1  }
0x14f: {  	[tilespmem:v21+s22+$0x0] =	vst.idx.msk $0xffff, v18  }
0x150: {  	v18 =	vld.idx.msk [tilespmem:v22+s17+$0x0], $0xffff;
	_ =	sdelay $0x1  }
0x151: {  	v21 =	vor.u32 v9, v17  }
0x152: {  	v22 =	vor.u32 v10, v19;
	_ =	sdelay $0x1  }
0x153: {  	v18 =	vadd.f32 v18, v20;
	_ =	sdelay $0x1  }
0x154: {  	[tilespmem:v21+s22+$0x0] =	vst.idx.msk $0xffff, v18  }
0x155: {  	v18 =	vld.idx.msk [tilespmem:v22+s17+$0x0], $0xffff;
	_ =	sdelay $0x1  }
0x156: {  	v21 =	vor.u32 v11, v17  }
0x157: {  	v22 =	vor.u32 v12, v19;
	_ =	sdelay $0x1  }
0x158: {  	v18 =	vadd.f32 v18, v20;
	_ =	sdelay $0x1  }
0x159: {  	[tilespmem:v21+s22+$0x0] =	vst.idx.msk $0xffff, v18  }
0x15a: {  	v18 =	vld.idx.msk [tilespmem:v22+s17+$0x0], $0xffff;
	_ =	sdelay $0x1  }
0x15b: {  	v21 =	vor.u32 v13, v17  }
0x15c: {  	v19 =	vor.u32 v14, v19;
	_ =	sdelay $0x1  }
0x15d: {  	v18 =	vadd.f32 v18, v20;
	_ =	sdelay $0x1  }
0x15e: {  	s8 =	simm.s32 $0x1;
	[tilespmem:v21+s22+$0x0] =	vst.idx.msk $0xffff, v18  }
0x15f: {  	v18 =	vadd.s32 s8, v0;
	v19 =	vld.idx.msk [tilespmem:v19+s17+$0x0], $0xffff  }
0x160: {  	v21 =	vand.u32 $0xF, v18  }
0x161: {  	v17 =	vor.u32 v15, v17;
	v22 =	vor.u32 s5, v21  }
0x162: {  	v23 =	vor.u32 v16, v22  }
0x163: {  	v24 =	vor.u32 v1, v22  }
0x164: {  	v19 =	vadd.f32 v19, v20;
	_ =	sdelay $0x1  }
0x165: {  	v20 =	vshrl.u32 v21, $0x3;
	[tilespmem:v17+s22+$0x0] =	vst.idx.msk $0xffff, v19  }
0x166: {  	v17 =	vshll.u32 v18, $0x7;
	v19 =	vor.u32 s1, v20;
	v18 =	vld.idx.msk [tilespmem:v23+s14+$0x0], $0xffff  }
0x167: {  	v19 =	vshll.u32 v19, $0xA;
	v17 =	vand.u32 $0x380, v17;
	v20 =	vld.idx.msk [tilespmem:v24+s17+$0x0], $0xffff  }
0x168: {  	v17 =	vor.u32 v17, v19  }
0x169: {  	v19 =	vor.u32 v0, v17  }
0x16a: {  	v21 =	vor.u32 v2, v22;
	_ =	sdelay $0x1  }
0x16b: {  	v20 =	vadd.f32 v20, v18;
	_ =	sdelay $0x1  }
0x16c: {  	[tilespmem:v19+s22+$0x0] =	vst.idx.msk $0xffff, v20  }
0x16d: {  	v19 =	vld.idx.msk [tilespmem:v21+s17+$0x0], $0xffff;
	_ =	sdelay $0x1  }
0x16e: {  	v20 =	vor.u32 v3, v17  }
0x16f: {  	v21 =	vor.u32 v4, v22;
	_ =	sdelay $0x1  }
0x170: {  	v19 =	vadd.f32 v19, v18;
	_ =	sdelay $0x1  }
0x171: {  	[tilespmem:v20+s22+$0x0] =	vst.idx.msk $0xffff, v19  }
0x172: {  	v19 =	vld.idx.msk [tilespmem:v21+s17+$0x0], $0xffff;
	_ =	sdelay $0x1  }
0x173: {  	v20 =	vor.u32 v5, v17  }
0x174: {  	v21 =	vor.u32 v6, v22;
	_ =	sdelay $0x1  }
0x175: {  	v19 =	vadd.f32 v19, v18;
	_ =	sdelay $0x1  }
0x176: {  	[tilespmem:v20+s22+$0x0] =	vst.idx.msk $0xffff, v19  }
0x177: {  	v19 =	vld.idx.msk [tilespmem:v21+s17+$0x0], $0xffff;
	_ =	sdelay $0x1  }
0x178: {  	v20 =	vor.u32 v7, v17  }
0x179: {  	v21 =	vor.u32 v8, v22;
	_ =	sdelay $0x1  }
0x17a: {  	v19 =	vadd.f32 v19, v18;
	_ =	sdelay $0x1  }
0x17b: {  	[tilespmem:v20+s22+$0x0] =	vst.idx.msk $0xffff, v19  }
0x17c: {  	v19 =	vld.idx.msk [tilespmem:v21+s17+$0x0], $0xffff;
	_ =	sdelay $0x1  }
0x17d: {  	v20 =	vor.u32 v9, v17  }
0x17e: {  	v21 =	vor.u32 v10, v22;
	_ =	sdelay $0x1  }
0x17f: {  	v19 =	vadd.f32 v19, v18;
	_ =	sdelay $0x1  }
0x180: {  	[tilespmem:v20+s22+$0x0] =	vst.idx.msk $0xffff, v19  }
0x181: {  	v19 =	vld.idx.msk [tilespmem:v21+s17+$0x0], $0xffff;
	_ =	sdelay $0x1  }
0x182: {  	v20 =	vor.u32 v11, v17  }
0x183: {  	v21 =	vor.u32 v12, v22;
	_ =	sdelay $0x1  }
0x184: {  	v19 =	vadd.f32 v19, v18;
	_ =	sdelay $0x1  }
0x185: {  	[tilespmem:v20+s22+$0x0] =	vst.idx.msk $0xffff, v19  }
0x186: {  	v19 =	vld.idx.msk [tilespmem:v21+s17+$0x0], $0xffff;
	_ =	sdelay $0x1  }
0x187: {  	v20 =	vor.u32 v13, v17  }
0x188: {  	v24 =	vor.u32 v14, v22;
	_ =	sdelay $0x1  }
0x189: {  	v19 =	vadd.f32 v19, v18  }
0x18a: {  	s6 =	simm.s32 $0x3  }
0x18b: {  	v28 =	vadd.s32 s6, v0;
	s8 =	simm.s32 $0x2;
	[tilespmem:v20+s22+$0x0] =	vst.idx.msk $0xffff, v19  }
0x18c: {  	v29 =	vand.u32 $0xF, v28;
	v21 =	vadd.s32 s8, v0;
	v24 =	vld.idx.msk [tilespmem:v24+s17+$0x0], $0xffff  }
0x18d: {  	s1 =	sand.u32 $0x30, s8;
	v22 =	vor.u32 v15, v17;
	s8 =	simm.s32 $0x0;
	v17 =	vand.u32 $0xF, v21;
	v23 =	vshll.u32 v21, $0x7  }
0x18e: {  	s6 =	sand.u32 $0x6, s8;
	v21 =	vor.u32 s1, v17;
	v26 =	vshrl.u32 v17, $0x3;
	v17 =	vor.u32 s1, v29  }
0x18f: {  	v25 =	vor.u32 v16, v21;
	v19 =	vor.u32 s6, v26;
	v26 =	vor.u32 v1, v21  }
0x190: {  	s1 =	simm.s32 $0x4;
	v20 =	vshrl.u32 v29, $0x3;
	v27 =	vshll.u32 v19, $0xA;
	v19 =	vshll.u32 v28, $0x7  }
.LBB2_5:
0x191: {  	p0 =	slt.u32 s1, $0x3E;
	v18 =	vadd.f32 v24, v18;
	s5 =	smov.u32 s1;
	s1 =	sadd.s32 $0x2, s1  }
0x192: {  	_ = 	snop  }
0x193: {  	[tilespmem:v22+s22+$0x0] =	vst.idx.msk $0xffff, v18  }
0x194: {  	v18 =	vld.idx.msk [tilespmem:v25+s14+$0x0], $0xffff  }
0x195: {  	v23 =	vand.u32 $0x380, v23;
	v22 =	vld.idx.msk [tilespmem:v26+s17+$0x0], $0xffff  }
0x196: {  	v23 =	vor.u32 v23, v27  }
0x197: {  	v24 =	vor.u32 v0, v23  }
0x198: {  	v25 =	vor.u32 v2, v21;
	_ =	sdelay $0x2  }
0x199: {  	v22 =	vadd.f32 v22, v18;
	_ =	sdelay $0x1  }
0x19a: {  	[tilespmem:v24+s22+$0x0] =	vst.idx.msk $0xffff, v22  }
0x19b: {  	v22 =	vld.idx.msk [tilespmem:v25+s17+$0x0], $0xffff;
	_ =	sdelay $0x1  }
0x19c: {  	v24 =	vor.u32 v3, v23  }
0x19d: {  	v25 =	vor.u32 v4, v21;
	_ =	sdelay $0x2  }
0x19e: {  	v22 =	vadd.f32 v22, v18;
	_ =	sdelay $0x1  }
0x19f: {  	[tilespmem:v24+s22+$0x0] =	vst.idx.msk $0xffff, v22  }
0x1a0: {  	v22 =	vld.idx.msk [tilespmem:v25+s17+$0x0], $0xffff;
	_ =	sdelay $0x1  }
0x1a1: {  	v24 =	vor.u32 v5, v23  }
0x1a2: {  	v25 =	vor.u32 v6, v21;
	_ =	sdelay $0x2  }
0x1a3: {  	v22 =	vadd.f32 v22, v18;
	_ =	sdelay $0x1  }
0x1a4: {  	[tilespmem:v24+s22+$0x0] =	vst.idx.msk $0xffff, v22  }
0x1a5: {  	v22 =	vld.idx.msk [tilespmem:v25+s17+$0x0], $0xffff;
	_ =	sdelay $0x1  }
0x1a6: {  	v24 =	vor.u32 v7, v23  }
0x1a7: {  	v25 =	vor.u32 v8, v21;
	_ =	sdelay $0x2  }
0x1a8: {  	v22 =	vadd.f32 v22, v18;
	_ =	sdelay $0x1  }
0x1a9: {  	[tilespmem:v24+s22+$0x0] =	vst.idx.msk $0xffff, v22  }
0x1aa: {  	v22 =	vld.idx.msk [tilespmem:v25+s17+$0x0], $0xffff;
	_ =	sdelay $0x1  }
0x1ab: {  	v24 =	vor.u32 v9, v23  }
0x1ac: {  	v25 =	vor.u32 v10, v21;
	_ =	sdelay $0x2  }
0x1ad: {  	v22 =	vadd.f32 v22, v18;
	_ =	sdelay $0x1  }
0x1ae: {  	[tilespmem:v24+s22+$0x0] =	vst.idx.msk $0xffff, v22  }
0x1af: {  	v22 =	vld.idx.msk [tilespmem:v25+s17+$0x0], $0xffff;
	_ =	sdelay $0x1  }
0x1b0: {  	v24 =	vor.u32 v11, v23  }
0x1b1: {  	v25 =	vor.u32 v12, v21;
	_ =	sdelay $0x2  }
0x1b2: {  	v22 =	vadd.f32 v22, v18;
	_ =	sdelay $0x1  }
0x1b3: {  	[tilespmem:v24+s22+$0x0] =	vst.idx.msk $0xffff, v22  }
0x1b4: {  	v22 =	vld.idx.msk [tilespmem:v25+s17+$0x0], $0xffff;
	_ =	sdelay $0x1  }
0x1b5: {  	v24 =	vor.u32 v13, v23  }
0x1b6: {  	v21 =	vor.u32 v14, v21;
	_ =	sdelay $0x2  }
0x1b7: {  	v22 =	vadd.f32 v22, v18;
	_ =	sdelay $0x1  }
0x1b8: {  	[tilespmem:v24+s22+$0x0] =	vst.idx.msk $0xffff, v22  }
0x1b9: {  	v21 =	vld.idx.msk [tilespmem:v21+s17+$0x0], $0xffff;
	_ =	sdelay $0x1  }
0x1ba: {  	v22 =	vor.u32 v15, v23;
	_ =	sdelay $0x1  }
0x1bb: {  	v23 =	vor.u32 v16, v17;
	v24 =	vor.u32 v1, v17;
	_ =	sdelay $0x1  }
0x1bc: {  	v18 =	vadd.f32 v21, v18;
	_ =	sdelay $0x1  }
0x1bd: {  	v20 =	vor.u32 s6, v20;
	[tilespmem:v22+s22+$0x0] =	vst.idx.msk $0xffff, v18  }
0x1be: {  	v19 =	vand.u32 $0x380, v19;
	v20 =	vshll.u32 v20, $0xA;
	v18 =	vld.idx.msk [tilespmem:v23+s14+$0x0], $0xffff  }
0x1bf: {  	v19 =	vor.u32 v19, v20;
	v21 =	vld.idx.msk [tilespmem:v24+s17+$0x0], $0xffff  }
0x1c0: {  	v20 =	vor.u32 v0, v19  }
0x1c1: {  	v22 =	vor.u32 v2, v17;
	_ =	sdelay $0x3  }
0x1c2: {  	v21 =	vadd.f32 v21, v18;
	_ =	sdelay $0x1  }
0x1c3: {  	[tilespmem:v20+s22+$0x0] =	vst.idx.msk $0xffff, v21  }
0x1c4: {  	v20 =	vld.idx.msk [tilespmem:v22+s17+$0x0], $0xffff  }
0x1c5: {  	v21 =	vor.u32 v3, v19  }
0x1c6: {  	v22 =	vor.u32 v4, v17;
	_ =	sdelay $0x3  }
0x1c7: {  	v20 =	vadd.f32 v20, v18;
	_ =	sdelay $0x1  }
0x1c8: {  	[tilespmem:v21+s22+$0x0] =	vst.idx.msk $0xffff, v20  }
0x1c9: {  	v20 =	vld.idx.msk [tilespmem:v22+s17+$0x0], $0xffff  }
0x1ca: {  	v21 =	vor.u32 v5, v19  }
0x1cb: {  	v22 =	vor.u32 v6, v17;
	_ =	sdelay $0x3  }
0x1cc: {  	v20 =	vadd.f32 v20, v18;
	_ =	sdelay $0x1  }
0x1cd: {  	[tilespmem:v21+s22+$0x0] =	vst.idx.msk $0xffff, v20  }
0x1ce: {  	v20 =	vld.idx.msk [tilespmem:v22+s17+$0x0], $0xffff  }
0x1cf: {  	v21 =	vor.u32 v7, v19  }
0x1d0: {  	v22 =	vor.u32 v8, v17;
	_ =	sdelay $0x3  }
0x1d1: {  	v20 =	vadd.f32 v20, v18;
	_ =	sdelay $0x1  }
0x1d2: {  	[tilespmem:v21+s22+$0x0] =	vst.idx.msk $0xffff, v20  }
0x1d3: {  	v20 =	vld.idx.msk [tilespmem:v22+s17+$0x0], $0xffff  }
0x1d4: {  	v21 =	vor.u32 v9, v19  }
0x1d5: {  	v22 =	vor.u32 v10, v17;
	_ =	sdelay $0x3  }
0x1d6: {  	v20 =	vadd.f32 v20, v18;
	_ =	sdelay $0x1  }
0x1d7: {  	[tilespmem:v21+s22+$0x0] =	vst.idx.msk $0xffff, v20  }
0x1d8: {  	v20 =	vld.idx.msk [tilespmem:v22+s17+$0x0], $0xffff  }
0x1d9: {  	v21 =	vor.u32 v11, v19  }
0x1da: {  	v22 =	vor.u32 v12, v17;
	_ =	sdelay $0x3  }
0x1db: {  	v20 =	vadd.f32 v20, v18;
	_ =	sdelay $0x1  }
0x1dc: {  	[tilespmem:v21+s22+$0x0] =	vst.idx.msk $0xffff, v20  }
0x1dd: {  	v20 =	vld.idx.msk [tilespmem:v22+s17+$0x0], $0xffff  }
0x1de: {  	v21 =	vor.u32 v13, v19  }
0x1df: {  	v17 =	vor.u32 v14, v17;
	_ =	sdelay $0x3  }
0x1e0: {  	v20 =	vadd.f32 v20, v18;
	_ =	sdelay $0x1  }
0x1e1: {  	[tilespmem:v21+s22+$0x0] =	vst.idx.msk $0xffff, v20  }
0x1e2: {  	s6 =	sadd.s32 $0x1, s5;
	v24 =	vld.idx.msk [tilespmem:v17+s17+$0x0], $0xffff  }
.Ltmp1:
0x1e3: {  	v28 =	vadd.s32 s6, v0;
	v22 =	vor.u32 v15, v19;
	v17 =	vadd.s32 s5, v0;
	(pc) =	sbr.rel @p0 .LBB2_5-.Ltmp1, $4  }
0x1e4: {  	s8 =	sand.u32 $0x30, s5;
	v20 =	vand.u32 $0xF, v28;
	s5 =	sshrl.u32 s5, $0x3;
	v19 =	vand.u32 $0xF, v17;
	v23 =	vshll.u32 v17, $0x7  }
0x1e5: {  	s6 =	sand.u32 $0x6, s5;
	v17 =	vor.u32 s8, v20;
	v21 =	vor.u32 s8, v19;
	v19 =	vshrl.u32 v19, $0x3  }
0x1e6: {  	v25 =	vor.u32 v16, v21;
	v19 =	vor.u32 s6, v19;
	v26 =	vor.u32 v1, v21  }
0x1e7: {  	v20 =	vshrl.u32 v20, $0x3;
	v27 =	vshll.u32 v19, $0xA;
	v19 =	vshll.u32 v28, $0x7  }
0x1e8: {  	_ =	sdelay $0x1  }
0x1e9: {  	v18 =	vadd.f32 v24, v18;
	_ =	sdelay $0x1  }
0x1ea: {  	[tilespmem:v22+s22+$0x0] =	vst.idx.msk $0xffff, v18  }
0x1eb: {  	v18 =	vld.idx.msk [tilespmem:v25+s14+$0x0], $0xffff  }
0x1ec: {  	v23 =	vand.u32 $0x380, v23;
	v22 =	vld.idx.msk [tilespmem:v26+s17+$0x0], $0xffff  }
0x1ed: {  	v23 =	vor.u32 v23, v27  }
0x1ee: {  	v24 =	vor.u32 v0, v23  }
0x1ef: {  	v25 =	vor.u32 v2, v21;
	_ =	sdelay $0x1  }
0x1f0: {  	v22 =	vadd.f32 v22, v18;
	_ =	sdelay $0x1  }
0x1f1: {  	[tilespmem:v24+s22+$0x0] =	vst.idx.msk $0xffff, v22  }
0x1f2: {  	v22 =	vld.idx.msk [tilespmem:v25+s17+$0x0], $0xffff;
	_ =	sdelay $0x1  }
0x1f3: {  	v24 =	vor.u32 v3, v23  }
0x1f4: {  	v25 =	vor.u32 v4, v21;
	_ =	sdelay $0x1  }
0x1f5: {  	v22 =	vadd.f32 v22, v18;
	_ =	sdelay $0x1  }
0x1f6: {  	[tilespmem:v24+s22+$0x0] =	vst.idx.msk $0xffff, v22  }
0x1f7: {  	v22 =	vld.idx.msk [tilespmem:v25+s17+$0x0], $0xffff;
	_ =	sdelay $0x1  }
0x1f8: {  	v24 =	vor.u32 v5, v23  }
0x1f9: {  	v25 =	vor.u32 v6, v21;
	_ =	sdelay $0x1  }
0x1fa: {  	v22 =	vadd.f32 v22, v18;
	_ =	sdelay $0x1  }
0x1fb: {  	[tilespmem:v24+s22+$0x0] =	vst.idx.msk $0xffff, v22  }
0x1fc: {  	v22 =	vld.idx.msk [tilespmem:v25+s17+$0x0], $0xffff;
	_ =	sdelay $0x1  }
0x1fd: {  	v24 =	vor.u32 v7, v23  }
0x1fe: {  	v25 =	vor.u32 v8, v21;
	_ =	sdelay $0x1  }
0x1ff: {  	v22 =	vadd.f32 v22, v18;
	_ =	sdelay $0x1  }
0x200: {  	[tilespmem:v24+s22+$0x0] =	vst.idx.msk $0xffff, v22  }
0x201: {  	v22 =	vld.idx.msk [tilespmem:v25+s17+$0x0], $0xffff;
	_ =	sdelay $0x1  }
0x202: {  	v24 =	vor.u32 v9, v23  }
0x203: {  	v25 =	vor.u32 v10, v21;
	_ =	sdelay $0x1  }
0x204: {  	v22 =	vadd.f32 v22, v18;
	_ =	sdelay $0x1  }
0x205: {  	[tilespmem:v24+s22+$0x0] =	vst.idx.msk $0xffff, v22  }
0x206: {  	v22 =	vld.idx.msk [tilespmem:v25+s17+$0x0], $0xffff;
	_ =	sdelay $0x1  }
0x207: {  	v24 =	vor.u32 v11, v23  }
0x208: {  	v25 =	vor.u32 v12, v21;
	_ =	sdelay $0x1  }
0x209: {  	v22 =	vadd.f32 v22, v18;
	_ =	sdelay $0x1  }
0x20a: {  	[tilespmem:v24+s22+$0x0] =	vst.idx.msk $0xffff, v22  }
0x20b: {  	v22 =	vld.idx.msk [tilespmem:v25+s17+$0x0], $0xffff;
	_ =	sdelay $0x1  }
0x20c: {  	v24 =	vor.u32 v13, v23  }
0x20d: {  	v21 =	vor.u32 v14, v21;
	_ =	sdelay $0x1  }
0x20e: {  	v22 =	vadd.f32 v22, v18;
	_ =	sdelay $0x1  }
0x20f: {  	[tilespmem:v24+s22+$0x0] =	vst.idx.msk $0xffff, v22  }
0x210: {  	v21 =	vld.idx.msk [tilespmem:v21+s17+$0x0], $0xffff;
	_ =	sdelay $0x1  }
0x211: {  	v22 =	vor.u32 v15, v23  }
0x212: {  	v16 =	vor.u32 v16, v17  }
0x213: {  	v23 =	vor.u32 v1, v17  }
0x214: {  	v18 =	vadd.f32 v21, v18;
	_ =	sdelay $0x1  }
0x215: {  	[tilespmem:v22+s22+$0x0] =	vst.idx.msk $0xffff, v18  }
0x216: {  	v18 =	vor.u32 s6, v20;
	v16 =	vld.idx.msk [tilespmem:v16+s14+$0x0], $0xffff  }
0x217: {  	v19 =	vand.u32 $0x380, v19;
	v18 =	vshll.u32 v18, $0xA;
	v20 =	vld.idx.msk [tilespmem:v23+s17+$0x0], $0xffff  }
0x218: {  	v18 =	vor.u32 v19, v18  }
0x219: {  	v19 =	vor.u32 v0, v18  }
0x21a: {  	v21 =	vor.u32 v2, v17;
	_ =	sdelay $0x1  }
0x21b: {  	v20 =	vadd.f32 v20, v16;
	_ =	sdelay $0x1  }
0x21c: {  	[tilespmem:v19+s22+$0x0] =	vst.idx.msk $0xffff, v20  }
0x21d: {  	v19 =	vld.idx.msk [tilespmem:v21+s17+$0x0], $0xffff;
	_ =	sdelay $0x1  }
0x21e: {  	v20 =	vor.u32 v3, v18  }
0x21f: {  	v21 =	vor.u32 v4, v17;
	_ =	sdelay $0x1  }
0x220: {  	v19 =	vadd.f32 v19, v16;
	_ =	sdelay $0x1  }
0x221: {  	[tilespmem:v20+s22+$0x0] =	vst.idx.msk $0xffff, v19  }
0x222: {  	v19 =	vld.idx.msk [tilespmem:v21+s17+$0x0], $0xffff;
	_ =	sdelay $0x1  }
0x223: {  	v20 =	vor.u32 v5, v18  }
0x224: {  	v21 =	vor.u32 v6, v17;
	_ =	sdelay $0x1  }
0x225: {  	v19 =	vadd.f32 v19, v16;
	_ =	sdelay $0x1  }
0x226: {  	[tilespmem:v20+s22+$0x0] =	vst.idx.msk $0xffff, v19  }
0x227: {  	v19 =	vld.idx.msk [tilespmem:v21+s17+$0x0], $0xffff;
	_ =	sdelay $0x1  }
0x228: {  	v20 =	vor.u32 v7, v18  }
0x229: {  	v21 =	vor.u32 v8, v17;
	_ =	sdelay $0x1  }
0x22a: {  	v19 =	vadd.f32 v19, v16;
	_ =	sdelay $0x1  }
0x22b: {  	[tilespmem:v20+s22+$0x0] =	vst.idx.msk $0xffff, v19  }
0x22c: {  	v19 =	vld.idx.msk [tilespmem:v21+s17+$0x0], $0xffff;
	_ =	sdelay $0x1  }
0x22d: {  	v20 =	vor.u32 v9, v18  }
0x22e: {  	v21 =	vor.u32 v10, v17;
	_ =	sdelay $0x1  }
0x22f: {  	v19 =	vadd.f32 v19, v16;
	_ =	sdelay $0x1  }
0x230: {  	[tilespmem:v20+s22+$0x0] =	vst.idx.msk $0xffff, v19  }
0x231: {  	v19 =	vld.idx.msk [tilespmem:v21+s17+$0x0], $0xffff;
	_ =	sdelay $0x1  }
0x232: {  	v20 =	vor.u32 v11, v18  }
0x233: {  	v21 =	vor.u32 v12, v17;
	_ =	sdelay $0x1  }
0x234: {  	v19 =	vadd.f32 v19, v16;
	_ =	sdelay $0x1  }
0x235: {  	[tilespmem:v20+s22+$0x0] =	vst.idx.msk $0xffff, v19  }
0x236: {  	v19 =	vld.idx.msk [tilespmem:v21+s17+$0x0], $0xffff;
	_ =	sdelay $0x1  }
0x237: {  	v20 =	vor.u32 v13, v18  }
0x238: {  	v17 =	vor.u32 v14, v17;
	_ =	sdelay $0x1  }
0x239: {  	v19 =	vadd.f32 v19, v16;
	_ =	sdelay $0x1  }
0x23a: {  	[tilespmem:v20+s22+$0x0] =	vst.idx.msk $0xffff, v19  }
0x23b: {  	v17 =	vld.idx.msk [tilespmem:v17+s17+$0x0], $0xffff;
	_ =	sdelay $0x1  }
0x23c: {  	v18 =	vor.u32 v15, v18;
	_ =	sdelay $0x1  }
0x23d: {  	s0 =	sshll.u32 s0, $0x12  }
0x23e: {  	s0 =	sor.u32 s7, s0;
	v16 =	vadd.f32 v17, v16  }
0x23f: {  	s0 =	sshrl.u32 s0, $0x3  }
0x240: {  	s0 =	sadd.s32 s2, s0;
	[tilespmem:v18+s22+$0x0] =	vst.idx.msk $0xffff, v16  }
0x241: {  	[hbm4b:s0+s11] =	stream.strided.scatter [tilespmem:s22], [sflag:$0x5], $0x2000, s12, s11, $0x38;
	[tilespmem:$0x19600] =	vst v63  }
0x242: {  	s0 =	sadd.s32 $0x4, s29  }
0x243: {  	s5 =	simm.s32 $0x0;
	s1 =	sshll.u32 s0, $0x7  }
0x244: {  	s8 =	sshll.u32 s30, $0x6;
	v17 =	vadd.s32 s5, v0;
	s5 =	sand.u32 $0x30, s5;
	s1 =	sand.u32 $0x3FFFFF80, s1  }
0x245: {  	v18 =	vand.u32 $0xF, v17;
	[tilespmem:s17], [sflag:$0x2] =	stream.indirect.gather [hbm4b:s4+s15], $0x80, s1, s15, $0xb8;
	[tilespmem:$0x19600] =	vst v63  }
0x246: {  	v16 =	vmov s8;
	v19 =	vor.u32 s5, v18;
	_ =	swait.ge [sflag:s23], $0x4000  }
0x247: {  	v20 =	vor.u32 v16, v19;
	[sflag:s23] =	ssyncset.done $0x0  }
0x248: {  	v21 =	vor.u32 v1, v19;
	[sflag:s23] =	ssyncadd.s32 $0xFFFFC000  }
0x249: {  	_ =	swait.ge [sflag:s24], $0x2000  }
0x24a: {  	s6 =	simm.s32 $0x0;
	[sflag:s24] =	ssyncset.done $0x0  }
0x24b: {  	v18 =	vshrl.u32 v18, $0x3;
	s1 =	sand.u32 $0x6, s6;
	[sflag:s24] =	ssyncadd.s32 $0xFFFFE000  }
0x24c: {  	v17 =	vshll.u32 v17, $0x7;
	v18 =	vor.u32 s1, v18;
	v20 =	vld.idx.msk [tilespmem:v20+s14+$0x0], $0xffff  }
0x24d: {  	v17 =	vand.u32 $0x380, v17;
	v18 =	vshll.u32 v18, $0xA;
	v21 =	vld.idx.msk [tilespmem:v21+s18+$0x0], $0xffff  }
0x24e: {  	v17 =	vor.u32 v17, v18  }
0x24f: {  	v18 =	vor.u32 v0, v17  }
0x250: {  	v22 =	vor.u32 v2, v19;
	_ =	sdelay $0x1  }
0x251: {  	v21 =	vadd.f32 v21, v20;
	_ =	sdelay $0x1  }
0x252: {  	[tilespmem:v18+s20+$0x0] =	vst.idx.msk $0xffff, v21  }
0x253: {  	v18 =	vld.idx.msk [tilespmem:v22+s18+$0x0], $0xffff;
	_ =	sdelay $0x1  }
0x254: {  	v21 =	vor.u32 v3, v17  }
0x255: {  	v22 =	vor.u32 v4, v19;
	_ =	sdelay $0x1  }
0x256: {  	v18 =	vadd.f32 v18, v20;
	_ =	sdelay $0x1  }
0x257: {  	[tilespmem:v21+s20+$0x0] =	vst.idx.msk $0xffff, v18  }
0x258: {  	v18 =	vld.idx.msk [tilespmem:v22+s18+$0x0], $0xffff;
	_ =	sdelay $0x1  }
0x259: {  	v21 =	vor.u32 v5, v17  }
0x25a: {  	v22 =	vor.u32 v6, v19;
	_ =	sdelay $0x1  }
0x25b: {  	v18 =	vadd.f32 v18, v20;
	_ =	sdelay $0x1  }
0x25c: {  	[tilespmem:v21+s20+$0x0] =	vst.idx.msk $0xffff, v18  }
0x25d: {  	v18 =	vld.idx.msk [tilespmem:v22+s18+$0x0], $0xffff;
	_ =	sdelay $0x1  }
0x25e: {  	v21 =	vor.u32 v7, v17  }
0x25f: {  	v22 =	vor.u32 v8, v19;
	_ =	sdelay $0x1  }
0x260: {  	v18 =	vadd.f32 v18, v20;
	_ =	sdelay $0x1  }
0x261: {  	[tilespmem:v21+s20+$0x0] =	vst.idx.msk $0xffff, v18  }
0x262: {  	v18 =	vld.idx.msk [tilespmem:v22+s18+$0x0], $0xffff;
	_ =	sdelay $0x1  }
0x263: {  	v21 =	vor.u32 v9, v17  }
0x264: {  	v22 =	vor.u32 v10, v19;
	_ =	sdelay $0x1  }
0x265: {  	v18 =	vadd.f32 v18, v20;
	_ =	sdelay $0x1  }
0x266: {  	[tilespmem:v21+s20+$0x0] =	vst.idx.msk $0xffff, v18  }
0x267: {  	v18 =	vld.idx.msk [tilespmem:v22+s18+$0x0], $0xffff;
	_ =	sdelay $0x1  }
0x268: {  	v21 =	vor.u32 v11, v17  }
0x269: {  	v22 =	vor.u32 v12, v19;
	_ =	sdelay $0x1  }
0x26a: {  	v18 =	vadd.f32 v18, v20;
	_ =	sdelay $0x1  }
0x26b: {  	[tilespmem:v21+s20+$0x0] =	vst.idx.msk $0xffff, v18  }
0x26c: {  	v18 =	vld.idx.msk [tilespmem:v22+s18+$0x0], $0xffff;
	_ =	sdelay $0x1  }
0x26d: {  	v21 =	vor.u32 v13, v17  }
0x26e: {  	v19 =	vor.u32 v14, v19;
	_ =	sdelay $0x1  }
0x26f: {  	v18 =	vadd.f32 v18, v20;
	_ =	sdelay $0x1  }
0x270: {  	s8 =	simm.s32 $0x1;
	[tilespmem:v21+s20+$0x0] =	vst.idx.msk $0xffff, v18  }
0x271: {  	v18 =	vadd.s32 s8, v0;
	v19 =	vld.idx.msk [tilespmem:v19+s18+$0x0], $0xffff  }
0x272: {  	v21 =	vand.u32 $0xF, v18  }
0x273: {  	v17 =	vor.u32 v15, v17;
	v22 =	vor.u32 s5, v21  }
0x274: {  	v23 =	vor.u32 v16, v22  }
0x275: {  	v24 =	vor.u32 v1, v22  }
0x276: {  	v19 =	vadd.f32 v19, v20;
	_ =	sdelay $0x1  }
0x277: {  	v20 =	vshrl.u32 v21, $0x3;
	[tilespmem:v17+s20+$0x0] =	vst.idx.msk $0xffff, v19  }
0x278: {  	v17 =	vshll.u32 v18, $0x7;
	v19 =	vor.u32 s1, v20;
	v18 =	vld.idx.msk [tilespmem:v23+s14+$0x0], $0xffff  }
0x279: {  	v19 =	vshll.u32 v19, $0xA;
	v17 =	vand.u32 $0x380, v17;
	v20 =	vld.idx.msk [tilespmem:v24+s18+$0x0], $0xffff  }
0x27a: {  	v17 =	vor.u32 v17, v19  }
0x27b: {  	v19 =	vor.u32 v0, v17  }
0x27c: {  	v21 =	vor.u32 v2, v22;
	_ =	sdelay $0x1  }
0x27d: {  	v20 =	vadd.f32 v20, v18;
	_ =	sdelay $0x1  }
0x27e: {  	[tilespmem:v19+s20+$0x0] =	vst.idx.msk $0xffff, v20  }
0x27f: {  	v19 =	vld.idx.msk [tilespmem:v21+s18+$0x0], $0xffff;
	_ =	sdelay $0x1  }
0x280: {  	v20 =	vor.u32 v3, v17  }
0x281: {  	v21 =	vor.u32 v4, v22;
	_ =	sdelay $0x1  }
0x282: {  	v19 =	vadd.f32 v19, v18;
	_ =	sdelay $0x1  }
0x283: {  	[tilespmem:v20+s20+$0x0] =	vst.idx.msk $0xffff, v19  }
0x284: {  	v19 =	vld.idx.msk [tilespmem:v21+s18+$0x0], $0xffff;
	_ =	sdelay $0x1  }
0x285: {  	v20 =	vor.u32 v5, v17  }
0x286: {  	v21 =	vor.u32 v6, v22;
	_ =	sdelay $0x1  }
0x287: {  	v19 =	vadd.f32 v19, v18;
	_ =	sdelay $0x1  }
0x288: {  	[tilespmem:v20+s20+$0x0] =	vst.idx.msk $0xffff, v19  }
0x289: {  	v19 =	vld.idx.msk [tilespmem:v21+s18+$0x0], $0xffff;
	_ =	sdelay $0x1  }
0x28a: {  	v20 =	vor.u32 v7, v17  }
0x28b: {  	v21 =	vor.u32 v8, v22;
	_ =	sdelay $0x1  }
0x28c: {  	v19 =	vadd.f32 v19, v18;
	_ =	sdelay $0x1  }
0x28d: {  	[tilespmem:v20+s20+$0x0] =	vst.idx.msk $0xffff, v19  }
0x28e: {  	v19 =	vld.idx.msk [tilespmem:v21+s18+$0x0], $0xffff;
	_ =	sdelay $0x1  }
0x28f: {  	v20 =	vor.u32 v9, v17  }
0x290: {  	v21 =	vor.u32 v10, v22;
	_ =	sdelay $0x1  }
0x291: {  	v19 =	vadd.f32 v19, v18;
	_ =	sdelay $0x1  }
0x292: {  	[tilespmem:v20+s20+$0x0] =	vst.idx.msk $0xffff, v19  }
0x293: {  	v19 =	vld.idx.msk [tilespmem:v21+s18+$0x0], $0xffff;
	_ =	sdelay $0x1  }
0x294: {  	v20 =	vor.u32 v11, v17  }
0x295: {  	v21 =	vor.u32 v12, v22;
	_ =	sdelay $0x1  }
0x296: {  	v19 =	vadd.f32 v19, v18;
	_ =	sdelay $0x1  }
0x297: {  	[tilespmem:v20+s20+$0x0] =	vst.idx.msk $0xffff, v19  }
0x298: {  	v19 =	vld.idx.msk [tilespmem:v21+s18+$0x0], $0xffff;
	_ =	sdelay $0x1  }
0x299: {  	v20 =	vor.u32 v13, v17  }
0x29a: {  	v24 =	vor.u32 v14, v22;
	_ =	sdelay $0x1  }
0x29b: {  	v19 =	vadd.f32 v19, v18  }
0x29c: {  	s6 =	simm.s32 $0x3  }
0x29d: {  	v28 =	vadd.s32 s6, v0;
	s8 =	simm.s32 $0x2;
	[tilespmem:v20+s20+$0x0] =	vst.idx.msk $0xffff, v19  }
0x29e: {  	v29 =	vand.u32 $0xF, v28;
	v21 =	vadd.s32 s8, v0;
	v24 =	vld.idx.msk [tilespmem:v24+s18+$0x0], $0xffff  }
0x29f: {  	s1 =	sand.u32 $0x30, s8;
	v22 =	vor.u32 v15, v17;
	s8 =	simm.s32 $0x0;
	v17 =	vand.u32 $0xF, v21;
	v23 =	vshll.u32 v21, $0x7  }
0x2a0: {  	s6 =	sand.u32 $0x6, s8;
	v21 =	vor.u32 s1, v17;
	v26 =	vshrl.u32 v17, $0x3;
	v17 =	vor.u32 s1, v29  }
0x2a1: {  	v25 =	vor.u32 v16, v21;
	v19 =	vor.u32 s6, v26;
	v26 =	vor.u32 v1, v21  }
0x2a2: {  	s1 =	simm.s32 $0x4;
	v20 =	vshrl.u32 v29, $0x3;
	v27 =	vshll.u32 v19, $0xA;
	v19 =	vshll.u32 v28, $0x7  }
.LBB2_7:
0x2a3: {  	p0 =	slt.u32 s1, $0x3E;
	v18 =	vadd.f32 v24, v18;
	s5 =	smov.u32 s1;
	s1 =	sadd.s32 $0x2, s1  }
0x2a4: {  	_ = 	snop  }
0x2a5: {  	[tilespmem:v22+s20+$0x0] =	vst.idx.msk $0xffff, v18  }
0x2a6: {  	v18 =	vld.idx.msk [tilespmem:v25+s14+$0x0], $0xffff  }
0x2a7: {  	v23 =	vand.u32 $0x380, v23;
	v22 =	vld.idx.msk [tilespmem:v26+s18+$0x0], $0xffff  }
0x2a8: {  	v23 =	vor.u32 v23, v27  }
0x2a9: {  	v24 =	vor.u32 v0, v23  }
0x2aa: {  	v25 =	vor.u32 v2, v21;
	_ =	sdelay $0x2  }
0x2ab: {  	v22 =	vadd.f32 v22, v18;
	_ =	sdelay $0x1  }
0x2ac: {  	[tilespmem:v24+s20+$0x0] =	vst.idx.msk $0xffff, v22  }
0x2ad: {  	v22 =	vld.idx.msk [tilespmem:v25+s18+$0x0], $0xffff;
	_ =	sdelay $0x1  }
0x2ae: {  	v24 =	vor.u32 v3, v23  }
0x2af: {  	v25 =	vor.u32 v4, v21;
	_ =	sdelay $0x2  }
0x2b0: {  	v22 =	vadd.f32 v22, v18;
	_ =	sdelay $0x1  }
0x2b1: {  	[tilespmem:v24+s20+$0x0] =	vst.idx.msk $0xffff, v22  }
0x2b2: {  	v22 =	vld.idx.msk [tilespmem:v25+s18+$0x0], $0xffff;
	_ =	sdelay $0x1  }
0x2b3: {  	v24 =	vor.u32 v5, v23  }
0x2b4: {  	v25 =	vor.u32 v6, v21;
	_ =	sdelay $0x2  }
0x2b5: {  	v22 =	vadd.f32 v22, v18;
	_ =	sdelay $0x1  }
0x2b6: {  	[tilespmem:v24+s20+$0x0] =	vst.idx.msk $0xffff, v22  }
0x2b7: {  	v22 =	vld.idx.msk [tilespmem:v25+s18+$0x0], $0xffff;
	_ =	sdelay $0x1  }
0x2b8: {  	v24 =	vor.u32 v7, v23  }
0x2b9: {  	v25 =	vor.u32 v8, v21;
	_ =	sdelay $0x2  }
0x2ba: {  	v22 =	vadd.f32 v22, v18;
	_ =	sdelay $0x1  }
0x2bb: {  	[tilespmem:v24+s20+$0x0] =	vst.idx.msk $0xffff, v22  }
0x2bc: {  	v22 =	vld.idx.msk [tilespmem:v25+s18+$0x0], $0xffff;
	_ =	sdelay $0x1  }
0x2bd: {  	v24 =	vor.u32 v9, v23  }
0x2be: {  	v25 =	vor.u32 v10, v21;
	_ =	sdelay $0x2  }
0x2bf: {  	v22 =	vadd.f32 v22, v18;
	_ =	sdelay $0x1  }
0x2c0: {  	[tilespmem:v24+s20+$0x0] =	vst.idx.msk $0xffff, v22  }
0x2c1: {  	v22 =	vld.idx.msk [tilespmem:v25+s18+$0x0], $0xffff;
	_ =	sdelay $0x1  }
0x2c2: {  	v24 =	vor.u32 v11, v23  }
0x2c3: {  	v25 =	vor.u32 v12, v21;
	_ =	sdelay $0x2  }
0x2c4: {  	v22 =	vadd.f32 v22, v18;
	_ =	sdelay $0x1  }
0x2c5: {  	[tilespmem:v24+s20+$0x0] =	vst.idx.msk $0xffff, v22  }
0x2c6: {  	v22 =	vld.idx.msk [tilespmem:v25+s18+$0x0], $0xffff;
	_ =	sdelay $0x1  }
0x2c7: {  	v24 =	vor.u32 v13, v23  }
0x2c8: {  	v21 =	vor.u32 v14, v21;
	_ =	sdelay $0x2  }
0x2c9: {  	v22 =	vadd.f32 v22, v18;
	_ =	sdelay $0x1  }
0x2ca: {  	[tilespmem:v24+s20+$0x0] =	vst.idx.msk $0xffff, v22  }
0x2cb: {  	v21 =	vld.idx.msk [tilespmem:v21+s18+$0x0], $0xffff;
	_ =	sdelay $0x1  }
0x2cc: {  	v22 =	vor.u32 v15, v23;
	_ =	sdelay $0x1  }
0x2cd: {  	v23 =	vor.u32 v16, v17;
	v24 =	vor.u32 v1, v17;
	_ =	sdelay $0x1  }
0x2ce: {  	v18 =	vadd.f32 v21, v18;
	_ =	sdelay $0x1  }
0x2cf: {  	v20 =	vor.u32 s6, v20;
	[tilespmem:v22+s20+$0x0] =	vst.idx.msk $0xffff, v18  }
0x2d0: {  	v19 =	vand.u32 $0x380, v19;
	v20 =	vshll.u32 v20, $0xA;
	v18 =	vld.idx.msk [tilespmem:v23+s14+$0x0], $0xffff  }
0x2d1: {  	v19 =	vor.u32 v19, v20;
	v21 =	vld.idx.msk [tilespmem:v24+s18+$0x0], $0xffff  }
0x2d2: {  	v20 =	vor.u32 v0, v19  }
0x2d3: {  	v22 =	vor.u32 v2, v17;
	_ =	sdelay $0x3  }
0x2d4: {  	v21 =	vadd.f32 v21, v18;
	_ =	sdelay $0x1  }
0x2d5: {  	[tilespmem:v20+s20+$0x0] =	vst.idx.msk $0xffff, v21  }
0x2d6: {  	v20 =	vld.idx.msk [tilespmem:v22+s18+$0x0], $0xffff  }
0x2d7: {  	v21 =	vor.u32 v3, v19  }
0x2d8: {  	v22 =	vor.u32 v4, v17;
	_ =	sdelay $0x3  }
0x2d9: {  	v20 =	vadd.f32 v20, v18;
	_ =	sdelay $0x1  }
0x2da: {  	[tilespmem:v21+s20+$0x0] =	vst.idx.msk $0xffff, v20  }
0x2db: {  	v20 =	vld.idx.msk [tilespmem:v22+s18+$0x0], $0xffff  }
0x2dc: {  	v21 =	vor.u32 v5, v19  }
0x2dd: {  	v22 =	vor.u32 v6, v17;
	_ =	sdelay $0x3  }
0x2de: {  	v20 =	vadd.f32 v20, v18;
	_ =	sdelay $0x1  }
0x2df: {  	[tilespmem:v21+s20+$0x0] =	vst.idx.msk $0xffff, v20  }
0x2e0: {  	v20 =	vld.idx.msk [tilespmem:v22+s18+$0x0], $0xffff  }
0x2e1: {  	v21 =	vor.u32 v7, v19  }
0x2e2: {  	v22 =	vor.u32 v8, v17;
	_ =	sdelay $0x3  }
0x2e3: {  	v20 =	vadd.f32 v20, v18;
	_ =	sdelay $0x1  }
0x2e4: {  	[tilespmem:v21+s20+$0x0] =	vst.idx.msk $0xffff, v20  }
0x2e5: {  	v20 =	vld.idx.msk [tilespmem:v22+s18+$0x0], $0xffff  }
0x2e6: {  	v21 =	vor.u32 v9, v19  }
0x2e7: {  	v22 =	vor.u32 v10, v17;
	_ =	sdelay $0x3  }
0x2e8: {  	v20 =	vadd.f32 v20, v18;
	_ =	sdelay $0x1  }
0x2e9: {  	[tilespmem:v21+s20+$0x0] =	vst.idx.msk $0xffff, v20  }
0x2ea: {  	v20 =	vld.idx.msk [tilespmem:v22+s18+$0x0], $0xffff  }
0x2eb: {  	v21 =	vor.u32 v11, v19  }
0x2ec: {  	v22 =	vor.u32 v12, v17;
	_ =	sdelay $0x3  }
0x2ed: {  	v20 =	vadd.f32 v20, v18;
	_ =	sdelay $0x1  }
0x2ee: {  	[tilespmem:v21+s20+$0x0] =	vst.idx.msk $0xffff, v20  }
0x2ef: {  	v20 =	vld.idx.msk [tilespmem:v22+s18+$0x0], $0xffff  }
0x2f0: {  	v21 =	vor.u32 v13, v19  }
0x2f1: {  	v17 =	vor.u32 v14, v17;
	_ =	sdelay $0x3  }
0x2f2: {  	v20 =	vadd.f32 v20, v18;
	_ =	sdelay $0x1  }
0x2f3: {  	[tilespmem:v21+s20+$0x0] =	vst.idx.msk $0xffff, v20  }
0x2f4: {  	s6 =	sadd.s32 $0x1, s5;
	v24 =	vld.idx.msk [tilespmem:v17+s18+$0x0], $0xffff  }
.Ltmp2:
0x2f5: {  	v28 =	vadd.s32 s6, v0;
	v22 =	vor.u32 v15, v19;
	v17 =	vadd.s32 s5, v0;
	(pc) =	sbr.rel @p0 .LBB2_7-.Ltmp2, $4  }
0x2f6: {  	s8 =	sand.u32 $0x30, s5;
	v20 =	vand.u32 $0xF, v28;
	s5 =	sshrl.u32 s5, $0x3;
	v19 =	vand.u32 $0xF, v17;
	v23 =	vshll.u32 v17, $0x7  }
0x2f7: {  	s6 =	sand.u32 $0x6, s5;
	v17 =	vor.u32 s8, v20;
	v21 =	vor.u32 s8, v19;
	v19 =	vshrl.u32 v19, $0x3  }
0x2f8: {  	v25 =	vor.u32 v16, v21;
	v19 =	vor.u32 s6, v19;
	v26 =	vor.u32 v1, v21  }
0x2f9: {  	v20 =	vshrl.u32 v20, $0x3;
	v27 =	vshll.u32 v19, $0xA;
	v19 =	vshll.u32 v28, $0x7  }
0x2fa: {  	_ =	sdelay $0x1  }
0x2fb: {  	v18 =	vadd.f32 v24, v18;
	_ =	sdelay $0x1  }
0x2fc: {  	[tilespmem:v22+s20+$0x0] =	vst.idx.msk $0xffff, v18  }
0x2fd: {  	v18 =	vld.idx.msk [tilespmem:v25+s14+$0x0], $0xffff  }
0x2fe: {  	v23 =	vand.u32 $0x380, v23;
	v22 =	vld.idx.msk [tilespmem:v26+s18+$0x0], $0xffff  }
0x2ff: {  	v23 =	vor.u32 v23, v27  }
0x300: {  	v24 =	vor.u32 v0, v23  }
0x301: {  	v25 =	vor.u32 v2, v21;
	_ =	sdelay $0x1  }
0x302: {  	v22 =	vadd.f32 v22, v18;
	_ =	sdelay $0x1  }
0x303: {  	[tilespmem:v24+s20+$0x0] =	vst.idx.msk $0xffff, v22  }
0x304: {  	v22 =	vld.idx.msk [tilespmem:v25+s18+$0x0], $0xffff;
	_ =	sdelay $0x1  }
0x305: {  	v24 =	vor.u32 v3, v23  }
0x306: {  	v25 =	vor.u32 v4, v21;
	_ =	sdelay $0x1  }
0x307: {  	v22 =	vadd.f32 v22, v18;
	_ =	sdelay $0x1  }
0x308: {  	[tilespmem:v24+s20+$0x0] =	vst.idx.msk $0xffff, v22  }
0x309: {  	v22 =	vld.idx.msk [tilespmem:v25+s18+$0x0], $0xffff;
	_ =	sdelay $0x1  }
0x30a: {  	v24 =	vor.u32 v5, v23  }
0x30b: {  	v25 =	vor.u32 v6, v21;
	_ =	sdelay $0x1  }
0x30c: {  	v22 =	vadd.f32 v22, v18;
	_ =	sdelay $0x1  }
0x30d: {  	[tilespmem:v24+s20+$0x0] =	vst.idx.msk $0xffff, v22  }
0x30e: {  	v22 =	vld.idx.msk [tilespmem:v25+s18+$0x0], $0xffff;
	_ =	sdelay $0x1  }
0x30f: {  	v24 =	vor.u32 v7, v23  }
0x310: {  	v25 =	vor.u32 v8, v21;
	_ =	sdelay $0x1  }
0x311: {  	v22 =	vadd.f32 v22, v18;
	_ =	sdelay $0x1  }
0x312: {  	[tilespmem:v24+s20+$0x0] =	vst.idx.msk $0xffff, v22  }
0x313: {  	v22 =	vld.idx.msk [tilespmem:v25+s18+$0x0], $0xffff;
	_ =	sdelay $0x1  }
0x314: {  	v24 =	vor.u32 v9, v23  }
0x315: {  	v25 =	vor.u32 v10, v21;
	_ =	sdelay $0x1  }
0x316: {  	v22 =	vadd.f32 v22, v18;
	_ =	sdelay $0x1  }
0x317: {  	[tilespmem:v24+s20+$0x0] =	vst.idx.msk $0xffff, v22  }
0x318: {  	v22 =	vld.idx.msk [tilespmem:v25+s18+$0x0], $0xffff;
	_ =	sdelay $0x1  }
0x319: {  	v24 =	vor.u32 v11, v23  }
0x31a: {  	v25 =	vor.u32 v12, v21;
	_ =	sdelay $0x1  }
0x31b: {  	v22 =	vadd.f32 v22, v18;
	_ =	sdelay $0x1  }
0x31c: {  	[tilespmem:v24+s20+$0x0] =	vst.idx.msk $0xffff, v22  }
0x31d: {  	v22 =	vld.idx.msk [tilespmem:v25+s18+$0x0], $0xffff;
	_ =	sdelay $0x1  }
0x31e: {  	v24 =	vor.u32 v13, v23  }
0x31f: {  	v21 =	vor.u32 v14, v21;
	_ =	sdelay $0x1  }
0x320: {  	v22 =	vadd.f32 v22, v18;
	_ =	sdelay $0x1  }
0x321: {  	[tilespmem:v24+s20+$0x0] =	vst.idx.msk $0xffff, v22  }
0x322: {  	v21 =	vld.idx.msk [tilespmem:v21+s18+$0x0], $0xffff;
	_ =	sdelay $0x1  }
0x323: {  	v22 =	vor.u32 v15, v23  }
0x324: {  	v16 =	vor.u32 v16, v17  }
0x325: {  	v23 =	vor.u32 v1, v17  }
0x326: {  	v18 =	vadd.f32 v21, v18;
	_ =	sdelay $0x1  }
0x327: {  	[tilespmem:v22+s20+$0x0] =	vst.idx.msk $0xffff, v18  }
0x328: {  	v18 =	vor.u32 s6, v20;
	v16 =	vld.idx.msk [tilespmem:v16+s14+$0x0], $0xffff  }
0x329: {  	v19 =	vand.u32 $0x380, v19;
	v18 =	vshll.u32 v18, $0xA;
	v20 =	vld.idx.msk [tilespmem:v23+s18+$0x0], $0xffff  }
0x32a: {  	v18 =	vor.u32 v19, v18  }
0x32b: {  	v19 =	vor.u32 v0, v18  }
0x32c: {  	v21 =	vor.u32 v2, v17;
	_ =	sdelay $0x1  }
0x32d: {  	v20 =	vadd.f32 v20, v16;
	_ =	sdelay $0x1  }
0x32e: {  	[tilespmem:v19+s20+$0x0] =	vst.idx.msk $0xffff, v20  }
0x32f: {  	v19 =	vld.idx.msk [tilespmem:v21+s18+$0x0], $0xffff;
	_ =	sdelay $0x1  }
0x330: {  	v20 =	vor.u32 v3, v18  }
0x331: {  	v21 =	vor.u32 v4, v17;
	_ =	sdelay $0x1  }
0x332: {  	v19 =	vadd.f32 v19, v16;
	_ =	sdelay $0x1  }
0x333: {  	[tilespmem:v20+s20+$0x0] =	vst.idx.msk $0xffff, v19  }
0x334: {  	v19 =	vld.idx.msk [tilespmem:v21+s18+$0x0], $0xffff;
	_ =	sdelay $0x1  }
0x335: {  	v20 =	vor.u32 v5, v18  }
0x336: {  	v21 =	vor.u32 v6, v17;
	_ =	sdelay $0x1  }
0x337: {  	v19 =	vadd.f32 v19, v16;
	_ =	sdelay $0x1  }
0x338: {  	[tilespmem:v20+s20+$0x0] =	vst.idx.msk $0xffff, v19  }
0x339: {  	v19 =	vld.idx.msk [tilespmem:v21+s18+$0x0], $0xffff;
	_ =	sdelay $0x1  }
0x33a: {  	v20 =	vor.u32 v7, v18  }
0x33b: {  	v21 =	vor.u32 v8, v17;
	_ =	sdelay $0x1  }
0x33c: {  	v19 =	vadd.f32 v19, v16;
	_ =	sdelay $0x1  }
0x33d: {  	[tilespmem:v20+s20+$0x0] =	vst.idx.msk $0xffff, v19  }
0x33e: {  	v19 =	vld.idx.msk [tilespmem:v21+s18+$0x0], $0xffff;
	_ =	sdelay $0x1  }
0x33f: {  	v20 =	vor.u32 v9, v18  }
0x340: {  	v21 =	vor.u32 v10, v17;
	_ =	sdelay $0x1  }
0x341: {  	v19 =	vadd.f32 v19, v16;
	_ =	sdelay $0x1  }
0x342: {  	[tilespmem:v20+s20+$0x0] =	vst.idx.msk $0xffff, v19  }
0x343: {  	v19 =	vld.idx.msk [tilespmem:v21+s18+$0x0], $0xffff;
	_ =	sdelay $0x1  }
0x344: {  	v20 =	vor.u32 v11, v18  }
0x345: {  	v21 =	vor.u32 v12, v17;
	_ =	sdelay $0x1  }
0x346: {  	v19 =	vadd.f32 v19, v16;
	_ =	sdelay $0x1  }
0x347: {  	[tilespmem:v20+s20+$0x0] =	vst.idx.msk $0xffff, v19  }
0x348: {  	v19 =	vld.idx.msk [tilespmem:v21+s18+$0x0], $0xffff;
	_ =	sdelay $0x1  }
0x349: {  	v20 =	vor.u32 v13, v18  }
0x34a: {  	v17 =	vor.u32 v14, v17;
	_ =	sdelay $0x1  }
0x34b: {  	v19 =	vadd.f32 v19, v16;
	_ =	sdelay $0x1  }
0x34c: {  	[tilespmem:v20+s20+$0x0] =	vst.idx.msk $0xffff, v19  }
0x34d: {  	v17 =	vld.idx.msk [tilespmem:v17+s18+$0x0], $0xffff;
	_ =	sdelay $0x1  }
0x34e: {  	v18 =	vor.u32 v15, v18;
	_ =	sdelay $0x1  }
0x34f: {  	s1 =	sshll.u32 s30, $0x12  }
0x350: {  	s1 =	sor.u32 s7, s1;
	v16 =	vadd.f32 v17, v16  }
0x351: {  	s29 =	sadd.s32 $0x5, s29;
	s1 =	sshrl.u32 s1, $0x3  }
0x352: {  	s5 =	sshll.u32 s29, $0x7;
	s1 =	sadd.s32 s2, s1;
	[tilespmem:v18+s20+$0x0] =	vst.idx.msk $0xffff, v16  }
0x353: {  	[hbm4b:s1+s11] =	stream.strided.scatter [tilespmem:s20], [sflag:$0x4], $0x2000, s12, s11, $0x38;
	[tilespmem:$0x19600] =	vst v63  }
0x354: {  	s1 =	sand.u32 $0x3FFFFF80, s5;
	s5 =	simm.s32 $0x0  }
0x355: {  	s6 =	sshll.u32 s31, $0x6;
	v17 =	vadd.s32 s5, v0;
	s5 =	sand.u32 $0x30, s5  }
0x356: {  	[tilespmem:s18], [sflag:$0x3] =	stream.indirect.gather [hbm4b:s4+s15], $0x80, s1, s15, $0xb8;
	v18 =	vand.u32 $0xF, v17;
	[tilespmem:$0x19600] =	vst v63  }
0x357: {  	v16 =	vmov s6;
	_ =	swait.ge [sflag:s19], $0x4000;
	v19 =	vor.u32 s5, v18  }
0x358: {  	[sflag:s19] =	ssyncset.done $0x0;
	v20 =	vor.u32 v16, v19  }
0x359: {  	v21 =	vor.u32 v1, v19;
	[sflag:s19] =	ssyncadd.s32 $0xFFFFC000  }
0x35a: {  	_ =	swait.ge [sflag:s25], $0x2000  }
0x35b: {  	s8 =	simm.s32 $0x0;
	[sflag:s25] =	ssyncset.done $0x0  }
0x35c: {  	s1 =	sand.u32 $0x6, s8;
	v18 =	vshrl.u32 v18, $0x3;
	[sflag:s25] =	ssyncadd.s32 $0xFFFFE000  }
0x35d: {  	v17 =	vshll.u32 v17, $0x7;
	v18 =	vor.u32 s1, v18;
	v20 =	vld.idx.msk [tilespmem:v20+s14+$0x0], $0xffff  }
0x35e: {  	v17 =	vand.u32 $0x380, v17;
	v18 =	vshll.u32 v18, $0xA;
	v21 =	vld.idx.msk [tilespmem:v21+s16+$0x0], $0xffff  }
0x35f: {  	v17 =	vor.u32 v17, v18  }
0x360: {  	v18 =	vor.u32 v0, v17  }
0x361: {  	v22 =	vor.u32 v2, v19;
	_ =	sdelay $0x1  }
0x362: {  	v21 =	vadd.f32 v21, v20;
	_ =	sdelay $0x1  }
0x363: {  	[tilespmem:v18+s22+$0x0] =	vst.idx.msk $0xffff, v21  }
0x364: {  	v18 =	vld.idx.msk [tilespmem:v22+s16+$0x0], $0xffff;
	_ =	sdelay $0x1  }
0x365: {  	v21 =	vor.u32 v3, v17  }
0x366: {  	v22 =	vor.u32 v4, v19;
	_ =	sdelay $0x1  }
0x367: {  	v18 =	vadd.f32 v18, v20;
	_ =	sdelay $0x1  }
0x368: {  	[tilespmem:v21+s22+$0x0] =	vst.idx.msk $0xffff, v18  }
0x369: {  	v18 =	vld.idx.msk [tilespmem:v22+s16+$0x0], $0xffff;
	_ =	sdelay $0x1  }
0x36a: {  	v21 =	vor.u32 v5, v17  }
0x36b: {  	v22 =	vor.u32 v6, v19;
	_ =	sdelay $0x1  }
0x36c: {  	v18 =	vadd.f32 v18, v20;
	_ =	sdelay $0x1  }
0x36d: {  	[tilespmem:v21+s22+$0x0] =	vst.idx.msk $0xffff, v18  }
0x36e: {  	v18 =	vld.idx.msk [tilespmem:v22+s16+$0x0], $0xffff;
	_ =	sdelay $0x1  }
0x36f: {  	v21 =	vor.u32 v7, v17  }
0x370: {  	v22 =	vor.u32 v8, v19;
	_ =	sdelay $0x1  }
0x371: {  	v18 =	vadd.f32 v18, v20;
	_ =	sdelay $0x1  }
0x372: {  	[tilespmem:v21+s22+$0x0] =	vst.idx.msk $0xffff, v18  }
0x373: {  	v18 =	vld.idx.msk [tilespmem:v22+s16+$0x0], $0xffff;
	_ =	sdelay $0x1  }
0x374: {  	v21 =	vor.u32 v9, v17  }
0x375: {  	v22 =	vor.u32 v10, v19;
	_ =	sdelay $0x1  }
0x376: {  	v18 =	vadd.f32 v18, v20;
	_ =	sdelay $0x1  }
0x377: {  	[tilespmem:v21+s22+$0x0] =	vst.idx.msk $0xffff, v18  }
0x378: {  	v18 =	vld.idx.msk [tilespmem:v22+s16+$0x0], $0xffff;
	_ =	sdelay $0x1  }
0x379: {  	v21 =	vor.u32 v11, v17  }
0x37a: {  	v22 =	vor.u32 v12, v19;
	_ =	sdelay $0x1  }
0x37b: {  	v18 =	vadd.f32 v18, v20;
	_ =	sdelay $0x1  }
0x37c: {  	[tilespmem:v21+s22+$0x0] =	vst.idx.msk $0xffff, v18  }
0x37d: {  	v18 =	vld.idx.msk [tilespmem:v22+s16+$0x0], $0xffff;
	_ =	sdelay $0x1  }
0x37e: {  	v21 =	vor.u32 v13, v17  }
0x37f: {  	v19 =	vor.u32 v14, v19;
	_ =	sdelay $0x1  }
0x380: {  	v18 =	vadd.f32 v18, v20;
	_ =	sdelay $0x1  }
0x381: {  	s30 =	simm.s32 $0x1;
	[tilespmem:v21+s22+$0x0] =	vst.idx.msk $0xffff, v18  }
0x382: {  	v18 =	vadd.s32 s30, v0;
	v19 =	vld.idx.msk [tilespmem:v19+s16+$0x0], $0xffff  }
0x383: {  	v21 =	vand.u32 $0xF, v18  }
0x384: {  	v17 =	vor.u32 v15, v17;
	v22 =	vor.u32 s5, v21  }
0x385: {  	v23 =	vor.u32 v16, v22  }
0x386: {  	v24 =	vor.u32 v1, v22  }
0x387: {  	v19 =	vadd.f32 v19, v20;
	_ =	sdelay $0x1  }
0x388: {  	v20 =	vshrl.u32 v21, $0x3;
	[tilespmem:v17+s22+$0x0] =	vst.idx.msk $0xffff, v19  }
0x389: {  	v17 =	vshll.u32 v18, $0x7;
	v19 =	vor.u32 s1, v20;
	v18 =	vld.idx.msk [tilespmem:v23+s14+$0x0], $0xffff  }
0x38a: {  	v19 =	vshll.u32 v19, $0xA;
	v17 =	vand.u32 $0x380, v17;
	v20 =	vld.idx.msk [tilespmem:v24+s16+$0x0], $0xffff  }
0x38b: {  	v17 =	vor.u32 v17, v19  }
0x38c: {  	v19 =	vor.u32 v0, v17  }
0x38d: {  	v21 =	vor.u32 v2, v22;
	_ =	sdelay $0x1  }
0x38e: {  	v20 =	vadd.f32 v20, v18;
	_ =	sdelay $0x1  }
0x38f: {  	[tilespmem:v19+s22+$0x0] =	vst.idx.msk $0xffff, v20  }
0x390: {  	v19 =	vld.idx.msk [tilespmem:v21+s16+$0x0], $0xffff;
	_ =	sdelay $0x1  }
0x391: {  	v20 =	vor.u32 v3, v17  }
0x392: {  	v21 =	vor.u32 v4, v22;
	_ =	sdelay $0x1  }
0x393: {  	v19 =	vadd.f32 v19, v18;
	_ =	sdelay $0x1  }
0x394: {  	[tilespmem:v20+s22+$0x0] =	vst.idx.msk $0xffff, v19  }
0x395: {  	v19 =	vld.idx.msk [tilespmem:v21+s16+$0x0], $0xffff;
	_ =	sdelay $0x1  }
0x396: {  	v20 =	vor.u32 v5, v17  }
0x397: {  	v21 =	vor.u32 v6, v22;
	_ =	sdelay $0x1  }
0x398: {  	v19 =	vadd.f32 v19, v18;
	_ =	sdelay $0x1  }
0x399: {  	[tilespmem:v20+s22+$0x0] =	vst.idx.msk $0xffff, v19  }
0x39a: {  	v19 =	vld.idx.msk [tilespmem:v21+s16+$0x0], $0xffff;
	_ =	sdelay $0x1  }
0x39b: {  	v20 =	vor.u32 v7, v17  }
0x39c: {  	v21 =	vor.u32 v8, v22;
	_ =	sdelay $0x1  }
0x39d: {  	v19 =	vadd.f32 v19, v18;
	_ =	sdelay $0x1  }
0x39e: {  	[tilespmem:v20+s22+$0x0] =	vst.idx.msk $0xffff, v19  }
0x39f: {  	v19 =	vld.idx.msk [tilespmem:v21+s16+$0x0], $0xffff;
	_ =	sdelay $0x1  }
0x3a0: {  	v20 =	vor.u32 v9, v17  }
0x3a1: {  	v21 =	vor.u32 v10, v22;
	_ =	sdelay $0x1  }
0x3a2: {  	v19 =	vadd.f32 v19, v18;
	_ =	sdelay $0x1  }
0x3a3: {  	[tilespmem:v20+s22+$0x0] =	vst.idx.msk $0xffff, v19  }
0x3a4: {  	v19 =	vld.idx.msk [tilespmem:v21+s16+$0x0], $0xffff;
	_ =	sdelay $0x1  }
0x3a5: {  	v20 =	vor.u32 v11, v17  }
0x3a6: {  	v21 =	vor.u32 v12, v22;
	_ =	sdelay $0x1  }
0x3a7: {  	v19 =	vadd.f32 v19, v18;
	_ =	sdelay $0x1  }
0x3a8: {  	[tilespmem:v20+s22+$0x0] =	vst.idx.msk $0xffff, v19  }
0x3a9: {  	v19 =	vld.idx.msk [tilespmem:v21+s16+$0x0], $0xffff;
	_ =	sdelay $0x1  }
0x3aa: {  	v20 =	vor.u32 v13, v17  }
0x3ab: {  	v24 =	vor.u32 v14, v22;
	_ =	sdelay $0x1  }
0x3ac: {  	v19 =	vadd.f32 v19, v18  }
0x3ad: {  	s8 =	simm.s32 $0x3  }
0x3ae: {  	s6 =	simm.s32 $0x2;
	v28 =	vadd.s32 s8, v0;
	[tilespmem:v20+s22+$0x0] =	vst.idx.msk $0xffff, v19  }
0x3af: {  	v29 =	vand.u32 $0xF, v28;
	v21 =	vadd.s32 s6, v0;
	v24 =	vld.idx.msk [tilespmem:v24+s16+$0x0], $0xffff  }
0x3b0: {  	s30 =	simm.s32 $0x0;
	s1 =	sand.u32 $0x30, s6;
	v22 =	vor.u32 v15, v17;
	v17 =	vand.u32 $0xF, v21;
	v23 =	vshll.u32 v21, $0x7  }
0x3b1: {  	s6 =	sand.u32 $0x6, s30;
	v21 =	vor.u32 s1, v17;
	v26 =	vshrl.u32 v17, $0x3;
	v17 =	vor.u32 s1, v29  }
0x3b2: {  	v25 =	vor.u32 v16, v21;
	v19 =	vor.u32 s6, v26;
	v26 =	vor.u32 v1, v21  }
0x3b3: {  	s1 =	simm.s32 $0x4;
	v20 =	vshrl.u32 v29, $0x3;
	v27 =	vshll.u32 v19, $0xA;
	v19 =	vshll.u32 v28, $0x7  }
.LBB2_9:
0x3b4: {  	p0 =	slt.u32 s1, $0x3E;
	v18 =	vadd.f32 v24, v18;
	s5 =	smov.u32 s1;
	s1 =	sadd.s32 $0x2, s1  }
0x3b5: {  	_ = 	snop  }
0x3b6: {  	[tilespmem:v22+s22+$0x0] =	vst.idx.msk $0xffff, v18  }
0x3b7: {  	v18 =	vld.idx.msk [tilespmem:v25+s14+$0x0], $0xffff  }
0x3b8: {  	v23 =	vand.u32 $0x380, v23;
	v22 =	vld.idx.msk [tilespmem:v26+s16+$0x0], $0xffff  }
0x3b9: {  	v23 =	vor.u32 v23, v27  }
0x3ba: {  	v24 =	vor.u32 v0, v23  }
0x3bb: {  	v25 =	vor.u32 v2, v21;
	_ =	sdelay $0x2  }
0x3bc: {  	v22 =	vadd.f32 v22, v18;
	_ =	sdelay $0x1  }
0x3bd: {  	[tilespmem:v24+s22+$0x0] =	vst.idx.msk $0xffff, v22  }
0x3be: {  	v22 =	vld.idx.msk [tilespmem:v25+s16+$0x0], $0xffff;
	_ =	sdelay $0x1  }
0x3bf: {  	v24 =	vor.u32 v3, v23  }
0x3c0: {  	v25 =	vor.u32 v4, v21;
	_ =	sdelay $0x2  }
0x3c1: {  	v22 =	vadd.f32 v22, v18;
	_ =	sdelay $0x1  }
0x3c2: {  	[tilespmem:v24+s22+$0x0] =	vst.idx.msk $0xffff, v22  }
0x3c3: {  	v22 =	vld.idx.msk [tilespmem:v25+s16+$0x0], $0xffff;
	_ =	sdelay $0x1  }
0x3c4: {  	v24 =	vor.u32 v5, v23  }
0x3c5: {  	v25 =	vor.u32 v6, v21;
	_ =	sdelay $0x2  }
0x3c6: {  	v22 =	vadd.f32 v22, v18;
	_ =	sdelay $0x1  }
0x3c7: {  	[tilespmem:v24+s22+$0x0] =	vst.idx.msk $0xffff, v22  }
0x3c8: {  	v22 =	vld.idx.msk [tilespmem:v25+s16+$0x0], $0xffff;
	_ =	sdelay $0x1  }
0x3c9: {  	v24 =	vor.u32 v7, v23  }
0x3ca: {  	v25 =	vor.u32 v8, v21;
	_ =	sdelay $0x2  }
0x3cb: {  	v22 =	vadd.f32 v22, v18;
	_ =	sdelay $0x1  }
0x3cc: {  	[tilespmem:v24+s22+$0x0] =	vst.idx.msk $0xffff, v22  }
0x3cd: {  	v22 =	vld.idx.msk [tilespmem:v25+s16+$0x0], $0xffff;
	_ =	sdelay $0x1  }
0x3ce: {  	v24 =	vor.u32 v9, v23  }
0x3cf: {  	v25 =	vor.u32 v10, v21;
	_ =	sdelay $0x2  }
0x3d0: {  	v22 =	vadd.f32 v22, v18;
	_ =	sdelay $0x1  }
0x3d1: {  	[tilespmem:v24+s22+$0x0] =	vst.idx.msk $0xffff, v22  }
0x3d2: {  	v22 =	vld.idx.msk [tilespmem:v25+s16+$0x0], $0xffff;
	_ =	sdelay $0x1  }
0x3d3: {  	v24 =	vor.u32 v11, v23  }
0x3d4: {  	v25 =	vor.u32 v12, v21;
	_ =	sdelay $0x2  }
0x3d5: {  	v22 =	vadd.f32 v22, v18;
	_ =	sdelay $0x1  }
0x3d6: {  	[tilespmem:v24+s22+$0x0] =	vst.idx.msk $0xffff, v22  }
0x3d7: {  	v22 =	vld.idx.msk [tilespmem:v25+s16+$0x0], $0xffff;
	_ =	sdelay $0x1  }
0x3d8: {  	v24 =	vor.u32 v13, v23  }
0x3d9: {  	v21 =	vor.u32 v14, v21;
	_ =	sdelay $0x2  }
0x3da: {  	v22 =	vadd.f32 v22, v18;
	_ =	sdelay $0x1  }
0x3db: {  	[tilespmem:v24+s22+$0x0] =	vst.idx.msk $0xffff, v22  }
0x3dc: {  	v21 =	vld.idx.msk [tilespmem:v21+s16+$0x0], $0xffff;
	_ =	sdelay $0x1  }
0x3dd: {  	v22 =	vor.u32 v15, v23;
	_ =	sdelay $0x1  }
0x3de: {  	v23 =	vor.u32 v16, v17;
	v24 =	vor.u32 v1, v17;
	_ =	sdelay $0x1  }
0x3df: {  	v18 =	vadd.f32 v21, v18;
	_ =	sdelay $0x1  }
0x3e0: {  	v20 =	vor.u32 s6, v20;
	[tilespmem:v22+s22+$0x0] =	vst.idx.msk $0xffff, v18  }
0x3e1: {  	v19 =	vand.u32 $0x380, v19;
	v20 =	vshll.u32 v20, $0xA;
	v18 =	vld.idx.msk [tilespmem:v23+s14+$0x0], $0xffff  }
0x3e2: {  	v19 =	vor.u32 v19, v20;
	v21 =	vld.idx.msk [tilespmem:v24+s16+$0x0], $0xffff  }
0x3e3: {  	v20 =	vor.u32 v0, v19  }
0x3e4: {  	v22 =	vor.u32 v2, v17;
	_ =	sdelay $0x3  }
0x3e5: {  	v21 =	vadd.f32 v21, v18;
	_ =	sdelay $0x1  }
0x3e6: {  	[tilespmem:v20+s22+$0x0] =	vst.idx.msk $0xffff, v21  }
0x3e7: {  	v20 =	vld.idx.msk [tilespmem:v22+s16+$0x0], $0xffff  }
0x3e8: {  	v21 =	vor.u32 v3, v19  }
0x3e9: {  	v22 =	vor.u32 v4, v17;
	_ =	sdelay $0x3  }
0x3ea: {  	v20 =	vadd.f32 v20, v18;
	_ =	sdelay $0x1  }
0x3eb: {  	[tilespmem:v21+s22+$0x0] =	vst.idx.msk $0xffff, v20  }
0x3ec: {  	v20 =	vld.idx.msk [tilespmem:v22+s16+$0x0], $0xffff  }
0x3ed: {  	v21 =	vor.u32 v5, v19  }
0x3ee: {  	v22 =	vor.u32 v6, v17;
	_ =	sdelay $0x3  }
0x3ef: {  	v20 =	vadd.f32 v20, v18;
	_ =	sdelay $0x1  }
0x3f0: {  	[tilespmem:v21+s22+$0x0] =	vst.idx.msk $0xffff, v20  }
0x3f1: {  	v20 =	vld.idx.msk [tilespmem:v22+s16+$0x0], $0xffff  }
0x3f2: {  	v21 =	vor.u32 v7, v19  }
0x3f3: {  	v22 =	vor.u32 v8, v17;
	_ =	sdelay $0x3  }
0x3f4: {  	v20 =	vadd.f32 v20, v18;
	_ =	sdelay $0x1  }
0x3f5: {  	[tilespmem:v21+s22+$0x0] =	vst.idx.msk $0xffff, v20  }
0x3f6: {  	v20 =	vld.idx.msk [tilespmem:v22+s16+$0x0], $0xffff  }
0x3f7: {  	v21 =	vor.u32 v9, v19  }
0x3f8: {  	v22 =	vor.u32 v10, v17;
	_ =	sdelay $0x3  }
0x3f9: {  	v20 =	vadd.f32 v20, v18;
	_ =	sdelay $0x1  }
0x3fa: {  	[tilespmem:v21+s22+$0x0] =	vst.idx.msk $0xffff, v20  }
0x3fb: {  	v20 =	vld.idx.msk [tilespmem:v22+s16+$0x0], $0xffff  }
0x3fc: {  	v21 =	vor.u32 v11, v19  }
0x3fd: {  	v22 =	vor.u32 v12, v17;
	_ =	sdelay $0x3  }
0x3fe: {  	v20 =	vadd.f32 v20, v18;
	_ =	sdelay $0x1  }
0x3ff: {  	[tilespmem:v21+s22+$0x0] =	vst.idx.msk $0xffff, v20  }
0x400: {  	v20 =	vld.idx.msk [tilespmem:v22+s16+$0x0], $0xffff  }
0x401: {  	v21 =	vor.u32 v13, v19  }
0x402: {  	v17 =	vor.u32 v14, v17;
	_ =	sdelay $0x3  }
0x403: {  	v20 =	vadd.f32 v20, v18;
	_ =	sdelay $0x1  }
0x404: {  	[tilespmem:v21+s22+$0x0] =	vst.idx.msk $0xffff, v20  }
0x405: {  	s6 =	sadd.s32 $0x1, s5;
	v24 =	vld.idx.msk [tilespmem:v17+s16+$0x0], $0xffff  }
.Ltmp3:
0x406: {  	v28 =	vadd.s32 s6, v0;
	v22 =	vor.u32 v15, v19;
	v17 =	vadd.s32 s5, v0;
	(pc) =	sbr.rel @p0 .LBB2_9-.Ltmp3, $4  }
0x407: {  	s8 =	sand.u32 $0x30, s5;
	v20 =	vand.u32 $0xF, v28;
	s5 =	sshrl.u32 s5, $0x3;
	v19 =	vand.u32 $0xF, v17;
	v23 =	vshll.u32 v17, $0x7  }
0x408: {  	s6 =	sand.u32 $0x6, s5;
	v17 =	vor.u32 s8, v20;
	v21 =	vor.u32 s8, v19;
	v19 =	vshrl.u32 v19, $0x3  }
0x409: {  	v25 =	vor.u32 v16, v21;
	v19 =	vor.u32 s6, v19;
	v26 =	vor.u32 v1, v21  }
0x40a: {  	v20 =	vshrl.u32 v20, $0x3;
	v27 =	vshll.u32 v19, $0xA;
	v19 =	vshll.u32 v28, $0x7  }
0x40b: {  	_ =	sdelay $0x1  }
0x40c: {  	v18 =	vadd.f32 v24, v18;
	_ =	sdelay $0x1  }
0x40d: {  	[tilespmem:v22+s22+$0x0] =	vst.idx.msk $0xffff, v18  }
0x40e: {  	v18 =	vld.idx.msk [tilespmem:v25+s14+$0x0], $0xffff  }
0x40f: {  	v23 =	vand.u32 $0x380, v23;
	v22 =	vld.idx.msk [tilespmem:v26+s16+$0x0], $0xffff  }
0x410: {  	v23 =	vor.u32 v23, v27  }
0x411: {  	v24 =	vor.u32 v0, v23  }
0x412: {  	v25 =	vor.u32 v2, v21;
	_ =	sdelay $0x1  }
0x413: {  	v22 =	vadd.f32 v22, v18;
	_ =	sdelay $0x1  }
0x414: {  	[tilespmem:v24+s22+$0x0] =	vst.idx.msk $0xffff, v22  }
0x415: {  	v22 =	vld.idx.msk [tilespmem:v25+s16+$0x0], $0xffff;
	_ =	sdelay $0x1  }
0x416: {  	v24 =	vor.u32 v3, v23  }
0x417: {  	v25 =	vor.u32 v4, v21;
	_ =	sdelay $0x1  }
0x418: {  	v22 =	vadd.f32 v22, v18;
	_ =	sdelay $0x1  }
0x419: {  	[tilespmem:v24+s22+$0x0] =	vst.idx.msk $0xffff, v22  }
0x41a: {  	v22 =	vld.idx.msk [tilespmem:v25+s16+$0x0], $0xffff;
	_ =	sdelay $0x1  }
0x41b: {  	v24 =	vor.u32 v5, v23  }
0x41c: {  	v25 =	vor.u32 v6, v21;
	_ =	sdelay $0x1  }
0x41d: {  	v22 =	vadd.f32 v22, v18;
	_ =	sdelay $0x1  }
0x41e: {  	[tilespmem:v24+s22+$0x0] =	vst.idx.msk $0xffff, v22  }
0x41f: {  	v22 =	vld.idx.msk [tilespmem:v25+s16+$0x0], $0xffff;
	_ =	sdelay $0x1  }
0x420: {  	v24 =	vor.u32 v7, v23  }
0x421: {  	v25 =	vor.u32 v8, v21;
	_ =	sdelay $0x1  }
0x422: {  	v22 =	vadd.f32 v22, v18;
	_ =	sdelay $0x1  }
0x423: {  	[tilespmem:v24+s22+$0x0] =	vst.idx.msk $0xffff, v22  }
0x424: {  	v22 =	vld.idx.msk [tilespmem:v25+s16+$0x0], $0xffff;
	_ =	sdelay $0x1  }
0x425: {  	v24 =	vor.u32 v9, v23  }
0x426: {  	v25 =	vor.u32 v10, v21;
	_ =	sdelay $0x1  }
0x427: {  	v22 =	vadd.f32 v22, v18;
	_ =	sdelay $0x1  }
0x428: {  	[tilespmem:v24+s22+$0x0] =	vst.idx.msk $0xffff, v22  }
0x429: {  	v22 =	vld.idx.msk [tilespmem:v25+s16+$0x0], $0xffff;
	_ =	sdelay $0x1  }
0x42a: {  	v24 =	vor.u32 v11, v23  }
0x42b: {  	v25 =	vor.u32 v12, v21;
	_ =	sdelay $0x1  }
0x42c: {  	v22 =	vadd.f32 v22, v18;
	_ =	sdelay $0x1  }
0x42d: {  	[tilespmem:v24+s22+$0x0] =	vst.idx.msk $0xffff, v22  }
0x42e: {  	v22 =	vld.idx.msk [tilespmem:v25+s16+$0x0], $0xffff;
	_ =	sdelay $0x1  }
0x42f: {  	v24 =	vor.u32 v13, v23  }
0x430: {  	v21 =	vor.u32 v14, v21;
	_ =	sdelay $0x1  }
0x431: {  	v22 =	vadd.f32 v22, v18;
	_ =	sdelay $0x1  }
0x432: {  	[tilespmem:v24+s22+$0x0] =	vst.idx.msk $0xffff, v22  }
0x433: {  	v21 =	vld.idx.msk [tilespmem:v21+s16+$0x0], $0xffff;
	_ =	sdelay $0x1  }
0x434: {  	v22 =	vor.u32 v15, v23  }
0x435: {  	v16 =	vor.u32 v16, v17  }
0x436: {  	v23 =	vor.u32 v1, v17  }
0x437: {  	v18 =	vadd.f32 v21, v18;
	_ =	sdelay $0x1  }
0x438: {  	[tilespmem:v22+s22+$0x0] =	vst.idx.msk $0xffff, v18  }
0x439: {  	v18 =	vor.u32 s6, v20;
	v16 =	vld.idx.msk [tilespmem:v16+s14+$0x0], $0xffff  }
0x43a: {  	v19 =	vand.u32 $0x380, v19;
	v18 =	vshll.u32 v18, $0xA;
	v20 =	vld.idx.msk [tilespmem:v23+s16+$0x0], $0xffff  }
0x43b: {  	v18 =	vor.u32 v19, v18  }
0x43c: {  	v19 =	vor.u32 v0, v18  }
0x43d: {  	v21 =	vor.u32 v2, v17;
	_ =	sdelay $0x1  }
0x43e: {  	v20 =	vadd.f32 v20, v16;
	_ =	sdelay $0x1  }
0x43f: {  	[tilespmem:v19+s22+$0x0] =	vst.idx.msk $0xffff, v20  }
0x440: {  	v19 =	vld.idx.msk [tilespmem:v21+s16+$0x0], $0xffff;
	_ =	sdelay $0x1  }
0x441: {  	v20 =	vor.u32 v3, v18  }
0x442: {  	v21 =	vor.u32 v4, v17;
	_ =	sdelay $0x1  }
0x443: {  	v19 =	vadd.f32 v19, v16;
	_ =	sdelay $0x1  }
0x444: {  	[tilespmem:v20+s22+$0x0] =	vst.idx.msk $0xffff, v19  }
0x445: {  	v19 =	vld.idx.msk [tilespmem:v21+s16+$0x0], $0xffff;
	_ =	sdelay $0x1  }
0x446: {  	v20 =	vor.u32 v5, v18  }
0x447: {  	v21 =	vor.u32 v6, v17;
	_ =	sdelay $0x1  }
0x448: {  	v19 =	vadd.f32 v19, v16;
	_ =	sdelay $0x1  }
0x449: {  	[tilespmem:v20+s22+$0x0] =	vst.idx.msk $0xffff, v19  }
0x44a: {  	v19 =	vld.idx.msk [tilespmem:v21+s16+$0x0], $0xffff;
	_ =	sdelay $0x1  }
0x44b: {  	v20 =	vor.u32 v7, v18  }
0x44c: {  	v21 =	vor.u32 v8, v17;
	_ =	sdelay $0x1  }
0x44d: {  	v19 =	vadd.f32 v19, v16;
	_ =	sdelay $0x1  }
0x44e: {  	[tilespmem:v20+s22+$0x0] =	vst.idx.msk $0xffff, v19  }
0x44f: {  	v19 =	vld.idx.msk [tilespmem:v21+s16+$0x0], $0xffff;
	_ =	sdelay $0x1  }
0x450: {  	v20 =	vor.u32 v9, v18  }
0x451: {  	v21 =	vor.u32 v10, v17;
	_ =	sdelay $0x1  }
0x452: {  	v19 =	vadd.f32 v19, v16;
	_ =	sdelay $0x1  }
0x453: {  	[tilespmem:v20+s22+$0x0] =	vst.idx.msk $0xffff, v19  }
0x454: {  	v19 =	vld.idx.msk [tilespmem:v21+s16+$0x0], $0xffff;
	_ =	sdelay $0x1  }
0x455: {  	v20 =	vor.u32 v11, v18  }
0x456: {  	v21 =	vor.u32 v12, v17;
	_ =	sdelay $0x1  }
0x457: {  	v19 =	vadd.f32 v19, v16;
	_ =	sdelay $0x1  }
0x458: {  	[tilespmem:v20+s22+$0x0] =	vst.idx.msk $0xffff, v19  }
0x459: {  	v19 =	vld.idx.msk [tilespmem:v21+s16+$0x0], $0xffff;
	_ =	sdelay $0x1  }
0x45a: {  	v20 =	vor.u32 v13, v18  }
0x45b: {  	v17 =	vor.u32 v14, v17;
	_ =	sdelay $0x1  }
0x45c: {  	v19 =	vadd.f32 v19, v16;
	_ =	sdelay $0x1  }
0x45d: {  	[tilespmem:v20+s22+$0x0] =	vst.idx.msk $0xffff, v19  }
0x45e: {  	v17 =	vld.idx.msk [tilespmem:v17+s16+$0x0], $0xffff;
	_ =	sdelay $0x1  }
0x45f: {  	v18 =	vor.u32 v15, v18;
	_ =	sdelay $0x1  }
0x460: {  	s1 =	sshll.u32 s31, $0x12  }
0x461: {  	s5 =	smul.u32 $0xC00, s28;
	s1 =	sor.u32 s7, s1;
	v16 =	vadd.f32 v17, v16  }
0x462: {  	s1 =	sshrl.u32 s1, $0x3  }
0x463: {  	s31 =	simm.s32 $0x0;
	s30 =	sshra.s32 s5, $0x2;
	s1 =	sadd.s32 s2, s1;
	[tilespmem:v18+s22+$0x0] =	vst.idx.msk $0xffff, v16  }
0x464: {  	[hbm4b:s1+s11] =	stream.strided.scatter [tilespmem:s22], [sflag:$0x5], $0x2000, s12, s11, $0x38;
	[tilespmem:$0x19600] =	vst v63  }
0x465: {  	s5 =	sand.u32 $0x30, s31;
	s8 =	sadd.s32 $0x300, s30;
	s6 =	sshll.u32 s0, $0x6;
	v17 =	vadd.s32 s31, v0  }
0x466: {  	v18 =	vand.u32 $0xF, v17;
	[tilespmem:s16], [sflag:$0x1] =	stream.indirect.gather [hbm4b:s4+s15], $0x80, s8, s15, $0xb8;
	[tilespmem:$0x19600] =	vst v63  }
0x467: {  	v16 =	vmov s6;
	v19 =	vor.u32 s5, v18;
	_ =	swait.ge [sflag:s21], $0x4000  }
0x468: {  	v20 =	vor.u32 v16, v19;
	[sflag:s21] =	ssyncset.done $0x0  }
0x469: {  	v21 =	vor.u32 v1, v19;
	[sflag:s21] =	ssyncadd.s32 $0xFFFFC000  }
0x46a: {  	_ =	swait.ge [sflag:s24], $0x2000  }
0x46b: {  	s8 =	simm.s32 $0x0;
	[sflag:s24] =	ssyncset.done $0x0  }
0x46c: {  	v18 =	vshrl.u32 v18, $0x3;
	s1 =	sand.u32 $0x6, s8;
	[sflag:s24] =	ssyncadd.s32 $0xFFFFE000  }
0x46d: {  	v17 =	vshll.u32 v17, $0x7;
	v18 =	vor.u32 s1, v18;
	v20 =	vld.idx.msk [tilespmem:v20+s14+$0x0], $0xffff  }
0x46e: {  	v17 =	vand.u32 $0x380, v17;
	v18 =	vshll.u32 v18, $0xA;
	v21 =	vld.idx.msk [tilespmem:v21+s17+$0x0], $0xffff  }
0x46f: {  	v17 =	vor.u32 v17, v18  }
0x470: {  	v18 =	vor.u32 v0, v17  }
0x471: {  	v22 =	vor.u32 v2, v19;
	_ =	sdelay $0x1  }
0x472: {  	v21 =	vadd.f32 v21, v20;
	_ =	sdelay $0x1  }
0x473: {  	[tilespmem:v18+s20+$0x0] =	vst.idx.msk $0xffff, v21  }
0x474: {  	v18 =	vld.idx.msk [tilespmem:v22+s17+$0x0], $0xffff;
	_ =	sdelay $0x1  }
0x475: {  	v21 =	vor.u32 v3, v17  }
0x476: {  	v22 =	vor.u32 v4, v19;
	_ =	sdelay $0x1  }
0x477: {  	v18 =	vadd.f32 v18, v20;
	_ =	sdelay $0x1  }
0x478: {  	[tilespmem:v21+s20+$0x0] =	vst.idx.msk $0xffff, v18  }
0x479: {  	v18 =	vld.idx.msk [tilespmem:v22+s17+$0x0], $0xffff;
	_ =	sdelay $0x1  }
0x47a: {  	v21 =	vor.u32 v5, v17  }
0x47b: {  	v22 =	vor.u32 v6, v19;
	_ =	sdelay $0x1  }
0x47c: {  	v18 =	vadd.f32 v18, v20;
	_ =	sdelay $0x1  }
0x47d: {  	[tilespmem:v21+s20+$0x0] =	vst.idx.msk $0xffff, v18  }
0x47e: {  	v18 =	vld.idx.msk [tilespmem:v22+s17+$0x0], $0xffff;
	_ =	sdelay $0x1  }
0x47f: {  	v21 =	vor.u32 v7, v17  }
0x480: {  	v22 =	vor.u32 v8, v19;
	_ =	sdelay $0x1  }
0x481: {  	v18 =	vadd.f32 v18, v20;
	_ =	sdelay $0x1  }
0x482: {  	[tilespmem:v21+s20+$0x0] =	vst.idx.msk $0xffff, v18  }
0x483: {  	v18 =	vld.idx.msk [tilespmem:v22+s17+$0x0], $0xffff;
	_ =	sdelay $0x1  }
0x484: {  	v21 =	vor.u32 v9, v17  }
0x485: {  	v22 =	vor.u32 v10, v19;
	_ =	sdelay $0x1  }
0x486: {  	v18 =	vadd.f32 v18, v20;
	_ =	sdelay $0x1  }
0x487: {  	[tilespmem:v21+s20+$0x0] =	vst.idx.msk $0xffff, v18  }
0x488: {  	v18 =	vld.idx.msk [tilespmem:v22+s17+$0x0], $0xffff;
	_ =	sdelay $0x1  }
0x489: {  	v21 =	vor.u32 v11, v17  }
0x48a: {  	v22 =	vor.u32 v12, v19;
	_ =	sdelay $0x1  }
0x48b: {  	v18 =	vadd.f32 v18, v20;
	_ =	sdelay $0x1  }
0x48c: {  	[tilespmem:v21+s20+$0x0] =	vst.idx.msk $0xffff, v18  }
0x48d: {  	v18 =	vld.idx.msk [tilespmem:v22+s17+$0x0], $0xffff;
	_ =	sdelay $0x1  }
0x48e: {  	v21 =	vor.u32 v13, v17  }
0x48f: {  	v19 =	vor.u32 v14, v19;
	_ =	sdelay $0x1  }
0x490: {  	v18 =	vadd.f32 v18, v20;
	_ =	sdelay $0x1  }
0x491: {  	s31 =	simm.s32 $0x1;
	[tilespmem:v21+s20+$0x0] =	vst.idx.msk $0xffff, v18  }
0x492: {  	v18 =	vadd.s32 s31, v0;
	v19 =	vld.idx.msk [tilespmem:v19+s17+$0x0], $0xffff  }
0x493: {  	v21 =	vand.u32 $0xF, v18  }
0x494: {  	v17 =	vor.u32 v15, v17;
	v22 =	vor.u32 s5, v21  }
0x495: {  	v23 =	vor.u32 v16, v22  }
0x496: {  	v24 =	vor.u32 v1, v22  }
0x497: {  	v19 =	vadd.f32 v19, v20;
	_ =	sdelay $0x1  }
0x498: {  	v20 =	vshrl.u32 v21, $0x3;
	[tilespmem:v17+s20+$0x0] =	vst.idx.msk $0xffff, v19  }
0x499: {  	v17 =	vshll.u32 v18, $0x7;
	v19 =	vor.u32 s1, v20;
	v18 =	vld.idx.msk [tilespmem:v23+s14+$0x0], $0xffff  }
0x49a: {  	v19 =	vshll.u32 v19, $0xA;
	v17 =	vand.u32 $0x380, v17;
	v20 =	vld.idx.msk [tilespmem:v24+s17+$0x0], $0xffff  }
0x49b: {  	v17 =	vor.u32 v17, v19  }
0x49c: {  	v19 =	vor.u32 v0, v17  }
0x49d: {  	v21 =	vor.u32 v2, v22;
	_ =	sdelay $0x1  }
0x49e: {  	v20 =	vadd.f32 v20, v18;
	_ =	sdelay $0x1  }
0x49f: {  	[tilespmem:v19+s20+$0x0] =	vst.idx.msk $0xffff, v20  }
0x4a0: {  	v19 =	vld.idx.msk [tilespmem:v21+s17+$0x0], $0xffff;
	_ =	sdelay $0x1  }
0x4a1: {  	v20 =	vor.u32 v3, v17  }
0x4a2: {  	v21 =	vor.u32 v4, v22;
	_ =	sdelay $0x1  }
0x4a3: {  	v19 =	vadd.f32 v19, v18;
	_ =	sdelay $0x1  }
0x4a4: {  	[tilespmem:v20+s20+$0x0] =	vst.idx.msk $0xffff, v19  }
0x4a5: {  	v19 =	vld.idx.msk [tilespmem:v21+s17+$0x0], $0xffff;
	_ =	sdelay $0x1  }
0x4a6: {  	v20 =	vor.u32 v5, v17  }
0x4a7: {  	v21 =	vor.u32 v6, v22;
	_ =	sdelay $0x1  }
0x4a8: {  	v19 =	vadd.f32 v19, v18;
	_ =	sdelay $0x1  }
0x4a9: {  	[tilespmem:v20+s20+$0x0] =	vst.idx.msk $0xffff, v19  }
0x4aa: {  	v19 =	vld.idx.msk [tilespmem:v21+s17+$0x0], $0xffff;
	_ =	sdelay $0x1  }
0x4ab: {  	v20 =	vor.u32 v7, v17  }
0x4ac: {  	v21 =	vor.u32 v8, v22;
	_ =	sdelay $0x1  }
0x4ad: {  	v19 =	vadd.f32 v19, v18;
	_ =	sdelay $0x1  }
0x4ae: {  	[tilespmem:v20+s20+$0x0] =	vst.idx.msk $0xffff, v19  }
0x4af: {  	v19 =	vld.idx.msk [tilespmem:v21+s17+$0x0], $0xffff;
	_ =	sdelay $0x1  }
0x4b0: {  	v20 =	vor.u32 v9, v17  }
0x4b1: {  	v21 =	vor.u32 v10, v22;
	_ =	sdelay $0x1  }
0x4b2: {  	v19 =	vadd.f32 v19, v18;
	_ =	sdelay $0x1  }
0x4b3: {  	[tilespmem:v20+s20+$0x0] =	vst.idx.msk $0xffff, v19  }
0x4b4: {  	v19 =	vld.idx.msk [tilespmem:v21+s17+$0x0], $0xffff;
	_ =	sdelay $0x1  }
0x4b5: {  	v20 =	vor.u32 v11, v17  }
0x4b6: {  	v21 =	vor.u32 v12, v22;
	_ =	sdelay $0x1  }
0x4b7: {  	v19 =	vadd.f32 v19, v18;
	_ =	sdelay $0x1  }
0x4b8: {  	[tilespmem:v20+s20+$0x0] =	vst.idx.msk $0xffff, v19  }
0x4b9: {  	v19 =	vld.idx.msk [tilespmem:v21+s17+$0x0], $0xffff;
	_ =	sdelay $0x1  }
0x4ba: {  	v20 =	vor.u32 v13, v17  }
0x4bb: {  	v24 =	vor.u32 v14, v22;
	_ =	sdelay $0x1  }
0x4bc: {  	v19 =	vadd.f32 v19, v18  }
0x4bd: {  	s8 =	simm.s32 $0x3  }
0x4be: {  	s6 =	simm.s32 $0x2;
	v28 =	vadd.s32 s8, v0;
	[tilespmem:v20+s20+$0x0] =	vst.idx.msk $0xffff, v19  }
0x4bf: {  	v29 =	vand.u32 $0xF, v28;
	v21 =	vadd.s32 s6, v0;
	v24 =	vld.idx.msk [tilespmem:v24+s17+$0x0], $0xffff  }
0x4c0: {  	s31 =	simm.s32 $0x0;
	s1 =	sand.u32 $0x30, s6;
	v22 =	vor.u32 v15, v17;
	v17 =	vand.u32 $0xF, v21;
	v23 =	vshll.u32 v21, $0x7  }
0x4c1: {  	s6 =	sand.u32 $0x6, s31;
	v21 =	vor.u32 s1, v17;
	v26 =	vshrl.u32 v17, $0x3;
	v17 =	vor.u32 s1, v29  }
0x4c2: {  	v25 =	vor.u32 v16, v21;
	v19 =	vor.u32 s6, v26;
	v26 =	vor.u32 v1, v21  }
0x4c3: {  	s1 =	simm.s32 $0x4;
	v20 =	vshrl.u32 v29, $0x3;
	v27 =	vshll.u32 v19, $0xA;
	v19 =	vshll.u32 v28, $0x7  }
.LBB2_11:
0x4c4: {  	p0 =	slt.u32 s1, $0x3E;
	v18 =	vadd.f32 v24, v18;
	s5 =	smov.u32 s1;
	s1 =	sadd.s32 $0x2, s1  }
0x4c5: {  	_ = 	snop  }
0x4c6: {  	[tilespmem:v22+s20+$0x0] =	vst.idx.msk $0xffff, v18  }
0x4c7: {  	v18 =	vld.idx.msk [tilespmem:v25+s14+$0x0], $0xffff  }
0x4c8: {  	v23 =	vand.u32 $0x380, v23;
	v22 =	vld.idx.msk [tilespmem:v26+s17+$0x0], $0xffff  }
0x4c9: {  	v23 =	vor.u32 v23, v27  }
0x4ca: {  	v24 =	vor.u32 v0, v23  }
0x4cb: {  	v25 =	vor.u32 v2, v21;
	_ =	sdelay $0x2  }
0x4cc: {  	v22 =	vadd.f32 v22, v18;
	_ =	sdelay $0x1  }
0x4cd: {  	[tilespmem:v24+s20+$0x0] =	vst.idx.msk $0xffff, v22  }
0x4ce: {  	v22 =	vld.idx.msk [tilespmem:v25+s17+$0x0], $0xffff;
	_ =	sdelay $0x1  }
0x4cf: {  	v24 =	vor.u32 v3, v23  }
0x4d0: {  	v25 =	vor.u32 v4, v21;
	_ =	sdelay $0x2  }
0x4d1: {  	v22 =	vadd.f32 v22, v18;
	_ =	sdelay $0x1  }
0x4d2: {  	[tilespmem:v24+s20+$0x0] =	vst.idx.msk $0xffff, v22  }
0x4d3: {  	v22 =	vld.idx.msk [tilespmem:v25+s17+$0x0], $0xffff;
	_ =	sdelay $0x1  }
0x4d4: {  	v24 =	vor.u32 v5, v23  }
0x4d5: {  	v25 =	vor.u32 v6, v21;
	_ =	sdelay $0x2  }
0x4d6: {  	v22 =	vadd.f32 v22, v18;
	_ =	sdelay $0x1  }
0x4d7: {  	[tilespmem:v24+s20+$0x0] =	vst.idx.msk $0xffff, v22  }
0x4d8: {  	v22 =	vld.idx.msk [tilespmem:v25+s17+$0x0], $0xffff;
	_ =	sdelay $0x1  }
0x4d9: {  	v24 =	vor.u32 v7, v23  }
0x4da: {  	v25 =	vor.u32 v8, v21;
	_ =	sdelay $0x2  }
0x4db: {  	v22 =	vadd.f32 v22, v18;
	_ =	sdelay $0x1  }
0x4dc: {  	[tilespmem:v24+s20+$0x0] =	vst.idx.msk $0xffff, v22  }
0x4dd: {  	v22 =	vld.idx.msk [tilespmem:v25+s17+$0x0], $0xffff;
	_ =	sdelay $0x1  }
0x4de: {  	v24 =	vor.u32 v9, v23  }
0x4df: {  	v25 =	vor.u32 v10, v21;
	_ =	sdelay $0x2  }
0x4e0: {  	v22 =	vadd.f32 v22, v18;
	_ =	sdelay $0x1  }
0x4e1: {  	[tilespmem:v24+s20+$0x0] =	vst.idx.msk $0xffff, v22  }
0x4e2: {  	v22 =	vld.idx.msk [tilespmem:v25+s17+$0x0], $0xffff;
	_ =	sdelay $0x1  }
0x4e3: {  	v24 =	vor.u32 v11, v23  }
0x4e4: {  	v25 =	vor.u32 v12, v21;
	_ =	sdelay $0x2  }
0x4e5: {  	v22 =	vadd.f32 v22, v18;
	_ =	sdelay $0x1  }
0x4e6: {  	[tilespmem:v24+s20+$0x0] =	vst.idx.msk $0xffff, v22  }
0x4e7: {  	v22 =	vld.idx.msk [tilespmem:v25+s17+$0x0], $0xffff;
	_ =	sdelay $0x1  }
0x4e8: {  	v24 =	vor.u32 v13, v23  }
0x4e9: {  	v21 =	vor.u32 v14, v21;
	_ =	sdelay $0x2  }
0x4ea: {  	v22 =	vadd.f32 v22, v18;
	_ =	sdelay $0x1  }
0x4eb: {  	[tilespmem:v24+s20+$0x0] =	vst.idx.msk $0xffff, v22  }
0x4ec: {  	v21 =	vld.idx.msk [tilespmem:v21+s17+$0x0], $0xffff;
	_ =	sdelay $0x1  }
0x4ed: {  	v22 =	vor.u32 v15, v23;
	_ =	sdelay $0x1  }
0x4ee: {  	v23 =	vor.u32 v16, v17;
	v24 =	vor.u32 v1, v17;
	_ =	sdelay $0x1  }
0x4ef: {  	v18 =	vadd.f32 v21, v18;
	_ =	sdelay $0x1  }
0x4f0: {  	v20 =	vor.u32 s6, v20;
	[tilespmem:v22+s20+$0x0] =	vst.idx.msk $0xffff, v18  }
0x4f1: {  	v19 =	vand.u32 $0x380, v19;
	v20 =	vshll.u32 v20, $0xA;
	v18 =	vld.idx.msk [tilespmem:v23+s14+$0x0], $0xffff  }
0x4f2: {  	v19 =	vor.u32 v19, v20;
	v21 =	vld.idx.msk [tilespmem:v24+s17+$0x0], $0xffff  }
0x4f3: {  	v20 =	vor.u32 v0, v19  }
0x4f4: {  	v22 =	vor.u32 v2, v17;
	_ =	sdelay $0x3  }
0x4f5: {  	v21 =	vadd.f32 v21, v18;
	_ =	sdelay $0x1  }
0x4f6: {  	[tilespmem:v20+s20+$0x0] =	vst.idx.msk $0xffff, v21  }
0x4f7: {  	v20 =	vld.idx.msk [tilespmem:v22+s17+$0x0], $0xffff  }
0x4f8: {  	v21 =	vor.u32 v3, v19  }
0x4f9: {  	v22 =	vor.u32 v4, v17;
	_ =	sdelay $0x3  }
0x4fa: {  	v20 =	vadd.f32 v20, v18;
	_ =	sdelay $0x1  }
0x4fb: {  	[tilespmem:v21+s20+$0x0] =	vst.idx.msk $0xffff, v20  }
0x4fc: {  	v20 =	vld.idx.msk [tilespmem:v22+s17+$0x0], $0xffff  }
0x4fd: {  	v21 =	vor.u32 v5, v19  }
0x4fe: {  	v22 =	vor.u32 v6, v17;
	_ =	sdelay $0x3  }
0x4ff: {  	v20 =	vadd.f32 v20, v18;
	_ =	sdelay $0x1  }
0x500: {  	[tilespmem:v21+s20+$0x0] =	vst.idx.msk $0xffff, v20  }
0x501: {  	v20 =	vld.idx.msk [tilespmem:v22+s17+$0x0], $0xffff  }
0x502: {  	v21 =	vor.u32 v7, v19  }
0x503: {  	v22 =	vor.u32 v8, v17;
	_ =	sdelay $0x3  }
0x504: {  	v20 =	vadd.f32 v20, v18;
	_ =	sdelay $0x1  }
0x505: {  	[tilespmem:v21+s20+$0x0] =	vst.idx.msk $0xffff, v20  }
0x506: {  	v20 =	vld.idx.msk [tilespmem:v22+s17+$0x0], $0xffff  }
0x507: {  	v21 =	vor.u32 v9, v19  }
0x508: {  	v22 =	vor.u32 v10, v17;
	_ =	sdelay $0x3  }
0x509: {  	v20 =	vadd.f32 v20, v18;
	_ =	sdelay $0x1  }
0x50a: {  	[tilespmem:v21+s20+$0x0] =	vst.idx.msk $0xffff, v20  }
0x50b: {  	v20 =	vld.idx.msk [tilespmem:v22+s17+$0x0], $0xffff  }
0x50c: {  	v21 =	vor.u32 v11, v19  }
0x50d: {  	v22 =	vor.u32 v12, v17;
	_ =	sdelay $0x3  }
0x50e: {  	v20 =	vadd.f32 v20, v18;
	_ =	sdelay $0x1  }
0x50f: {  	[tilespmem:v21+s20+$0x0] =	vst.idx.msk $0xffff, v20  }
0x510: {  	v20 =	vld.idx.msk [tilespmem:v22+s17+$0x0], $0xffff  }
0x511: {  	v21 =	vor.u32 v13, v19  }
0x512: {  	v17 =	vor.u32 v14, v17;
	_ =	sdelay $0x3  }
0x513: {  	v20 =	vadd.f32 v20, v18;
	_ =	sdelay $0x1  }
0x514: {  	[tilespmem:v21+s20+$0x0] =	vst.idx.msk $0xffff, v20  }
0x515: {  	s6 =	sadd.s32 $0x1, s5;
	v24 =	vld.idx.msk [tilespmem:v17+s17+$0x0], $0xffff  }
.Ltmp4:
0x516: {  	v28 =	vadd.s32 s6, v0;
	v22 =	vor.u32 v15, v19;
	v17 =	vadd.s32 s5, v0;
	(pc) =	sbr.rel @p0 .LBB2_11-.Ltmp4, $4  }
0x517: {  	s8 =	sand.u32 $0x30, s5;
	v20 =	vand.u32 $0xF, v28;
	s5 =	sshrl.u32 s5, $0x3;
	v19 =	vand.u32 $0xF, v17;
	v23 =	vshll.u32 v17, $0x7  }
0x518: {  	s6 =	sand.u32 $0x6, s5;
	v17 =	vor.u32 s8, v20;
	v21 =	vor.u32 s8, v19;
	v19 =	vshrl.u32 v19, $0x3  }
0x519: {  	v25 =	vor.u32 v16, v21;
	v19 =	vor.u32 s6, v19;
	v26 =	vor.u32 v1, v21  }
0x51a: {  	v20 =	vshrl.u32 v20, $0x3;
	v27 =	vshll.u32 v19, $0xA;
	v19 =	vshll.u32 v28, $0x7  }
0x51b: {  	_ =	sdelay $0x1  }
0x51c: {  	v18 =	vadd.f32 v24, v18;
	_ =	sdelay $0x1  }
0x51d: {  	[tilespmem:v22+s20+$0x0] =	vst.idx.msk $0xffff, v18  }
0x51e: {  	v18 =	vld.idx.msk [tilespmem:v25+s14+$0x0], $0xffff  }
0x51f: {  	v23 =	vand.u32 $0x380, v23;
	v22 =	vld.idx.msk [tilespmem:v26+s17+$0x0], $0xffff  }
0x520: {  	v23 =	vor.u32 v23, v27  }
0x521: {  	v24 =	vor.u32 v0, v23  }
0x522: {  	v25 =	vor.u32 v2, v21;
	_ =	sdelay $0x1  }
0x523: {  	v22 =	vadd.f32 v22, v18;
	_ =	sdelay $0x1  }
0x524: {  	[tilespmem:v24+s20+$0x0] =	vst.idx.msk $0xffff, v22  }
0x525: {  	v22 =	vld.idx.msk [tilespmem:v25+s17+$0x0], $0xffff;
	_ =	sdelay $0x1  }
0x526: {  	v24 =	vor.u32 v3, v23  }
0x527: {  	v25 =	vor.u32 v4, v21;
	_ =	sdelay $0x1  }
0x528: {  	v22 =	vadd.f32 v22, v18;
	_ =	sdelay $0x1  }
0x529: {  	[tilespmem:v24+s20+$0x0] =	vst.idx.msk $0xffff, v22  }
0x52a: {  	v22 =	vld.idx.msk [tilespmem:v25+s17+$0x0], $0xffff;
	_ =	sdelay $0x1  }
0x52b: {  	v24 =	vor.u32 v5, v23  }
0x52c: {  	v25 =	vor.u32 v6, v21;
	_ =	sdelay $0x1  }
0x52d: {  	v22 =	vadd.f32 v22, v18;
	_ =	sdelay $0x1  }
0x52e: {  	[tilespmem:v24+s20+$0x0] =	vst.idx.msk $0xffff, v22  }
0x52f: {  	v22 =	vld.idx.msk [tilespmem:v25+s17+$0x0], $0xffff;
	_ =	sdelay $0x1  }
0x530: {  	v24 =	vor.u32 v7, v23  }
0x531: {  	v25 =	vor.u32 v8, v21;
	_ =	sdelay $0x1  }
0x532: {  	v22 =	vadd.f32 v22, v18;
	_ =	sdelay $0x1  }
0x533: {  	[tilespmem:v24+s20+$0x0] =	vst.idx.msk $0xffff, v22  }
0x534: {  	v22 =	vld.idx.msk [tilespmem:v25+s17+$0x0], $0xffff;
	_ =	sdelay $0x1  }
0x535: {  	v24 =	vor.u32 v9, v23  }
0x536: {  	v25 =	vor.u32 v10, v21;
	_ =	sdelay $0x1  }
0x537: {  	v22 =	vadd.f32 v22, v18;
	_ =	sdelay $0x1  }
0x538: {  	[tilespmem:v24+s20+$0x0] =	vst.idx.msk $0xffff, v22  }
0x539: {  	v22 =	vld.idx.msk [tilespmem:v25+s17+$0x0], $0xffff;
	_ =	sdelay $0x1  }
0x53a: {  	v24 =	vor.u32 v11, v23  }
0x53b: {  	v25 =	vor.u32 v12, v21;
	_ =	sdelay $0x1  }
0x53c: {  	v22 =	vadd.f32 v22, v18;
	_ =	sdelay $0x1  }
0x53d: {  	[tilespmem:v24+s20+$0x0] =	vst.idx.msk $0xffff, v22  }
0x53e: {  	v22 =	vld.idx.msk [tilespmem:v25+s17+$0x0], $0xffff;
	_ =	sdelay $0x1  }
0x53f: {  	v24 =	vor.u32 v13, v23  }
0x540: {  	v21 =	vor.u32 v14, v21;
	_ =	sdelay $0x1  }
0x541: {  	v22 =	vadd.f32 v22, v18;
	_ =	sdelay $0x1  }
0x542: {  	[tilespmem:v24+s20+$0x0] =	vst.idx.msk $0xffff, v22  }
0x543: {  	v21 =	vld.idx.msk [tilespmem:v21+s17+$0x0], $0xffff;
	_ =	sdelay $0x1  }
0x544: {  	v22 =	vor.u32 v15, v23  }
0x545: {  	v16 =	vor.u32 v16, v17  }
0x546: {  	v23 =	vor.u32 v1, v17  }
0x547: {  	v18 =	vadd.f32 v21, v18;
	_ =	sdelay $0x1  }
0x548: {  	[tilespmem:v22+s20+$0x0] =	vst.idx.msk $0xffff, v18  }
0x549: {  	v18 =	vor.u32 s6, v20;
	v16 =	vld.idx.msk [tilespmem:v16+s14+$0x0], $0xffff  }
0x54a: {  	v19 =	vand.u32 $0x380, v19;
	v18 =	vshll.u32 v18, $0xA;
	v20 =	vld.idx.msk [tilespmem:v23+s17+$0x0], $0xffff  }
0x54b: {  	v18 =	vor.u32 v19, v18  }
0x54c: {  	v19 =	vor.u32 v0, v18  }
0x54d: {  	v21 =	vor.u32 v2, v17;
	_ =	sdelay $0x1  }
0x54e: {  	v20 =	vadd.f32 v20, v16;
	_ =	sdelay $0x1  }
0x54f: {  	[tilespmem:v19+s20+$0x0] =	vst.idx.msk $0xffff, v20  }
0x550: {  	v19 =	vld.idx.msk [tilespmem:v21+s17+$0x0], $0xffff;
	_ =	sdelay $0x1  }
0x551: {  	v20 =	vor.u32 v3, v18  }
0x552: {  	v21 =	vor.u32 v4, v17;
	_ =	sdelay $0x1  }
0x553: {  	v19 =	vadd.f32 v19, v16;
	_ =	sdelay $0x1  }
0x554: {  	[tilespmem:v20+s20+$0x0] =	vst.idx.msk $0xffff, v19  }
0x555: {  	v19 =	vld.idx.msk [tilespmem:v21+s17+$0x0], $0xffff;
	_ =	sdelay $0x1  }
0x556: {  	v20 =	vor.u32 v5, v18  }
0x557: {  	v21 =	vor.u32 v6, v17;
	_ =	sdelay $0x1  }
0x558: {  	v19 =	vadd.f32 v19, v16;
	_ =	sdelay $0x1  }
0x559: {  	[tilespmem:v20+s20+$0x0] =	vst.idx.msk $0xffff, v19  }
0x55a: {  	v19 =	vld.idx.msk [tilespmem:v21+s17+$0x0], $0xffff;
	_ =	sdelay $0x1  }
0x55b: {  	v20 =	vor.u32 v7, v18  }
0x55c: {  	v21 =	vor.u32 v8, v17;
	_ =	sdelay $0x1  }
0x55d: {  	v19 =	vadd.f32 v19, v16;
	_ =	sdelay $0x1  }
0x55e: {  	[tilespmem:v20+s20+$0x0] =	vst.idx.msk $0xffff, v19  }
0x55f: {  	v19 =	vld.idx.msk [tilespmem:v21+s17+$0x0], $0xffff;
	_ =	sdelay $0x1  }
0x560: {  	v20 =	vor.u32 v9, v18  }
0x561: {  	v21 =	vor.u32 v10, v17;
	_ =	sdelay $0x1  }
0x562: {  	v19 =	vadd.f32 v19, v16;
	_ =	sdelay $0x1  }
0x563: {  	[tilespmem:v20+s20+$0x0] =	vst.idx.msk $0xffff, v19  }
0x564: {  	v19 =	vld.idx.msk [tilespmem:v21+s17+$0x0], $0xffff;
	_ =	sdelay $0x1  }
0x565: {  	v20 =	vor.u32 v11, v18  }
0x566: {  	v21 =	vor.u32 v12, v17;
	_ =	sdelay $0x1  }
0x567: {  	v19 =	vadd.f32 v19, v16;
	_ =	sdelay $0x1  }
0x568: {  	[tilespmem:v20+s20+$0x0] =	vst.idx.msk $0xffff, v19  }
0x569: {  	v19 =	vld.idx.msk [tilespmem:v21+s17+$0x0], $0xffff;
	_ =	sdelay $0x1  }
0x56a: {  	v20 =	vor.u32 v13, v18  }
0x56b: {  	v17 =	vor.u32 v14, v17;
	_ =	sdelay $0x1  }
0x56c: {  	v19 =	vadd.f32 v19, v16;
	_ =	sdelay $0x1  }
0x56d: {  	[tilespmem:v20+s20+$0x0] =	vst.idx.msk $0xffff, v19  }
0x56e: {  	v17 =	vld.idx.msk [tilespmem:v17+s17+$0x0], $0xffff;
	_ =	sdelay $0x1  }
0x56f: {  	v18 =	vor.u32 v15, v18;
	_ =	sdelay $0x1  }
0x570: {  	s0 =	sshll.u32 s0, $0x12  }
0x571: {  	s0 =	sor.u32 s7, s0;
	v16 =	vadd.f32 v17, v16  }
0x572: {  	s0 =	sshrl.u32 s0, $0x3  }
0x573: {  	s1 =	simm.s32 $0x0;
	s0 =	sadd.s32 s2, s0;
	[tilespmem:v18+s20+$0x0] =	vst.idx.msk $0xffff, v16  }
0x574: {  	[hbm4b:s0+s11] =	stream.strided.scatter [tilespmem:s20], [sflag:$0x4], $0x2000, s12, s11, $0x38;
	[tilespmem:$0x19600] =	vst v63  }
0x575: {  	s31 =	sadd.s32 $0x380, s30;
	s5 =	sshll.u32 s29, $0x6;
	v17 =	vadd.s32 s1, v0;
	s1 =	sand.u32 $0x30, s1  }
0x576: {  	v18 =	vand.u32 $0xF, v17;
	[tilespmem:s17], [sflag:$0x2] =	stream.indirect.gather [hbm4b:s4+s15], $0x80, s31, s15, $0xb8;
	[tilespmem:$0x19600] =	vst v63  }
0x577: {  	v16 =	vmov s5;
	v19 =	vor.u32 s1, v18;
	_ =	swait.ge [sflag:s23], $0x4000  }
0x578: {  	v20 =	vor.u32 v16, v19;
	[sflag:s23] =	ssyncset.done $0x0  }
0x579: {  	v21 =	vor.u32 v1, v19;
	[sflag:s23] =	ssyncadd.s32 $0xFFFFC000  }
0x57a: {  	_ =	swait.ge [sflag:s25], $0x2000  }
0x57b: {  	s6 =	simm.s32 $0x0;
	[sflag:s25] =	ssyncset.done $0x0  }
0x57c: {  	v18 =	vshrl.u32 v18, $0x3;
	s0 =	sand.u32 $0x6, s6;
	[sflag:s25] =	ssyncadd.s32 $0xFFFFE000  }
0x57d: {  	v17 =	vshll.u32 v17, $0x7;
	v18 =	vor.u32 s0, v18;
	v20 =	vld.idx.msk [tilespmem:v20+s14+$0x0], $0xffff  }
0x57e: {  	v17 =	vand.u32 $0x380, v17;
	v18 =	vshll.u32 v18, $0xA;
	v21 =	vld.idx.msk [tilespmem:v21+s18+$0x0], $0xffff  }
0x57f: {  	v17 =	vor.u32 v17, v18  }
0x580: {  	v18 =	vor.u32 v0, v17  }
0x581: {  	v22 =	vor.u32 v2, v19;
	_ =	sdelay $0x1  }
0x582: {  	v21 =	vadd.f32 v21, v20;
	_ =	sdelay $0x1  }
0x583: {  	[tilespmem:v18+s22+$0x0] =	vst.idx.msk $0xffff, v21  }
0x584: {  	v18 =	vld.idx.msk [tilespmem:v22+s18+$0x0], $0xffff;
	_ =	sdelay $0x1  }
0x585: {  	v21 =	vor.u32 v3, v17  }
0x586: {  	v22 =	vor.u32 v4, v19;
	_ =	sdelay $0x1  }
0x587: {  	v18 =	vadd.f32 v18, v20;
	_ =	sdelay $0x1  }
0x588: {  	[tilespmem:v21+s22+$0x0] =	vst.idx.msk $0xffff, v18  }
0x589: {  	v18 =	vld.idx.msk [tilespmem:v22+s18+$0x0], $0xffff;
	_ =	sdelay $0x1  }
0x58a: {  	v21 =	vor.u32 v5, v17  }
0x58b: {  	v22 =	vor.u32 v6, v19;
	_ =	sdelay $0x1  }
0x58c: {  	v18 =	vadd.f32 v18, v20;
	_ =	sdelay $0x1  }
0x58d: {  	[tilespmem:v21+s22+$0x0] =	vst.idx.msk $0xffff, v18  }
0x58e: {  	v18 =	vld.idx.msk [tilespmem:v22+s18+$0x0], $0xffff;
	_ =	sdelay $0x1  }
0x58f: {  	v21 =	vor.u32 v7, v17  }
0x590: {  	v22 =	vor.u32 v8, v19;
	_ =	sdelay $0x1  }
0x591: {  	v18 =	vadd.f32 v18, v20;
	_ =	sdelay $0x1  }
0x592: {  	[tilespmem:v21+s22+$0x0] =	vst.idx.msk $0xffff, v18  }
0x593: {  	v18 =	vld.idx.msk [tilespmem:v22+s18+$0x0], $0xffff;
	_ =	sdelay $0x1  }
0x594: {  	v21 =	vor.u32 v9, v17  }
0x595: {  	v22 =	vor.u32 v10, v19;
	_ =	sdelay $0x1  }
0x596: {  	v18 =	vadd.f32 v18, v20;
	_ =	sdelay $0x1  }
0x597: {  	[tilespmem:v21+s22+$0x0] =	vst.idx.msk $0xffff, v18  }
0x598: {  	v18 =	vld.idx.msk [tilespmem:v22+s18+$0x0], $0xffff;
	_ =	sdelay $0x1  }
0x599: {  	v21 =	vor.u32 v11, v17  }
0x59a: {  	v22 =	vor.u32 v12, v19;
	_ =	sdelay $0x1  }
0x59b: {  	v18 =	vadd.f32 v18, v20;
	_ =	sdelay $0x1  }
0x59c: {  	[tilespmem:v21+s22+$0x0] =	vst.idx.msk $0xffff, v18  }
0x59d: {  	v18 =	vld.idx.msk [tilespmem:v22+s18+$0x0], $0xffff;
	_ =	sdelay $0x1  }
0x59e: {  	v21 =	vor.u32 v13, v17  }
0x59f: {  	v19 =	vor.u32 v14, v19;
	_ =	sdelay $0x1  }
0x5a0: {  	v18 =	vadd.f32 v18, v20;
	_ =	sdelay $0x1  }
0x5a1: {  	s5 =	simm.s32 $0x1;
	[tilespmem:v21+s22+$0x0] =	vst.idx.msk $0xffff, v18  }
0x5a2: {  	v18 =	vadd.s32 s5, v0;
	v19 =	vld.idx.msk [tilespmem:v19+s18+$0x0], $0xffff  }
0x5a3: {  	v21 =	vand.u32 $0xF, v18  }
0x5a4: {  	v17 =	vor.u32 v15, v17;
	v22 =	vor.u32 s1, v21  }
0x5a5: {  	v23 =	vor.u32 v16, v22  }
0x5a6: {  	v24 =	vor.u32 v1, v22  }
0x5a7: {  	v19 =	vadd.f32 v19, v20;
	_ =	sdelay $0x1  }
0x5a8: {  	v20 =	vshrl.u32 v21, $0x3;
	[tilespmem:v17+s22+$0x0] =	vst.idx.msk $0xffff, v19  }
0x5a9: {  	v17 =	vshll.u32 v18, $0x7;
	v19 =	vor.u32 s0, v20;
	v18 =	vld.idx.msk [tilespmem:v23+s14+$0x0], $0xffff  }
0x5aa: {  	v19 =	vshll.u32 v19, $0xA;
	v17 =	vand.u32 $0x380, v17;
	v20 =	vld.idx.msk [tilespmem:v24+s18+$0x0], $0xffff  }
0x5ab: {  	v17 =	vor.u32 v17, v19  }
0x5ac: {  	v19 =	vor.u32 v0, v17  }
0x5ad: {  	v21 =	vor.u32 v2, v22;
	_ =	sdelay $0x1  }
0x5ae: {  	v20 =	vadd.f32 v20, v18;
	_ =	sdelay $0x1  }
0x5af: {  	[tilespmem:v19+s22+$0x0] =	vst.idx.msk $0xffff, v20  }
0x5b0: {  	v19 =	vld.idx.msk [tilespmem:v21+s18+$0x0], $0xffff;
	_ =	sdelay $0x1  }
0x5b1: {  	v20 =	vor.u32 v3, v17  }
0x5b2: {  	v21 =	vor.u32 v4, v22;
	_ =	sdelay $0x1  }
0x5b3: {  	v19 =	vadd.f32 v19, v18;
	_ =	sdelay $0x1  }
0x5b4: {  	[tilespmem:v20+s22+$0x0] =	vst.idx.msk $0xffff, v19  }
0x5b5: {  	v19 =	vld.idx.msk [tilespmem:v21+s18+$0x0], $0xffff;
	_ =	sdelay $0x1  }
0x5b6: {  	v20 =	vor.u32 v5, v17  }
0x5b7: {  	v21 =	vor.u32 v6, v22;
	_ =	sdelay $0x1  }
0x5b8: {  	v19 =	vadd.f32 v19, v18;
	_ =	sdelay $0x1  }
0x5b9: {  	[tilespmem:v20+s22+$0x0] =	vst.idx.msk $0xffff, v19  }
0x5ba: {  	v19 =	vld.idx.msk [tilespmem:v21+s18+$0x0], $0xffff;
	_ =	sdelay $0x1  }
0x5bb: {  	v20 =	vor.u32 v7, v17  }
0x5bc: {  	v21 =	vor.u32 v8, v22;
	_ =	sdelay $0x1  }
0x5bd: {  	v19 =	vadd.f32 v19, v18;
	_ =	sdelay $0x1  }
0x5be: {  	[tilespmem:v20+s22+$0x0] =	vst.idx.msk $0xffff, v19  }
0x5bf: {  	v19 =	vld.idx.msk [tilespmem:v21+s18+$0x0], $0xffff;
	_ =	sdelay $0x1  }
0x5c0: {  	v20 =	vor.u32 v9, v17  }
0x5c1: {  	v21 =	vor.u32 v10, v22;
	_ =	sdelay $0x1  }
0x5c2: {  	v19 =	vadd.f32 v19, v18;
	_ =	sdelay $0x1  }
0x5c3: {  	[tilespmem:v20+s22+$0x0] =	vst.idx.msk $0xffff, v19  }
0x5c4: {  	v19 =	vld.idx.msk [tilespmem:v21+s18+$0x0], $0xffff;
	_ =	sdelay $0x1  }
0x5c5: {  	v20 =	vor.u32 v11, v17  }
0x5c6: {  	v21 =	vor.u32 v12, v22;
	_ =	sdelay $0x1  }
0x5c7: {  	v19 =	vadd.f32 v19, v18;
	_ =	sdelay $0x1  }
0x5c8: {  	[tilespmem:v20+s22+$0x0] =	vst.idx.msk $0xffff, v19  }
0x5c9: {  	v19 =	vld.idx.msk [tilespmem:v21+s18+$0x0], $0xffff;
	_ =	sdelay $0x1  }
0x5ca: {  	v20 =	vor.u32 v13, v17  }
0x5cb: {  	v24 =	vor.u32 v14, v22;
	_ =	sdelay $0x1  }
0x5cc: {  	v19 =	vadd.f32 v19, v18  }
0x5cd: {  	s30 =	simm.s32 $0x3  }
0x5ce: {  	s8 =	simm.s32 $0x2;
	v28 =	vadd.s32 s30, v0;
	[tilespmem:v20+s22+$0x0] =	vst.idx.msk $0xffff, v19  }
0x5cf: {  	v29 =	vand.u32 $0xF, v28;
	v21 =	vadd.s32 s8, v0;
	v24 =	vld.idx.msk [tilespmem:v24+s18+$0x0], $0xffff  }
0x5d0: {  	s31 =	simm.s32 $0x0;
	s0 =	sand.u32 $0x30, s8;
	v22 =	vor.u32 v15, v17;
	v17 =	vand.u32 $0xF, v21;
	v23 =	vshll.u32 v21, $0x7  }
0x5d1: {  	s5 =	sand.u32 $0x6, s31;
	v21 =	vor.u32 s0, v17;
	v26 =	vshrl.u32 v17, $0x3;
	v17 =	vor.u32 s0, v29  }
0x5d2: {  	v25 =	vor.u32 v16, v21;
	v19 =	vor.u32 s5, v26;
	v26 =	vor.u32 v1, v21  }
0x5d3: {  	s0 =	simm.s32 $0x4;
	v20 =	vshrl.u32 v29, $0x3;
	v27 =	vshll.u32 v19, $0xA;
	v19 =	vshll.u32 v28, $0x7  }
.LBB2_13:
0x5d4: {  	p0 =	slt.u32 s0, $0x3E;
	v18 =	vadd.f32 v24, v18;
	s1 =	smov.u32 s0;
	s0 =	sadd.s32 $0x2, s0  }
0x5d5: {  	_ = 	snop  }
0x5d6: {  	[tilespmem:v22+s22+$0x0] =	vst.idx.msk $0xffff, v18  }
0x5d7: {  	v18 =	vld.idx.msk [tilespmem:v25+s14+$0x0], $0xffff  }
0x5d8: {  	v23 =	vand.u32 $0x380, v23;
	v22 =	vld.idx.msk [tilespmem:v26+s18+$0x0], $0xffff  }
0x5d9: {  	v23 =	vor.u32 v23, v27  }
0x5da: {  	v24 =	vor.u32 v0, v23  }
0x5db: {  	v25 =	vor.u32 v2, v21;
	_ =	sdelay $0x2  }
0x5dc: {  	v22 =	vadd.f32 v22, v18;
	_ =	sdelay $0x1  }
0x5dd: {  	[tilespmem:v24+s22+$0x0] =	vst.idx.msk $0xffff, v22  }
0x5de: {  	v22 =	vld.idx.msk [tilespmem:v25+s18+$0x0], $0xffff;
	_ =	sdelay $0x1  }
0x5df: {  	v24 =	vor.u32 v3, v23  }
0x5e0: {  	v25 =	vor.u32 v4, v21;
	_ =	sdelay $0x2  }
0x5e1: {  	v22 =	vadd.f32 v22, v18;
	_ =	sdelay $0x1  }
0x5e2: {  	[tilespmem:v24+s22+$0x0] =	vst.idx.msk $0xffff, v22  }
0x5e3: {  	v22 =	vld.idx.msk [tilespmem:v25+s18+$0x0], $0xffff;
	_ =	sdelay $0x1  }
0x5e4: {  	v24 =	vor.u32 v5, v23  }
0x5e5: {  	v25 =	vor.u32 v6, v21;
	_ =	sdelay $0x2  }
0x5e6: {  	v22 =	vadd.f32 v22, v18;
	_ =	sdelay $0x1  }
0x5e7: {  	[tilespmem:v24+s22+$0x0] =	vst.idx.msk $0xffff, v22  }
0x5e8: {  	v22 =	vld.idx.msk [tilespmem:v25+s18+$0x0], $0xffff;
	_ =	sdelay $0x1  }
0x5e9: {  	v24 =	vor.u32 v7, v23  }
0x5ea: {  	v25 =	vor.u32 v8, v21;
	_ =	sdelay $0x2  }
0x5eb: {  	v22 =	vadd.f32 v22, v18;
	_ =	sdelay $0x1  }
0x5ec: {  	[tilespmem:v24+s22+$0x0] =	vst.idx.msk $0xffff, v22  }
0x5ed: {  	v22 =	vld.idx.msk [tilespmem:v25+s18+$0x0], $0xffff;
	_ =	sdelay $0x1  }
0x5ee: {  	v24 =	vor.u32 v9, v23  }
0x5ef: {  	v25 =	vor.u32 v10, v21;
	_ =	sdelay $0x2  }
0x5f0: {  	v22 =	vadd.f32 v22, v18;
	_ =	sdelay $0x1  }
0x5f1: {  	[tilespmem:v24+s22+$0x0] =	vst.idx.msk $0xffff, v22  }
0x5f2: {  	v22 =	vld.idx.msk [tilespmem:v25+s18+$0x0], $0xffff;
	_ =	sdelay $0x1  }
0x5f3: {  	v24 =	vor.u32 v11, v23  }
0x5f4: {  	v25 =	vor.u32 v12, v21;
	_ =	sdelay $0x2  }
0x5f5: {  	v22 =	vadd.f32 v22, v18;
	_ =	sdelay $0x1  }
0x5f6: {  	[tilespmem:v24+s22+$0x0] =	vst.idx.msk $0xffff, v22  }
0x5f7: {  	v22 =	vld.idx.msk [tilespmem:v25+s18+$0x0], $0xffff;
	_ =	sdelay $0x1  }
0x5f8: {  	v24 =	vor.u32 v13, v23  }
0x5f9: {  	v21 =	vor.u32 v14, v21;
	_ =	sdelay $0x2  }
0x5fa: {  	v22 =	vadd.f32 v22, v18;
	_ =	sdelay $0x1  }
0x5fb: {  	[tilespmem:v24+s22+$0x0] =	vst.idx.msk $0xffff, v22  }
0x5fc: {  	v21 =	vld.idx.msk [tilespmem:v21+s18+$0x0], $0xffff;
	_ =	sdelay $0x1  }
0x5fd: {  	v22 =	vor.u32 v15, v23;
	_ =	sdelay $0x1  }
0x5fe: {  	v23 =	vor.u32 v16, v17;
	v24 =	vor.u32 v1, v17;
	_ =	sdelay $0x1  }
0x5ff: {  	v18 =	vadd.f32 v21, v18;
	_ =	sdelay $0x1  }
0x600: {  	v20 =	vor.u32 s5, v20;
	[tilespmem:v22+s22+$0x0] =	vst.idx.msk $0xffff, v18  }
0x601: {  	v19 =	vand.u32 $0x380, v19;
	v20 =	vshll.u32 v20, $0xA;
	v18 =	vld.idx.msk [tilespmem:v23+s14+$0x0], $0xffff  }
0x602: {  	v19 =	vor.u32 v19, v20;
	v21 =	vld.idx.msk [tilespmem:v24+s18+$0x0], $0xffff  }
0x603: {  	v20 =	vor.u32 v0, v19  }
0x604: {  	v22 =	vor.u32 v2, v17;
	_ =	sdelay $0x3  }
0x605: {  	v21 =	vadd.f32 v21, v18;
	_ =	sdelay $0x1  }
0x606: {  	[tilespmem:v20+s22+$0x0] =	vst.idx.msk $0xffff, v21  }
0x607: {  	v20 =	vld.idx.msk [tilespmem:v22+s18+$0x0], $0xffff  }
0x608: {  	v21 =	vor.u32 v3, v19  }
0x609: {  	v22 =	vor.u32 v4, v17;
	_ =	sdelay $0x3  }
0x60a: {  	v20 =	vadd.f32 v20, v18;
	_ =	sdelay $0x1  }
0x60b: {  	[tilespmem:v21+s22+$0x0] =	vst.idx.msk $0xffff, v20  }
0x60c: {  	v20 =	vld.idx.msk [tilespmem:v22+s18+$0x0], $0xffff  }
0x60d: {  	v21 =	vor.u32 v5, v19  }
0x60e: {  	v22 =	vor.u32 v6, v17;
	_ =	sdelay $0x3  }
0x60f: {  	v20 =	vadd.f32 v20, v18;
	_ =	sdelay $0x1  }
0x610: {  	[tilespmem:v21+s22+$0x0] =	vst.idx.msk $0xffff, v20  }
0x611: {  	v20 =	vld.idx.msk [tilespmem:v22+s18+$0x0], $0xffff  }
0x612: {  	v21 =	vor.u32 v7, v19  }
0x613: {  	v22 =	vor.u32 v8, v17;
	_ =	sdelay $0x3  }
0x614: {  	v20 =	vadd.f32 v20, v18;
	_ =	sdelay $0x1  }
0x615: {  	[tilespmem:v21+s22+$0x0] =	vst.idx.msk $0xffff, v20  }
0x616: {  	v20 =	vld.idx.msk [tilespmem:v22+s18+$0x0], $0xffff  }
0x617: {  	v21 =	vor.u32 v9, v19  }
0x618: {  	v22 =	vor.u32 v10, v17;
	_ =	sdelay $0x3  }
0x619: {  	v20 =	vadd.f32 v20, v18;
	_ =	sdelay $0x1  }
0x61a: {  	[tilespmem:v21+s22+$0x0] =	vst.idx.msk $0xffff, v20  }
0x61b: {  	v20 =	vld.idx.msk [tilespmem:v22+s18+$0x0], $0xffff  }
0x61c: {  	v21 =	vor.u32 v11, v19  }
0x61d: {  	v22 =	vor.u32 v12, v17;
	_ =	sdelay $0x3  }
0x61e: {  	v20 =	vadd.f32 v20, v18;
	_ =	sdelay $0x1  }
0x61f: {  	[tilespmem:v21+s22+$0x0] =	vst.idx.msk $0xffff, v20  }
0x620: {  	v20 =	vld.idx.msk [tilespmem:v22+s18+$0x0], $0xffff  }
0x621: {  	v21 =	vor.u32 v13, v19  }
0x622: {  	v17 =	vor.u32 v14, v17;
	_ =	sdelay $0x3  }
0x623: {  	v20 =	vadd.f32 v20, v18;
	_ =	sdelay $0x1  }
0x624: {  	[tilespmem:v21+s22+$0x0] =	vst.idx.msk $0xffff, v20  }
0x625: {  	s5 =	sadd.s32 $0x1, s1;
	v24 =	vld.idx.msk [tilespmem:v17+s18+$0x0], $0xffff  }
.Ltmp5:
0x626: {  	v28 =	vadd.s32 s5, v0;
	v22 =	vor.u32 v15, v19;
	v17 =	vadd.s32 s1, v0;
	(pc) =	sbr.rel @p0 .LBB2_13-.Ltmp5, $4  }
0x627: {  	s6 =	sand.u32 $0x30, s1;
	v20 =	vand.u32 $0xF, v28;
	s1 =	sshrl.u32 s1, $0x3;
	v19 =	vand.u32 $0xF, v17;
	v23 =	vshll.u32 v17, $0x7  }
0x628: {  	s5 =	sand.u32 $0x6, s1;
	v17 =	vor.u32 s6, v20;
	v21 =	vor.u32 s6, v19;
	v19 =	vshrl.u32 v19, $0x3  }
0x629: {  	v25 =	vor.u32 v16, v21;
	v19 =	vor.u32 s5, v19;
	v26 =	vor.u32 v1, v21  }
0x62a: {  	v20 =	vshrl.u32 v20, $0x3;
	v27 =	vshll.u32 v19, $0xA;
	v19 =	vshll.u32 v28, $0x7  }
0x62b: {  	_ =	sdelay $0x1  }
0x62c: {  	v18 =	vadd.f32 v24, v18;
	_ =	sdelay $0x1  }
0x62d: {  	[tilespmem:v22+s22+$0x0] =	vst.idx.msk $0xffff, v18  }
0x62e: {  	v18 =	vld.idx.msk [tilespmem:v25+s14+$0x0], $0xffff  }
0x62f: {  	v23 =	vand.u32 $0x380, v23;
	v22 =	vld.idx.msk [tilespmem:v26+s18+$0x0], $0xffff  }
0x630: {  	v23 =	vor.u32 v23, v27  }
0x631: {  	v34 =	vor.u32 v0, v23  }
0x632: {  	v35 =	vor.u32 v2, v21;
	_ =	sdelay $0x1  }
0x633: {  	v22 =	vadd.f32 v22, v18;
	_ =	sdelay $0x1  }
0x634: {  	[tilespmem:v34+s22+$0x0] =	vst.idx.msk $0xffff, v22  }
0x635: {  	v22 =	vld.idx.msk [tilespmem:v35+s18+$0x0], $0xffff;
	_ =	sdelay $0x1  }
0x636: {  	v36 =	vor.u32 v3, v23  }
0x637: {  	v37 =	vor.u32 v4, v21;
	_ =	sdelay $0x1  }
0x638: {  	v22 =	vadd.f32 v22, v18;
	_ =	sdelay $0x1  }
0x639: {  	[tilespmem:v36+s22+$0x0] =	vst.idx.msk $0xffff, v22  }
0x63a: {  	v22 =	vld.idx.msk [tilespmem:v37+s18+$0x0], $0xffff;
	_ =	sdelay $0x1  }
0x63b: {  	v38 =	vor.u32 v5, v23  }
0x63c: {  	v39 =	vor.u32 v6, v21;
	_ =	sdelay $0x1  }
0x63d: {  	v22 =	vadd.f32 v22, v18;
	_ =	sdelay $0x1  }
0x63e: {  	[tilespmem:v38+s22+$0x0] =	vst.idx.msk $0xffff, v22  }
0x63f: {  	v22 =	vld.idx.msk [tilespmem:v39+s18+$0x0], $0xffff;
	_ =	sdelay $0x1  }
0x640: {  	v40 =	vor.u32 v7, v23  }
0x641: {  	v41 =	vor.u32 v8, v21;
	_ =	sdelay $0x1  }
0x642: {  	v22 =	vadd.f32 v22, v18;
	_ =	sdelay $0x1  }
0x643: {  	[tilespmem:v40+s22+$0x0] =	vst.idx.msk $0xffff, v22  }
0x644: {  	v22 =	vld.idx.msk [tilespmem:v41+s18+$0x0], $0xffff;
	_ =	sdelay $0x1  }
0x645: {  	v42 =	vor.u32 v9, v23  }
0x646: {  	v43 =	vor.u32 v10, v21;
	_ =	sdelay $0x1  }
0x647: {  	v22 =	vadd.f32 v22, v18;
	_ =	sdelay $0x1  }
0x648: {  	[tilespmem:v42+s22+$0x0] =	vst.idx.msk $0xffff, v22  }
0x649: {  	v22 =	vld.idx.msk [tilespmem:v43+s18+$0x0], $0xffff;
	_ =	sdelay $0x1  }
0x64a: {  	v44 =	vor.u32 v11, v23  }
0x64b: {  	v45 =	vor.u32 v12, v21;
	_ =	sdelay $0x1  }
0x64c: {  	v22 =	vadd.f32 v22, v18;
	_ =	sdelay $0x1  }
0x64d: {  	[tilespmem:v44+s22+$0x0] =	vst.idx.msk $0xffff, v22  }
0x64e: {  	v22 =	vld.idx.msk [tilespmem:v45+s18+$0x0], $0xffff;
	_ =	sdelay $0x1  }
0x64f: {  	v46 =	vor.u32 v13, v23  }
0x650: {  	v47 =	vor.u32 v14, v21;
	_ =	sdelay $0x1  }
0x651: {  	v22 =	vadd.f32 v22, v18;
	_ =	sdelay $0x1  }
0x652: {  	[tilespmem:v46+s22+$0x0] =	vst.idx.msk $0xffff, v22  }
0x653: {  	v21 =	vld.idx.msk [tilespmem:v47+s18+$0x0], $0xffff;
	_ =	sdelay $0x1  }
0x654: {  	v48 =	vor.u32 v15, v23  }
0x655: {  	v16 =	vor.u32 v16, v17  }
0x656: {  	v49 =	vor.u32 v1, v17  }
0x657: {  	v18 =	vadd.f32 v21, v18;
	_ =	sdelay $0x1  }
0x658: {  	[tilespmem:v48+s22+$0x0] =	vst.idx.msk $0xffff, v18  }
0x659: {  	v50 =	vor.u32 s5, v20;
	v16 =	vld.idx.msk [tilespmem:v16+s14+$0x0], $0xffff  }
0x65a: {  	v19 =	vand.u32 $0x380, v19;
	v18 =	vshll.u32 v50, $0xA;
	v51 =	vld.idx.msk [tilespmem:v49+s18+$0x0], $0xffff  }
0x65b: {  	v18 =	vor.u32 v19, v18  }
0x65c: {  	v19 =	vor.u32 v0, v18  }
0x65d: {  	v52 =	vor.u32 v2, v17;
	_ =	sdelay $0x1  }
0x65e: {  	v20 =	vadd.f32 v51, v16;
	_ =	sdelay $0x1  }
0x65f: {  	[tilespmem:v19+s22+$0x0] =	vst.idx.msk $0xffff, v20  }
0x660: {  	v19 =	vld.idx.msk [tilespmem:v52+s18+$0x0], $0xffff;
	_ =	sdelay $0x1  }
0x661: {  	v53 =	vor.u32 v3, v18  }
0x662: {  	v54 =	vor.u32 v4, v17;
	_ =	sdelay $0x1  }
0x663: {  	v19 =	vadd.f32 v19, v16;
	_ =	sdelay $0x1  }
0x664: {  	[tilespmem:v53+s22+$0x0] =	vst.idx.msk $0xffff, v19  }
0x665: {  	v19 =	vld.idx.msk [tilespmem:v54+s18+$0x0], $0xffff;
	_ =	sdelay $0x1  }
0x666: {  	v55 =	vor.u32 v5, v18  }
0x667: {  	v56 =	vor.u32 v6, v17;
	_ =	sdelay $0x1  }
0x668: {  	v19 =	vadd.f32 v19, v16;
	_ =	sdelay $0x1  }
0x669: {  	[tilespmem:v55+s22+$0x0] =	vst.idx.msk $0xffff, v19  }
0x66a: {  	v19 =	vld.idx.msk [tilespmem:v56+s18+$0x0], $0xffff;
	_ =	sdelay $0x1  }
0x66b: {  	v57 =	vor.u32 v7, v18  }
0x66c: {  	v58 =	vor.u32 v8, v17;
	_ =	sdelay $0x1  }
0x66d: {  	v19 =	vadd.f32 v19, v16;
	_ =	sdelay $0x1  }
0x66e: {  	[tilespmem:v57+s22+$0x0] =	vst.idx.msk $0xffff, v19  }
0x66f: {  	v19 =	vld.idx.msk [tilespmem:v58+s18+$0x0], $0xffff;
	_ =	sdelay $0x1  }
0x670: {  	v59 =	vor.u32 v9, v18  }
0x671: {  	v60 =	vor.u32 v10, v17;
	_ =	sdelay $0x1  }
0x672: {  	v19 =	vadd.f32 v19, v16;
	_ =	sdelay $0x1  }
0x673: {  	[tilespmem:v59+s22+$0x0] =	vst.idx.msk $0xffff, v19  }
0x674: {  	v19 =	vld.idx.msk [tilespmem:v60+s18+$0x0], $0xffff;
	_ =	sdelay $0x1  }
0x675: {  	v61 =	vor.u32 v11, v18  }
0x676: {  	v62 =	vor.u32 v12, v17;
	_ =	sdelay $0x1  }
0x677: {  	v19 =	vadd.f32 v19, v16;
	_ =	sdelay $0x1  }
0x678: {  	[tilespmem:v61+s22+$0x0] =	vst.idx.msk $0xffff, v19  }
0x679: {  	v19 =	vld.idx.msk [tilespmem:v62+s18+$0x0], $0xffff;
	_ =	sdelay $0x1  }
0x67a: {  	v63 =	vor.u32 v13, v18  }
0x67b: {  	v17 =	vor.u32 v14, v17;
	_ =	sdelay $0x1  }
0x67c: {  	v19 =	vadd.f32 v19, v16;
	_ =	sdelay $0x1  }
0x67d: {  	[tilespmem:v63+s22+$0x0] =	vst.idx.msk $0xffff, v19  }
0x67e: {  	v17 =	vld.idx.msk [tilespmem:v17+s18+$0x0], $0xffff;
	_ =	sdelay $0x1  }
0x67f: {  	s28 =	sadd.s32 $0x1, s28;
	v18 =	vor.u32 v15, v18  }
0x680: {  	p0 =	sne.s32 s28, $0x21  }
.Ltmp6:
0x681: {  	s0 =	sshll.u32 s29, $0x12;
	(pc) =	sbr.rel @p0 .LBB2_2-.Ltmp6, $4  }
0x682: {  	s0 =	sor.u32 s7, s0;
	v16 =	vadd.f32 v17, v16  }
0x683: {  	s0 =	sshrl.u32 s0, $0x3  }
0x684: {  	s0 =	sadd.s32 s2, s0;
	[tilespmem:v18+s22+$0x0] =	vst.idx.msk $0xffff, v16  }
0x685: {  	[hbm4b:s0+s11] =	stream.strided.scatter [tilespmem:s22], [sflag:$0x5], $0x2000, s12, s11, $0x38;
	[tilespmem:$0x19600] =	vst v63  }
0x686: {  	s0 =	simm.s32 $0x0  }
0x687: {  	v16 =	vadd.s32 s0, v0  }
0x688: {  	s0 =	sand.u32 $0x30, s0;
	v17 =	vand.u32 $0xF, v16  }
0x689: {  	_ =	swait.ge [sflag:s19], $0x4000;
	v18 =	vor.u32 s0, v17  }
0x68a: {  	[sflag:s19] =	ssyncset.done $0x0;
	v19 =	vor.u32 $0x3180, v18  }
0x68b: {  	[sflag:s19] =	ssyncadd.s32 $0xFFFFC000;
	v20 =	vor.u32 v1, v18  }
0x68c: {  	_ =	swait.ge [sflag:s24], $0x2000  }
0x68d: {  	s1 =	simm.s32 $0x0;
	[sflag:s24] =	ssyncset.done $0x0  }
0x68e: {  	s1 =	sand.u32 $0x6, s1;
	v17 =	vshrl.u32 v17, $0x3;
	[sflag:s24] =	ssyncadd.s32 $0xFFFFE000  }
0x68f: {  	v16 =	vshll.u32 v16, $0x7;
	v17 =	vor.u32 s1, v17;
	v19 =	vld.idx.msk [tilespmem:v19+s14+$0x0], $0xffff  }
0x690: {  	v16 =	vand.u32 $0x380, v16;
	v17 =	vshll.u32 v17, $0xA;
	v20 =	vld.idx.msk [tilespmem:v20+s16+$0x0], $0xffff  }
0x691: {  	v16 =	vor.u32 v16, v17  }
0x692: {  	v17 =	vor.u32 v0, v16  }
0x693: {  	v21 =	vor.u32 v2, v18;
	_ =	sdelay $0x1  }
0x694: {  	v20 =	vadd.f32 v20, v19;
	_ =	sdelay $0x1  }
0x695: {  	[tilespmem:v17+s20+$0x0] =	vst.idx.msk $0xffff, v20  }
0x696: {  	v17 =	vld.idx.msk [tilespmem:v21+s16+$0x0], $0xffff;
	_ =	sdelay $0x1  }
0x697: {  	v20 =	vor.u32 v3, v16  }
0x698: {  	v21 =	vor.u32 v4, v18;
	_ =	sdelay $0x1  }
0x699: {  	v17 =	vadd.f32 v17, v19;
	_ =	sdelay $0x1  }
0x69a: {  	[tilespmem:v20+s20+$0x0] =	vst.idx.msk $0xffff, v17  }
0x69b: {  	v17 =	vld.idx.msk [tilespmem:v21+s16+$0x0], $0xffff;
	_ =	sdelay $0x1  }
0x69c: {  	v20 =	vor.u32 v5, v16  }
0x69d: {  	v21 =	vor.u32 v6, v18;
	_ =	sdelay $0x1  }
0x69e: {  	v17 =	vadd.f32 v17, v19;
	_ =	sdelay $0x1  }
0x69f: {  	[tilespmem:v20+s20+$0x0] =	vst.idx.msk $0xffff, v17  }
0x6a0: {  	v17 =	vld.idx.msk [tilespmem:v21+s16+$0x0], $0xffff;
	_ =	sdelay $0x1  }
0x6a1: {  	v20 =	vor.u32 v7, v16  }
0x6a2: {  	v21 =	vor.u32 v8, v18;
	_ =	sdelay $0x1  }
0x6a3: {  	v17 =	vadd.f32 v17, v19;
	_ =	sdelay $0x1  }
0x6a4: {  	[tilespmem:v20+s20+$0x0] =	vst.idx.msk $0xffff, v17  }
0x6a5: {  	v17 =	vld.idx.msk [tilespmem:v21+s16+$0x0], $0xffff;
	_ =	sdelay $0x1  }
0x6a6: {  	v20 =	vor.u32 v9, v16  }
0x6a7: {  	v21 =	vor.u32 v10, v18;
	_ =	sdelay $0x1  }
0x6a8: {  	v17 =	vadd.f32 v17, v19;
	_ =	sdelay $0x1  }
0x6a9: {  	[tilespmem:v20+s20+$0x0] =	vst.idx.msk $0xffff, v17  }
0x6aa: {  	v17 =	vld.idx.msk [tilespmem:v21+s16+$0x0], $0xffff;
	_ =	sdelay $0x1  }
0x6ab: {  	v20 =	vor.u32 v11, v16  }
0x6ac: {  	v21 =	vor.u32 v12, v18;
	_ =	sdelay $0x1  }
0x6ad: {  	v17 =	vadd.f32 v17, v19;
	_ =	sdelay $0x1  }
0x6ae: {  	[tilespmem:v20+s20+$0x0] =	vst.idx.msk $0xffff, v17  }
0x6af: {  	v17 =	vld.idx.msk [tilespmem:v21+s16+$0x0], $0xffff;
	_ =	sdelay $0x1  }
0x6b0: {  	v20 =	vor.u32 v13, v16  }
0x6b1: {  	v18 =	vor.u32 v14, v18;
	_ =	sdelay $0x1  }
0x6b2: {  	v17 =	vadd.f32 v17, v19;
	_ =	sdelay $0x1  }
0x6b3: {  	s5 =	simm.s32 $0x1;
	[tilespmem:v20+s20+$0x0] =	vst.idx.msk $0xffff, v17  }
0x6b4: {  	v17 =	vadd.s32 s5, v0;
	v18 =	vld.idx.msk [tilespmem:v18+s16+$0x0], $0xffff  }
0x6b5: {  	v20 =	vand.u32 $0xF, v17  }
0x6b6: {  	v16 =	vor.u32 v15, v16;
	v21 =	vor.u32 s0, v20  }
0x6b7: {  	v22 =	vor.u32 $0x3180, v21  }
0x6b8: {  	v23 =	vor.u32 v1, v21  }
0x6b9: {  	v18 =	vadd.f32 v18, v19;
	_ =	sdelay $0x1  }
0x6ba: {  	v19 =	vshrl.u32 v20, $0x3;
	[tilespmem:v16+s20+$0x0] =	vst.idx.msk $0xffff, v18  }
0x6bb: {  	v16 =	vshll.u32 v17, $0x7;
	v18 =	vor.u32 s1, v19;
	v17 =	vld.idx.msk [tilespmem:v22+s14+$0x0], $0xffff  }
0x6bc: {  	v18 =	vshll.u32 v18, $0xA;
	v16 =	vand.u32 $0x380, v16;
	v19 =	vld.idx.msk [tilespmem:v23+s16+$0x0], $0xffff  }
0x6bd: {  	v16 =	vor.u32 v16, v18  }
0x6be: {  	v18 =	vor.u32 v0, v16  }
0x6bf: {  	v20 =	vor.u32 v2, v21;
	_ =	sdelay $0x1  }
0x6c0: {  	v19 =	vadd.f32 v19, v17;
	_ =	sdelay $0x1  }
0x6c1: {  	[tilespmem:v18+s20+$0x0] =	vst.idx.msk $0xffff, v19  }
0x6c2: {  	v18 =	vld.idx.msk [tilespmem:v20+s16+$0x0], $0xffff;
	_ =	sdelay $0x1  }
0x6c3: {  	v19 =	vor.u32 v3, v16  }
0x6c4: {  	v20 =	vor.u32 v4, v21;
	_ =	sdelay $0x1  }
0x6c5: {  	v18 =	vadd.f32 v18, v17;
	_ =	sdelay $0x1  }
0x6c6: {  	[tilespmem:v19+s20+$0x0] =	vst.idx.msk $0xffff, v18  }
0x6c7: {  	v18 =	vld.idx.msk [tilespmem:v20+s16+$0x0], $0xffff;
	_ =	sdelay $0x1  }
0x6c8: {  	v19 =	vor.u32 v5, v16  }
0x6c9: {  	v20 =	vor.u32 v6, v21;
	_ =	sdelay $0x1  }
0x6ca: {  	v18 =	vadd.f32 v18, v17;
	_ =	sdelay $0x1  }
0x6cb: {  	[tilespmem:v19+s20+$0x0] =	vst.idx.msk $0xffff, v18  }
0x6cc: {  	v18 =	vld.idx.msk [tilespmem:v20+s16+$0x0], $0xffff;
	_ =	sdelay $0x1  }
0x6cd: {  	v19 =	vor.u32 v7, v16  }
0x6ce: {  	v20 =	vor.u32 v8, v21;
	_ =	sdelay $0x1  }
0x6cf: {  	v18 =	vadd.f32 v18, v17;
	_ =	sdelay $0x1  }
0x6d0: {  	[tilespmem:v19+s20+$0x0] =	vst.idx.msk $0xffff, v18  }
0x6d1: {  	v18 =	vld.idx.msk [tilespmem:v20+s16+$0x0], $0xffff;
	_ =	sdelay $0x1  }
0x6d2: {  	v19 =	vor.u32 v9, v16  }
0x6d3: {  	v20 =	vor.u32 v10, v21;
	_ =	sdelay $0x1  }
0x6d4: {  	v18 =	vadd.f32 v18, v17;
	_ =	sdelay $0x1  }
0x6d5: {  	[tilespmem:v19+s20+$0x0] =	vst.idx.msk $0xffff, v18  }
0x6d6: {  	v18 =	vld.idx.msk [tilespmem:v20+s16+$0x0], $0xffff;
	_ =	sdelay $0x1  }
0x6d7: {  	v19 =	vor.u32 v11, v16  }
0x6d8: {  	v20 =	vor.u32 v12, v21;
	_ =	sdelay $0x1  }
0x6d9: {  	v18 =	vadd.f32 v18, v17;
	_ =	sdelay $0x1  }
0x6da: {  	[tilespmem:v19+s20+$0x0] =	vst.idx.msk $0xffff, v18  }
0x6db: {  	v18 =	vld.idx.msk [tilespmem:v20+s16+$0x0], $0xffff;
	_ =	sdelay $0x1  }
0x6dc: {  	v19 =	vor.u32 v13, v16  }
0x6dd: {  	v23 =	vor.u32 v14, v21;
	_ =	sdelay $0x1  }
0x6de: {  	v18 =	vadd.f32 v18, v17  }
0x6df: {  	s30 =	simm.s32 $0x3  }
0x6e0: {  	s29 =	simm.s32 $0x2;
	v27 =	vadd.s32 s30, v0;
	[tilespmem:v19+s20+$0x0] =	vst.idx.msk $0xffff, v18  }
0x6e1: {  	v28 =	vand.u32 $0xF, v27;
	v20 =	vadd.s32 s29, v0;
	v23 =	vld.idx.msk [tilespmem:v23+s16+$0x0], $0xffff  }
0x6e2: {  	s31 =	simm.s32 $0x0;
	s0 =	sand.u32 $0x30, s29;
	v21 =	vor.u32 v15, v16;
	v16 =	vand.u32 $0xF, v20;
	v22 =	vshll.u32 v20, $0x7  }
0x6e3: {  	s5 =	sand.u32 $0x6, s31;
	v20 =	vor.u32 s0, v16;
	v25 =	vshrl.u32 v16, $0x3;
	v16 =	vor.u32 s0, v28  }
0x6e4: {  	v24 =	vor.u32 $0x3180, v20;
	v18 =	vor.u32 s5, v25;
	v25 =	vor.u32 v1, v20  }
0x6e5: {  	s0 =	simm.s32 $0x4;
	v19 =	vshrl.u32 v28, $0x3;
	v26 =	vshll.u32 v18, $0xA;
	v18 =	vshll.u32 v27, $0x7  }
.LBB2_16:
0x6e6: {  	p0 =	slt.u32 s0, $0x3E;
	v17 =	vadd.f32 v23, v17;
	s1 =	smov.u32 s0;
	s0 =	sadd.s32 $0x2, s0  }
0x6e7: {  	_ = 	snop  }
0x6e8: {  	[tilespmem:v21+s20+$0x0] =	vst.idx.msk $0xffff, v17  }
0x6e9: {  	v17 =	vld.idx.msk [tilespmem:v24+s14+$0x0], $0xffff  }
0x6ea: {  	v22 =	vand.u32 $0x380, v22;
	v21 =	vld.idx.msk [tilespmem:v25+s16+$0x0], $0xffff  }
0x6eb: {  	v22 =	vor.u32 v22, v26  }
0x6ec: {  	v23 =	vor.u32 v0, v22  }
0x6ed: {  	v24 =	vor.u32 v2, v20;
	_ =	sdelay $0x2  }
0x6ee: {  	v21 =	vadd.f32 v21, v17;
	_ =	sdelay $0x1  }
0x6ef: {  	[tilespmem:v23+s20+$0x0] =	vst.idx.msk $0xffff, v21  }
0x6f0: {  	v21 =	vld.idx.msk [tilespmem:v24+s16+$0x0], $0xffff;
	_ =	sdelay $0x1  }
0x6f1: {  	v23 =	vor.u32 v3, v22  }
0x6f2: {  	v24 =	vor.u32 v4, v20;
	_ =	sdelay $0x2  }
0x6f3: {  	v21 =	vadd.f32 v21, v17;
	_ =	sdelay $0x1  }
0x6f4: {  	[tilespmem:v23+s20+$0x0] =	vst.idx.msk $0xffff, v21  }
0x6f5: {  	v21 =	vld.idx.msk [tilespmem:v24+s16+$0x0], $0xffff;
	_ =	sdelay $0x1  }
0x6f6: {  	v23 =	vor.u32 v5, v22  }
0x6f7: {  	v24 =	vor.u32 v6, v20;
	_ =	sdelay $0x2  }
0x6f8: {  	v21 =	vadd.f32 v21, v17;
	_ =	sdelay $0x1  }
0x6f9: {  	[tilespmem:v23+s20+$0x0] =	vst.idx.msk $0xffff, v21  }
0x6fa: {  	v21 =	vld.idx.msk [tilespmem:v24+s16+$0x0], $0xffff;
	_ =	sdelay $0x1  }
0x6fb: {  	v23 =	vor.u32 v7, v22  }
0x6fc: {  	v24 =	vor.u32 v8, v20;
	_ =	sdelay $0x2  }
0x6fd: {  	v21 =	vadd.f32 v21, v17;
	_ =	sdelay $0x1  }
0x6fe: {  	[tilespmem:v23+s20+$0x0] =	vst.idx.msk $0xffff, v21  }
0x6ff: {  	v21 =	vld.idx.msk [tilespmem:v24+s16+$0x0], $0xffff;
	_ =	sdelay $0x1  }
0x700: {  	v23 =	vor.u32 v9, v22  }
0x701: {  	v24 =	vor.u32 v10, v20;
	_ =	sdelay $0x2  }
0x702: {  	v21 =	vadd.f32 v21, v17;
	_ =	sdelay $0x1  }
0x703: {  	[tilespmem:v23+s20+$0x0] =	vst.idx.msk $0xffff, v21  }
0x704: {  	v21 =	vld.idx.msk [tilespmem:v24+s16+$0x0], $0xffff;
	_ =	sdelay $0x1  }
0x705: {  	v23 =	vor.u32 v11, v22  }
0x706: {  	v24 =	vor.u32 v12, v20;
	_ =	sdelay $0x2  }
0x707: {  	v21 =	vadd.f32 v21, v17;
	_ =	sdelay $0x1  }
0x708: {  	[tilespmem:v23+s20+$0x0] =	vst.idx.msk $0xffff, v21  }
0x709: {  	v21 =	vld.idx.msk [tilespmem:v24+s16+$0x0], $0xffff;
	_ =	sdelay $0x1  }
0x70a: {  	v23 =	vor.u32 v13, v22  }
0x70b: {  	v20 =	vor.u32 v14, v20;
	_ =	sdelay $0x2  }
0x70c: {  	v21 =	vadd.f32 v21, v17;
	_ =	sdelay $0x1  }
0x70d: {  	[tilespmem:v23+s20+$0x0] =	vst.idx.msk $0xffff, v21  }
0x70e: {  	v20 =	vld.idx.msk [tilespmem:v20+s16+$0x0], $0xffff;
	_ =	sdelay $0x1  }
0x70f: {  	v21 =	vor.u32 v15, v22;
	_ =	sdelay $0x1  }
0x710: {  	v22 =	vor.u32 $0x3180, v16;
	v23 =	vor.u32 v1, v16;
	_ =	sdelay $0x1  }
0x711: {  	v17 =	vadd.f32 v20, v17;
	_ =	sdelay $0x1  }
0x712: {  	v19 =	vor.u32 s5, v19;
	[tilespmem:v21+s20+$0x0] =	vst.idx.msk $0xffff, v17  }
0x713: {  	v18 =	vand.u32 $0x380, v18;
	v19 =	vshll.u32 v19, $0xA;
	v17 =	vld.idx.msk [tilespmem:v22+s14+$0x0], $0xffff  }
0x714: {  	v18 =	vor.u32 v18, v19;
	v20 =	vld.idx.msk [tilespmem:v23+s16+$0x0], $0xffff  }
0x715: {  	v19 =	vor.u32 v0, v18  }
0x716: {  	v21 =	vor.u32 v2, v16;
	_ =	sdelay $0x3  }
0x717: {  	v20 =	vadd.f32 v20, v17;
	_ =	sdelay $0x1  }
0x718: {  	[tilespmem:v19+s20+$0x0] =	vst.idx.msk $0xffff, v20  }
0x719: {  	v19 =	vld.idx.msk [tilespmem:v21+s16+$0x0], $0xffff  }
0x71a: {  	v20 =	vor.u32 v3, v18  }
0x71b: {  	v21 =	vor.u32 v4, v16;
	_ =	sdelay $0x3  }
0x71c: {  	v19 =	vadd.f32 v19, v17;
	_ =	sdelay $0x1  }
0x71d: {  	[tilespmem:v20+s20+$0x0] =	vst.idx.msk $0xffff, v19  }
0x71e: {  	v19 =	vld.idx.msk [tilespmem:v21+s16+$0x0], $0xffff  }
0x71f: {  	v20 =	vor.u32 v5, v18  }
0x720: {  	v21 =	vor.u32 v6, v16;
	_ =	sdelay $0x3  }
0x721: {  	v19 =	vadd.f32 v19, v17;
	_ =	sdelay $0x1  }
0x722: {  	[tilespmem:v20+s20+$0x0] =	vst.idx.msk $0xffff, v19  }
0x723: {  	v19 =	vld.idx.msk [tilespmem:v21+s16+$0x0], $0xffff  }
0x724: {  	v20 =	vor.u32 v7, v18  }
0x725: {  	v21 =	vor.u32 v8, v16;
	_ =	sdelay $0x3  }
0x726: {  	v19 =	vadd.f32 v19, v17;
	_ =	sdelay $0x1  }
0x727: {  	[tilespmem:v20+s20+$0x0] =	vst.idx.msk $0xffff, v19  }
0x728: {  	v19 =	vld.idx.msk [tilespmem:v21+s16+$0x0], $0xffff  }
0x729: {  	v20 =	vor.u32 v9, v18  }
0x72a: {  	v21 =	vor.u32 v10, v16;
	_ =	sdelay $0x3  }
0x72b: {  	v19 =	vadd.f32 v19, v17;
	_ =	sdelay $0x1  }
0x72c: {  	[tilespmem:v20+s20+$0x0] =	vst.idx.msk $0xffff, v19  }
0x72d: {  	v19 =	vld.idx.msk [tilespmem:v21+s16+$0x0], $0xffff  }
0x72e: {  	v20 =	vor.u32 v11, v18  }
0x72f: {  	v21 =	vor.u32 v12, v16;
	_ =	sdelay $0x3  }
0x730: {  	v19 =	vadd.f32 v19, v17;
	_ =	sdelay $0x1  }
0x731: {  	[tilespmem:v20+s20+$0x0] =	vst.idx.msk $0xffff, v19  }
0x732: {  	v19 =	vld.idx.msk [tilespmem:v21+s16+$0x0], $0xffff  }
0x733: {  	v20 =	vor.u32 v13, v18  }
0x734: {  	v16 =	vor.u32 v14, v16;
	_ =	sdelay $0x3  }
0x735: {  	v19 =	vadd.f32 v19, v17;
	_ =	sdelay $0x1  }
0x736: {  	[tilespmem:v20+s20+$0x0] =	vst.idx.msk $0xffff, v19  }
0x737: {  	s5 =	sadd.s32 $0x1, s1;
	v23 =	vld.idx.msk [tilespmem:v16+s16+$0x0], $0xffff  }
.Ltmp7:
0x738: {  	v27 =	vadd.s32 s5, v0;
	v21 =	vor.u32 v15, v18;
	v16 =	vadd.s32 s1, v0;
	(pc) =	sbr.rel @p0 .LBB2_16-.Ltmp7, $4  }
0x739: {  	s6 =	sand.u32 $0x30, s1;
	v19 =	vand.u32 $0xF, v27;
	s1 =	sshrl.u32 s1, $0x3;
	v18 =	vand.u32 $0xF, v16;
	v22 =	vshll.u32 v16, $0x7  }
0x73a: {  	s5 =	sand.u32 $0x6, s1;
	v16 =	vor.u32 s6, v19;
	v20 =	vor.u32 s6, v18;
	v18 =	vshrl.u32 v18, $0x3  }
0x73b: {  	v24 =	vor.u32 $0x3180, v20;
	v18 =	vor.u32 s5, v18;
	v25 =	vor.u32 v1, v20  }
0x73c: {  	v19 =	vshrl.u32 v19, $0x3;
	v26 =	vshll.u32 v18, $0xA;
	v18 =	vshll.u32 v27, $0x7  }
0x73d: {  	_ =	sdelay $0x1  }
0x73e: {  	v17 =	vadd.f32 v23, v17;
	_ =	sdelay $0x1  }
0x73f: {  	[tilespmem:v21+s20+$0x0] =	vst.idx.msk $0xffff, v17  }
0x740: {  	v17 =	vld.idx.msk [tilespmem:v24+s14+$0x0], $0xffff  }
0x741: {  	v22 =	vand.u32 $0x380, v22;
	v21 =	vld.idx.msk [tilespmem:v25+s16+$0x0], $0xffff  }
0x742: {  	v22 =	vor.u32 v22, v26  }
0x743: {  	v23 =	vor.u32 v0, v22  }
0x744: {  	v24 =	vor.u32 v2, v20;
	_ =	sdelay $0x1  }
0x745: {  	v21 =	vadd.f32 v21, v17;
	_ =	sdelay $0x1  }
0x746: {  	[tilespmem:v23+s20+$0x0] =	vst.idx.msk $0xffff, v21  }
0x747: {  	v21 =	vld.idx.msk [tilespmem:v24+s16+$0x0], $0xffff;
	_ =	sdelay $0x1  }
0x748: {  	v23 =	vor.u32 v3, v22  }
0x749: {  	v24 =	vor.u32 v4, v20;
	_ =	sdelay $0x1  }
0x74a: {  	v21 =	vadd.f32 v21, v17;
	_ =	sdelay $0x1  }
0x74b: {  	[tilespmem:v23+s20+$0x0] =	vst.idx.msk $0xffff, v21  }
0x74c: {  	v21 =	vld.idx.msk [tilespmem:v24+s16+$0x0], $0xffff;
	_ =	sdelay $0x1  }
0x74d: {  	v23 =	vor.u32 v5, v22  }
0x74e: {  	v24 =	vor.u32 v6, v20;
	_ =	sdelay $0x1  }
0x74f: {  	v21 =	vadd.f32 v21, v17;
	_ =	sdelay $0x1  }
0x750: {  	[tilespmem:v23+s20+$0x0] =	vst.idx.msk $0xffff, v21  }
0x751: {  	v21 =	vld.idx.msk [tilespmem:v24+s16+$0x0], $0xffff;
	_ =	sdelay $0x1  }
0x752: {  	v23 =	vor.u32 v7, v22  }
0x753: {  	v24 =	vor.u32 v8, v20;
	_ =	sdelay $0x1  }
0x754: {  	v21 =	vadd.f32 v21, v17;
	_ =	sdelay $0x1  }
0x755: {  	[tilespmem:v23+s20+$0x0] =	vst.idx.msk $0xffff, v21  }
0x756: {  	v21 =	vld.idx.msk [tilespmem:v24+s16+$0x0], $0xffff;
	_ =	sdelay $0x1  }
0x757: {  	v23 =	vor.u32 v9, v22  }
0x758: {  	v24 =	vor.u32 v10, v20;
	_ =	sdelay $0x1  }
0x759: {  	v21 =	vadd.f32 v21, v17;
	_ =	sdelay $0x1  }
0x75a: {  	[tilespmem:v23+s20+$0x0] =	vst.idx.msk $0xffff, v21  }
0x75b: {  	v21 =	vld.idx.msk [tilespmem:v24+s16+$0x0], $0xffff;
	_ =	sdelay $0x1  }
0x75c: {  	v23 =	vor.u32 v11, v22  }
0x75d: {  	v24 =	vor.u32 v12, v20;
	_ =	sdelay $0x1  }
0x75e: {  	v21 =	vadd.f32 v21, v17;
	_ =	sdelay $0x1  }
0x75f: {  	[tilespmem:v23+s20+$0x0] =	vst.idx.msk $0xffff, v21  }
0x760: {  	v21 =	vld.idx.msk [tilespmem:v24+s16+$0x0], $0xffff;
	_ =	sdelay $0x1  }
0x761: {  	v23 =	vor.u32 v13, v22  }
0x762: {  	v20 =	vor.u32 v14, v20;
	_ =	sdelay $0x1  }
0x763: {  	v21 =	vadd.f32 v21, v17;
	_ =	sdelay $0x1  }
0x764: {  	[tilespmem:v23+s20+$0x0] =	vst.idx.msk $0xffff, v21  }
0x765: {  	v20 =	vld.idx.msk [tilespmem:v20+s16+$0x0], $0xffff;
	_ =	sdelay $0x1  }
0x766: {  	v21 =	vor.u32 v15, v22  }
0x767: {  	v22 =	vor.u32 $0x3180, v16  }
0x768: {  	v23 =	vor.u32 v1, v16  }
0x769: {  	v17 =	vadd.f32 v20, v17;
	_ =	sdelay $0x1  }
0x76a: {  	[tilespmem:v21+s20+$0x0] =	vst.idx.msk $0xffff, v17  }
0x76b: {  	v17 =	vor.u32 s5, v19;
	v19 =	vld.idx.msk [tilespmem:v22+s14+$0x0], $0xffff  }
0x76c: {  	v18 =	vand.u32 $0x380, v18;
	v17 =	vshll.u32 v17, $0xA;
	v20 =	vld.idx.msk [tilespmem:v23+s16+$0x0], $0xffff  }
0x76d: {  	v17 =	vor.u32 v18, v17  }
0x76e: {  	v18 =	vor.u32 v0, v17  }
0x76f: {  	v21 =	vor.u32 v2, v16;
	_ =	sdelay $0x1  }
0x770: {  	v20 =	vadd.f32 v20, v19;
	_ =	sdelay $0x1  }
0x771: {  	[tilespmem:v18+s20+$0x0] =	vst.idx.msk $0xffff, v20  }
0x772: {  	v18 =	vld.idx.msk [tilespmem:v21+s16+$0x0], $0xffff;
	_ =	sdelay $0x1  }
0x773: {  	v20 =	vor.u32 v3, v17  }
0x774: {  	v21 =	vor.u32 v4, v16;
	_ =	sdelay $0x1  }
0x775: {  	v18 =	vadd.f32 v18, v19;
	_ =	sdelay $0x1  }
0x776: {  	[tilespmem:v20+s20+$0x0] =	vst.idx.msk $0xffff, v18  }
0x777: {  	v18 =	vld.idx.msk [tilespmem:v21+s16+$0x0], $0xffff;
	_ =	sdelay $0x1  }
0x778: {  	v20 =	vor.u32 v5, v17  }
0x779: {  	v21 =	vor.u32 v6, v16;
	_ =	sdelay $0x1  }
0x77a: {  	v18 =	vadd.f32 v18, v19;
	_ =	sdelay $0x1  }
0x77b: {  	[tilespmem:v20+s20+$0x0] =	vst.idx.msk $0xffff, v18  }
0x77c: {  	v18 =	vld.idx.msk [tilespmem:v21+s16+$0x0], $0xffff;
	_ =	sdelay $0x1  }
0x77d: {  	v20 =	vor.u32 v7, v17  }
0x77e: {  	v21 =	vor.u32 v8, v16;
	_ =	sdelay $0x1  }
0x77f: {  	v18 =	vadd.f32 v18, v19;
	_ =	sdelay $0x1  }
0x780: {  	[tilespmem:v20+s20+$0x0] =	vst.idx.msk $0xffff, v18  }
0x781: {  	v18 =	vld.idx.msk [tilespmem:v21+s16+$0x0], $0xffff;
	_ =	sdelay $0x1  }
0x782: {  	v20 =	vor.u32 v9, v17  }
0x783: {  	v21 =	vor.u32 v10, v16;
	_ =	sdelay $0x1  }
0x784: {  	v18 =	vadd.f32 v18, v19;
	_ =	sdelay $0x1  }
0x785: {  	[tilespmem:v20+s20+$0x0] =	vst.idx.msk $0xffff, v18  }
0x786: {  	v18 =	vld.idx.msk [tilespmem:v21+s16+$0x0], $0xffff;
	_ =	sdelay $0x1  }
0x787: {  	v20 =	vor.u32 v11, v17  }
0x788: {  	v21 =	vor.u32 v12, v16;
	_ =	sdelay $0x1  }
0x789: {  	v18 =	vadd.f32 v18, v19;
	_ =	sdelay $0x1  }
0x78a: {  	[tilespmem:v20+s20+$0x0] =	vst.idx.msk $0xffff, v18  }
0x78b: {  	v18 =	vld.idx.msk [tilespmem:v21+s16+$0x0], $0xffff;
	_ =	sdelay $0x1  }
0x78c: {  	v20 =	vor.u32 v13, v17  }
0x78d: {  	v16 =	vor.u32 v14, v16;
	_ =	sdelay $0x1  }
0x78e: {  	v18 =	vadd.f32 v18, v19;
	_ =	sdelay $0x1  }
0x78f: {  	[tilespmem:v20+s20+$0x0] =	vst.idx.msk $0xffff, v18  }
0x790: {  	v16 =	vld.idx.msk [tilespmem:v16+s16+$0x0], $0xffff;
	_ =	sdelay $0x1  }
0x791: {  	v17 =	vor.u32 v15, v17;
	_ =	sdelay $0x2  }
0x792: {  	v16 =	vadd.f32 v16, v19  }
0x793: {  	s0 =	simm.s32 $0x0  }
0x794: {  	s1 =	rddreg [dreg:$0x6];
	[tilespmem:v17+s20+$0x0] =	vst.idx.msk $0xffff, v16;
	v16 =	vadd.s32 s0, v0;
	s0 =	sand.u32 $0x30, s0  }
0x795: {  	[hbm4b:s1+s11] =	stream.strided.scatter [tilespmem:s20], [sflag:$0x4], $0x2000, s12, s11, $0x38;
	v17 =	vand.u32 $0xF, v16;
	[tilespmem:$0x19600] =	vst v63  }
0x796: {  	_ =	swait.ge [sflag:s21], $0x4000;
	v18 =	vor.u32 s0, v17  }
0x797: {  	[sflag:s21] =	ssyncset.done $0x0;
	v19 =	vor.u32 $0x31C0, v18  }
0x798: {  	v20 =	vor.u32 v1, v18;
	[sflag:s21] =	ssyncadd.s32 $0xFFFFC000  }
0x799: {  	_ =	swait.ge [sflag:s25], $0x2000  }
0x79a: {  	s8 =	simm.s32 $0x0;
	[sflag:s25] =	ssyncset.done $0x0  }
0x79b: {  	s1 =	sand.u32 $0x6, s8;
	v17 =	vshrl.u32 v17, $0x3;
	[sflag:s25] =	ssyncadd.s32 $0xFFFFE000  }
0x79c: {  	v16 =	vshll.u32 v16, $0x7;
	v17 =	vor.u32 s1, v17;
	v19 =	vld.idx.msk [tilespmem:v19+s14+$0x0], $0xffff  }
0x79d: {  	v16 =	vand.u32 $0x380, v16;
	v17 =	vshll.u32 v17, $0xA;
	v20 =	vld.idx.msk [tilespmem:v20+s17+$0x0], $0xffff  }
0x79e: {  	v16 =	vor.u32 v16, v17  }
0x79f: {  	v17 =	vor.u32 v0, v16  }
0x7a0: {  	v21 =	vor.u32 v2, v18;
	_ =	sdelay $0x1  }
0x7a1: {  	v20 =	vadd.f32 v20, v19;
	_ =	sdelay $0x1  }
0x7a2: {  	[tilespmem:v17+s22+$0x0] =	vst.idx.msk $0xffff, v20  }
0x7a3: {  	v17 =	vld.idx.msk [tilespmem:v21+s17+$0x0], $0xffff;
	_ =	sdelay $0x1  }
0x7a4: {  	v20 =	vor.u32 v3, v16  }
0x7a5: {  	v21 =	vor.u32 v4, v18;
	_ =	sdelay $0x1  }
0x7a6: {  	v17 =	vadd.f32 v17, v19;
	_ =	sdelay $0x1  }
0x7a7: {  	[tilespmem:v20+s22+$0x0] =	vst.idx.msk $0xffff, v17  }
0x7a8: {  	v17 =	vld.idx.msk [tilespmem:v21+s17+$0x0], $0xffff;
	_ =	sdelay $0x1  }
0x7a9: {  	v20 =	vor.u32 v5, v16  }
0x7aa: {  	v21 =	vor.u32 v6, v18;
	_ =	sdelay $0x1  }
0x7ab: {  	v17 =	vadd.f32 v17, v19;
	_ =	sdelay $0x1  }
0x7ac: {  	[tilespmem:v20+s22+$0x0] =	vst.idx.msk $0xffff, v17  }
0x7ad: {  	v17 =	vld.idx.msk [tilespmem:v21+s17+$0x0], $0xffff;
	_ =	sdelay $0x1  }
0x7ae: {  	v20 =	vor.u32 v7, v16  }
0x7af: {  	v21 =	vor.u32 v8, v18;
	_ =	sdelay $0x1  }
0x7b0: {  	v17 =	vadd.f32 v17, v19;
	_ =	sdelay $0x1  }
0x7b1: {  	[tilespmem:v20+s22+$0x0] =	vst.idx.msk $0xffff, v17  }
0x7b2: {  	v17 =	vld.idx.msk [tilespmem:v21+s17+$0x0], $0xffff;
	_ =	sdelay $0x1  }
0x7b3: {  	v20 =	vor.u32 v9, v16  }
0x7b4: {  	v21 =	vor.u32 v10, v18;
	_ =	sdelay $0x1  }
0x7b5: {  	v17 =	vadd.f32 v17, v19;
	_ =	sdelay $0x1  }
0x7b6: {  	[tilespmem:v20+s22+$0x0] =	vst.idx.msk $0xffff, v17  }
0x7b7: {  	v17 =	vld.idx.msk [tilespmem:v21+s17+$0x0], $0xffff;
	_ =	sdelay $0x1  }
0x7b8: {  	v20 =	vor.u32 v11, v16  }
0x7b9: {  	v21 =	vor.u32 v12, v18;
	_ =	sdelay $0x1  }
0x7ba: {  	v17 =	vadd.f32 v17, v19;
	_ =	sdelay $0x1  }
0x7bb: {  	[tilespmem:v20+s22+$0x0] =	vst.idx.msk $0xffff, v17  }
0x7bc: {  	v17 =	vld.idx.msk [tilespmem:v21+s17+$0x0], $0xffff;
	_ =	sdelay $0x1  }
0x7bd: {  	v20 =	vor.u32 v13, v16  }
0x7be: {  	v18 =	vor.u32 v14, v18;
	_ =	sdelay $0x1  }
0x7bf: {  	v17 =	vadd.f32 v17, v19;
	_ =	sdelay $0x1  }
0x7c0: {  	s28 =	simm.s32 $0x1;
	[tilespmem:v20+s22+$0x0] =	vst.idx.msk $0xffff, v17  }
0x7c1: {  	v17 =	vadd.s32 s28, v0;
	v18 =	vld.idx.msk [tilespmem:v18+s17+$0x0], $0xffff  }
0x7c2: {  	v20 =	vand.u32 $0xF, v17  }
0x7c3: {  	v16 =	vor.u32 v15, v16;
	v21 =	vor.u32 s0, v20  }
0x7c4: {  	v22 =	vor.u32 $0x31C0, v21  }
0x7c5: {  	v23 =	vor.u32 v1, v21  }
0x7c6: {  	v18 =	vadd.f32 v18, v19;
	_ =	sdelay $0x1  }
0x7c7: {  	v19 =	vshrl.u32 v20, $0x3;
	[tilespmem:v16+s22+$0x0] =	vst.idx.msk $0xffff, v18  }
0x7c8: {  	v16 =	vshll.u32 v17, $0x7;
	v18 =	vor.u32 s1, v19;
	v17 =	vld.idx.msk [tilespmem:v22+s14+$0x0], $0xffff  }
0x7c9: {  	v18 =	vshll.u32 v18, $0xA;
	v16 =	vand.u32 $0x380, v16;
	v19 =	vld.idx.msk [tilespmem:v23+s17+$0x0], $0xffff  }
0x7ca: {  	v16 =	vor.u32 v16, v18  }
0x7cb: {  	v18 =	vor.u32 v0, v16  }
0x7cc: {  	v20 =	vor.u32 v2, v21;
	_ =	sdelay $0x1  }
0x7cd: {  	v19 =	vadd.f32 v19, v17;
	_ =	sdelay $0x1  }
0x7ce: {  	[tilespmem:v18+s22+$0x0] =	vst.idx.msk $0xffff, v19  }
0x7cf: {  	v18 =	vld.idx.msk [tilespmem:v20+s17+$0x0], $0xffff;
	_ =	sdelay $0x1  }
0x7d0: {  	v19 =	vor.u32 v3, v16  }
0x7d1: {  	v20 =	vor.u32 v4, v21;
	_ =	sdelay $0x1  }
0x7d2: {  	v18 =	vadd.f32 v18, v17;
	_ =	sdelay $0x1  }
0x7d3: {  	[tilespmem:v19+s22+$0x0] =	vst.idx.msk $0xffff, v18  }
0x7d4: {  	v18 =	vld.idx.msk [tilespmem:v20+s17+$0x0], $0xffff;
	_ =	sdelay $0x1  }
0x7d5: {  	v19 =	vor.u32 v5, v16  }
0x7d6: {  	v20 =	vor.u32 v6, v21;
	_ =	sdelay $0x1  }
0x7d7: {  	v18 =	vadd.f32 v18, v17;
	_ =	sdelay $0x1  }
0x7d8: {  	[tilespmem:v19+s22+$0x0] =	vst.idx.msk $0xffff, v18  }
0x7d9: {  	v18 =	vld.idx.msk [tilespmem:v20+s17+$0x0], $0xffff;
	_ =	sdelay $0x1  }
0x7da: {  	v19 =	vor.u32 v7, v16  }
0x7db: {  	v20 =	vor.u32 v8, v21;
	_ =	sdelay $0x1  }
0x7dc: {  	v18 =	vadd.f32 v18, v17;
	_ =	sdelay $0x1  }
0x7dd: {  	[tilespmem:v19+s22+$0x0] =	vst.idx.msk $0xffff, v18  }
0x7de: {  	v18 =	vld.idx.msk [tilespmem:v20+s17+$0x0], $0xffff;
	_ =	sdelay $0x1  }
0x7df: {  	v19 =	vor.u32 v9, v16  }
0x7e0: {  	v20 =	vor.u32 v10, v21;
	_ =	sdelay $0x1  }
0x7e1: {  	v18 =	vadd.f32 v18, v17;
	_ =	sdelay $0x1  }
0x7e2: {  	[tilespmem:v19+s22+$0x0] =	vst.idx.msk $0xffff, v18  }
0x7e3: {  	v18 =	vld.idx.msk [tilespmem:v20+s17+$0x0], $0xffff;
	_ =	sdelay $0x1  }
0x7e4: {  	v19 =	vor.u32 v11, v16  }
0x7e5: {  	v20 =	vor.u32 v12, v21;
	_ =	sdelay $0x1  }
0x7e6: {  	v18 =	vadd.f32 v18, v17;
	_ =	sdelay $0x1  }
0x7e7: {  	[tilespmem:v19+s22+$0x0] =	vst.idx.msk $0xffff, v18  }
0x7e8: {  	v18 =	vld.idx.msk [tilespmem:v20+s17+$0x0], $0xffff;
	_ =	sdelay $0x1  }
0x7e9: {  	v19 =	vor.u32 v13, v16  }
0x7ea: {  	v23 =	vor.u32 v14, v21;
	_ =	sdelay $0x1  }
0x7eb: {  	v18 =	vadd.f32 v18, v17  }
0x7ec: {  	s30 =	simm.s32 $0x3  }
0x7ed: {  	s29 =	simm.s32 $0x2;
	v27 =	vadd.s32 s30, v0;
	[tilespmem:v19+s22+$0x0] =	vst.idx.msk $0xffff, v18  }
0x7ee: {  	v28 =	vand.u32 $0xF, v27;
	v20 =	vadd.s32 s29, v0;
	v23 =	vld.idx.msk [tilespmem:v23+s17+$0x0], $0xffff  }
0x7ef: {  	s31 =	simm.s32 $0x0;
	s0 =	sand.u32 $0x30, s29;
	v21 =	vor.u32 v15, v16;
	v16 =	vand.u32 $0xF, v20;
	v22 =	vshll.u32 v20, $0x7  }
0x7f0: {  	s5 =	sand.u32 $0x6, s31;
	v20 =	vor.u32 s0, v16;
	v25 =	vshrl.u32 v16, $0x3;
	v16 =	vor.u32 s0, v28  }
0x7f1: {  	v24 =	vor.u32 $0x31C0, v20;
	v18 =	vor.u32 s5, v25;
	v25 =	vor.u32 v1, v20  }
0x7f2: {  	s0 =	simm.s32 $0x4;
	v19 =	vshrl.u32 v28, $0x3;
	v26 =	vshll.u32 v18, $0xA;
	v18 =	vshll.u32 v27, $0x7  }
.LBB2_18:
0x7f3: {  	p0 =	slt.u32 s0, $0x3E;
	v17 =	vadd.f32 v23, v17;
	s1 =	smov.u32 s0;
	s0 =	sadd.s32 $0x2, s0  }
0x7f4: {  	_ = 	snop  }
0x7f5: {  	[tilespmem:v21+s22+$0x0] =	vst.idx.msk $0xffff, v17  }
0x7f6: {  	v17 =	vld.idx.msk [tilespmem:v24+s14+$0x0], $0xffff  }
0x7f7: {  	v22 =	vand.u32 $0x380, v22;
	v21 =	vld.idx.msk [tilespmem:v25+s17+$0x0], $0xffff  }
0x7f8: {  	v22 =	vor.u32 v22, v26  }
0x7f9: {  	v23 =	vor.u32 v0, v22  }
0x7fa: {  	v24 =	vor.u32 v2, v20;
	_ =	sdelay $0x2  }
0x7fb: {  	v21 =	vadd.f32 v21, v17;
	_ =	sdelay $0x1  }
0x7fc: {  	[tilespmem:v23+s22+$0x0] =	vst.idx.msk $0xffff, v21  }
0x7fd: {  	v21 =	vld.idx.msk [tilespmem:v24+s17+$0x0], $0xffff;
	_ =	sdelay $0x1  }
0x7fe: {  	v23 =	vor.u32 v3, v22  }
0x7ff: {  	v24 =	vor.u32 v4, v20;
	_ =	sdelay $0x2  }
0x800: {  	v21 =	vadd.f32 v21, v17;
	_ =	sdelay $0x1  }
0x801: {  	[tilespmem:v23+s22+$0x0] =	vst.idx.msk $0xffff, v21  }
0x802: {  	v21 =	vld.idx.msk [tilespmem:v24+s17+$0x0], $0xffff;
	_ =	sdelay $0x1  }
0x803: {  	v23 =	vor.u32 v5, v22  }
0x804: {  	v24 =	vor.u32 v6, v20;
	_ =	sdelay $0x2  }
0x805: {  	v21 =	vadd.f32 v21, v17;
	_ =	sdelay $0x1  }
0x806: {  	[tilespmem:v23+s22+$0x0] =	vst.idx.msk $0xffff, v21  }
0x807: {  	v21 =	vld.idx.msk [tilespmem:v24+s17+$0x0], $0xffff;
	_ =	sdelay $0x1  }
0x808: {  	v23 =	vor.u32 v7, v22  }
0x809: {  	v24 =	vor.u32 v8, v20;
	_ =	sdelay $0x2  }
0x80a: {  	v21 =	vadd.f32 v21, v17;
	_ =	sdelay $0x1  }
0x80b: {  	[tilespmem:v23+s22+$0x0] =	vst.idx.msk $0xffff, v21  }
0x80c: {  	v21 =	vld.idx.msk [tilespmem:v24+s17+$0x0], $0xffff;
	_ =	sdelay $0x1  }
0x80d: {  	v23 =	vor.u32 v9, v22  }
0x80e: {  	v24 =	vor.u32 v10, v20;
	_ =	sdelay $0x2  }
0x80f: {  	v21 =	vadd.f32 v21, v17;
	_ =	sdelay $0x1  }
0x810: {  	[tilespmem:v23+s22+$0x0] =	vst.idx.msk $0xffff, v21  }
0x811: {  	v21 =	vld.idx.msk [tilespmem:v24+s17+$0x0], $0xffff;
	_ =	sdelay $0x1  }
0x812: {  	v23 =	vor.u32 v11, v22  }
0x813: {  	v24 =	vor.u32 v12, v20;
	_ =	sdelay $0x2  }
0x814: {  	v21 =	vadd.f32 v21, v17;
	_ =	sdelay $0x1  }
0x815: {  	[tilespmem:v23+s22+$0x0] =	vst.idx.msk $0xffff, v21  }
0x816: {  	v21 =	vld.idx.msk [tilespmem:v24+s17+$0x0], $0xffff;
	_ =	sdelay $0x1  }
0x817: {  	v23 =	vor.u32 v13, v22  }
0x818: {  	v20 =	vor.u32 v14, v20;
	_ =	sdelay $0x2  }
0x819: {  	v21 =	vadd.f32 v21, v17;
	_ =	sdelay $0x1  }
0x81a: {  	[tilespmem:v23+s22+$0x0] =	vst.idx.msk $0xffff, v21  }
0x81b: {  	v20 =	vld.idx.msk [tilespmem:v20+s17+$0x0], $0xffff;
	_ =	sdelay $0x1  }
0x81c: {  	v21 =	vor.u32 v15, v22;
	_ =	sdelay $0x1  }
0x81d: {  	v22 =	vor.u32 $0x31C0, v16;
	v23 =	vor.u32 v1, v16;
	_ =	sdelay $0x1  }
0x81e: {  	v17 =	vadd.f32 v20, v17;
	_ =	sdelay $0x1  }
0x81f: {  	v19 =	vor.u32 s5, v19;
	[tilespmem:v21+s22+$0x0] =	vst.idx.msk $0xffff, v17  }
0x820: {  	v18 =	vand.u32 $0x380, v18;
	v19 =	vshll.u32 v19, $0xA;
	v17 =	vld.idx.msk [tilespmem:v22+s14+$0x0], $0xffff  }
0x821: {  	v18 =	vor.u32 v18, v19;
	v20 =	vld.idx.msk [tilespmem:v23+s17+$0x0], $0xffff  }
0x822: {  	v19 =	vor.u32 v0, v18  }
0x823: {  	v21 =	vor.u32 v2, v16;
	_ =	sdelay $0x3  }
0x824: {  	v20 =	vadd.f32 v20, v17;
	_ =	sdelay $0x1  }
0x825: {  	[tilespmem:v19+s22+$0x0] =	vst.idx.msk $0xffff, v20  }
0x826: {  	v19 =	vld.idx.msk [tilespmem:v21+s17+$0x0], $0xffff  }
0x827: {  	v20 =	vor.u32 v3, v18  }
0x828: {  	v21 =	vor.u32 v4, v16;
	_ =	sdelay $0x3  }
0x829: {  	v19 =	vadd.f32 v19, v17;
	_ =	sdelay $0x1  }
0x82a: {  	[tilespmem:v20+s22+$0x0] =	vst.idx.msk $0xffff, v19  }
0x82b: {  	v19 =	vld.idx.msk [tilespmem:v21+s17+$0x0], $0xffff  }
0x82c: {  	v20 =	vor.u32 v5, v18  }
0x82d: {  	v21 =	vor.u32 v6, v16;
	_ =	sdelay $0x3  }
0x82e: {  	v19 =	vadd.f32 v19, v17;
	_ =	sdelay $0x1  }
0x82f: {  	[tilespmem:v20+s22+$0x0] =	vst.idx.msk $0xffff, v19  }
0x830: {  	v19 =	vld.idx.msk [tilespmem:v21+s17+$0x0], $0xffff  }
0x831: {  	v20 =	vor.u32 v7, v18  }
0x832: {  	v21 =	vor.u32 v8, v16;
	_ =	sdelay $0x3  }
0x833: {  	v19 =	vadd.f32 v19, v17;
	_ =	sdelay $0x1  }
0x834: {  	[tilespmem:v20+s22+$0x0] =	vst.idx.msk $0xffff, v19  }
0x835: {  	v19 =	vld.idx.msk [tilespmem:v21+s17+$0x0], $0xffff  }
0x836: {  	v20 =	vor.u32 v9, v18  }
0x837: {  	v21 =	vor.u32 v10, v16;
	_ =	sdelay $0x3  }
0x838: {  	v19 =	vadd.f32 v19, v17;
	_ =	sdelay $0x1  }
0x839: {  	[tilespmem:v20+s22+$0x0] =	vst.idx.msk $0xffff, v19  }
0x83a: {  	v19 =	vld.idx.msk [tilespmem:v21+s17+$0x0], $0xffff  }
0x83b: {  	v20 =	vor.u32 v11, v18  }
0x83c: {  	v21 =	vor.u32 v12, v16;
	_ =	sdelay $0x3  }
0x83d: {  	v19 =	vadd.f32 v19, v17;
	_ =	sdelay $0x1  }
0x83e: {  	[tilespmem:v20+s22+$0x0] =	vst.idx.msk $0xffff, v19  }
0x83f: {  	v19 =	vld.idx.msk [tilespmem:v21+s17+$0x0], $0xffff  }
0x840: {  	v20 =	vor.u32 v13, v18  }
0x841: {  	v16 =	vor.u32 v14, v16;
	_ =	sdelay $0x3  }
0x842: {  	v19 =	vadd.f32 v19, v17;
	_ =	sdelay $0x1  }
0x843: {  	[tilespmem:v20+s22+$0x0] =	vst.idx.msk $0xffff, v19  }
0x844: {  	s5 =	sadd.s32 $0x1, s1;
	v23 =	vld.idx.msk [tilespmem:v16+s17+$0x0], $0xffff  }
.Ltmp8:
0x845: {  	v27 =	vadd.s32 s5, v0;
	v21 =	vor.u32 v15, v18;
	v16 =	vadd.s32 s1, v0;
	(pc) =	sbr.rel @p0 .LBB2_18-.Ltmp8, $4  }
0x846: {  	s6 =	sand.u32 $0x30, s1;
	v19 =	vand.u32 $0xF, v27;
	s1 =	sshrl.u32 s1, $0x3;
	v18 =	vand.u32 $0xF, v16;
	v22 =	vshll.u32 v16, $0x7  }
0x847: {  	s5 =	sand.u32 $0x6, s1;
	v16 =	vor.u32 s6, v19;
	v20 =	vor.u32 s6, v18;
	v18 =	vshrl.u32 v18, $0x3  }
0x848: {  	v24 =	vor.u32 $0x31C0, v20;
	v18 =	vor.u32 s5, v18;
	v25 =	vor.u32 v1, v20  }
0x849: {  	v19 =	vshrl.u32 v19, $0x3;
	v26 =	vshll.u32 v18, $0xA;
	v18 =	vshll.u32 v27, $0x7  }
0x84a: {  	_ =	sdelay $0x1  }
0x84b: {  	v17 =	vadd.f32 v23, v17;
	_ =	sdelay $0x1  }
0x84c: {  	[tilespmem:v21+s22+$0x0] =	vst.idx.msk $0xffff, v17  }
0x84d: {  	v17 =	vld.idx.msk [tilespmem:v24+s14+$0x0], $0xffff  }
0x84e: {  	v22 =	vand.u32 $0x380, v22;
	v21 =	vld.idx.msk [tilespmem:v25+s17+$0x0], $0xffff  }
0x84f: {  	v22 =	vor.u32 v22, v26  }
0x850: {  	v33 =	vor.u32 v0, v22  }
0x851: {  	v34 =	vor.u32 v2, v20;
	_ =	sdelay $0x1  }
0x852: {  	v21 =	vadd.f32 v21, v17;
	_ =	sdelay $0x1  }
0x853: {  	[tilespmem:v33+s22+$0x0] =	vst.idx.msk $0xffff, v21  }
0x854: {  	v21 =	vld.idx.msk [tilespmem:v34+s17+$0x0], $0xffff;
	_ =	sdelay $0x1  }
0x855: {  	v35 =	vor.u32 v3, v22  }
0x856: {  	v36 =	vor.u32 v4, v20;
	_ =	sdelay $0x1  }
0x857: {  	v21 =	vadd.f32 v21, v17;
	_ =	sdelay $0x1  }
0x858: {  	[tilespmem:v35+s22+$0x0] =	vst.idx.msk $0xffff, v21  }
0x859: {  	v21 =	vld.idx.msk [tilespmem:v36+s17+$0x0], $0xffff;
	_ =	sdelay $0x1  }
0x85a: {  	v37 =	vor.u32 v5, v22  }
0x85b: {  	v38 =	vor.u32 v6, v20;
	_ =	sdelay $0x1  }
0x85c: {  	v21 =	vadd.f32 v21, v17;
	_ =	sdelay $0x1  }
0x85d: {  	[tilespmem:v37+s22+$0x0] =	vst.idx.msk $0xffff, v21  }
0x85e: {  	v21 =	vld.idx.msk [tilespmem:v38+s17+$0x0], $0xffff;
	_ =	sdelay $0x1  }
0x85f: {  	v39 =	vor.u32 v7, v22  }
0x860: {  	v40 =	vor.u32 v8, v20;
	_ =	sdelay $0x1  }
0x861: {  	v21 =	vadd.f32 v21, v17;
	_ =	sdelay $0x1  }
0x862: {  	[tilespmem:v39+s22+$0x0] =	vst.idx.msk $0xffff, v21  }
0x863: {  	v21 =	vld.idx.msk [tilespmem:v40+s17+$0x0], $0xffff;
	_ =	sdelay $0x1  }
0x864: {  	v41 =	vor.u32 v9, v22  }
0x865: {  	v42 =	vor.u32 v10, v20;
	_ =	sdelay $0x1  }
0x866: {  	v21 =	vadd.f32 v21, v17;
	_ =	sdelay $0x1  }
0x867: {  	[tilespmem:v41+s22+$0x0] =	vst.idx.msk $0xffff, v21  }
0x868: {  	v21 =	vld.idx.msk [tilespmem:v42+s17+$0x0], $0xffff;
	_ =	sdelay $0x1  }
0x869: {  	v43 =	vor.u32 v11, v22  }
0x86a: {  	v44 =	vor.u32 v12, v20;
	_ =	sdelay $0x1  }
0x86b: {  	v21 =	vadd.f32 v21, v17;
	_ =	sdelay $0x1  }
0x86c: {  	[tilespmem:v43+s22+$0x0] =	vst.idx.msk $0xffff, v21  }
0x86d: {  	v21 =	vld.idx.msk [tilespmem:v44+s17+$0x0], $0xffff;
	_ =	sdelay $0x1  }
0x86e: {  	v45 =	vor.u32 v13, v22  }
0x86f: {  	v46 =	vor.u32 v14, v20;
	_ =	sdelay $0x1  }
0x870: {  	v21 =	vadd.f32 v21, v17;
	_ =	sdelay $0x1  }
0x871: {  	[tilespmem:v45+s22+$0x0] =	vst.idx.msk $0xffff, v21  }
0x872: {  	v20 =	vld.idx.msk [tilespmem:v46+s17+$0x0], $0xffff;
	_ =	sdelay $0x1  }
0x873: {  	v47 =	vor.u32 v15, v22  }
0x874: {  	v48 =	vor.u32 $0x31C0, v16  }
0x875: {  	v49 =	vor.u32 v1, v16  }
0x876: {  	v17 =	vadd.f32 v20, v17;
	_ =	sdelay $0x1  }
0x877: {  	[tilespmem:v47+s22+$0x0] =	vst.idx.msk $0xffff, v17  }
0x878: {  	v17 =	vor.u32 s5, v19;
	v50 =	vld.idx.msk [tilespmem:v48+s14+$0x0], $0xffff  }
0x879: {  	v18 =	vand.u32 $0x380, v18;
	v17 =	vshll.u32 v17, $0xA;
	v51 =	vld.idx.msk [tilespmem:v49+s17+$0x0], $0xffff  }
0x87a: {  	v17 =	vor.u32 v18, v17  }
0x87b: {  	v18 =	vor.u32 v0, v17  }
0x87c: {  	v52 =	vor.u32 v2, v16;
	_ =	sdelay $0x1  }
0x87d: {  	v20 =	vadd.f32 v51, v50;
	_ =	sdelay $0x1  }
0x87e: {  	[tilespmem:v18+s22+$0x0] =	vst.idx.msk $0xffff, v20  }
0x87f: {  	v18 =	vld.idx.msk [tilespmem:v52+s17+$0x0], $0xffff;
	_ =	sdelay $0x1  }
0x880: {  	v53 =	vor.u32 v3, v17  }
0x881: {  	v54 =	vor.u32 v4, v16;
	_ =	sdelay $0x1  }
0x882: {  	v18 =	vadd.f32 v18, v50;
	_ =	sdelay $0x1  }
0x883: {  	[tilespmem:v53+s22+$0x0] =	vst.idx.msk $0xffff, v18  }
0x884: {  	v18 =	vld.idx.msk [tilespmem:v54+s17+$0x0], $0xffff;
	_ =	sdelay $0x1  }
0x885: {  	v55 =	vor.u32 v5, v17  }
0x886: {  	v56 =	vor.u32 v6, v16;
	_ =	sdelay $0x1  }
0x887: {  	v18 =	vadd.f32 v18, v50;
	_ =	sdelay $0x1  }
0x888: {  	[tilespmem:v55+s22+$0x0] =	vst.idx.msk $0xffff, v18  }
0x889: {  	v18 =	vld.idx.msk [tilespmem:v56+s17+$0x0], $0xffff;
	_ =	sdelay $0x1  }
0x88a: {  	v57 =	vor.u32 v7, v17  }
0x88b: {  	v58 =	vor.u32 v8, v16;
	_ =	sdelay $0x1  }
0x88c: {  	v18 =	vadd.f32 v18, v50;
	_ =	sdelay $0x1  }
0x88d: {  	[tilespmem:v57+s22+$0x0] =	vst.idx.msk $0xffff, v18  }
0x88e: {  	v18 =	vld.idx.msk [tilespmem:v58+s17+$0x0], $0xffff;
	_ =	sdelay $0x1  }
0x88f: {  	v59 =	vor.u32 v9, v17  }
0x890: {  	v60 =	vor.u32 v10, v16;
	_ =	sdelay $0x1  }
0x891: {  	v18 =	vadd.f32 v18, v50;
	_ =	sdelay $0x1  }
0x892: {  	[tilespmem:v59+s22+$0x0] =	vst.idx.msk $0xffff, v18  }
0x893: {  	v18 =	vld.idx.msk [tilespmem:v60+s17+$0x0], $0xffff;
	_ =	sdelay $0x1  }
0x894: {  	v61 =	vor.u32 v11, v17  }
0x895: {  	v62 =	vor.u32 v12, v16;
	_ =	sdelay $0x1  }
0x896: {  	v18 =	vadd.f32 v18, v50;
	_ =	sdelay $0x1  }
0x897: {  	[tilespmem:v61+s22+$0x0] =	vst.idx.msk $0xffff, v18  }
0x898: {  	v18 =	vld.idx.msk [tilespmem:v62+s17+$0x0], $0xffff;
	_ =	sdelay $0x1  }
0x899: {  	v63 =	vor.u32 v13, v17  }
0x89a: {  	v16 =	vor.u32 v14, v16;
	_ =	sdelay $0x1  }
0x89b: {  	v18 =	vadd.f32 v18, v50;
	_ =	sdelay $0x1  }
0x89c: {  	[tilespmem:v63+s22+$0x0] =	vst.idx.msk $0xffff, v18  }
0x89d: {  	v16 =	vld.idx.msk [tilespmem:v16+s17+$0x0], $0xffff;
	_ =	sdelay $0x1  }
0x89e: {  	v17 =	vor.u32 v15, v17;
	_ =	sdelay $0x2  }
0x89f: {  	v16 =	vadd.f32 v16, v50;
	_ =	sdelay $0x1  }
0x8a0: {  	s26 =	sadd.s32 $0x1, s26;
	[tilespmem:v17+s22+$0x0] =	vst.idx.msk $0xffff, v16  }
0x8a1: {  	[hbm4b:s9+s11] =	stream.strided.scatter [tilespmem:s22], [sflag:$0x5], $0x2000, s12, s11, $0x38;
	[tilespmem:$0x19600] =	vst v63  }
0x8a2: {  	p0 =	sne.s32 s26, s10;
	_ =	swait.ge [sflag:s24], $0x2000  }
.Ltmp9:
0x8a3: {  	[sflag:s24] =	ssyncset.done $0x0;
	(pc) =	sbr.rel @p0 .LBB2_1-.Ltmp9, $4  }
0x8a4: {  	[sflag:s24] =	ssyncadd.s32 $0xFFFFE000  }
0x8a5: {  	_ =	swait.ge [sflag:s25], $0x2000  }
0x8a6: {  	[sflag:s25] =	ssyncset.done $0x0  }
0x8a7: {  	[sflag:s25] =	ssyncadd.s32 $0xFFFFE000  }
0x8a8: {  	_ =	sfence.sel $0x180000  }
0x8a9: {  	[bflag:$0x0] =	sbarrier.arrive $0xFFFF  }
0x8aa: {  	_ =	strace $0x90000047  }
0x8ab: {  	s0 =	stileid.u32;
	[bflag:$0x2] =	sbarrier.arrive $0xFFFF  }
0x8ac: {  	p0 =	sne.s32 s0, $0x0;
	s0 =	rddreg [dreg:$0x3]  }
0x8ad: {  	s0 =	sadd.s32 @!p0 $0x100000, s0  }
0x8ae: {  	[sflag:s0] =	ssyncadd.tile.s32 @!p0 $0x1;
	_ =	shalt  }
.Lfunc_end2:
_tile_overlayer_lowered:
.L_overlay_start_2:
0x8af: {  	(tag) =	ssettag $0x2  }
0x8b0: {  	s0 =	rddreg [dreg:$0x0];
	s2 =	stileid.u32  }
0x8b1: {  	s1 =	rddreg [dreg:$0x1];
	p0 =	sne.s32 s2, $0x0  }
0x8b2: {  	s3 =	rddreg [dreg:$0x2];
	[bflag:$0x3] =	sbarrier.arrive $0xFFFF;
	s2 =	simm.s32 @!p0 $0x1C06  }
0x8b3: {  	[timem:s3], [sflag:s2] =	dma.local @!p0 [hbm:s0], s1  }
0x8b4: {  	s0 =	simm.s32 @!p0 $0x6  }
0x8b5: {  	_ =	swait.ge @!p0 [sflag:s0], s1  }
0x8b6: {  	s1 =	ssub.s32 @!p0 $0x0, s1;
	[sflag:s0] =	ssyncset.done @!p0 $0x0  }
0x8b7: {  	[sflag:s0] =	ssyncadd.s32 @!p0 s1  }
0x8b8: {  	[bflag:$0x3] =	sbarrier.arrive $0xFFFF  }
0x8b9: {  	_ =	shalt  }

</sc_bundles>
